<compile_context>
chip_gen: v7x
topology: tpu7x:2x2x1
jax: 0.10.2.dev20260603
libtpu: 0.0.44.dev20260713+nightly
codegen_flags: <defaults>
</compile_context>

<pallas_src>
import functools

import jax
import jax.numpy as jnp
from jax import lax
from jax.experimental import pallas as pl
from jax.experimental.pallas import tpu as pltpu
from jax.experimental.pallas import tpu_sc as plsc

DIM = 64
LANES = 16
ICH = 4096
UNROLL = 8


def _make_kernel(B, V):
    info = plsc.get_sparse_core_info()
    NW = info.num_cores * info.num_subcores
    rows_per_w = DIM // NW
    n_ich = B // ICH
    n_units = rows_per_w * 3
    mesh = plsc.VectorSubcoreMesh(core_axis_name="c", subcore_axis_name="s")

    @functools.partial(
        pl.kernel,
        mesh=mesh,
        out_type=jax.ShapeDtypeStruct((DIM, B), jnp.float32),
        compiler_params=pltpu.CompilerParams(needs_layout_passes=False),
        scratch_types=[
            pltpu.VMEM((V,), jnp.float32),
            pltpu.VMEM((B,), jnp.float32),
            pltpu.VMEM((ICH,), jnp.int32),
            pltpu.VMEM((ICH,), jnp.int32),
            pltpu.SemaphoreType.DMA,
            pltpu.SemaphoreType.DMA,
            pltpu.SemaphoreType.DMA,
            pltpu.SemaphoreType.DMA,
        ],
    )
    def k(uid_hbm, iid_hbm, cid_hbm, tu_hbm, ti_hbm, tc_hbm, out_hbm,
          rowbuf, acc, ib0, ib1, s0, si0, si1, so):
        wid = lax.axis_index("s") * info.num_cores + lax.axis_index("c")
        tabs = (tu_hbm, ti_hbm, tc_hbm)
        idxs = (uid_hbm, iid_hbm, cid_hbm)
        ibufs = (ib0, ib1)
        isems = (si0, si1)

        def start_stream(u):
            r, t = u // 3, u % 3
            j = wid * rows_per_w + r
            return [pltpu.async_copy(tabs[t].at[j], rowbuf, s0)]

        def gather_pass(u, first_idesc):
            r, t = u // 3, u % 3
            first = t == 0
            idesc = [None, None]
            idesc[0] = first_idesc
            nxt = None
            for c in range(n_ich):
                nb = (c + 1) % 2
                if c + 1 < n_ich:
                    idesc[nb] = pltpu.async_copy(
                        idxs[t].at[pl.ds((c + 1) * ICH, ICH)], ibufs[nb], isems[nb])
                elif u + 1 < n_units:
                    tn = (u + 1) % 3
                    nxt = pltpu.async_copy(
                        idxs[tn].at[pl.ds(0, ICH)], ibufs[nb], isems[nb])
                idesc[c % 2].wait()
                ib = ibufs[c % 2]

                def body(v, carry, _c=c, _ib=ib, _first=first):
                    for s in range(UNROLL):
                        off = v * LANES * UNROLL + s * LANES
                        iv = _ib[pl.ds(off, LANES)]
                        g = plsc.load_gather(rowbuf, [iv])
                        sl = pl.ds(_c * ICH + off, LANES)
                        if _first:
                            acc[sl] = g
                        else:
                            plsc.addupdate(acc.at[sl], g)
                    return carry

                lax.fori_loop(0, ICH // (LANES * UNROLL), body, 0)
            return nxt

        out_desc = None
        descs = start_stream(0)
        nxt_idesc = pltpu.async_copy(idxs[0].at[pl.ds(0, ICH)], ibufs[0], isems[0])
        for u in range(n_units):
            for d in descs:
                d.wait()
            if u == 3 and out_desc is not None:
                out_desc.wait()
            nxt_idesc = gather_pass(u, nxt_idesc)
            if u + 1 < n_units:
                descs = start_stream(u + 1)
            if u == 2:
                out_desc = pltpu.async_copy(acc, out_hbm.at[wid * rows_per_w], so)
        pltpu.sync_copy(acc, out_hbm.at[wid * rows_per_w + 1])

    return k


def kernel(user_id, item_id, context_id, table_user, table_item, table_context, batch_size):
    B = user_id.shape[0]
    V = table_user.shape[0]
    k = _make_kernel(B, V)
    out_t = k(user_id, item_id, context_id,
              table_user.T, table_item.T, table_context.T)
    return out_t.T

# --- scband reference (transcript-rebuilt; emitter-appended) ---
"""Pipeline reference for scband-embedder-sequential-80547816669811 (READ-ONLY COPY).

The authoritative reference and input builder live on the scoring server;
editing this copy changes nothing except your own understanding.
"""

import jax, jax.numpy as jnp
import numpy as np

VOCAB = 100000
DIM = 64
B = 16384


def setup_inputs(seed: int = 0) -> dict:
    key = jax.random.key(seed)
    k1, k2, k3, k4, k5, k6 = jax.random.split(key, 6)
    return {
        "user_id": jax.random.randint(k1, (B,), 0, VOCAB, dtype=jnp.int32),
        "item_id": jax.random.randint(k2, (B,), 0, VOCAB, dtype=jnp.int32),
        "context_id": jax.random.randint(k3, (B,), 0, VOCAB, dtype=jnp.int32),
        "table_user": jax.random.normal(k4, (VOCAB, DIM), dtype=jnp.float32),
        "table_item": jax.random.normal(k5, (VOCAB, DIM), dtype=jnp.float32),
        "table_context": jax.random.normal(k6, (VOCAB, DIM), dtype=jnp.float32),
        "batch_size": B,
    }


def reference(user_id, item_id, context_id, table_user, table_item, table_context, batch_size):
    # EmbedderSequential.forward with mode='sum':
    # for each embedder: gather rows, reshape to (batch_size, embed_dim)
    bs = user_id.shape[0]
    e_user = jnp.take(table_user, user_id, axis=0).reshape(bs, -1)
    e_item = jnp.take(table_item, item_id, axis=0).reshape(bs, -1)
    e_ctx = jnp.take(table_context, context_id, axis=0).reshape(bs, -1)
    # mode == 'sum': stack then sum over the embedder axis
    return jnp.stack([e_user, e_item, e_ctx], axis=0).sum(axis=0) + (batch_size * 0)

if __name__ == "__main__":
    import jax
    _d = setup_inputs()
    print(jax.jit(kernel)(*tuple(_d.values())))

</pallas_src>

<mosaic_0001>
#map = affine_map<(d0, d1) -> (0)>
#map1 = affine_map<(d0, d1) -> (0, 0)>
module attributes {stable_mosaic.version = 14 : i64} {
  func.func @k(%arg0: i32, %arg1: i32, %arg2: memref<16384xi32, #tpu.memory_space<hbm>>, %arg3: memref<16384xi32, #tpu.memory_space<hbm>>, %arg4: memref<16384xi32, #tpu.memory_space<hbm>>, %arg5: memref<64x100000xf32, #tpu.memory_space<hbm>>, %arg6: memref<64x100000xf32, #tpu.memory_space<hbm>>, %arg7: memref<64x100000xf32, #tpu.memory_space<hbm>>, %arg8: memref<64x16384xf32, #tpu.memory_space<hbm>>, %arg9: memref<100000xf32, #tpu.memory_space<vmem>>, %arg10: memref<16384xf32, #tpu.memory_space<vmem>>, %arg11: memref<4096xi32, #tpu.memory_space<vmem>>, %arg12: memref<4096xi32, #tpu.memory_space<vmem>>, %arg13: memref<!tpu.dma_semaphore, #tpu.memory_space<semaphore_mem>>, %arg14: memref<!tpu.dma_semaphore, #tpu.memory_space<semaphore_mem>>, %arg15: memref<!tpu.dma_semaphore, #tpu.memory_space<semaphore_mem>>, %arg16: memref<!tpu.dma_semaphore, #tpu.memory_space<semaphore_mem>>) attributes {dimension_semantics = [#tpu.dimension_semantics<core_parallel>, #tpu.dimension_semantics<subcore_parallel>], iteration_bounds = array<i64: 2, 16>, scalar_prefetch = 0 : i64, scratch_operands = 8 : i64, tpu.core_type = #tpu.core_type<sc_vector_subcore>, window_params = [{transform_indices = #map}, {transform_indices = #map}, {transform_indices = #map}, {transform_indices = #map1}, {transform_indices = #map1}, {transform_indices = #map1}, {transform_indices = #map1}]} {
    %mul3A = arith.constant 2 : i32
    %mul3A_0 = arith.muli %arg1, %mul3A : i32
    %add3A = arith.addi %mul3A_0, %arg0 : i32
    %mul3A_1 = arith.constant 2 : i32
    %mul3A_2 = arith.muli %add3A, %mul3A_1 : i32
    %add3A_3 = arith.constant 0 : i32
    %add3A_4 = arith.addi %mul3A_2, %add3A_3 : i32
    %dma_start3A = arith.constant 0 : i32
    %dma_start3A_5 = tpu.memref_slice %arg5[%add3A_4, %dma_start3A] : memref<64x100000xf32, #tpu.memory_space<hbm>> -> memref<1x100000xf32, #tpu.memory_space<hbm>>
    %dma_start3A_6 = tpu.memref_squeeze %dma_start3A_5 : memref<1x100000xf32, #tpu.memory_space<hbm>> -> memref<100000xf32, #tpu.memory_space<hbm>>
    %dma_start3A_7 = arith.constant 0 : i32
    %dma_start3A_8 = tpu.memref_slice %arg5[%add3A_4, %dma_start3A_7] : memref<64x100000xf32, #tpu.memory_space<hbm>> -> memref<1x100000xf32, #tpu.memory_space<hbm>>
    %dma_start3A_9 = tpu.memref_squeeze %dma_start3A_8 : memref<1x100000xf32, #tpu.memory_space<hbm>> -> memref<100000xf32, #tpu.memory_space<hbm>>
    tpu.enqueue_dma source(%dma_start3A_9 : memref<100000xf32, #tpu.memory_space<hbm>>) target(%arg9 : memref<100000xf32, #tpu.memory_space<vmem>>) target_semaphore(%arg13 : memref<!tpu.dma_semaphore, #tpu.memory_space<semaphore_mem>>)
    %dma_start3A_10 = arith.constant 0 : i32
    %dma_start3A_11 = tpu.memref_slice %arg2[%dma_start3A_10] : memref<16384xi32, #tpu.memory_space<hbm>> -> memref<4096xi32, #tpu.memory_space<hbm>>
    %dma_start3A_12 = arith.constant 0 : i32
    %dma_start3A_13 = tpu.memref_slice %arg2[%dma_start3A_12] : memref<16384xi32, #tpu.memory_space<hbm>> -> memref<4096xi32, #tpu.memory_space<hbm>>
    tpu.enqueue_dma source(%dma_start3A_13 : memref<4096xi32, #tpu.memory_space<hbm>>) target(%arg11 : memref<4096xi32, #tpu.memory_space<vmem>>) target_semaphore(%arg14 : memref<!tpu.dma_semaphore, #tpu.memory_space<semaphore_mem>>)
    %dma_wait3A = arith.constant 0 : i32
    %dma_wait3A_14 = tpu.memref_slice %arg5[%add3A_4, %dma_wait3A] : memref<64x100000xf32, #tpu.memory_space<hbm>> -> memref<1x100000xf32, #tpu.memory_space<hbm>>
    %dma_wait3A_15 = tpu.memref_squeeze %dma_wait3A_14 : memref<1x100000xf32, #tpu.memory_space<hbm>> -> memref<100000xf32, #tpu.memory_space<hbm>>
    %dma_wait3A_16 = arith.constant 0 : i32
    %dma_wait3A_17 = tpu.memref_slice %arg5[%add3A_4, %dma_wait3A_16] : memref<64x100000xf32, #tpu.memory_space<hbm>> -> memref<1x100000xf32, #tpu.memory_space<hbm>>
    %dma_wait3A_18 = tpu.memref_squeeze %dma_wait3A_17 : memref<1x100000xf32, #tpu.memory_space<hbm>> -> memref<100000xf32, #tpu.memory_space<hbm>>
    tpu.wait_dma2 semaphore(%arg13 : memref<!tpu.dma_semaphore, #tpu.memory_space<semaphore_mem>>) src(%dma_wait3A_18 : memref<100000xf32, #tpu.memory_space<hbm>>) dst(%arg9 : memref<100000xf32, #tpu.memory_space<vmem>>)
    %dma_start3A_19 = arith.constant 4096 : i32
    %dma_start3A_20 = tpu.memref_slice %arg2[%dma_start3A_19] : memref<16384xi32, #tpu.memory_space<hbm>> -> memref<4096xi32, #tpu.memory_space<hbm>>
    %dma_start3A_21 = arith.constant 4096 : i32
    %dma_start3A_22 = tpu.memref_slice %arg2[%dma_start3A_21] : memref<16384xi32, #tpu.memory_space<hbm>> -> memref<4096xi32, #tpu.memory_space<hbm>>
    tpu.enqueue_dma source(%dma_start3A_22 : memref<4096xi32, #tpu.memory_space<hbm>>) target(%arg12 : memref<4096xi32, #tpu.memory_space<vmem>>) target_semaphore(%arg15 : memref<!tpu.dma_semaphore, #tpu.memory_space<semaphore_mem>>)
    %dma_wait3A_23 = arith.constant 0 : i32
    %dma_wait3A_24 = tpu.memref_slice %arg2[%dma_wait3A_23] : memref<16384xi32, #tpu.memory_space<hbm>> -> memref<4096xi32, #tpu.memory_space<hbm>>
    %dma_wait3A_25 = arith.constant 0 : i32
    %dma_wait3A_26 = tpu.memref_slice %arg2[%dma_wait3A_25] : memref<16384xi32, #tpu.memory_space<hbm>> -> memref<4096xi32, #tpu.memory_space<hbm>>
    tpu.wait_dma2 semaphore(%arg14 : memref<!tpu.dma_semaphore, #tpu.memory_space<semaphore_mem>>) src(%dma_wait3A_26 : memref<4096xi32, #tpu.memory_space<hbm>>) dst(%arg11 : memref<4096xi32, #tpu.memory_space<vmem>>)
    %scan3A = arith.constant 0 : i32
    %scan3A_27 = arith.constant 0 : i32
    %scan3A_28 = arith.constant 32 : i32
    %scan3A_29 = arith.addi %scan3A_27, %scan3A_28 : i32
    %scan3A_30 = arith.constant 1 : i32
    scf.for %scan3A_448 = %scan3A_27 to %scan3A_29 step %scan3A_30  : i32 {
      %mul3A_449 = arith.constant 16 : i32
      %mul3A_450 = arith.muli %scan3A_448, %mul3A_449 : i32
      %mul3A_451 = arith.constant 8 : i32
      %mul3A_452 = arith.muli %mul3A_450, %mul3A_451 : i32
      %add3A_453 = arith.constant 0 : i32
      %add3A_454 = arith.addi %mul3A_452, %add3A_453 : i32
      %get3A = arith.index_cast %add3A_454 : i32 to index
      %get3A_455 = tpu.vector_load %arg11[%get3A] {strides = array<i32>} : memref<4096xi32, #tpu.memory_space<vmem>>, vector<16xi32>,
      %gather3A = tpu.vector_load_idx %arg9[%get3A_455] : memref<100000xf32, #tpu.memory_space<vmem>>[vector<16xi32>], vector<16xf32>,
      %add3A_456 = arith.constant 0 : i32
      %add3A_457 = arith.addi %add3A_456, %add3A_454 : i32
      %swap3A = arith.index_cast %add3A_457 : i32 to index
      %swap3A_458 = tpu.vector_load %arg10[%swap3A] {strides = array<i32>} : memref<16384xf32, #tpu.memory_space<vmem>>, vector<16xf32>,
      tpu.vector_store %arg10[%swap3A], %gather3A {strides = array<i32>} : memref<16384xf32, #tpu.memory_space<vmem>>, vector<16xf32>,
      %mul3A_459 = arith.constant 16 : i32
      %mul3A_460 = arith.muli %scan3A_448, %mul3A_459 : i32
      %mul3A_461 = arith.constant 8 : i32
      %mul3A_462 = arith.muli %mul3A_460, %mul3A_461 : i32
      %add3A_463 = arith.constant 16 : i32
      %add3A_464 = arith.addi %mul3A_462, %add3A_463 : i32
      %get3A_465 = arith.index_cast %add3A_464 : i32 to index
      %get3A_466 = tpu.vector_load %arg11[%get3A_465] {strides = array<i32>} : memref<4096xi32, #tpu.memory_space<vmem>>, vector<16xi32>,
      %gather3A_467 = tpu.vector_load_idx %arg9[%get3A_466] : memref<100000xf32, #tpu.memory_space<vmem>>[vector<16xi32>], vector<16xf32>,
      %add3A_468 = arith.constant 0 : i32
      %add3A_469 = arith.addi %add3A_468, %add3A_464 : i32
      %swap3A_470 = arith.index_cast %add3A_469 : i32 to index
      %swap3A_471 = tpu.vector_load %arg10[%swap3A_470] {strides = array<i32>} : memref<16384xf32, #tpu.memory_space<vmem>>, vector<16xf32>,
      tpu.vector_store %arg10[%swap3A_470], %gather3A_467 {strides = array<i32>} : memref<16384xf32, #tpu.memory_space<vmem>>, vector<16xf32>,
      %mul3A_472 = arith.constant 16 : i32
      %mul3A_473 = arith.muli %scan3A_448, %mul3A_472 : i32
      %mul3A_474 = arith.constant 8 : i32
      %mul3A_475 = arith.muli %mul3A_473, %mul3A_474 : i32
      %add3A_476 = arith.constant 32 : i32
      %add3A_477 = arith.addi %mul3A_475, %add3A_476 : i32
      %get3A_478 = arith.index_cast %add3A_477 : i32 to index
      %get3A_479 = tpu.vector_load %arg11[%get3A_478] {strides = array<i32>} : memref<4096xi32, #tpu.memory_space<vmem>>, vector<16xi32>,
      %gather3A_480 = tpu.vector_load_idx %arg9[%get3A_479] : memref<100000xf32, #tpu.memory_space<vmem>>[vector<16xi32>], vector<16xf32>,
      %add3A_481 = arith.constant 0 : i32
      %add3A_482 = arith.addi %add3A_481, %add3A_477 : i32
      %swap3A_483 = arith.index_cast %add3A_482 : i32 to index
      %swap3A_484 = tpu.vector_load %arg10[%swap3A_483] {strides = array<i32>} : memref<16384xf32, #tpu.memory_space<vmem>>, vector<16xf32>,
      tpu.vector_store %arg10[%swap3A_483], %gather3A_480 {strides = array<i32>} : memref<16384xf32, #tpu.memory_space<vmem>>, vector<16xf32>,
      %mul3A_485 = arith.constant 16 : i32
      %mul3A_486 = arith.muli %scan3A_448, %mul3A_485 : i32
      %mul3A_487 = arith.constant 8 : i32
      %mul3A_488 = arith.muli %mul3A_486, %mul3A_487 : i32
      %add3A_489 = arith.constant 48 : i32
      %add3A_490 = arith.addi %mul3A_488, %add3A_489 : i32
      %get3A_491 = arith.index_cast %add3A_490 : i32 to index
      %get3A_492 = tpu.vector_load %arg11[%get3A_491] {strides = array<i32>} : memref<4096xi32, #tpu.memory_space<vmem>>, vector<16xi32>,
      %gather3A_493 = tpu.vector_load_idx %arg9[%get3A_492] : memref<100000xf32, #tpu.memory_space<vmem>>[vector<16xi32>], vector<16xf32>,
      %add3A_494 = arith.constant 0 : i32
      %add3A_495 = arith.addi %add3A_494, %add3A_490 : i32
      %swap3A_496 = arith.index_cast %add3A_495 : i32 to index
      %swap3A_497 = tpu.vector_load %arg10[%swap3A_496] {strides = array<i32>} : memref<16384xf32, #tpu.memory_space<vmem>>, vector<16xf32>,
      tpu.vector_store %arg10[%swap3A_496], %gather3A_493 {strides = array<i32>} : memref<16384xf32, #tpu.memory_space<vmem>>, vector<16xf32>,
      %mul3A_498 = arith.constant 16 : i32
      %mul3A_499 = arith.muli %scan3A_448, %mul3A_498 : i32
      %mul3A_500 = arith.constant 8 : i32
      %mul3A_501 = arith.muli %mul3A_499, %mul3A_500 : i32
      %add3A_502 = arith.constant 64 : i32
      %add3A_503 = arith.addi %mul3A_501, %add3A_502 : i32
      %get3A_504 = arith.index_cast %add3A_503 : i32 to index
      %get3A_505 = tpu.vector_load %arg11[%get3A_504] {strides = array<i32>} : memref<4096xi32, #tpu.memory_space<vmem>>, vector<16xi32>,
      %gather3A_506 = tpu.vector_load_idx %arg9[%get3A_505] : memref<100000xf32, #tpu.memory_space<vmem>>[vector<16xi32>], vector<16xf32>,
      %add3A_507 = arith.constant 0 : i32
      %add3A_508 = arith.addi %add3A_507, %add3A_503 : i32
      %swap3A_509 = arith.index_cast %add3A_508 : i32 to index
      %swap3A_510 = tpu.vector_load %arg10[%swap3A_509] {strides = array<i32>} : memref<16384xf32, #tpu.memory_space<vmem>>, vector<16xf32>,
      tpu.vector_store %arg10[%swap3A_509], %gather3A_506 {strides = array<i32>} : memref<16384xf32, #tpu.memory_space<vmem>>, vector<16xf32>,
      %mul3A_511 = arith.constant 16 : i32
      %mul3A_512 = arith.muli %scan3A_448, %mul3A_511 : i32
      %mul3A_513 = arith.constant 8 : i32
      %mul3A_514 = arith.muli %mul3A_512, %mul3A_513 : i32
      %add3A_515 = arith.constant 80 : i32
      %add3A_516 = arith.addi %mul3A_514, %add3A_515 : i32
      %get3A_517 = arith.index_cast %add3A_516 : i32 to index
      %get3A_518 = tpu.vector_load %arg11[%get3A_517] {strides = array<i32>} : memref<4096xi32, #tpu.memory_space<vmem>>, vector<16xi32>,
      %gather3A_519 = tpu.vector_load_idx %arg9[%get3A_518] : memref<100000xf32, #tpu.memory_space<vmem>>[vector<16xi32>], vector<16xf32>,
      %add3A_520 = arith.constant 0 : i32
      %add3A_521 = arith.addi %add3A_520, %add3A_516 : i32
      %swap3A_522 = arith.index_cast %add3A_521 : i32 to index
      %swap3A_523 = tpu.vector_load %arg10[%swap3A_522] {strides = array<i32>} : memref<16384xf32, #tpu.memory_space<vmem>>, vector<16xf32>,
      tpu.vector_store %arg10[%swap3A_522], %gather3A_519 {strides = array<i32>} : memref<16384xf32, #tpu.memory_space<vmem>>, vector<16xf32>,
      %mul3A_524 = arith.constant 16 : i32
      %mul3A_525 = arith.muli %scan3A_448, %mul3A_524 : i32
      %mul3A_526 = arith.constant 8 : i32
      %mul3A_527 = arith.muli %mul3A_525, %mul3A_526 : i32
      %add3A_528 = arith.constant 96 : i32
      %add3A_529 = arith.addi %mul3A_527, %add3A_528 : i32
      %get3A_530 = arith.index_cast %add3A_529 : i32 to index
      %get3A_531 = tpu.vector_load %arg11[%get3A_530] {strides = array<i32>} : memref<4096xi32, #tpu.memory_space<vmem>>, vector<16xi32>,
      %gather3A_532 = tpu.vector_load_idx %arg9[%get3A_531] : memref<100000xf32, #tpu.memory_space<vmem>>[vector<16xi32>], vector<16xf32>,
      %add3A_533 = arith.constant 0 : i32
      %add3A_534 = arith.addi %add3A_533, %add3A_529 : i32
      %swap3A_535 = arith.index_cast %add3A_534 : i32 to index
      %swap3A_536 = tpu.vector_load %arg10[%swap3A_535] {strides = array<i32>} : memref<16384xf32, #tpu.memory_space<vmem>>, vector<16xf32>,
      tpu.vector_store %arg10[%swap3A_535], %gather3A_532 {strides = array<i32>} : memref<16384xf32, #tpu.memory_space<vmem>>, vector<16xf32>,
      %mul3A_537 = arith.constant 16 : i32
      %mul3A_538 = arith.muli %scan3A_448, %mul3A_537 : i32
      %mul3A_539 = arith.constant 8 : i32
      %mul3A_540 = arith.muli %mul3A_538, %mul3A_539 : i32
      %add3A_541 = arith.constant 112 : i32
      %add3A_542 = arith.addi %mul3A_540, %add3A_541 : i32
      %get3A_543 = arith.index_cast %add3A_542 : i32 to index
      %get3A_544 = tpu.vector_load %arg11[%get3A_543] {strides = array<i32>} : memref<4096xi32, #tpu.memory_space<vmem>>, vector<16xi32>,
      %gather3A_545 = tpu.vector_load_idx %arg9[%get3A_544] : memref<100000xf32, #tpu.memory_space<vmem>>[vector<16xi32>], vector<16xf32>,
      %add3A_546 = arith.constant 0 : i32
      %add3A_547 = arith.addi %add3A_546, %add3A_542 : i32
      %swap3A_548 = arith.index_cast %add3A_547 : i32 to index
      %swap3A_549 = tpu.vector_load %arg10[%swap3A_548] {strides = array<i32>} : memref<16384xf32, #tpu.memory_space<vmem>>, vector<16xf32>,
      tpu.vector_store %arg10[%swap3A_548], %gather3A_545 {strides = array<i32>} : memref<16384xf32, #tpu.memory_space<vmem>>, vector<16xf32>,
    }
    %scan3A_31 = arith.constant 32 : i32
    %dma_start3A_32 = arith.constant 8192 : i32
    %dma_start3A_33 = tpu.memref_slice %arg2[%dma_start3A_32] : memref<16384xi32, #tpu.memory_space<hbm>> -> memref<4096xi32, #tpu.memory_space<hbm>>
    %dma_start3A_34 = arith.constant 8192 : i32
    %dma_start3A_35 = tpu.memref_slice %arg2[%dma_start3A_34] : memref<16384xi32, #tpu.memory_space<hbm>> -> memref<4096xi32, #tpu.memory_space<hbm>>
    tpu.enqueue_dma source(%dma_start3A_35 : memref<4096xi32, #tpu.memory_space<hbm>>) target(%arg11 : memref<4096xi32, #tpu.memory_space<vmem>>) target_semaphore(%arg14 : memref<!tpu.dma_semaphore, #tpu.memory_space<semaphore_mem>>)
    %dma_wait3A_36 = arith.constant 4096 : i32
    %dma_wait3A_37 = tpu.memref_slice %arg2[%dma_wait3A_36] : memref<16384xi32, #tpu.memory_space<hbm>> -> memref<4096xi32, #tpu.memory_space<hbm>>
    %dma_wait3A_38 = arith.constant 4096 : i32
    %dma_wait3A_39 = tpu.memref_slice %arg2[%dma_wait3A_38] : memref<16384xi32, #tpu.memory_space<hbm>> -> memref<4096xi32, #tpu.memory_space<hbm>>
    tpu.wait_dma2 semaphore(%arg15 : memref<!tpu.dma_semaphore, #tpu.memory_space<semaphore_mem>>) src(%dma_wait3A_39 : memref<4096xi32, #tpu.memory_space<hbm>>) dst(%arg12 : memref<4096xi32, #tpu.memory_space<vmem>>)
    %scan3A_40 = arith.constant 0 : i32
    %scan3A_41 = arith.constant 0 : i32
    %scan3A_42 = arith.constant 32 : i32
    %scan3A_43 = arith.addi %scan3A_41, %scan3A_42 : i32
    %scan3A_44 = arith.constant 1 : i32
    scf.for %scan3A_448 = %scan3A_41 to %scan3A_43 step %scan3A_44  : i32 {
      %mul3A_449 = arith.constant 16 : i32
      %mul3A_450 = arith.muli %scan3A_448, %mul3A_449 : i32
      %mul3A_451 = arith.constant 8 : i32
      %mul3A_452 = arith.muli %mul3A_450, %mul3A_451 : i32
      %add3A_453 = arith.constant 0 : i32
      %add3A_454 = arith.addi %mul3A_452, %add3A_453 : i32
      %get3A = arith.index_cast %add3A_454 : i32 to index
      %get3A_455 = tpu.vector_load %arg12[%get3A] {strides = array<i32>} : memref<4096xi32, #tpu.memory_space<vmem>>, vector<16xi32>,
      %gather3A = tpu.vector_load_idx %arg9[%get3A_455] : memref<100000xf32, #tpu.memory_space<vmem>>[vector<16xi32>], vector<16xf32>,
      %add3A_456 = arith.constant 4096 : i32
      %add3A_457 = arith.addi %add3A_456, %add3A_454 : i32
      %swap3A = arith.index_cast %add3A_457 : i32 to index
      %swap3A_458 = tpu.vector_load %arg10[%swap3A] {strides = array<i32>} : memref<16384xf32, #tpu.memory_space<vmem>>, vector<16xf32>,
      tpu.vector_store %arg10[%swap3A], %gather3A {strides = array<i32>} : memref<16384xf32, #tpu.memory_space<vmem>>, vector<16xf32>,
      %mul3A_459 = arith.constant 16 : i32
      %mul3A_460 = arith.muli %scan3A_448, %mul3A_459 : i32
      %mul3A_461 = arith.constant 8 : i32
      %mul3A_462 = arith.muli %mul3A_460, %mul3A_461 : i32
      %add3A_463 = arith.constant 16 : i32
      %add3A_464 = arith.addi %mul3A_462, %add3A_463 : i32
      %get3A_465 = arith.index_cast %add3A_464 : i32 to index
      %get3A_466 = tpu.vector_load %arg12[%get3A_465] {strides = array<i32>} : memref<4096xi32, #tpu.memory_space<vmem>>, vector<16xi32>,
      %gather3A_467 = tpu.vector_load_idx %arg9[%get3A_466] : memref<100000xf32, #tpu.memory_space<vmem>>[vector<16xi32>], vector<16xf32>,
      %add3A_468 = arith.constant 4096 : i32
      %add3A_469 = arith.addi %add3A_468, %add3A_464 : i32
      %swap3A_470 = arith.index_cast %add3A_469 : i32 to index
      %swap3A_471 = tpu.vector_load %arg10[%swap3A_470] {strides = array<i32>} : memref<16384xf32, #tpu.memory_space<vmem>>, vector<16xf32>,
      tpu.vector_store %arg10[%swap3A_470], %gather3A_467 {strides = array<i32>} : memref<16384xf32, #tpu.memory_space<vmem>>, vector<16xf32>,
      %mul3A_472 = arith.constant 16 : i32
      %mul3A_473 = arith.muli %scan3A_448, %mul3A_472 : i32
      %mul3A_474 = arith.constant 8 : i32
      %mul3A_475 = arith.muli %mul3A_473, %mul3A_474 : i32
      %add3A_476 = arith.constant 32 : i32
      %add3A_477 = arith.addi %mul3A_475, %add3A_476 : i32
      %get3A_478 = arith.index_cast %add3A_477 : i32 to index
      %get3A_479 = tpu.vector_load %arg12[%get3A_478] {strides = array<i32>} : memref<4096xi32, #tpu.memory_space<vmem>>, vector<16xi32>,
      %gather3A_480 = tpu.vector_load_idx %arg9[%get3A_479] : memref<100000xf32, #tpu.memory_space<vmem>>[vector<16xi32>], vector<16xf32>,
      %add3A_481 = arith.constant 4096 : i32
      %add3A_482 = arith.addi %add3A_481, %add3A_477 : i32
      %swap3A_483 = arith.index_cast %add3A_482 : i32 to index
      %swap3A_484 = tpu.vector_load %arg10[%swap3A_483] {strides = array<i32>} : memref<16384xf32, #tpu.memory_space<vmem>>, vector<16xf32>,
      tpu.vector_store %arg10[%swap3A_483], %gather3A_480 {strides = array<i32>} : memref<16384xf32, #tpu.memory_space<vmem>>, vector<16xf32>,
      %mul3A_485 = arith.constant 16 : i32
      %mul3A_486 = arith.muli %scan3A_448, %mul3A_485 : i32
      %mul3A_487 = arith.constant 8 : i32
      %mul3A_488 = arith.muli %mul3A_486, %mul3A_487 : i32
      %add3A_489 = arith.constant 48 : i32
      %add3A_490 = arith.addi %mul3A_488, %add3A_489 : i32
      %get3A_491 = arith.index_cast %add3A_490 : i32 to index
      %get3A_492 = tpu.vector_load %arg12[%get3A_491] {strides = array<i32>} : memref<4096xi32, #tpu.memory_space<vmem>>, vector<16xi32>,
      %gather3A_493 = tpu.vector_load_idx %arg9[%get3A_492] : memref<100000xf32, #tpu.memory_space<vmem>>[vector<16xi32>], vector<16xf32>,
      %add3A_494 = arith.constant 4096 : i32
      %add3A_495 = arith.addi %add3A_494, %add3A_490 : i32
      %swap3A_496 = arith.index_cast %add3A_495 : i32 to index
      %swap3A_497 = tpu.vector_load %arg10[%swap3A_496] {strides = array<i32>} : memref<16384xf32, #tpu.memory_space<vmem>>, vector<16xf32>,
      tpu.vector_store %arg10[%swap3A_496], %gather3A_493 {strides = array<i32>} : memref<16384xf32, #tpu.memory_space<vmem>>, vector<16xf32>,
      %mul3A_498 = arith.constant 16 : i32
      %mul3A_499 = arith.muli %scan3A_448, %mul3A_498 : i32
      %mul3A_500 = arith.constant 8 : i32
      %mul3A_501 = arith.muli %mul3A_499, %mul3A_500 : i32
      %add3A_502 = arith.constant 64 : i32
      %add3A_503 = arith.addi %mul3A_501, %add3A_502 : i32
      %get3A_504 = arith.index_cast %add3A_503 : i32 to index
      %get3A_505 = tpu.vector_load %arg12[%get3A_504] {strides = array<i32>} : memref<4096xi32, #tpu.memory_space<vmem>>, vector<16xi32>,
      %gather3A_506 = tpu.vector_load_idx %arg9[%get3A_505] : memref<100000xf32, #tpu.memory_space<vmem>>[vector<16xi32>], vector<16xf32>,
      %add3A_507 = arith.constant 4096 : i32
      %add3A_508 = arith.addi %add3A_507, %add3A_503 : i32
      %swap3A_509 = arith.index_cast %add3A_508 : i32 to index
      %swap3A_510 = tpu.vector_load %arg10[%swap3A_509] {strides = array<i32>} : memref<16384xf32, #tpu.memory_space<vmem>>, vector<16xf32>,
      tpu.vector_store %arg10[%swap3A_509], %gather3A_506 {strides = array<i32>} : memref<16384xf32, #tpu.memory_space<vmem>>, vector<16xf32>,
      %mul3A_511 = arith.constant 16 : i32
      %mul3A_512 = arith.muli %scan3A_448, %mul3A_511 : i32
      %mul3A_513 = arith.constant 8 : i32
      %mul3A_514 = arith.muli %mul3A_512, %mul3A_513 : i32
      %add3A_515 = arith.constant 80 : i32
      %add3A_516 = arith.addi %mul3A_514, %add3A_515 : i32
      %get3A_517 = arith.index_cast %add3A_516 : i32 to index
      %get3A_518 = tpu.vector_load %arg12[%get3A_517] {strides = array<i32>} : memref<4096xi32, #tpu.memory_space<vmem>>, vector<16xi32>,
      %gather3A_519 = tpu.vector_load_idx %arg9[%get3A_518] : memref<100000xf32, #tpu.memory_space<vmem>>[vector<16xi32>], vector<16xf32>,
      %add3A_520 = arith.constant 4096 : i32
      %add3A_521 = arith.addi %add3A_520, %add3A_516 : i32
      %swap3A_522 = arith.index_cast %add3A_521 : i32 to index
      %swap3A_523 = tpu.vector_load %arg10[%swap3A_522] {strides = array<i32>} : memref<16384xf32, #tpu.memory_space<vmem>>, vector<16xf32>,
      tpu.vector_store %arg10[%swap3A_522], %gather3A_519 {strides = array<i32>} : memref<16384xf32, #tpu.memory_space<vmem>>, vector<16xf32>,
      %mul3A_524 = arith.constant 16 : i32
      %mul3A_525 = arith.muli %scan3A_448, %mul3A_524 : i32
      %mul3A_526 = arith.constant 8 : i32
      %mul3A_527 = arith.muli %mul3A_525, %mul3A_526 : i32
      %add3A_528 = arith.constant 96 : i32
      %add3A_529 = arith.addi %mul3A_527, %add3A_528 : i32
      %get3A_530 = arith.index_cast %add3A_529 : i32 to index
      %get3A_531 = tpu.vector_load %arg12[%get3A_530] {strides = array<i32>} : memref<4096xi32, #tpu.memory_space<vmem>>, vector<16xi32>,
      %gather3A_532 = tpu.vector_load_idx %arg9[%get3A_531] : memref<100000xf32, #tpu.memory_space<vmem>>[vector<16xi32>], vector<16xf32>,
      %add3A_533 = arith.constant 4096 : i32
      %add3A_534 = arith.addi %add3A_533, %add3A_529 : i32
      %swap3A_535 = arith.index_cast %add3A_534 : i32 to index
      %swap3A_536 = tpu.vector_load %arg10[%swap3A_535] {strides = array<i32>} : memref<16384xf32, #tpu.memory_space<vmem>>, vector<16xf32>,
      tpu.vector_store %arg10[%swap3A_535], %gather3A_532 {strides = array<i32>} : memref<16384xf32, #tpu.memory_space<vmem>>, vector<16xf32>,
      %mul3A_537 = arith.constant 16 : i32
      %mul3A_538 = arith.muli %scan3A_448, %mul3A_537 : i32
      %mul3A_539 = arith.constant 8 : i32
      %mul3A_540 = arith.muli %mul3A_538, %mul3A_539 : i32
      %add3A_541 = arith.constant 112 : i32
      %add3A_542 = arith.addi %mul3A_540, %add3A_541 : i32
      %get3A_543 = arith.index_cast %add3A_542 : i32 to index
      %get3A_544 = tpu.vector_load %arg12[%get3A_543] {strides = array<i32>} : memref<4096xi32, #tpu.memory_space<vmem>>, vector<16xi32>,
      %gather3A_545 = tpu.vector_load_idx %arg9[%get3A_544] : memref<100000xf32, #tpu.memory_space<vmem>>[vector<16xi32>], vector<16xf32>,
      %add3A_546 = arith.constant 4096 : i32
      %add3A_547 = arith.addi %add3A_546, %add3A_542 : i32
      %swap3A_548 = arith.index_cast %add3A_547 : i32 to index
      %swap3A_549 = tpu.vector_load %arg10[%swap3A_548] {strides = array<i32>} : memref<16384xf32, #tpu.memory_space<vmem>>, vector<16xf32>,
      tpu.vector_store %arg10[%swap3A_548], %gather3A_545 {strides = array<i32>} : memref<16384xf32, #tpu.memory_space<vmem>>, vector<16xf32>,
    }
    %scan3A_45 = arith.constant 32 : i32
    %dma_start3A_46 = arith.constant 12288 : i32
    %dma_start3A_47 = tpu.memref_slice %arg2[%dma_start3A_46] : memref<16384xi32, #tpu.memory_space<hbm>> -> memref<4096xi32, #tpu.memory_space<hbm>>
    %dma_start3A_48 = arith.constant 12288 : i32
    %dma_start3A_49 = tpu.memref_slice %arg2[%dma_start3A_48] : memref<16384xi32, #tpu.memory_space<hbm>> -> memref<4096xi32, #tpu.memory_space<hbm>>
    tpu.enqueue_dma source(%dma_start3A_49 : memref<4096xi32, #tpu.memory_space<hbm>>) target(%arg12 : memref<4096xi32, #tpu.memory_space<vmem>>) target_semaphore(%arg15 : memref<!tpu.dma_semaphore, #tpu.memory_space<semaphore_mem>>)
    %dma_wait3A_50 = arith.constant 8192 : i32
    %dma_wait3A_51 = tpu.memref_slice %arg2[%dma_wait3A_50] : memref<16384xi32, #tpu.memory_space<hbm>> -> memref<4096xi32, #tpu.memory_space<hbm>>
    %dma_wait3A_52 = arith.constant 8192 : i32
    %dma_wait3A_53 = tpu.memref_slice %arg2[%dma_wait3A_52] : memref<16384xi32, #tpu.memory_space<hbm>> -> memref<4096xi32, #tpu.memory_space<hbm>>
    tpu.wait_dma2 semaphore(%arg14 : memref<!tpu.dma_semaphore, #tpu.memory_space<semaphore_mem>>) src(%dma_wait3A_53 : memref<4096xi32, #tpu.memory_space<hbm>>) dst(%arg11 : memref<4096xi32, #tpu.memory_space<vmem>>)
    %scan3A_54 = arith.constant 0 : i32
    %scan3A_55 = arith.constant 0 : i32
    %scan3A_56 = arith.constant 32 : i32
    %scan3A_57 = arith.addi %scan3A_55, %scan3A_56 : i32
    %scan3A_58 = arith.constant 1 : i32
    scf.for %scan3A_448 = %scan3A_55 to %scan3A_57 step %scan3A_58  : i32 {
      %mul3A_449 = arith.constant 16 : i32
      %mul3A_450 = arith.muli %scan3A_448, %mul3A_449 : i32
      %mul3A_451 = arith.constant 8 : i32
      %mul3A_452 = arith.muli %mul3A_450, %mul3A_451 : i32
      %add3A_453 = arith.constant 0 : i32
      %add3A_454 = arith.addi %mul3A_452, %add3A_453 : i32
      %get3A = arith.index_cast %add3A_454 : i32 to index
      %get3A_455 = tpu.vector_load %arg11[%get3A] {strides = array<i32>} : memref<4096xi32, #tpu.memory_space<vmem>>, vector<16xi32>,
      %gather3A = tpu.vector_load_idx %arg9[%get3A_455] : memref<100000xf32, #tpu.memory_space<vmem>>[vector<16xi32>], vector<16xf32>,
      %add3A_456 = arith.constant 8192 : i32
      %add3A_457 = arith.addi %add3A_456, %add3A_454 : i32
      %swap3A = arith.index_cast %add3A_457 : i32 to index
      %swap3A_458 = tpu.vector_load %arg10[%swap3A] {strides = array<i32>} : memref<16384xf32, #tpu.memory_space<vmem>>, vector<16xf32>,
      tpu.vector_store %arg10[%swap3A], %gather3A {strides = array<i32>} : memref<16384xf32, #tpu.memory_space<vmem>>, vector<16xf32>,
      %mul3A_459 = arith.constant 16 : i32
      %mul3A_460 = arith.muli %scan3A_448, %mul3A_459 : i32
      %mul3A_461 = arith.constant 8 : i32
      %mul3A_462 = arith.muli %mul3A_460, %mul3A_461 : i32
      %add3A_463 = arith.constant 16 : i32
      %add3A_464 = arith.addi %mul3A_462, %add3A_463 : i32
      %get3A_465 = arith.index_cast %add3A_464 : i32 to index
      %get3A_466 = tpu.vector_load %arg11[%get3A_465] {strides = array<i32>} : memref<4096xi32, #tpu.memory_space<vmem>>, vector<16xi32>,
      %gather3A_467 = tpu.vector_load_idx %arg9[%get3A_466] : memref<100000xf32, #tpu.memory_space<vmem>>[vector<16xi32>], vector<16xf32>,
      %add3A_468 = arith.constant 8192 : i32
      %add3A_469 = arith.addi %add3A_468, %add3A_464 : i32
      %swap3A_470 = arith.index_cast %add3A_469 : i32 to index
      %swap3A_471 = tpu.vector_load %arg10[%swap3A_470] {strides = array<i32>} : memref<16384xf32, #tpu.memory_space<vmem>>, vector<16xf32>,
      tpu.vector_store %arg10[%swap3A_470], %gather3A_467 {strides = array<i32>} : memref<16384xf32, #tpu.memory_space<vmem>>, vector<16xf32>,
      %mul3A_472 = arith.constant 16 : i32
      %mul3A_473 = arith.muli %scan3A_448, %mul3A_472 : i32
      %mul3A_474 = arith.constant 8 : i32
      %mul3A_475 = arith.muli %mul3A_473, %mul3A_474 : i32
      %add3A_476 = arith.constant 32 : i32
      %add3A_477 = arith.addi %mul3A_475, %add3A_476 : i32
      %get3A_478 = arith.index_cast %add3A_477 : i32 to index
      %get3A_479 = tpu.vector_load %arg11[%get3A_478] {strides = array<i32>} : memref<4096xi32, #tpu.memory_space<vmem>>, vector<16xi32>,
      %gather3A_480 = tpu.vector_load_idx %arg9[%get3A_479] : memref<100000xf32, #tpu.memory_space<vmem>>[vector<16xi32>], vector<16xf32>,
      %add3A_481 = arith.constant 8192 : i32
      %add3A_482 = arith.addi %add3A_481, %add3A_477 : i32
      %swap3A_483 = arith.index_cast %add3A_482 : i32 to index
      %swap3A_484 = tpu.vector_load %arg10[%swap3A_483] {strides = array<i32>} : memref<16384xf32, #tpu.memory_space<vmem>>, vector<16xf32>,
      tpu.vector_store %arg10[%swap3A_483], %gather3A_480 {strides = array<i32>} : memref<16384xf32, #tpu.memory_space<vmem>>, vector<16xf32>,
      %mul3A_485 = arith.constant 16 : i32
      %mul3A_486 = arith.muli %scan3A_448, %mul3A_485 : i32
      %mul3A_487 = arith.constant 8 : i32
      %mul3A_488 = arith.muli %mul3A_486, %mul3A_487 : i32
      %add3A_489 = arith.constant 48 : i32
      %add3A_490 = arith.addi %mul3A_488, %add3A_489 : i32
      %get3A_491 = arith.index_cast %add3A_490 : i32 to index
      %get3A_492 = tpu.vector_load %arg11[%get3A_491] {strides = array<i32>} : memref<4096xi32, #tpu.memory_space<vmem>>, vector<16xi32>,
      %gather3A_493 = tpu.vector_load_idx %arg9[%get3A_492] : memref<100000xf32, #tpu.memory_space<vmem>>[vector<16xi32>], vector<16xf32>,
      %add3A_494 = arith.constant 8192 : i32
      %add3A_495 = arith.addi %add3A_494, %add3A_490 : i32
      %swap3A_496 = arith.index_cast %add3A_495 : i32 to index
      %swap3A_497 = tpu.vector_load %arg10[%swap3A_496] {strides = array<i32>} : memref<16384xf32, #tpu.memory_space<vmem>>, vector<16xf32>,
      tpu.vector_store %arg10[%swap3A_496], %gather3A_493 {strides = array<i32>} : memref<16384xf32, #tpu.memory_space<vmem>>, vector<16xf32>,
      %mul3A_498 = arith.constant 16 : i32
      %mul3A_499 = arith.muli %scan3A_448, %mul3A_498 : i32
      %mul3A_500 = arith.constant 8 : i32
      %mul3A_501 = arith.muli %mul3A_499, %mul3A_500 : i32
      %add3A_502 = arith.constant 64 : i32
      %add3A_503 = arith.addi %mul3A_501, %add3A_502 : i32
      %get3A_504 = arith.index_cast %add3A_503 : i32 to index
      %get3A_505 = tpu.vector_load %arg11[%get3A_504] {strides = array<i32>} : memref<4096xi32, #tpu.memory_space<vmem>>, vector<16xi32>,
      %gather3A_506 = tpu.vector_load_idx %arg9[%get3A_505] : memref<100000xf32, #tpu.memory_space<vmem>>[vector<16xi32>], vector<16xf32>,
      %add3A_507 = arith.constant 8192 : i32
      %add3A_508 = arith.addi %add3A_507, %add3A_503 : i32
      %swap3A_509 = arith.index_cast %add3A_508 : i32 to index
      %swap3A_510 = tpu.vector_load %arg10[%swap3A_509] {strides = array<i32>} : memref<16384xf32, #tpu.memory_space<vmem>>, vector<16xf32>,
      tpu.vector_store %arg10[%swap3A_509], %gather3A_506 {strides = array<i32>} : memref<16384xf32, #tpu.memory_space<vmem>>, vector<16xf32>,
      %mul3A_511 = arith.constant 16 : i32
      %mul3A_512 = arith.muli %scan3A_448, %mul3A_511 : i32
      %mul3A_513 = arith.constant 8 : i32
      %mul3A_514 = arith.muli %mul3A_512, %mul3A_513 : i32
      %add3A_515 = arith.constant 80 : i32
      %add3A_516 = arith.addi %mul3A_514, %add3A_515 : i32
      %get3A_517 = arith.index_cast %add3A_516 : i32 to index
      %get3A_518 = tpu.vector_load %arg11[%get3A_517] {strides = array<i32>} : memref<4096xi32, #tpu.memory_space<vmem>>, vector<16xi32>,
      %gather3A_519 = tpu.vector_load_idx %arg9[%get3A_518] : memref<100000xf32, #tpu.memory_space<vmem>>[vector<16xi32>], vector<16xf32>,
      %add3A_520 = arith.constant 8192 : i32
      %add3A_521 = arith.addi %add3A_520, %add3A_516 : i32
      %swap3A_522 = arith.index_cast %add3A_521 : i32 to index
      %swap3A_523 = tpu.vector_load %arg10[%swap3A_522] {strides = array<i32>} : memref<16384xf32, #tpu.memory_space<vmem>>, vector<16xf32>,
      tpu.vector_store %arg10[%swap3A_522], %gather3A_519 {strides = array<i32>} : memref<16384xf32, #tpu.memory_space<vmem>>, vector<16xf32>,
      %mul3A_524 = arith.constant 16 : i32
      %mul3A_525 = arith.muli %scan3A_448, %mul3A_524 : i32
      %mul3A_526 = arith.constant 8 : i32
      %mul3A_527 = arith.muli %mul3A_525, %mul3A_526 : i32
      %add3A_528 = arith.constant 96 : i32
      %add3A_529 = arith.addi %mul3A_527, %add3A_528 : i32
      %get3A_530 = arith.index_cast %add3A_529 : i32 to index
      %get3A_531 = tpu.vector_load %arg11[%get3A_530] {strides = array<i32>} : memref<4096xi32, #tpu.memory_space<vmem>>, vector<16xi32>,
      %gather3A_532 = tpu.vector_load_idx %arg9[%get3A_531] : memref<100000xf32, #tpu.memory_space<vmem>>[vector<16xi32>], vector<16xf32>,
      %add3A_533 = arith.constant 8192 : i32
      %add3A_534 = arith.addi %add3A_533, %add3A_529 : i32
      %swap3A_535 = arith.index_cast %add3A_534 : i32 to index
      %swap3A_536 = tpu.vector_load %arg10[%swap3A_535] {strides = array<i32>} : memref<16384xf32, #tpu.memory_space<vmem>>, vector<16xf32>,
      tpu.vector_store %arg10[%swap3A_535], %gather3A_532 {strides = array<i32>} : memref<16384xf32, #tpu.memory_space<vmem>>, vector<16xf32>,
      %mul3A_537 = arith.constant 16 : i32
      %mul3A_538 = arith.muli %scan3A_448, %mul3A_537 : i32
      %mul3A_539 = arith.constant 8 : i32
      %mul3A_540 = arith.muli %mul3A_538, %mul3A_539 : i32
      %add3A_541 = arith.constant 112 : i32
      %add3A_542 = arith.addi %mul3A_540, %add3A_541 : i32
      %get3A_543 = arith.index_cast %add3A_542 : i32 to index
      %get3A_544 = tpu.vector_load %arg11[%get3A_543] {strides = array<i32>} : memref<4096xi32, #tpu.memory_space<vmem>>, vector<16xi32>,
      %gather3A_545 = tpu.vector_load_idx %arg9[%get3A_544] : memref<100000xf32, #tpu.memory_space<vmem>>[vector<16xi32>], vector<16xf32>,
      %add3A_546 = arith.constant 8192 : i32
      %add3A_547 = arith.addi %add3A_546, %add3A_542 : i32
      %swap3A_548 = arith.index_cast %add3A_547 : i32 to index
      %swap3A_549 = tpu.vector_load %arg10[%swap3A_548] {strides = array<i32>} : memref<16384xf32, #tpu.memory_space<vmem>>, vector<16xf32>,
      tpu.vector_store %arg10[%swap3A_548], %gather3A_545 {strides = array<i32>} : memref<16384xf32, #tpu.memory_space<vmem>>, vector<16xf32>,
    }
    %scan3A_59 = arith.constant 32 : i32
    %dma_start3A_60 = arith.constant 0 : i32
    %dma_start3A_61 = tpu.memref_slice %arg3[%dma_start3A_60] : memref<16384xi32, #tpu.memory_space<hbm>> -> memref<4096xi32, #tpu.memory_space<hbm>>
    %dma_start3A_62 = arith.constant 0 : i32
    %dma_start3A_63 = tpu.memref_slice %arg3[%dma_start3A_62] : memref<16384xi32, #tpu.memory_space<hbm>> -> memref<4096xi32, #tpu.memory_space<hbm>>
    tpu.enqueue_dma source(%dma_start3A_63 : memref<4096xi32, #tpu.memory_space<hbm>>) target(%arg11 : memref<4096xi32, #tpu.memory_space<vmem>>) target_semaphore(%arg14 : memref<!tpu.dma_semaphore, #tpu.memory_space<semaphore_mem>>)
    %dma_wait3A_64 = arith.constant 12288 : i32
    %dma_wait3A_65 = tpu.memref_slice %arg2[%dma_wait3A_64] : memref<16384xi32, #tpu.memory_space<hbm>> -> memref<4096xi32, #tpu.memory_space<hbm>>
    %dma_wait3A_66 = arith.constant 12288 : i32
    %dma_wait3A_67 = tpu.memref_slice %arg2[%dma_wait3A_66] : memref<16384xi32, #tpu.memory_space<hbm>> -> memref<4096xi32, #tpu.memory_space<hbm>>
    tpu.wait_dma2 semaphore(%arg15 : memref<!tpu.dma_semaphore, #tpu.memory_space<semaphore_mem>>) src(%dma_wait3A_67 : memref<4096xi32, #tpu.memory_space<hbm>>) dst(%arg12 : memref<4096xi32, #tpu.memory_space<vmem>>)
    %scan3A_68 = arith.constant 0 : i32
    %scan3A_69 = arith.constant 0 : i32
    %scan3A_70 = arith.constant 32 : i32
    %scan3A_71 = arith.addi %scan3A_69, %scan3A_70 : i32
    %scan3A_72 = arith.constant 1 : i32
    scf.for %scan3A_448 = %scan3A_69 to %scan3A_71 step %scan3A_72  : i32 {
      %mul3A_449 = arith.constant 16 : i32
      %mul3A_450 = arith.muli %scan3A_448, %mul3A_449 : i32
      %mul3A_451 = arith.constant 8 : i32
      %mul3A_452 = arith.muli %mul3A_450, %mul3A_451 : i32
      %add3A_453 = arith.constant 0 : i32
      %add3A_454 = arith.addi %mul3A_452, %add3A_453 : i32
      %get3A = arith.index_cast %add3A_454 : i32 to index
      %get3A_455 = tpu.vector_load %arg12[%get3A] {strides = array<i32>} : memref<4096xi32, #tpu.memory_space<vmem>>, vector<16xi32>,
      %gather3A = tpu.vector_load_idx %arg9[%get3A_455] : memref<100000xf32, #tpu.memory_space<vmem>>[vector<16xi32>], vector<16xf32>,
      %add3A_456 = arith.constant 12288 : i32
      %add3A_457 = arith.addi %add3A_456, %add3A_454 : i32
      %swap3A = arith.index_cast %add3A_457 : i32 to index
      %swap3A_458 = tpu.vector_load %arg10[%swap3A] {strides = array<i32>} : memref<16384xf32, #tpu.memory_space<vmem>>, vector<16xf32>,
      tpu.vector_store %arg10[%swap3A], %gather3A {strides = array<i32>} : memref<16384xf32, #tpu.memory_space<vmem>>, vector<16xf32>,
      %mul3A_459 = arith.constant 16 : i32
      %mul3A_460 = arith.muli %scan3A_448, %mul3A_459 : i32
      %mul3A_461 = arith.constant 8 : i32
      %mul3A_462 = arith.muli %mul3A_460, %mul3A_461 : i32
      %add3A_463 = arith.constant 16 : i32
      %add3A_464 = arith.addi %mul3A_462, %add3A_463 : i32
      %get3A_465 = arith.index_cast %add3A_464 : i32 to index
      %get3A_466 = tpu.vector_load %arg12[%get3A_465] {strides = array<i32>} : memref<4096xi32, #tpu.memory_space<vmem>>, vector<16xi32>,
      %gather3A_467 = tpu.vector_load_idx %arg9[%get3A_466] : memref<100000xf32, #tpu.memory_space<vmem>>[vector<16xi32>], vector<16xf32>,
      %add3A_468 = arith.constant 12288 : i32
      %add3A_469 = arith.addi %add3A_468, %add3A_464 : i32
      %swap3A_470 = arith.index_cast %add3A_469 : i32 to index
      %swap3A_471 = tpu.vector_load %arg10[%swap3A_470] {strides = array<i32>} : memref<16384xf32, #tpu.memory_space<vmem>>, vector<16xf32>,
      tpu.vector_store %arg10[%swap3A_470], %gather3A_467 {strides = array<i32>} : memref<16384xf32, #tpu.memory_space<vmem>>, vector<16xf32>,
      %mul3A_472 = arith.constant 16 : i32
      %mul3A_473 = arith.muli %scan3A_448, %mul3A_472 : i32
      %mul3A_474 = arith.constant 8 : i32
      %mul3A_475 = arith.muli %mul3A_473, %mul3A_474 : i32
      %add3A_476 = arith.constant 32 : i32
      %add3A_477 = arith.addi %mul3A_475, %add3A_476 : i32
      %get3A_478 = arith.index_cast %add3A_477 : i32 to index
      %get3A_479 = tpu.vector_load %arg12[%get3A_478] {strides = array<i32>} : memref<4096xi32, #tpu.memory_space<vmem>>, vector<16xi32>,
      %gather3A_480 = tpu.vector_load_idx %arg9[%get3A_479] : memref<100000xf32, #tpu.memory_space<vmem>>[vector<16xi32>], vector<16xf32>,
      %add3A_481 = arith.constant 12288 : i32
      %add3A_482 = arith.addi %add3A_481, %add3A_477 : i32
      %swap3A_483 = arith.index_cast %add3A_482 : i32 to index
      %swap3A_484 = tpu.vector_load %arg10[%swap3A_483] {strides = array<i32>} : memref<16384xf32, #tpu.memory_space<vmem>>, vector<16xf32>,
      tpu.vector_store %arg10[%swap3A_483], %gather3A_480 {strides = array<i32>} : memref<16384xf32, #tpu.memory_space<vmem>>, vector<16xf32>,
      %mul3A_485 = arith.constant 16 : i32
      %mul3A_486 = arith.muli %scan3A_448, %mul3A_485 : i32
      %mul3A_487 = arith.constant 8 : i32
      %mul3A_488 = arith.muli %mul3A_486, %mul3A_487 : i32
      %add3A_489 = arith.constant 48 : i32
      %add3A_490 = arith.addi %mul3A_488, %add3A_489 : i32
      %get3A_491 = arith.index_cast %add3A_490 : i32 to index
      %get3A_492 = tpu.vector_load %arg12[%get3A_491] {strides = array<i32>} : memref<4096xi32, #tpu.memory_space<vmem>>, vector<16xi32>,
      %gather3A_493 = tpu.vector_load_idx %arg9[%get3A_492] : memref<100000xf32, #tpu.memory_space<vmem>>[vector<16xi32>], vector<16xf32>,
      %add3A_494 = arith.constant 12288 : i32
      %add3A_495 = arith.addi %add3A_494, %add3A_490 : i32
      %swap3A_496 = arith.index_cast %add3A_495 : i32 to index
      %swap3A_497 = tpu.vector_load %arg10[%swap3A_496] {strides = array<i32>} : memref<16384xf32, #tpu.memory_space<vmem>>, vector<16xf32>,
      tpu.vector_store %arg10[%swap3A_496], %gather3A_493 {strides = array<i32>} : memref<16384xf32, #tpu.memory_space<vmem>>, vector<16xf32>,
      %mul3A_498 = arith.constant 16 : i32
      %mul3A_499 = arith.muli %scan3A_448, %mul3A_498 : i32
      %mul3A_500 = arith.constant 8 : i32
      %mul3A_501 = arith.muli %mul3A_499, %mul3A_500 : i32
      %add3A_502 = arith.constant 64 : i32
      %add3A_503 = arith.addi %mul3A_501, %add3A_502 : i32
      %get3A_504 = arith.index_cast %add3A_503 : i32 to index
      %get3A_505 = tpu.vector_load %arg12[%get3A_504] {strides = array<i32>} : memref<4096xi32, #tpu.memory_space<vmem>>, vector<16xi32>,
      %gather3A_506 = tpu.vector_load_idx %arg9[%get3A_505] : memref<100000xf32, #tpu.memory_space<vmem>>[vector<16xi32>], vector<16xf32>,
      %add3A_507 = arith.constant 12288 : i32
      %add3A_508 = arith.addi %add3A_507, %add3A_503 : i32
      %swap3A_509 = arith.index_cast %add3A_508 : i32 to index
      %swap3A_510 = tpu.vector_load %arg10[%swap3A_509] {strides = array<i32>} : memref<16384xf32, #tpu.memory_space<vmem>>, vector<16xf32>,
      tpu.vector_store %arg10[%swap3A_509], %gather3A_506 {strides = array<i32>} : memref<16384xf32, #tpu.memory_space<vmem>>, vector<16xf32>,
      %mul3A_511 = arith.constant 16 : i32
      %mul3A_512 = arith.muli %scan3A_448, %mul3A_511 : i32
      %mul3A_513 = arith.constant 8 : i32
      %mul3A_514 = arith.muli %mul3A_512, %mul3A_513 : i32
      %add3A_515 = arith.constant 80 : i32
      %add3A_516 = arith.addi %mul3A_514, %add3A_515 : i32
      %get3A_517 = arith.index_cast %add3A_516 : i32 to index
      %get3A_518 = tpu.vector_load %arg12[%get3A_517] {strides = array<i32>} : memref<4096xi32, #tpu.memory_space<vmem>>, vector<16xi32>,
      %gather3A_519 = tpu.vector_load_idx %arg9[%get3A_518] : memref<100000xf32, #tpu.memory_space<vmem>>[vector<16xi32>], vector<16xf32>,
      %add3A_520 = arith.constant 12288 : i32
      %add3A_521 = arith.addi %add3A_520, %add3A_516 : i32
      %swap3A_522 = arith.index_cast %add3A_521 : i32 to index
      %swap3A_523 = tpu.vector_load %arg10[%swap3A_522] {strides = array<i32>} : memref<16384xf32, #tpu.memory_space<vmem>>, vector<16xf32>,
      tpu.vector_store %arg10[%swap3A_522], %gather3A_519 {strides = array<i32>} : memref<16384xf32, #tpu.memory_space<vmem>>, vector<16xf32>,
      %mul3A_524 = arith.constant 16 : i32
      %mul3A_525 = arith.muli %scan3A_448, %mul3A_524 : i32
      %mul3A_526 = arith.constant 8 : i32
      %mul3A_527 = arith.muli %mul3A_525, %mul3A_526 : i32
      %add3A_528 = arith.constant 96 : i32
      %add3A_529 = arith.addi %mul3A_527, %add3A_528 : i32
      %get3A_530 = arith.index_cast %add3A_529 : i32 to index
      %get3A_531 = tpu.vector_load %arg12[%get3A_530] {strides = array<i32>} : memref<4096xi32, #tpu.memory_space<vmem>>, vector<16xi32>,
      %gather3A_532 = tpu.vector_load_idx %arg9[%get3A_531] : memref<100000xf32, #tpu.memory_space<vmem>>[vector<16xi32>], vector<16xf32>,
      %add3A_533 = arith.constant 12288 : i32
      %add3A_534 = arith.addi %add3A_533, %add3A_529 : i32
      %swap3A_535 = arith.index_cast %add3A_534 : i32 to index
      %swap3A_536 = tpu.vector_load %arg10[%swap3A_535] {strides = array<i32>} : memref<16384xf32, #tpu.memory_space<vmem>>, vector<16xf32>,
      tpu.vector_store %arg10[%swap3A_535], %gather3A_532 {strides = array<i32>} : memref<16384xf32, #tpu.memory_space<vmem>>, vector<16xf32>,
      %mul3A_537 = arith.constant 16 : i32
      %mul3A_538 = arith.muli %scan3A_448, %mul3A_537 : i32
      %mul3A_539 = arith.constant 8 : i32
      %mul3A_540 = arith.muli %mul3A_538, %mul3A_539 : i32
      %add3A_541 = arith.constant 112 : i32
      %add3A_542 = arith.addi %mul3A_540, %add3A_541 : i32
      %get3A_543 = arith.index_cast %add3A_542 : i32 to index
      %get3A_544 = tpu.vector_load %arg12[%get3A_543] {strides = array<i32>} : memref<4096xi32, #tpu.memory_space<vmem>>, vector<16xi32>,
      %gather3A_545 = tpu.vector_load_idx %arg9[%get3A_544] : memref<100000xf32, #tpu.memory_space<vmem>>[vector<16xi32>], vector<16xf32>,
      %add3A_546 = arith.constant 12288 : i32
      %add3A_547 = arith.addi %add3A_546, %add3A_542 : i32
      %swap3A_548 = arith.index_cast %add3A_547 : i32 to index
      %swap3A_549 = tpu.vector_load %arg10[%swap3A_548] {strides = array<i32>} : memref<16384xf32, #tpu.memory_space<vmem>>, vector<16xf32>,
      tpu.vector_store %arg10[%swap3A_548], %gather3A_545 {strides = array<i32>} : memref<16384xf32, #tpu.memory_space<vmem>>, vector<16xf32>,
    }
    %scan3A_73 = arith.constant 32 : i32
    %mul3A_74 = arith.constant 2 : i32
    %mul3A_75 = arith.muli %add3A, %mul3A_74 : i32
    %add3A_76 = arith.constant 0 : i32
    %add3A_77 = arith.addi %mul3A_75, %add3A_76 : i32
    %dma_start3A_78 = arith.constant 0 : i32
    %dma_start3A_79 = tpu.memref_slice %arg6[%add3A_77, %dma_start3A_78] : memref<64x100000xf32, #tpu.memory_space<hbm>> -> memref<1x100000xf32, #tpu.memory_space<hbm>>
    %dma_start3A_80 = tpu.memref_squeeze %dma_start3A_79 : memref<1x100000xf32, #tpu.memory_space<hbm>> -> memref<100000xf32, #tpu.memory_space<hbm>>
    %dma_start3A_81 = arith.constant 0 : i32
    %dma_start3A_82 = tpu.memref_slice %arg6[%add3A_77, %dma_start3A_81] : memref<64x100000xf32, #tpu.memory_space<hbm>> -> memref<1x100000xf32, #tpu.memory_space<hbm>>
    %dma_start3A_83 = tpu.memref_squeeze %dma_start3A_82 : memref<1x100000xf32, #tpu.memory_space<hbm>> -> memref<100000xf32, #tpu.memory_space<hbm>>
    tpu.enqueue_dma source(%dma_start3A_83 : memref<100000xf32, #tpu.memory_space<hbm>>) target(%arg9 : memref<100000xf32, #tpu.memory_space<vmem>>) target_semaphore(%arg13 : memref<!tpu.dma_semaphore, #tpu.memory_space<semaphore_mem>>)
    %dma_wait3A_84 = arith.constant 0 : i32
    %dma_wait3A_85 = tpu.memref_slice %arg6[%add3A_77, %dma_wait3A_84] : memref<64x100000xf32, #tpu.memory_space<hbm>> -> memref<1x100000xf32, #tpu.memory_space<hbm>>
    %dma_wait3A_86 = tpu.memref_squeeze %dma_wait3A_85 : memref<1x100000xf32, #tpu.memory_space<hbm>> -> memref<100000xf32, #tpu.memory_space<hbm>>
    %dma_wait3A_87 = arith.constant 0 : i32
    %dma_wait3A_88 = tpu.memref_slice %arg6[%add3A_77, %dma_wait3A_87] : memref<64x100000xf32, #tpu.memory_space<hbm>> -> memref<1x100000xf32, #tpu.memory_space<hbm>>
    %dma_wait3A_89 = tpu.memref_squeeze %dma_wait3A_88 : memref<1x100000xf32, #tpu.memory_space<hbm>> -> memref<100000xf32, #tpu.memory_space<hbm>>
    tpu.wait_dma2 semaphore(%arg13 : memref<!tpu.dma_semaphore, #tpu.memory_space<semaphore_mem>>) src(%dma_wait3A_89 : memref<100000xf32, #tpu.memory_space<hbm>>) dst(%arg9 : memref<100000xf32, #tpu.memory_space<vmem>>)
    %dma_start3A_90 = arith.constant 4096 : i32
    %dma_start3A_91 = tpu.memref_slice %arg3[%dma_start3A_90] : memref<16384xi32, #tpu.memory_space<hbm>> -> memref<4096xi32, #tpu.memory_space<hbm>>
    %dma_start3A_92 = arith.constant 4096 : i32
    %dma_start3A_93 = tpu.memref_slice %arg3[%dma_start3A_92] : memref<16384xi32, #tpu.memory_space<hbm>> -> memref<4096xi32, #tpu.memory_space<hbm>>
    tpu.enqueue_dma source(%dma_start3A_93 : memref<4096xi32, #tpu.memory_space<hbm>>) target(%arg12 : memref<4096xi32, #tpu.memory_space<vmem>>) target_semaphore(%arg15 : memref<!tpu.dma_semaphore, #tpu.memory_space<semaphore_mem>>)
    %dma_wait3A_94 = arith.constant 0 : i32
    %dma_wait3A_95 = tpu.memref_slice %arg3[%dma_wait3A_94] : memref<16384xi32, #tpu.memory_space<hbm>> -> memref<4096xi32, #tpu.memory_space<hbm>>
    %dma_wait3A_96 = arith.constant 0 : i32
    %dma_wait3A_97 = tpu.memref_slice %arg3[%dma_wait3A_96] : memref<16384xi32, #tpu.memory_space<hbm>> -> memref<4096xi32, #tpu.memory_space<hbm>>
    tpu.wait_dma2 semaphore(%arg14 : memref<!tpu.dma_semaphore, #tpu.memory_space<semaphore_mem>>) src(%dma_wait3A_97 : memref<4096xi32, #tpu.memory_space<hbm>>) dst(%arg11 : memref<4096xi32, #tpu.memory_space<vmem>>)
    %scan3A_98 = arith.constant 0 : i32
    %scan3A_99 = arith.constant 0 : i32
    %scan3A_100 = arith.constant 32 : i32
    %scan3A_101 = arith.addi %scan3A_99, %scan3A_100 : i32
    %scan3A_102 = arith.constant 1 : i32
    scf.for %scan3A_448 = %scan3A_99 to %scan3A_101 step %scan3A_102  : i32 {
      %mul3A_449 = arith.constant 16 : i32
      %mul3A_450 = arith.muli %scan3A_448, %mul3A_449 : i32
      %mul3A_451 = arith.constant 8 : i32
      %mul3A_452 = arith.muli %mul3A_450, %mul3A_451 : i32
      %add3A_453 = arith.constant 0 : i32
      %add3A_454 = arith.addi %mul3A_452, %add3A_453 : i32
      %get3A = arith.index_cast %add3A_454 : i32 to index
      %get3A_455 = tpu.vector_load %arg11[%get3A] {strides = array<i32>} : memref<4096xi32, #tpu.memory_space<vmem>>, vector<16xi32>,
      %gather3A = tpu.vector_load_idx %arg9[%get3A_455] : memref<100000xf32, #tpu.memory_space<vmem>>[vector<16xi32>], vector<16xf32>,
      %add3A_456 = arith.constant 0 : i32
      %add3A_457 = arith.addi %add3A_456, %add3A_454 : i32
      %swap3A = arith.index_cast %add3A_457 : i32 to index
      %swap3A_458 = tpu.vector_load %arg10[%swap3A] {strides = array<i32>} : memref<16384xf32, #tpu.memory_space<vmem>>, vector<16xf32>,
      tpu.vector_store %arg10[%swap3A], %gather3A {add = true, strides = array<i32>} : memref<16384xf32, #tpu.memory_space<vmem>>, vector<16xf32>,
      %mul3A_459 = arith.constant 16 : i32
      %mul3A_460 = arith.muli %scan3A_448, %mul3A_459 : i32
      %mul3A_461 = arith.constant 8 : i32
      %mul3A_462 = arith.muli %mul3A_460, %mul3A_461 : i32
      %add3A_463 = arith.constant 16 : i32
      %add3A_464 = arith.addi %mul3A_462, %add3A_463 : i32
      %get3A_465 = arith.index_cast %add3A_464 : i32 to index
      %get3A_466 = tpu.vector_load %arg11[%get3A_465] {strides = array<i32>} : memref<4096xi32, #tpu.memory_space<vmem>>, vector<16xi32>,
      %gather3A_467 = tpu.vector_load_idx %arg9[%get3A_466] : memref<100000xf32, #tpu.memory_space<vmem>>[vector<16xi32>], vector<16xf32>,
      %add3A_468 = arith.constant 0 : i32
      %add3A_469 = arith.addi %add3A_468, %add3A_464 : i32
      %swap3A_470 = arith.index_cast %add3A_469 : i32 to index
      %swap3A_471 = tpu.vector_load %arg10[%swap3A_470] {strides = array<i32>} : memref<16384xf32, #tpu.memory_space<vmem>>, vector<16xf32>,
      tpu.vector_store %arg10[%swap3A_470], %gather3A_467 {add = true, strides = array<i32>} : memref<16384xf32, #tpu.memory_space<vmem>>, vector<16xf32>,
      %mul3A_472 = arith.constant 16 : i32
      %mul3A_473 = arith.muli %scan3A_448, %mul3A_472 : i32
      %mul3A_474 = arith.constant 8 : i32
      %mul3A_475 = arith.muli %mul3A_473, %mul3A_474 : i32
      %add3A_476 = arith.constant 32 : i32
      %add3A_477 = arith.addi %mul3A_475, %add3A_476 : i32
      %get3A_478 = arith.index_cast %add3A_477 : i32 to index
      %get3A_479 = tpu.vector_load %arg11[%get3A_478] {strides = array<i32>} : memref<4096xi32, #tpu.memory_space<vmem>>, vector<16xi32>,
      %gather3A_480 = tpu.vector_load_idx %arg9[%get3A_479] : memref<100000xf32, #tpu.memory_space<vmem>>[vector<16xi32>], vector<16xf32>,
      %add3A_481 = arith.constant 0 : i32
      %add3A_482 = arith.addi %add3A_481, %add3A_477 : i32
      %swap3A_483 = arith.index_cast %add3A_482 : i32 to index
      %swap3A_484 = tpu.vector_load %arg10[%swap3A_483] {strides = array<i32>} : memref<16384xf32, #tpu.memory_space<vmem>>, vector<16xf32>,
      tpu.vector_store %arg10[%swap3A_483], %gather3A_480 {add = true, strides = array<i32>} : memref<16384xf32, #tpu.memory_space<vmem>>, vector<16xf32>,
      %mul3A_485 = arith.constant 16 : i32
      %mul3A_486 = arith.muli %scan3A_448, %mul3A_485 : i32
      %mul3A_487 = arith.constant 8 : i32
      %mul3A_488 = arith.muli %mul3A_486, %mul3A_487 : i32
      %add3A_489 = arith.constant 48 : i32
      %add3A_490 = arith.addi %mul3A_488, %add3A_489 : i32
      %get3A_491 = arith.index_cast %add3A_490 : i32 to index
      %get3A_492 = tpu.vector_load %arg11[%get3A_491] {strides = array<i32>} : memref<4096xi32, #tpu.memory_space<vmem>>, vector<16xi32>,
      %gather3A_493 = tpu.vector_load_idx %arg9[%get3A_492] : memref<100000xf32, #tpu.memory_space<vmem>>[vector<16xi32>], vector<16xf32>,
      %add3A_494 = arith.constant 0 : i32
      %add3A_495 = arith.addi %add3A_494, %add3A_490 : i32
      %swap3A_496 = arith.index_cast %add3A_495 : i32 to index
      %swap3A_497 = tpu.vector_load %arg10[%swap3A_496] {strides = array<i32>} : memref<16384xf32, #tpu.memory_space<vmem>>, vector<16xf32>,
      tpu.vector_store %arg10[%swap3A_496], %gather3A_493 {add = true, strides = array<i32>} : memref<16384xf32, #tpu.memory_space<vmem>>, vector<16xf32>,
      %mul3A_498 = arith.constant 16 : i32
      %mul3A_499 = arith.muli %scan3A_448, %mul3A_498 : i32
      %mul3A_500 = arith.constant 8 : i32
      %mul3A_501 = arith.muli %mul3A_499, %mul3A_500 : i32
      %add3A_502 = arith.constant 64 : i32
      %add3A_503 = arith.addi %mul3A_501, %add3A_502 : i32
      %get3A_504 = arith.index_cast %add3A_503 : i32 to index
      %get3A_505 = tpu.vector_load %arg11[%get3A_504] {strides = array<i32>} : memref<4096xi32, #tpu.memory_space<vmem>>, vector<16xi32>,
      %gather3A_506 = tpu.vector_load_idx %arg9[%get3A_505] : memref<100000xf32, #tpu.memory_space<vmem>>[vector<16xi32>], vector<16xf32>,
      %add3A_507 = arith.constant 0 : i32
      %add3A_508 = arith.addi %add3A_507, %add3A_503 : i32
      %swap3A_509 = arith.index_cast %add3A_508 : i32 to index
      %swap3A_510 = tpu.vector_load %arg10[%swap3A_509] {strides = array<i32>} : memref<16384xf32, #tpu.memory_space<vmem>>, vector<16xf32>,
      tpu.vector_store %arg10[%swap3A_509], %gather3A_506 {add = true, strides = array<i32>} : memref<16384xf32, #tpu.memory_space<vmem>>, vector<16xf32>,
      %mul3A_511 = arith.constant 16 : i32
      %mul3A_512 = arith.muli %scan3A_448, %mul3A_511 : i32
      %mul3A_513 = arith.constant 8 : i32
      %mul3A_514 = arith.muli %mul3A_512, %mul3A_513 : i32
      %add3A_515 = arith.constant 80 : i32
      %add3A_516 = arith.addi %mul3A_514, %add3A_515 : i32
      %get3A_517 = arith.index_cast %add3A_516 : i32 to index
      %get3A_518 = tpu.vector_load %arg11[%get3A_517] {strides = array<i32>} : memref<4096xi32, #tpu.memory_space<vmem>>, vector<16xi32>,
      %gather3A_519 = tpu.vector_load_idx %arg9[%get3A_518] : memref<100000xf32, #tpu.memory_space<vmem>>[vector<16xi32>], vector<16xf32>,
      %add3A_520 = arith.constant 0 : i32
      %add3A_521 = arith.addi %add3A_520, %add3A_516 : i32
      %swap3A_522 = arith.index_cast %add3A_521 : i32 to index
      %swap3A_523 = tpu.vector_load %arg10[%swap3A_522] {strides = array<i32>} : memref<16384xf32, #tpu.memory_space<vmem>>, vector<16xf32>,
      tpu.vector_store %arg10[%swap3A_522], %gather3A_519 {add = true, strides = array<i32>} : memref<16384xf32, #tpu.memory_space<vmem>>, vector<16xf32>,
      %mul3A_524 = arith.constant 16 : i32
      %mul3A_525 = arith.muli %scan3A_448, %mul3A_524 : i32
      %mul3A_526 = arith.constant 8 : i32
      %mul3A_527 = arith.muli %mul3A_525, %mul3A_526 : i32
      %add3A_528 = arith.constant 96 : i32
      %add3A_529 = arith.addi %mul3A_527, %add3A_528 : i32
      %get3A_530 = arith.index_cast %add3A_529 : i32 to index
      %get3A_531 = tpu.vector_load %arg11[%get3A_530] {strides = array<i32>} : memref<4096xi32, #tpu.memory_space<vmem>>, vector<16xi32>,
      %gather3A_532 = tpu.vector_load_idx %arg9[%get3A_531] : memref<100000xf32, #tpu.memory_space<vmem>>[vector<16xi32>], vector<16xf32>,
      %add3A_533 = arith.constant 0 : i32
      %add3A_534 = arith.addi %add3A_533, %add3A_529 : i32
      %swap3A_535 = arith.index_cast %add3A_534 : i32 to index
      %swap3A_536 = tpu.vector_load %arg10[%swap3A_535] {strides = array<i32>} : memref<16384xf32, #tpu.memory_space<vmem>>, vector<16xf32>,
      tpu.vector_store %arg10[%swap3A_535], %gather3A_532 {add = true, strides = array<i32>} : memref<16384xf32, #tpu.memory_space<vmem>>, vector<16xf32>,
      %mul3A_537 = arith.constant 16 : i32
      %mul3A_538 = arith.muli %scan3A_448, %mul3A_537 : i32
      %mul3A_539 = arith.constant 8 : i32
      %mul3A_540 = arith.muli %mul3A_538, %mul3A_539 : i32
      %add3A_541 = arith.constant 112 : i32
      %add3A_542 = arith.addi %mul3A_540, %add3A_541 : i32
      %get3A_543 = arith.index_cast %add3A_542 : i32 to index
      %get3A_544 = tpu.vector_load %arg11[%get3A_543] {strides = array<i32>} : memref<4096xi32, #tpu.memory_space<vmem>>, vector<16xi32>,
      %gather3A_545 = tpu.vector_load_idx %arg9[%get3A_544] : memref<100000xf32, #tpu.memory_space<vmem>>[vector<16xi32>], vector<16xf32>,
      %add3A_546 = arith.constant 0 : i32
      %add3A_547 = arith.addi %add3A_546, %add3A_542 : i32
      %swap3A_548 = arith.index_cast %add3A_547 : i32 to index
      %swap3A_549 = tpu.vector_load %arg10[%swap3A_548] {strides = array<i32>} : memref<16384xf32, #tpu.memory_space<vmem>>, vector<16xf32>,
      tpu.vector_store %arg10[%swap3A_548], %gather3A_545 {add = true, strides = array<i32>} : memref<16384xf32, #tpu.memory_space<vmem>>, vector<16xf32>,
    }
    %scan3A_103 = arith.constant 32 : i32
    %dma_start3A_104 = arith.constant 8192 : i32
    %dma_start3A_105 = tpu.memref_slice %arg3[%dma_start3A_104] : memref<16384xi32, #tpu.memory_space<hbm>> -> memref<4096xi32, #tpu.memory_space<hbm>>
    %dma_start3A_106 = arith.constant 8192 : i32
    %dma_start3A_107 = tpu.memref_slice %arg3[%dma_start3A_106] : memref<16384xi32, #tpu.memory_space<hbm>> -> memref<4096xi32, #tpu.memory_space<hbm>>
    tpu.enqueue_dma source(%dma_start3A_107 : memref<4096xi32, #tpu.memory_space<hbm>>) target(%arg11 : memref<4096xi32, #tpu.memory_space<vmem>>) target_semaphore(%arg14 : memref<!tpu.dma_semaphore, #tpu.memory_space<semaphore_mem>>)
    %dma_wait3A_108 = arith.constant 4096 : i32
    %dma_wait3A_109 = tpu.memref_slice %arg3[%dma_wait3A_108] : memref<16384xi32, #tpu.memory_space<hbm>> -> memref<4096xi32, #tpu.memory_space<hbm>>
    %dma_wait3A_110 = arith.constant 4096 : i32
    %dma_wait3A_111 = tpu.memref_slice %arg3[%dma_wait3A_110] : memref<16384xi32, #tpu.memory_space<hbm>> -> memref<4096xi32, #tpu.memory_space<hbm>>
    tpu.wait_dma2 semaphore(%arg15 : memref<!tpu.dma_semaphore, #tpu.memory_space<semaphore_mem>>) src(%dma_wait3A_111 : memref<4096xi32, #tpu.memory_space<hbm>>) dst(%arg12 : memref<4096xi32, #tpu.memory_space<vmem>>)
    %scan3A_112 = arith.constant 0 : i32
    %scan3A_113 = arith.constant 0 : i32
    %scan3A_114 = arith.constant 32 : i32
    %scan3A_115 = arith.addi %scan3A_113, %scan3A_114 : i32
    %scan3A_116 = arith.constant 1 : i32
    scf.for %scan3A_448 = %scan3A_113 to %scan3A_115 step %scan3A_116  : i32 {
      %mul3A_449 = arith.constant 16 : i32
      %mul3A_450 = arith.muli %scan3A_448, %mul3A_449 : i32
      %mul3A_451 = arith.constant 8 : i32
      %mul3A_452 = arith.muli %mul3A_450, %mul3A_451 : i32
      %add3A_453 = arith.constant 0 : i32
      %add3A_454 = arith.addi %mul3A_452, %add3A_453 : i32
      %get3A = arith.index_cast %add3A_454 : i32 to index
      %get3A_455 = tpu.vector_load %arg12[%get3A] {strides = array<i32>} : memref<4096xi32, #tpu.memory_space<vmem>>, vector<16xi32>,
      %gather3A = tpu.vector_load_idx %arg9[%get3A_455] : memref<100000xf32, #tpu.memory_space<vmem>>[vector<16xi32>], vector<16xf32>,
      %add3A_456 = arith.constant 4096 : i32
      %add3A_457 = arith.addi %add3A_456, %add3A_454 : i32
      %swap3A = arith.index_cast %add3A_457 : i32 to index
      %swap3A_458 = tpu.vector_load %arg10[%swap3A] {strides = array<i32>} : memref<16384xf32, #tpu.memory_space<vmem>>, vector<16xf32>,
      tpu.vector_store %arg10[%swap3A], %gather3A {add = true, strides = array<i32>} : memref<16384xf32, #tpu.memory_space<vmem>>, vector<16xf32>,
      %mul3A_459 = arith.constant 16 : i32
      %mul3A_460 = arith.muli %scan3A_448, %mul3A_459 : i32
      %mul3A_461 = arith.constant 8 : i32
      %mul3A_462 = arith.muli %mul3A_460, %mul3A_461 : i32
      %add3A_463 = arith.constant 16 : i32
      %add3A_464 = arith.addi %mul3A_462, %add3A_463 : i32
      %get3A_465 = arith.index_cast %add3A_464 : i32 to index
      %get3A_466 = tpu.vector_load %arg12[%get3A_465] {strides = array<i32>} : memref<4096xi32, #tpu.memory_space<vmem>>, vector<16xi32>,
      %gather3A_467 = tpu.vector_load_idx %arg9[%get3A_466] : memref<100000xf32, #tpu.memory_space<vmem>>[vector<16xi32>], vector<16xf32>,
      %add3A_468 = arith.constant 4096 : i32
      %add3A_469 = arith.addi %add3A_468, %add3A_464 : i32
      %swap3A_470 = arith.index_cast %add3A_469 : i32 to index
      %swap3A_471 = tpu.vector_load %arg10[%swap3A_470] {strides = array<i32>} : memref<16384xf32, #tpu.memory_space<vmem>>, vector<16xf32>,
      tpu.vector_store %arg10[%swap3A_470], %gather3A_467 {add = true, strides = array<i32>} : memref<16384xf32, #tpu.memory_space<vmem>>, vector<16xf32>,
      %mul3A_472 = arith.constant 16 : i32
      %mul3A_473 = arith.muli %scan3A_448, %mul3A_472 : i32
      %mul3A_474 = arith.constant 8 : i32
      %mul3A_475 = arith.muli %mul3A_473, %mul3A_474 : i32
      %add3A_476 = arith.constant 32 : i32
      %add3A_477 = arith.addi %mul3A_475, %add3A_476 : i32
      %get3A_478 = arith.index_cast %add3A_477 : i32 to index
      %get3A_479 = tpu.vector_load %arg12[%get3A_478] {strides = array<i32>} : memref<4096xi32, #tpu.memory_space<vmem>>, vector<16xi32>,
      %gather3A_480 = tpu.vector_load_idx %arg9[%get3A_479] : memref<100000xf32, #tpu.memory_space<vmem>>[vector<16xi32>], vector<16xf32>,
      %add3A_481 = arith.constant 4096 : i32
      %add3A_482 = arith.addi %add3A_481, %add3A_477 : i32
      %swap3A_483 = arith.index_cast %add3A_482 : i32 to index
      %swap3A_484 = tpu.vector_load %arg10[%swap3A_483] {strides = array<i32>} : memref<16384xf32, #tpu.memory_space<vmem>>, vector<16xf32>,
      tpu.vector_store %arg10[%swap3A_483], %gather3A_480 {add = true, strides = array<i32>} : memref<16384xf32, #tpu.memory_space<vmem>>, vector<16xf32>,
      %mul3A_485 = arith.constant 16 : i32
      %mul3A_486 = arith.muli %scan3A_448, %mul3A_485 : i32
      %mul3A_487 = arith.constant 8 : i32
      %mul3A_488 = arith.muli %mul3A_486, %mul3A_487 : i32
      %add3A_489 = arith.constant 48 : i32
      %add3A_490 = arith.addi %mul3A_488, %add3A_489 : i32
      %get3A_491 = arith.index_cast %add3A_490 : i32 to index
      %get3A_492 = tpu.vector_load %arg12[%get3A_491] {strides = array<i32>} : memref<4096xi32, #tpu.memory_space<vmem>>, vector<16xi32>,
      %gather3A_493 = tpu.vector_load_idx %arg9[%get3A_492] : memref<100000xf32, #tpu.memory_space<vmem>>[vector<16xi32>], vector<16xf32>,
      %add3A_494 = arith.constant 4096 : i32
      %add3A_495 = arith.addi %add3A_494, %add3A_490 : i32
      %swap3A_496 = arith.index_cast %add3A_495 : i32 to index
      %swap3A_497 = tpu.vector_load %arg10[%swap3A_496] {strides = array<i32>} : memref<16384xf32, #tpu.memory_space<vmem>>, vector<16xf32>,
      tpu.vector_store %arg10[%swap3A_496], %gather3A_493 {add = true, strides = array<i32>} : memref<16384xf32, #tpu.memory_space<vmem>>, vector<16xf32>,
      %mul3A_498 = arith.constant 16 : i32
      %mul3A_499 = arith.muli %scan3A_448, %mul3A_498 : i32
      %mul3A_500 = arith.constant 8 : i32
      %mul3A_501 = arith.muli %mul3A_499, %mul3A_500 : i32
      %add3A_502 = arith.constant 64 : i32
      %add3A_503 = arith.addi %mul3A_501, %add3A_502 : i32
      %get3A_504 = arith.index_cast %add3A_503 : i32 to index
      %get3A_505 = tpu.vector_load %arg12[%get3A_504] {strides = array<i32>} : memref<4096xi32, #tpu.memory_space<vmem>>, vector<16xi32>,
      %gather3A_506 = tpu.vector_load_idx %arg9[%get3A_505] : memref<100000xf32, #tpu.memory_space<vmem>>[vector<16xi32>], vector<16xf32>,
      %add3A_507 = arith.constant 4096 : i32
      %add3A_508 = arith.addi %add3A_507, %add3A_503 : i32
      %swap3A_509 = arith.index_cast %add3A_508 : i32 to index
      %swap3A_510 = tpu.vector_load %arg10[%swap3A_509] {strides = array<i32>} : memref<16384xf32, #tpu.memory_space<vmem>>, vector<16xf32>,
      tpu.vector_store %arg10[%swap3A_509], %gather3A_506 {add = true, strides = array<i32>} : memref<16384xf32, #tpu.memory_space<vmem>>, vector<16xf32>,
      %mul3A_511 = arith.constant 16 : i32
      %mul3A_512 = arith.muli %scan3A_448, %mul3A_511 : i32
      %mul3A_513 = arith.constant 8 : i32
      %mul3A_514 = arith.muli %mul3A_512, %mul3A_513 : i32
      %add3A_515 = arith.constant 80 : i32
      %add3A_516 = arith.addi %mul3A_514, %add3A_515 : i32
      %get3A_517 = arith.index_cast %add3A_516 : i32 to index
      %get3A_518 = tpu.vector_load %arg12[%get3A_517] {strides = array<i32>} : memref<4096xi32, #tpu.memory_space<vmem>>, vector<16xi32>,
      %gather3A_519 = tpu.vector_load_idx %arg9[%get3A_518] : memref<100000xf32, #tpu.memory_space<vmem>>[vector<16xi32>], vector<16xf32>,
      %add3A_520 = arith.constant 4096 : i32
      %add3A_521 = arith.addi %add3A_520, %add3A_516 : i32
      %swap3A_522 = arith.index_cast %add3A_521 : i32 to index
      %swap3A_523 = tpu.vector_load %arg10[%swap3A_522] {strides = array<i32>} : memref<16384xf32, #tpu.memory_space<vmem>>, vector<16xf32>,
      tpu.vector_store %arg10[%swap3A_522], %gather3A_519 {add = true, strides = array<i32>} : memref<16384xf32, #tpu.memory_space<vmem>>, vector<16xf32>,
      %mul3A_524 = arith.constant 16 : i32
      %mul3A_525 = arith.muli %scan3A_448, %mul3A_524 : i32
      %mul3A_526 = arith.constant 8 : i32
      %mul3A_527 = arith.muli %mul3A_525, %mul3A_526 : i32
      %add3A_528 = arith.constant 96 : i32
      %add3A_529 = arith.addi %mul3A_527, %add3A_528 : i32
      %get3A_530 = arith.index_cast %add3A_529 : i32 to index
      %get3A_531 = tpu.vector_load %arg12[%get3A_530] {strides = array<i32>} : memref<4096xi32, #tpu.memory_space<vmem>>, vector<16xi32>,
      %gather3A_532 = tpu.vector_load_idx %arg9[%get3A_531] : memref<100000xf32, #tpu.memory_space<vmem>>[vector<16xi32>], vector<16xf32>,
      %add3A_533 = arith.constant 4096 : i32
      %add3A_534 = arith.addi %add3A_533, %add3A_529 : i32
      %swap3A_535 = arith.index_cast %add3A_534 : i32 to index
      %swap3A_536 = tpu.vector_load %arg10[%swap3A_535] {strides = array<i32>} : memref<16384xf32, #tpu.memory_space<vmem>>, vector<16xf32>,
      tpu.vector_store %arg10[%swap3A_535], %gather3A_532 {add = true, strides = array<i32>} : memref<16384xf32, #tpu.memory_space<vmem>>, vector<16xf32>,
      %mul3A_537 = arith.constant 16 : i32
      %mul3A_538 = arith.muli %scan3A_448, %mul3A_537 : i32
      %mul3A_539 = arith.constant 8 : i32
      %mul3A_540 = arith.muli %mul3A_538, %mul3A_539 : i32
      %add3A_541 = arith.constant 112 : i32
      %add3A_542 = arith.addi %mul3A_540, %add3A_541 : i32
      %get3A_543 = arith.index_cast %add3A_542 : i32 to index
      %get3A_544 = tpu.vector_load %arg12[%get3A_543] {strides = array<i32>} : memref<4096xi32, #tpu.memory_space<vmem>>, vector<16xi32>,
      %gather3A_545 = tpu.vector_load_idx %arg9[%get3A_544] : memref<100000xf32, #tpu.memory_space<vmem>>[vector<16xi32>], vector<16xf32>,
      %add3A_546 = arith.constant 4096 : i32
      %add3A_547 = arith.addi %add3A_546, %add3A_542 : i32
      %swap3A_548 = arith.index_cast %add3A_547 : i32 to index
      %swap3A_549 = tpu.vector_load %arg10[%swap3A_548] {strides = array<i32>} : memref<16384xf32, #tpu.memory_space<vmem>>, vector<16xf32>,
      tpu.vector_store %arg10[%swap3A_548], %gather3A_545 {add = true, strides = array<i32>} : memref<16384xf32, #tpu.memory_space<vmem>>, vector<16xf32>,
    }
    %scan3A_117 = arith.constant 32 : i32
    %dma_start3A_118 = arith.constant 12288 : i32
    %dma_start3A_119 = tpu.memref_slice %arg3[%dma_start3A_118] : memref<16384xi32, #tpu.memory_space<hbm>> -> memref<4096xi32, #tpu.memory_space<hbm>>
    %dma_start3A_120 = arith.constant 12288 : i32
    %dma_start3A_121 = tpu.memref_slice %arg3[%dma_start3A_120] : memref<16384xi32, #tpu.memory_space<hbm>> -> memref<4096xi32, #tpu.memory_space<hbm>>
    tpu.enqueue_dma source(%dma_start3A_121 : memref<4096xi32, #tpu.memory_space<hbm>>) target(%arg12 : memref<4096xi32, #tpu.memory_space<vmem>>) target_semaphore(%arg15 : memref<!tpu.dma_semaphore, #tpu.memory_space<semaphore_mem>>)
    %dma_wait3A_122 = arith.constant 8192 : i32
    %dma_wait3A_123 = tpu.memref_slice %arg3[%dma_wait3A_122] : memref<16384xi32, #tpu.memory_space<hbm>> -> memref<4096xi32, #tpu.memory_space<hbm>>
    %dma_wait3A_124 = arith.constant 8192 : i32
    %dma_wait3A_125 = tpu.memref_slice %arg3[%dma_wait3A_124] : memref<16384xi32, #tpu.memory_space<hbm>> -> memref<4096xi32, #tpu.memory_space<hbm>>
    tpu.wait_dma2 semaphore(%arg14 : memref<!tpu.dma_semaphore, #tpu.memory_space<semaphore_mem>>) src(%dma_wait3A_125 : memref<4096xi32, #tpu.memory_space<hbm>>) dst(%arg11 : memref<4096xi32, #tpu.memory_space<vmem>>)
    %scan3A_126 = arith.constant 0 : i32
    %scan3A_127 = arith.constant 0 : i32
    %scan3A_128 = arith.constant 32 : i32
    %scan3A_129 = arith.addi %scan3A_127, %scan3A_128 : i32
    %scan3A_130 = arith.constant 1 : i32
    scf.for %scan3A_448 = %scan3A_127 to %scan3A_129 step %scan3A_130  : i32 {
      %mul3A_449 = arith.constant 16 : i32
      %mul3A_450 = arith.muli %scan3A_448, %mul3A_449 : i32
      %mul3A_451 = arith.constant 8 : i32
      %mul3A_452 = arith.muli %mul3A_450, %mul3A_451 : i32
      %add3A_453 = arith.constant 0 : i32
      %add3A_454 = arith.addi %mul3A_452, %add3A_453 : i32
      %get3A = arith.index_cast %add3A_454 : i32 to index
      %get3A_455 = tpu.vector_load %arg11[%get3A] {strides = array<i32>} : memref<4096xi32, #tpu.memory_space<vmem>>, vector<16xi32>,
      %gather3A = tpu.vector_load_idx %arg9[%get3A_455] : memref<100000xf32, #tpu.memory_space<vmem>>[vector<16xi32>], vector<16xf32>,
      %add3A_456 = arith.constant 8192 : i32
      %add3A_457 = arith.addi %add3A_456, %add3A_454 : i32
      %swap3A = arith.index_cast %add3A_457 : i32 to index
      %swap3A_458 = tpu.vector_load %arg10[%swap3A] {strides = array<i32>} : memref<16384xf32, #tpu.memory_space<vmem>>, vector<16xf32>,
      tpu.vector_store %arg10[%swap3A], %gather3A {add = true, strides = array<i32>} : memref<16384xf32, #tpu.memory_space<vmem>>, vector<16xf32>,
      %mul3A_459 = arith.constant 16 : i32
      %mul3A_460 = arith.muli %scan3A_448, %mul3A_459 : i32
      %mul3A_461 = arith.constant 8 : i32
      %mul3A_462 = arith.muli %mul3A_460, %mul3A_461 : i32
      %add3A_463 = arith.constant 16 : i32
      %add3A_464 = arith.addi %mul3A_462, %add3A_463 : i32
      %get3A_465 = arith.index_cast %add3A_464 : i32 to index
      %get3A_466 = tpu.vector_load %arg11[%get3A_465] {strides = array<i32>} : memref<4096xi32, #tpu.memory_space<vmem>>, vector<16xi32>,
      %gather3A_467 = tpu.vector_load_idx %arg9[%get3A_466] : memref<100000xf32, #tpu.memory_space<vmem>>[vector<16xi32>], vector<16xf32>,
      %add3A_468 = arith.constant 8192 : i32
      %add3A_469 = arith.addi %add3A_468, %add3A_464 : i32
      %swap3A_470 = arith.index_cast %add3A_469 : i32 to index
      %swap3A_471 = tpu.vector_load %arg10[%swap3A_470] {strides = array<i32>} : memref<16384xf32, #tpu.memory_space<vmem>>, vector<16xf32>,
      tpu.vector_store %arg10[%swap3A_470], %gather3A_467 {add = true, strides = array<i32>} : memref<16384xf32, #tpu.memory_space<vmem>>, vector<16xf32>,
      %mul3A_472 = arith.constant 16 : i32
      %mul3A_473 = arith.muli %scan3A_448, %mul3A_472 : i32
      %mul3A_474 = arith.constant 8 : i32
      %mul3A_475 = arith.muli %mul3A_473, %mul3A_474 : i32
      %add3A_476 = arith.constant 32 : i32
      %add3A_477 = arith.addi %mul3A_475, %add3A_476 : i32
      %get3A_478 = arith.index_cast %add3A_477 : i32 to index
      %get3A_479 = tpu.vector_load %arg11[%get3A_478] {strides = array<i32>} : memref<4096xi32, #tpu.memory_space<vmem>>, vector<16xi32>,
      %gather3A_480 = tpu.vector_load_idx %arg9[%get3A_479] : memref<100000xf32, #tpu.memory_space<vmem>>[vector<16xi32>], vector<16xf32>,
      %add3A_481 = arith.constant 8192 : i32
      %add3A_482 = arith.addi %add3A_481, %add3A_477 : i32
      %swap3A_483 = arith.index_cast %add3A_482 : i32 to index
      %swap3A_484 = tpu.vector_load %arg10[%swap3A_483] {strides = array<i32>} : memref<16384xf32, #tpu.memory_space<vmem>>, vector<16xf32>,
      tpu.vector_store %arg10[%swap3A_483], %gather3A_480 {add = true, strides = array<i32>} : memref<16384xf32, #tpu.memory_space<vmem>>, vector<16xf32>,
      %mul3A_485 = arith.constant 16 : i32
      %mul3A_486 = arith.muli %scan3A_448, %mul3A_485 : i32
      %mul3A_487 = arith.constant 8 : i32
      %mul3A_488 = arith.muli %mul3A_486, %mul3A_487 : i32
      %add3A_489 = arith.constant 48 : i32
      %add3A_490 = arith.addi %mul3A_488, %add3A_489 : i32
      %get3A_491 = arith.index_cast %add3A_490 : i32 to index
      %get3A_492 = tpu.vector_load %arg11[%get3A_491] {strides = array<i32>} : memref<4096xi32, #tpu.memory_space<vmem>>, vector<16xi32>,
      %gather3A_493 = tpu.vector_load_idx %arg9[%get3A_492] : memref<100000xf32, #tpu.memory_space<vmem>>[vector<16xi32>], vector<16xf32>,
      %add3A_494 = arith.constant 8192 : i32
      %add3A_495 = arith.addi %add3A_494, %add3A_490 : i32
      %swap3A_496 = arith.index_cast %add3A_495 : i32 to index
      %swap3A_497 = tpu.vector_load %arg10[%swap3A_496] {strides = array<i32>} : memref<16384xf32, #tpu.memory_space<vmem>>, vector<16xf32>,
      tpu.vector_store %arg10[%swap3A_496], %gather3A_493 {add = true, strides = array<i32>} : memref<16384xf32, #tpu.memory_space<vmem>>, vector<16xf32>,
      %mul3A_498 = arith.constant 16 : i32
      %mul3A_499 = arith.muli %scan3A_448, %mul3A_498 : i32
      %mul3A_500 = arith.constant 8 : i32
      %mul3A_501 = arith.muli %mul3A_499, %mul3A_500 : i32
      %add3A_502 = arith.constant 64 : i32
      %add3A_503 = arith.addi %mul3A_501, %add3A_502 : i32
      %get3A_504 = arith.index_cast %add3A_503 : i32 to index
      %get3A_505 = tpu.vector_load %arg11[%get3A_504] {strides = array<i32>} : memref<4096xi32, #tpu.memory_space<vmem>>, vector<16xi32>,
      %gather3A_506 = tpu.vector_load_idx %arg9[%get3A_505] : memref<100000xf32, #tpu.memory_space<vmem>>[vector<16xi32>], vector<16xf32>,
      %add3A_507 = arith.constant 8192 : i32
      %add3A_508 = arith.addi %add3A_507, %add3A_503 : i32
      %swap3A_509 = arith.index_cast %add3A_508 : i32 to index
      %swap3A_510 = tpu.vector_load %arg10[%swap3A_509] {strides = array<i32>} : memref<16384xf32, #tpu.memory_space<vmem>>, vector<16xf32>,
      tpu.vector_store %arg10[%swap3A_509], %gather3A_506 {add = true, strides = array<i32>} : memref<16384xf32, #tpu.memory_space<vmem>>, vector<16xf32>,
      %mul3A_511 = arith.constant 16 : i32
      %mul3A_512 = arith.muli %scan3A_448, %mul3A_511 : i32
      %mul3A_513 = arith.constant 8 : i32
      %mul3A_514 = arith.muli %mul3A_512, %mul3A_513 : i32
      %add3A_515 = arith.constant 80 : i32
      %add3A_516 = arith.addi %mul3A_514, %add3A_515 : i32
      %get3A_517 = arith.index_cast %add3A_516 : i32 to index
      %get3A_518 = tpu.vector_load %arg11[%get3A_517] {strides = array<i32>} : memref<4096xi32, #tpu.memory_space<vmem>>, vector<16xi32>,
      %gather3A_519 = tpu.vector_load_idx %arg9[%get3A_518] : memref<100000xf32, #tpu.memory_space<vmem>>[vector<16xi32>], vector<16xf32>,
      %add3A_520 = arith.constant 8192 : i32
      %add3A_521 = arith.addi %add3A_520, %add3A_516 : i32
      %swap3A_522 = arith.index_cast %add3A_521 : i32 to index
      %swap3A_523 = tpu.vector_load %arg10[%swap3A_522] {strides = array<i32>} : memref<16384xf32, #tpu.memory_space<vmem>>, vector<16xf32>,
      tpu.vector_store %arg10[%swap3A_522], %gather3A_519 {add = true, strides = array<i32>} : memref<16384xf32, #tpu.memory_space<vmem>>, vector<16xf32>,
      %mul3A_524 = arith.constant 16 : i32
      %mul3A_525 = arith.muli %scan3A_448, %mul3A_524 : i32
      %mul3A_526 = arith.constant 8 : i32
      %mul3A_527 = arith.muli %mul3A_525, %mul3A_526 : i32
      %add3A_528 = arith.constant 96 : i32
      %add3A_529 = arith.addi %mul3A_527, %add3A_528 : i32
      %get3A_530 = arith.index_cast %add3A_529 : i32 to index
      %get3A_531 = tpu.vector_load %arg11[%get3A_530] {strides = array<i32>} : memref<4096xi32, #tpu.memory_space<vmem>>, vector<16xi32>,
      %gather3A_532 = tpu.vector_load_idx %arg9[%get3A_531] : memref<100000xf32, #tpu.memory_space<vmem>>[vector<16xi32>], vector<16xf32>,
      %add3A_533 = arith.constant 8192 : i32
      %add3A_534 = arith.addi %add3A_533, %add3A_529 : i32
      %swap3A_535 = arith.index_cast %add3A_534 : i32 to index
      %swap3A_536 = tpu.vector_load %arg10[%swap3A_535] {strides = array<i32>} : memref<16384xf32, #tpu.memory_space<vmem>>, vector<16xf32>,
      tpu.vector_store %arg10[%swap3A_535], %gather3A_532 {add = true, strides = array<i32>} : memref<16384xf32, #tpu.memory_space<vmem>>, vector<16xf32>,
      %mul3A_537 = arith.constant 16 : i32
      %mul3A_538 = arith.muli %scan3A_448, %mul3A_537 : i32
      %mul3A_539 = arith.constant 8 : i32
      %mul3A_540 = arith.muli %mul3A_538, %mul3A_539 : i32
      %add3A_541 = arith.constant 112 : i32
      %add3A_542 = arith.addi %mul3A_540, %add3A_541 : i32
      %get3A_543 = arith.index_cast %add3A_542 : i32 to index
      %get3A_544 = tpu.vector_load %arg11[%get3A_543] {strides = array<i32>} : memref<4096xi32, #tpu.memory_space<vmem>>, vector<16xi32>,
      %gather3A_545 = tpu.vector_load_idx %arg9[%get3A_544] : memref<100000xf32, #tpu.memory_space<vmem>>[vector<16xi32>], vector<16xf32>,
      %add3A_546 = arith.constant 8192 : i32
      %add3A_547 = arith.addi %add3A_546, %add3A_542 : i32
      %swap3A_548 = arith.index_cast %add3A_547 : i32 to index
      %swap3A_549 = tpu.vector_load %arg10[%swap3A_548] {strides = array<i32>} : memref<16384xf32, #tpu.memory_space<vmem>>, vector<16xf32>,
      tpu.vector_store %arg10[%swap3A_548], %gather3A_545 {add = true, strides = array<i32>} : memref<16384xf32, #tpu.memory_space<vmem>>, vector<16xf32>,
    }
    %scan3A_131 = arith.constant 32 : i32
    %dma_start3A_132 = arith.constant 0 : i32
    %dma_start3A_133 = tpu.memref_slice %arg4[%dma_start3A_132] : memref<16384xi32, #tpu.memory_space<hbm>> -> memref<4096xi32, #tpu.memory_space<hbm>>
    %dma_start3A_134 = arith.constant 0 : i32
    %dma_start3A_135 = tpu.memref_slice %arg4[%dma_start3A_134] : memref<16384xi32, #tpu.memory_space<hbm>> -> memref<4096xi32, #tpu.memory_space<hbm>>
    tpu.enqueue_dma source(%dma_start3A_135 : memref<4096xi32, #tpu.memory_space<hbm>>) target(%arg11 : memref<4096xi32, #tpu.memory_space<vmem>>) target_semaphore(%arg14 : memref<!tpu.dma_semaphore, #tpu.memory_space<semaphore_mem>>)
    %dma_wait3A_136 = arith.constant 12288 : i32
    %dma_wait3A_137 = tpu.memref_slice %arg3[%dma_wait3A_136] : memref<16384xi32, #tpu.memory_space<hbm>> -> memref<4096xi32, #tpu.memory_space<hbm>>
    %dma_wait3A_138 = arith.constant 12288 : i32
    %dma_wait3A_139 = tpu.memref_slice %arg3[%dma_wait3A_138] : memref<16384xi32, #tpu.memory_space<hbm>> -> memref<4096xi32, #tpu.memory_space<hbm>>
    tpu.wait_dma2 semaphore(%arg15 : memref<!tpu.dma_semaphore, #tpu.memory_space<semaphore_mem>>) src(%dma_wait3A_139 : memref<4096xi32, #tpu.memory_space<hbm>>) dst(%arg12 : memref<4096xi32, #tpu.memory_space<vmem>>)
    %scan3A_140 = arith.constant 0 : i32
    %scan3A_141 = arith.constant 0 : i32
    %scan3A_142 = arith.constant 32 : i32
    %scan3A_143 = arith.addi %scan3A_141, %scan3A_142 : i32
    %scan3A_144 = arith.constant 1 : i32
    scf.for %scan3A_448 = %scan3A_141 to %scan3A_143 step %scan3A_144  : i32 {
      %mul3A_449 = arith.constant 16 : i32
      %mul3A_450 = arith.muli %scan3A_448, %mul3A_449 : i32
      %mul3A_451 = arith.constant 8 : i32
      %mul3A_452 = arith.muli %mul3A_450, %mul3A_451 : i32
      %add3A_453 = arith.constant 0 : i32
      %add3A_454 = arith.addi %mul3A_452, %add3A_453 : i32
      %get3A = arith.index_cast %add3A_454 : i32 to index
      %get3A_455 = tpu.vector_load %arg12[%get3A] {strides = array<i32>} : memref<4096xi32, #tpu.memory_space<vmem>>, vector<16xi32>,
      %gather3A = tpu.vector_load_idx %arg9[%get3A_455] : memref<100000xf32, #tpu.memory_space<vmem>>[vector<16xi32>], vector<16xf32>,
      %add3A_456 = arith.constant 12288 : i32
      %add3A_457 = arith.addi %add3A_456, %add3A_454 : i32
      %swap3A = arith.index_cast %add3A_457 : i32 to index
      %swap3A_458 = tpu.vector_load %arg10[%swap3A] {strides = array<i32>} : memref<16384xf32, #tpu.memory_space<vmem>>, vector<16xf32>,
      tpu.vector_store %arg10[%swap3A], %gather3A {add = true, strides = array<i32>} : memref<16384xf32, #tpu.memory_space<vmem>>, vector<16xf32>,
      %mul3A_459 = arith.constant 16 : i32
      %mul3A_460 = arith.muli %scan3A_448, %mul3A_459 : i32
      %mul3A_461 = arith.constant 8 : i32
      %mul3A_462 = arith.muli %mul3A_460, %mul3A_461 : i32
      %add3A_463 = arith.constant 16 : i32
      %add3A_464 = arith.addi %mul3A_462, %add3A_463 : i32
      %get3A_465 = arith.index_cast %add3A_464 : i32 to index
      %get3A_466 = tpu.vector_load %arg12[%get3A_465] {strides = array<i32>} : memref<4096xi32, #tpu.memory_space<vmem>>, vector<16xi32>,
      %gather3A_467 = tpu.vector_load_idx %arg9[%get3A_466] : memref<100000xf32, #tpu.memory_space<vmem>>[vector<16xi32>], vector<16xf32>,
      %add3A_468 = arith.constant 12288 : i32
      %add3A_469 = arith.addi %add3A_468, %add3A_464 : i32
      %swap3A_470 = arith.index_cast %add3A_469 : i32 to index
      %swap3A_471 = tpu.vector_load %arg10[%swap3A_470] {strides = array<i32>} : memref<16384xf32, #tpu.memory_space<vmem>>, vector<16xf32>,
      tpu.vector_store %arg10[%swap3A_470], %gather3A_467 {add = true, strides = array<i32>} : memref<16384xf32, #tpu.memory_space<vmem>>, vector<16xf32>,
      %mul3A_472 = arith.constant 16 : i32
      %mul3A_473 = arith.muli %scan3A_448, %mul3A_472 : i32
      %mul3A_474 = arith.constant 8 : i32
      %mul3A_475 = arith.muli %mul3A_473, %mul3A_474 : i32
      %add3A_476 = arith.constant 32 : i32
      %add3A_477 = arith.addi %mul3A_475, %add3A_476 : i32
      %get3A_478 = arith.index_cast %add3A_477 : i32 to index
      %get3A_479 = tpu.vector_load %arg12[%get3A_478] {strides = array<i32>} : memref<4096xi32, #tpu.memory_space<vmem>>, vector<16xi32>,
      %gather3A_480 = tpu.vector_load_idx %arg9[%get3A_479] : memref<100000xf32, #tpu.memory_space<vmem>>[vector<16xi32>], vector<16xf32>,
      %add3A_481 = arith.constant 12288 : i32
      %add3A_482 = arith.addi %add3A_481, %add3A_477 : i32
      %swap3A_483 = arith.index_cast %add3A_482 : i32 to index
      %swap3A_484 = tpu.vector_load %arg10[%swap3A_483] {strides = array<i32>} : memref<16384xf32, #tpu.memory_space<vmem>>, vector<16xf32>,
      tpu.vector_store %arg10[%swap3A_483], %gather3A_480 {add = true, strides = array<i32>} : memref<16384xf32, #tpu.memory_space<vmem>>, vector<16xf32>,
      %mul3A_485 = arith.constant 16 : i32
      %mul3A_486 = arith.muli %scan3A_448, %mul3A_485 : i32
      %mul3A_487 = arith.constant 8 : i32
      %mul3A_488 = arith.muli %mul3A_486, %mul3A_487 : i32
      %add3A_489 = arith.constant 48 : i32
      %add3A_490 = arith.addi %mul3A_488, %add3A_489 : i32
      %get3A_491 = arith.index_cast %add3A_490 : i32 to index
      %get3A_492 = tpu.vector_load %arg12[%get3A_491] {strides = array<i32>} : memref<4096xi32, #tpu.memory_space<vmem>>, vector<16xi32>,
      %gather3A_493 = tpu.vector_load_idx %arg9[%get3A_492] : memref<100000xf32, #tpu.memory_space<vmem>>[vector<16xi32>], vector<16xf32>,
      %add3A_494 = arith.constant 12288 : i32
      %add3A_495 = arith.addi %add3A_494, %add3A_490 : i32
      %swap3A_496 = arith.index_cast %add3A_495 : i32 to index
      %swap3A_497 = tpu.vector_load %arg10[%swap3A_496] {strides = array<i32>} : memref<16384xf32, #tpu.memory_space<vmem>>, vector<16xf32>,
      tpu.vector_store %arg10[%swap3A_496], %gather3A_493 {add = true, strides = array<i32>} : memref<16384xf32, #tpu.memory_space<vmem>>, vector<16xf32>,
      %mul3A_498 = arith.constant 16 : i32
      %mul3A_499 = arith.muli %scan3A_448, %mul3A_498 : i32
      %mul3A_500 = arith.constant 8 : i32
      %mul3A_501 = arith.muli %mul3A_499, %mul3A_500 : i32
      %add3A_502 = arith.constant 64 : i32
      %add3A_503 = arith.addi %mul3A_501, %add3A_502 : i32
      %get3A_504 = arith.index_cast %add3A_503 : i32 to index
      %get3A_505 = tpu.vector_load %arg12[%get3A_504] {strides = array<i32>} : memref<4096xi32, #tpu.memory_space<vmem>>, vector<16xi32>,
      %gather3A_506 = tpu.vector_load_idx %arg9[%get3A_505] : memref<100000xf32, #tpu.memory_space<vmem>>[vector<16xi32>], vector<16xf32>,
      %add3A_507 = arith.constant 12288 : i32
      %add3A_508 = arith.addi %add3A_507, %add3A_503 : i32
      %swap3A_509 = arith.index_cast %add3A_508 : i32 to index
      %swap3A_510 = tpu.vector_load %arg10[%swap3A_509] {strides = array<i32>} : memref<16384xf32, #tpu.memory_space<vmem>>, vector<16xf32>,
      tpu.vector_store %arg10[%swap3A_509], %gather3A_506 {add = true, strides = array<i32>} : memref<16384xf32, #tpu.memory_space<vmem>>, vector<16xf32>,
      %mul3A_511 = arith.constant 16 : i32
      %mul3A_512 = arith.muli %scan3A_448, %mul3A_511 : i32
      %mul3A_513 = arith.constant 8 : i32
      %mul3A_514 = arith.muli %mul3A_512, %mul3A_513 : i32
      %add3A_515 = arith.constant 80 : i32
      %add3A_516 = arith.addi %mul3A_514, %add3A_515 : i32
      %get3A_517 = arith.index_cast %add3A_516 : i32 to index
      %get3A_518 = tpu.vector_load %arg12[%get3A_517] {strides = array<i32>} : memref<4096xi32, #tpu.memory_space<vmem>>, vector<16xi32>,
      %gather3A_519 = tpu.vector_load_idx %arg9[%get3A_518] : memref<100000xf32, #tpu.memory_space<vmem>>[vector<16xi32>], vector<16xf32>,
      %add3A_520 = arith.constant 12288 : i32
      %add3A_521 = arith.addi %add3A_520, %add3A_516 : i32
      %swap3A_522 = arith.index_cast %add3A_521 : i32 to index
      %swap3A_523 = tpu.vector_load %arg10[%swap3A_522] {strides = array<i32>} : memref<16384xf32, #tpu.memory_space<vmem>>, vector<16xf32>,
      tpu.vector_store %arg10[%swap3A_522], %gather3A_519 {add = true, strides = array<i32>} : memref<16384xf32, #tpu.memory_space<vmem>>, vector<16xf32>,
      %mul3A_524 = arith.constant 16 : i32
      %mul3A_525 = arith.muli %scan3A_448, %mul3A_524 : i32
      %mul3A_526 = arith.constant 8 : i32
      %mul3A_527 = arith.muli %mul3A_525, %mul3A_526 : i32
      %add3A_528 = arith.constant 96 : i32
      %add3A_529 = arith.addi %mul3A_527, %add3A_528 : i32
      %get3A_530 = arith.index_cast %add3A_529 : i32 to index
      %get3A_531 = tpu.vector_load %arg12[%get3A_530] {strides = array<i32>} : memref<4096xi32, #tpu.memory_space<vmem>>, vector<16xi32>,
      %gather3A_532 = tpu.vector_load_idx %arg9[%get3A_531] : memref<100000xf32, #tpu.memory_space<vmem>>[vector<16xi32>], vector<16xf32>,
      %add3A_533 = arith.constant 12288 : i32
      %add3A_534 = arith.addi %add3A_533, %add3A_529 : i32
      %swap3A_535 = arith.index_cast %add3A_534 : i32 to index
      %swap3A_536 = tpu.vector_load %arg10[%swap3A_535] {strides = array<i32>} : memref<16384xf32, #tpu.memory_space<vmem>>, vector<16xf32>,
      tpu.vector_store %arg10[%swap3A_535], %gather3A_532 {add = true, strides = array<i32>} : memref<16384xf32, #tpu.memory_space<vmem>>, vector<16xf32>,
      %mul3A_537 = arith.constant 16 : i32
      %mul3A_538 = arith.muli %scan3A_448, %mul3A_537 : i32
      %mul3A_539 = arith.constant 8 : i32
      %mul3A_540 = arith.muli %mul3A_538, %mul3A_539 : i32
      %add3A_541 = arith.constant 112 : i32
      %add3A_542 = arith.addi %mul3A_540, %add3A_541 : i32
      %get3A_543 = arith.index_cast %add3A_542 : i32 to index
      %get3A_544 = tpu.vector_load %arg12[%get3A_543] {strides = array<i32>} : memref<4096xi32, #tpu.memory_space<vmem>>, vector<16xi32>,
      %gather3A_545 = tpu.vector_load_idx %arg9[%get3A_544] : memref<100000xf32, #tpu.memory_space<vmem>>[vector<16xi32>], vector<16xf32>,
      %add3A_546 = arith.constant 12288 : i32
      %add3A_547 = arith.addi %add3A_546, %add3A_542 : i32
      %swap3A_548 = arith.index_cast %add3A_547 : i32 to index
      %swap3A_549 = tpu.vector_load %arg10[%swap3A_548] {strides = array<i32>} : memref<16384xf32, #tpu.memory_space<vmem>>, vector<16xf32>,
      tpu.vector_store %arg10[%swap3A_548], %gather3A_545 {add = true, strides = array<i32>} : memref<16384xf32, #tpu.memory_space<vmem>>, vector<16xf32>,
    }
    %scan3A_145 = arith.constant 32 : i32
    %mul3A_146 = arith.constant 2 : i32
    %mul3A_147 = arith.muli %add3A, %mul3A_146 : i32
    %add3A_148 = arith.constant 0 : i32
    %add3A_149 = arith.addi %mul3A_147, %add3A_148 : i32
    %dma_start3A_150 = arith.constant 0 : i32
    %dma_start3A_151 = tpu.memref_slice %arg7[%add3A_149, %dma_start3A_150] : memref<64x100000xf32, #tpu.memory_space<hbm>> -> memref<1x100000xf32, #tpu.memory_space<hbm>>
    %dma_start3A_152 = tpu.memref_squeeze %dma_start3A_151 : memref<1x100000xf32, #tpu.memory_space<hbm>> -> memref<100000xf32, #tpu.memory_space<hbm>>
    %dma_start3A_153 = arith.constant 0 : i32
    %dma_start3A_154 = tpu.memref_slice %arg7[%add3A_149, %dma_start3A_153] : memref<64x100000xf32, #tpu.memory_space<hbm>> -> memref<1x100000xf32, #tpu.memory_space<hbm>>
    %dma_start3A_155 = tpu.memref_squeeze %dma_start3A_154 : memref<1x100000xf32, #tpu.memory_space<hbm>> -> memref<100000xf32, #tpu.memory_space<hbm>>
    tpu.enqueue_dma source(%dma_start3A_155 : memref<100000xf32, #tpu.memory_space<hbm>>) target(%arg9 : memref<100000xf32, #tpu.memory_space<vmem>>) target_semaphore(%arg13 : memref<!tpu.dma_semaphore, #tpu.memory_space<semaphore_mem>>)
    %dma_wait3A_156 = arith.constant 0 : i32
    %dma_wait3A_157 = tpu.memref_slice %arg7[%add3A_149, %dma_wait3A_156] : memref<64x100000xf32, #tpu.memory_space<hbm>> -> memref<1x100000xf32, #tpu.memory_space<hbm>>
    %dma_wait3A_158 = tpu.memref_squeeze %dma_wait3A_157 : memref<1x100000xf32, #tpu.memory_space<hbm>> -> memref<100000xf32, #tpu.memory_space<hbm>>
    %dma_wait3A_159 = arith.constant 0 : i32
    %dma_wait3A_160 = tpu.memref_slice %arg7[%add3A_149, %dma_wait3A_159] : memref<64x100000xf32, #tpu.memory_space<hbm>> -> memref<1x100000xf32, #tpu.memory_space<hbm>>
    %dma_wait3A_161 = tpu.memref_squeeze %dma_wait3A_160 : memref<1x100000xf32, #tpu.memory_space<hbm>> -> memref<100000xf32, #tpu.memory_space<hbm>>
    tpu.wait_dma2 semaphore(%arg13 : memref<!tpu.dma_semaphore, #tpu.memory_space<semaphore_mem>>) src(%dma_wait3A_161 : memref<100000xf32, #tpu.memory_space<hbm>>) dst(%arg9 : memref<100000xf32, #tpu.memory_space<vmem>>)
    %dma_start3A_162 = arith.constant 4096 : i32
    %dma_start3A_163 = tpu.memref_slice %arg4[%dma_start3A_162] : memref<16384xi32, #tpu.memory_space<hbm>> -> memref<4096xi32, #tpu.memory_space<hbm>>
    %dma_start3A_164 = arith.constant 4096 : i32
    %dma_start3A_165 = tpu.memref_slice %arg4[%dma_start3A_164] : memref<16384xi32, #tpu.memory_space<hbm>> -> memref<4096xi32, #tpu.memory_space<hbm>>
    tpu.enqueue_dma source(%dma_start3A_165 : memref<4096xi32, #tpu.memory_space<hbm>>) target(%arg12 : memref<4096xi32, #tpu.memory_space<vmem>>) target_semaphore(%arg15 : memref<!tpu.dma_semaphore, #tpu.memory_space<semaphore_mem>>)
    %dma_wait3A_166 = arith.constant 0 : i32
    %dma_wait3A_167 = tpu.memref_slice %arg4[%dma_wait3A_166] : memref<16384xi32, #tpu.memory_space<hbm>> -> memref<4096xi32, #tpu.memory_space<hbm>>
    %dma_wait3A_168 = arith.constant 0 : i32
    %dma_wait3A_169 = tpu.memref_slice %arg4[%dma_wait3A_168] : memref<16384xi32, #tpu.memory_space<hbm>> -> memref<4096xi32, #tpu.memory_space<hbm>>
    tpu.wait_dma2 semaphore(%arg14 : memref<!tpu.dma_semaphore, #tpu.memory_space<semaphore_mem>>) src(%dma_wait3A_169 : memref<4096xi32, #tpu.memory_space<hbm>>) dst(%arg11 : memref<4096xi32, #tpu.memory_space<vmem>>)
    %scan3A_170 = arith.constant 0 : i32
    %scan3A_171 = arith.constant 0 : i32
    %scan3A_172 = arith.constant 32 : i32
    %scan3A_173 = arith.addi %scan3A_171, %scan3A_172 : i32
    %scan3A_174 = arith.constant 1 : i32
    scf.for %scan3A_448 = %scan3A_171 to %scan3A_173 step %scan3A_174  : i32 {
      %mul3A_449 = arith.constant 16 : i32
      %mul3A_450 = arith.muli %scan3A_448, %mul3A_449 : i32
      %mul3A_451 = arith.constant 8 : i32
      %mul3A_452 = arith.muli %mul3A_450, %mul3A_451 : i32
      %add3A_453 = arith.constant 0 : i32
      %add3A_454 = arith.addi %mul3A_452, %add3A_453 : i32
      %get3A = arith.index_cast %add3A_454 : i32 to index
      %get3A_455 = tpu.vector_load %arg11[%get3A] {strides = array<i32>} : memref<4096xi32, #tpu.memory_space<vmem>>, vector<16xi32>,
      %gather3A = tpu.vector_load_idx %arg9[%get3A_455] : memref<100000xf32, #tpu.memory_space<vmem>>[vector<16xi32>], vector<16xf32>,
      %add3A_456 = arith.constant 0 : i32
      %add3A_457 = arith.addi %add3A_456, %add3A_454 : i32
      %swap3A = arith.index_cast %add3A_457 : i32 to index
      %swap3A_458 = tpu.vector_load %arg10[%swap3A] {strides = array<i32>} : memref<16384xf32, #tpu.memory_space<vmem>>, vector<16xf32>,
      tpu.vector_store %arg10[%swap3A], %gather3A {add = true, strides = array<i32>} : memref<16384xf32, #tpu.memory_space<vmem>>, vector<16xf32>,
      %mul3A_459 = arith.constant 16 : i32
      %mul3A_460 = arith.muli %scan3A_448, %mul3A_459 : i32
      %mul3A_461 = arith.constant 8 : i32
      %mul3A_462 = arith.muli %mul3A_460, %mul3A_461 : i32
      %add3A_463 = arith.constant 16 : i32
      %add3A_464 = arith.addi %mul3A_462, %add3A_463 : i32
      %get3A_465 = arith.index_cast %add3A_464 : i32 to index
      %get3A_466 = tpu.vector_load %arg11[%get3A_465] {strides = array<i32>} : memref<4096xi32, #tpu.memory_space<vmem>>, vector<16xi32>,
      %gather3A_467 = tpu.vector_load_idx %arg9[%get3A_466] : memref<100000xf32, #tpu.memory_space<vmem>>[vector<16xi32>], vector<16xf32>,
      %add3A_468 = arith.constant 0 : i32
      %add3A_469 = arith.addi %add3A_468, %add3A_464 : i32
      %swap3A_470 = arith.index_cast %add3A_469 : i32 to index
      %swap3A_471 = tpu.vector_load %arg10[%swap3A_470] {strides = array<i32>} : memref<16384xf32, #tpu.memory_space<vmem>>, vector<16xf32>,
      tpu.vector_store %arg10[%swap3A_470], %gather3A_467 {add = true, strides = array<i32>} : memref<16384xf32, #tpu.memory_space<vmem>>, vector<16xf32>,
      %mul3A_472 = arith.constant 16 : i32
      %mul3A_473 = arith.muli %scan3A_448, %mul3A_472 : i32
      %mul3A_474 = arith.constant 8 : i32
      %mul3A_475 = arith.muli %mul3A_473, %mul3A_474 : i32
      %add3A_476 = arith.constant 32 : i32
      %add3A_477 = arith.addi %mul3A_475, %add3A_476 : i32
      %get3A_478 = arith.index_cast %add3A_477 : i32 to index
      %get3A_479 = tpu.vector_load %arg11[%get3A_478] {strides = array<i32>} : memref<4096xi32, #tpu.memory_space<vmem>>, vector<16xi32>,
      %gather3A_480 = tpu.vector_load_idx %arg9[%get3A_479] : memref<100000xf32, #tpu.memory_space<vmem>>[vector<16xi32>], vector<16xf32>,
      %add3A_481 = arith.constant 0 : i32
      %add3A_482 = arith.addi %add3A_481, %add3A_477 : i32
      %swap3A_483 = arith.index_cast %add3A_482 : i32 to index
      %swap3A_484 = tpu.vector_load %arg10[%swap3A_483] {strides = array<i32>} : memref<16384xf32, #tpu.memory_space<vmem>>, vector<16xf32>,
      tpu.vector_store %arg10[%swap3A_483], %gather3A_480 {add = true, strides = array<i32>} : memref<16384xf32, #tpu.memory_space<vmem>>, vector<16xf32>,
      %mul3A_485 = arith.constant 16 : i32
      %mul3A_486 = arith.muli %scan3A_448, %mul3A_485 : i32
      %mul3A_487 = arith.constant 8 : i32
      %mul3A_488 = arith.muli %mul3A_486, %mul3A_487 : i32
      %add3A_489 = arith.constant 48 : i32
      %add3A_490 = arith.addi %mul3A_488, %add3A_489 : i32
      %get3A_491 = arith.index_cast %add3A_490 : i32 to index
      %get3A_492 = tpu.vector_load %arg11[%get3A_491] {strides = array<i32>} : memref<4096xi32, #tpu.memory_space<vmem>>, vector<16xi32>,
      %gather3A_493 = tpu.vector_load_idx %arg9[%get3A_492] : memref<100000xf32, #tpu.memory_space<vmem>>[vector<16xi32>], vector<16xf32>,
      %add3A_494 = arith.constant 0 : i32
      %add3A_495 = arith.addi %add3A_494, %add3A_490 : i32
      %swap3A_496 = arith.index_cast %add3A_495 : i32 to index
      %swap3A_497 = tpu.vector_load %arg10[%swap3A_496] {strides = array<i32>} : memref<16384xf32, #tpu.memory_space<vmem>>, vector<16xf32>,
      tpu.vector_store %arg10[%swap3A_496], %gather3A_493 {add = true, strides = array<i32>} : memref<16384xf32, #tpu.memory_space<vmem>>, vector<16xf32>,
      %mul3A_498 = arith.constant 16 : i32
      %mul3A_499 = arith.muli %scan3A_448, %mul3A_498 : i32
      %mul3A_500 = arith.constant 8 : i32
      %mul3A_501 = arith.muli %mul3A_499, %mul3A_500 : i32
      %add3A_502 = arith.constant 64 : i32
      %add3A_503 = arith.addi %mul3A_501, %add3A_502 : i32
      %get3A_504 = arith.index_cast %add3A_503 : i32 to index
      %get3A_505 = tpu.vector_load %arg11[%get3A_504] {strides = array<i32>} : memref<4096xi32, #tpu.memory_space<vmem>>, vector<16xi32>,
      %gather3A_506 = tpu.vector_load_idx %arg9[%get3A_505] : memref<100000xf32, #tpu.memory_space<vmem>>[vector<16xi32>], vector<16xf32>,
      %add3A_507 = arith.constant 0 : i32
      %add3A_508 = arith.addi %add3A_507, %add3A_503 : i32
      %swap3A_509 = arith.index_cast %add3A_508 : i32 to index
      %swap3A_510 = tpu.vector_load %arg10[%swap3A_509] {strides = array<i32>} : memref<16384xf32, #tpu.memory_space<vmem>>, vector<16xf32>,
      tpu.vector_store %arg10[%swap3A_509], %gather3A_506 {add = true, strides = array<i32>} : memref<16384xf32, #tpu.memory_space<vmem>>, vector<16xf32>,
      %mul3A_511 = arith.constant 16 : i32
      %mul3A_512 = arith.muli %scan3A_448, %mul3A_511 : i32
      %mul3A_513 = arith.constant 8 : i32
      %mul3A_514 = arith.muli %mul3A_512, %mul3A_513 : i32
      %add3A_515 = arith.constant 80 : i32
      %add3A_516 = arith.addi %mul3A_514, %add3A_515 : i32
      %get3A_517 = arith.index_cast %add3A_516 : i32 to index
      %get3A_518 = tpu.vector_load %arg11[%get3A_517] {strides = array<i32>} : memref<4096xi32, #tpu.memory_space<vmem>>, vector<16xi32>,
      %gather3A_519 = tpu.vector_load_idx %arg9[%get3A_518] : memref<100000xf32, #tpu.memory_space<vmem>>[vector<16xi32>], vector<16xf32>,
      %add3A_520 = arith.constant 0 : i32
      %add3A_521 = arith.addi %add3A_520, %add3A_516 : i32
      %swap3A_522 = arith.index_cast %add3A_521 : i32 to index
      %swap3A_523 = tpu.vector_load %arg10[%swap3A_522] {strides = array<i32>} : memref<16384xf32, #tpu.memory_space<vmem>>, vector<16xf32>,
      tpu.vector_store %arg10[%swap3A_522], %gather3A_519 {add = true, strides = array<i32>} : memref<16384xf32, #tpu.memory_space<vmem>>, vector<16xf32>,
      %mul3A_524 = arith.constant 16 : i32
      %mul3A_525 = arith.muli %scan3A_448, %mul3A_524 : i32
      %mul3A_526 = arith.constant 8 : i32
      %mul3A_527 = arith.muli %mul3A_525, %mul3A_526 : i32
      %add3A_528 = arith.constant 96 : i32
      %add3A_529 = arith.addi %mul3A_527, %add3A_528 : i32
      %get3A_530 = arith.index_cast %add3A_529 : i32 to index
      %get3A_531 = tpu.vector_load %arg11[%get3A_530] {strides = array<i32>} : memref<4096xi32, #tpu.memory_space<vmem>>, vector<16xi32>,
      %gather3A_532 = tpu.vector_load_idx %arg9[%get3A_531] : memref<100000xf32, #tpu.memory_space<vmem>>[vector<16xi32>], vector<16xf32>,
      %add3A_533 = arith.constant 0 : i32
      %add3A_534 = arith.addi %add3A_533, %add3A_529 : i32
      %swap3A_535 = arith.index_cast %add3A_534 : i32 to index
      %swap3A_536 = tpu.vector_load %arg10[%swap3A_535] {strides = array<i32>} : memref<16384xf32, #tpu.memory_space<vmem>>, vector<16xf32>,
      tpu.vector_store %arg10[%swap3A_535], %gather3A_532 {add = true, strides = array<i32>} : memref<16384xf32, #tpu.memory_space<vmem>>, vector<16xf32>,
      %mul3A_537 = arith.constant 16 : i32
      %mul3A_538 = arith.muli %scan3A_448, %mul3A_537 : i32
      %mul3A_539 = arith.constant 8 : i32
      %mul3A_540 = arith.muli %mul3A_538, %mul3A_539 : i32
      %add3A_541 = arith.constant 112 : i32
      %add3A_542 = arith.addi %mul3A_540, %add3A_541 : i32
      %get3A_543 = arith.index_cast %add3A_542 : i32 to index
      %get3A_544 = tpu.vector_load %arg11[%get3A_543] {strides = array<i32>} : memref<4096xi32, #tpu.memory_space<vmem>>, vector<16xi32>,
      %gather3A_545 = tpu.vector_load_idx %arg9[%get3A_544] : memref<100000xf32, #tpu.memory_space<vmem>>[vector<16xi32>], vector<16xf32>,
      %add3A_546 = arith.constant 0 : i32
      %add3A_547 = arith.addi %add3A_546, %add3A_542 : i32
      %swap3A_548 = arith.index_cast %add3A_547 : i32 to index
      %swap3A_549 = tpu.vector_load %arg10[%swap3A_548] {strides = array<i32>} : memref<16384xf32, #tpu.memory_space<vmem>>, vector<16xf32>,
      tpu.vector_store %arg10[%swap3A_548], %gather3A_545 {add = true, strides = array<i32>} : memref<16384xf32, #tpu.memory_space<vmem>>, vector<16xf32>,
    }
    %scan3A_175 = arith.constant 32 : i32
    %dma_start3A_176 = arith.constant 8192 : i32
    %dma_start3A_177 = tpu.memref_slice %arg4[%dma_start3A_176] : memref<16384xi32, #tpu.memory_space<hbm>> -> memref<4096xi32, #tpu.memory_space<hbm>>
    %dma_start3A_178 = arith.constant 8192 : i32
    %dma_start3A_179 = tpu.memref_slice %arg4[%dma_start3A_178] : memref<16384xi32, #tpu.memory_space<hbm>> -> memref<4096xi32, #tpu.memory_space<hbm>>
    tpu.enqueue_dma source(%dma_start3A_179 : memref<4096xi32, #tpu.memory_space<hbm>>) target(%arg11 : memref<4096xi32, #tpu.memory_space<vmem>>) target_semaphore(%arg14 : memref<!tpu.dma_semaphore, #tpu.memory_space<semaphore_mem>>)
    %dma_wait3A_180 = arith.constant 4096 : i32
    %dma_wait3A_181 = tpu.memref_slice %arg4[%dma_wait3A_180] : memref<16384xi32, #tpu.memory_space<hbm>> -> memref<4096xi32, #tpu.memory_space<hbm>>
    %dma_wait3A_182 = arith.constant 4096 : i32
    %dma_wait3A_183 = tpu.memref_slice %arg4[%dma_wait3A_182] : memref<16384xi32, #tpu.memory_space<hbm>> -> memref<4096xi32, #tpu.memory_space<hbm>>
    tpu.wait_dma2 semaphore(%arg15 : memref<!tpu.dma_semaphore, #tpu.memory_space<semaphore_mem>>) src(%dma_wait3A_183 : memref<4096xi32, #tpu.memory_space<hbm>>) dst(%arg12 : memref<4096xi32, #tpu.memory_space<vmem>>)
    %scan3A_184 = arith.constant 0 : i32
    %scan3A_185 = arith.constant 0 : i32
    %scan3A_186 = arith.constant 32 : i32
    %scan3A_187 = arith.addi %scan3A_185, %scan3A_186 : i32
    %scan3A_188 = arith.constant 1 : i32
    scf.for %scan3A_448 = %scan3A_185 to %scan3A_187 step %scan3A_188  : i32 {
      %mul3A_449 = arith.constant 16 : i32
      %mul3A_450 = arith.muli %scan3A_448, %mul3A_449 : i32
      %mul3A_451 = arith.constant 8 : i32
      %mul3A_452 = arith.muli %mul3A_450, %mul3A_451 : i32
      %add3A_453 = arith.constant 0 : i32
      %add3A_454 = arith.addi %mul3A_452, %add3A_453 : i32
      %get3A = arith.index_cast %add3A_454 : i32 to index
      %get3A_455 = tpu.vector_load %arg12[%get3A] {strides = array<i32>} : memref<4096xi32, #tpu.memory_space<vmem>>, vector<16xi32>,
      %gather3A = tpu.vector_load_idx %arg9[%get3A_455] : memref<100000xf32, #tpu.memory_space<vmem>>[vector<16xi32>], vector<16xf32>,
      %add3A_456 = arith.constant 4096 : i32
      %add3A_457 = arith.addi %add3A_456, %add3A_454 : i32
      %swap3A = arith.index_cast %add3A_457 : i32 to index
      %swap3A_458 = tpu.vector_load %arg10[%swap3A] {strides = array<i32>} : memref<16384xf32, #tpu.memory_space<vmem>>, vector<16xf32>,
      tpu.vector_store %arg10[%swap3A], %gather3A {add = true, strides = array<i32>} : memref<16384xf32, #tpu.memory_space<vmem>>, vector<16xf32>,
      %mul3A_459 = arith.constant 16 : i32
      %mul3A_460 = arith.muli %scan3A_448, %mul3A_459 : i32
      %mul3A_461 = arith.constant 8 : i32
      %mul3A_462 = arith.muli %mul3A_460, %mul3A_461 : i32
      %add3A_463 = arith.constant 16 : i32
      %add3A_464 = arith.addi %mul3A_462, %add3A_463 : i32
      %get3A_465 = arith.index_cast %add3A_464 : i32 to index
      %get3A_466 = tpu.vector_load %arg12[%get3A_465] {strides = array<i32>} : memref<4096xi32, #tpu.memory_space<vmem>>, vector<16xi32>,
      %gather3A_467 = tpu.vector_load_idx %arg9[%get3A_466] : memref<100000xf32, #tpu.memory_space<vmem>>[vector<16xi32>], vector<16xf32>,
      %add3A_468 = arith.constant 4096 : i32
      %add3A_469 = arith.addi %add3A_468, %add3A_464 : i32
      %swap3A_470 = arith.index_cast %add3A_469 : i32 to index
      %swap3A_471 = tpu.vector_load %arg10[%swap3A_470] {strides = array<i32>} : memref<16384xf32, #tpu.memory_space<vmem>>, vector<16xf32>,
      tpu.vector_store %arg10[%swap3A_470], %gather3A_467 {add = true, strides = array<i32>} : memref<16384xf32, #tpu.memory_space<vmem>>, vector<16xf32>,
      %mul3A_472 = arith.constant 16 : i32
      %mul3A_473 = arith.muli %scan3A_448, %mul3A_472 : i32
      %mul3A_474 = arith.constant 8 : i32
      %mul3A_475 = arith.muli %mul3A_473, %mul3A_474 : i32
      %add3A_476 = arith.constant 32 : i32
      %add3A_477 = arith.addi %mul3A_475, %add3A_476 : i32
      %get3A_478 = arith.index_cast %add3A_477 : i32 to index
      %get3A_479 = tpu.vector_load %arg12[%get3A_478] {strides = array<i32>} : memref<4096xi32, #tpu.memory_space<vmem>>, vector<16xi32>,
      %gather3A_480 = tpu.vector_load_idx %arg9[%get3A_479] : memref<100000xf32, #tpu.memory_space<vmem>>[vector<16xi32>], vector<16xf32>,
      %add3A_481 = arith.constant 4096 : i32
      %add3A_482 = arith.addi %add3A_481, %add3A_477 : i32
      %swap3A_483 = arith.index_cast %add3A_482 : i32 to index
      %swap3A_484 = tpu.vector_load %arg10[%swap3A_483] {strides = array<i32>} : memref<16384xf32, #tpu.memory_space<vmem>>, vector<16xf32>,
      tpu.vector_store %arg10[%swap3A_483], %gather3A_480 {add = true, strides = array<i32>} : memref<16384xf32, #tpu.memory_space<vmem>>, vector<16xf32>,
      %mul3A_485 = arith.constant 16 : i32
      %mul3A_486 = arith.muli %scan3A_448, %mul3A_485 : i32
      %mul3A_487 = arith.constant 8 : i32
      %mul3A_488 = arith.muli %mul3A_486, %mul3A_487 : i32
      %add3A_489 = arith.constant 48 : i32
      %add3A_490 = arith.addi %mul3A_488, %add3A_489 : i32
      %get3A_491 = arith.index_cast %add3A_490 : i32 to index
      %get3A_492 = tpu.vector_load %arg12[%get3A_491] {strides = array<i32>} : memref<4096xi32, #tpu.memory_space<vmem>>, vector<16xi32>,
      %gather3A_493 = tpu.vector_load_idx %arg9[%get3A_492] : memref<100000xf32, #tpu.memory_space<vmem>>[vector<16xi32>], vector<16xf32>,
      %add3A_494 = arith.constant 4096 : i32
      %add3A_495 = arith.addi %add3A_494, %add3A_490 : i32
      %swap3A_496 = arith.index_cast %add3A_495 : i32 to index
      %swap3A_497 = tpu.vector_load %arg10[%swap3A_496] {strides = array<i32>} : memref<16384xf32, #tpu.memory_space<vmem>>, vector<16xf32>,
      tpu.vector_store %arg10[%swap3A_496], %gather3A_493 {add = true, strides = array<i32>} : memref<16384xf32, #tpu.memory_space<vmem>>, vector<16xf32>,
      %mul3A_498 = arith.constant 16 : i32
      %mul3A_499 = arith.muli %scan3A_448, %mul3A_498 : i32
      %mul3A_500 = arith.constant 8 : i32
      %mul3A_501 = arith.muli %mul3A_499, %mul3A_500 : i32
      %add3A_502 = arith.constant 64 : i32
      %add3A_503 = arith.addi %mul3A_501, %add3A_502 : i32
      %get3A_504 = arith.index_cast %add3A_503 : i32 to index
      %get3A_505 = tpu.vector_load %arg12[%get3A_504] {strides = array<i32>} : memref<4096xi32, #tpu.memory_space<vmem>>, vector<16xi32>,
      %gather3A_506 = tpu.vector_load_idx %arg9[%get3A_505] : memref<100000xf32, #tpu.memory_space<vmem>>[vector<16xi32>], vector<16xf32>,
      %add3A_507 = arith.constant 4096 : i32
      %add3A_508 = arith.addi %add3A_507, %add3A_503 : i32
      %swap3A_509 = arith.index_cast %add3A_508 : i32 to index
      %swap3A_510 = tpu.vector_load %arg10[%swap3A_509] {strides = array<i32>} : memref<16384xf32, #tpu.memory_space<vmem>>, vector<16xf32>,
      tpu.vector_store %arg10[%swap3A_509], %gather3A_506 {add = true, strides = array<i32>} : memref<16384xf32, #tpu.memory_space<vmem>>, vector<16xf32>,
      %mul3A_511 = arith.constant 16 : i32
      %mul3A_512 = arith.muli %scan3A_448, %mul3A_511 : i32
      %mul3A_513 = arith.constant 8 : i32
      %mul3A_514 = arith.muli %mul3A_512, %mul3A_513 : i32
      %add3A_515 = arith.constant 80 : i32
      %add3A_516 = arith.addi %mul3A_514, %add3A_515 : i32
      %get3A_517 = arith.index_cast %add3A_516 : i32 to index
      %get3A_518 = tpu.vector_load %arg12[%get3A_517] {strides = array<i32>} : memref<4096xi32, #tpu.memory_space<vmem>>, vector<16xi32>,
      %gather3A_519 = tpu.vector_load_idx %arg9[%get3A_518] : memref<100000xf32, #tpu.memory_space<vmem>>[vector<16xi32>], vector<16xf32>,
      %add3A_520 = arith.constant 4096 : i32
      %add3A_521 = arith.addi %add3A_520, %add3A_516 : i32
      %swap3A_522 = arith.index_cast %add3A_521 : i32 to index
      %swap3A_523 = tpu.vector_load %arg10[%swap3A_522] {strides = array<i32>} : memref<16384xf32, #tpu.memory_space<vmem>>, vector<16xf32>,
      tpu.vector_store %arg10[%swap3A_522], %gather3A_519 {add = true, strides = array<i32>} : memref<16384xf32, #tpu.memory_space<vmem>>, vector<16xf32>,
      %mul3A_524 = arith.constant 16 : i32
      %mul3A_525 = arith.muli %scan3A_448, %mul3A_524 : i32
      %mul3A_526 = arith.constant 8 : i32
      %mul3A_527 = arith.muli %mul3A_525, %mul3A_526 : i32
      %add3A_528 = arith.constant 96 : i32
      %add3A_529 = arith.addi %mul3A_527, %add3A_528 : i32
      %get3A_530 = arith.index_cast %add3A_529 : i32 to index
      %get3A_531 = tpu.vector_load %arg12[%get3A_530] {strides = array<i32>} : memref<4096xi32, #tpu.memory_space<vmem>>, vector<16xi32>,
      %gather3A_532 = tpu.vector_load_idx %arg9[%get3A_531] : memref<100000xf32, #tpu.memory_space<vmem>>[vector<16xi32>], vector<16xf32>,
      %add3A_533 = arith.constant 4096 : i32
      %add3A_534 = arith.addi %add3A_533, %add3A_529 : i32
      %swap3A_535 = arith.index_cast %add3A_534 : i32 to index
      %swap3A_536 = tpu.vector_load %arg10[%swap3A_535] {strides = array<i32>} : memref<16384xf32, #tpu.memory_space<vmem>>, vector<16xf32>,
      tpu.vector_store %arg10[%swap3A_535], %gather3A_532 {add = true, strides = array<i32>} : memref<16384xf32, #tpu.memory_space<vmem>>, vector<16xf32>,
      %mul3A_537 = arith.constant 16 : i32
      %mul3A_538 = arith.muli %scan3A_448, %mul3A_537 : i32
      %mul3A_539 = arith.constant 8 : i32
      %mul3A_540 = arith.muli %mul3A_538, %mul3A_539 : i32
      %add3A_541 = arith.constant 112 : i32
      %add3A_542 = arith.addi %mul3A_540, %add3A_541 : i32
      %get3A_543 = arith.index_cast %add3A_542 : i32 to index
      %get3A_544 = tpu.vector_load %arg12[%get3A_543] {strides = array<i32>} : memref<4096xi32, #tpu.memory_space<vmem>>, vector<16xi32>,
      %gather3A_545 = tpu.vector_load_idx %arg9[%get3A_544] : memref<100000xf32, #tpu.memory_space<vmem>>[vector<16xi32>], vector<16xf32>,
      %add3A_546 = arith.constant 4096 : i32
      %add3A_547 = arith.addi %add3A_546, %add3A_542 : i32
      %swap3A_548 = arith.index_cast %add3A_547 : i32 to index
      %swap3A_549 = tpu.vector_load %arg10[%swap3A_548] {strides = array<i32>} : memref<16384xf32, #tpu.memory_space<vmem>>, vector<16xf32>,
      tpu.vector_store %arg10[%swap3A_548], %gather3A_545 {add = true, strides = array<i32>} : memref<16384xf32, #tpu.memory_space<vmem>>, vector<16xf32>,
    }
    %scan3A_189 = arith.constant 32 : i32
    %dma_start3A_190 = arith.constant 12288 : i32
    %dma_start3A_191 = tpu.memref_slice %arg4[%dma_start3A_190] : memref<16384xi32, #tpu.memory_space<hbm>> -> memref<4096xi32, #tpu.memory_space<hbm>>
    %dma_start3A_192 = arith.constant 12288 : i32
    %dma_start3A_193 = tpu.memref_slice %arg4[%dma_start3A_192] : memref<16384xi32, #tpu.memory_space<hbm>> -> memref<4096xi32, #tpu.memory_space<hbm>>
    tpu.enqueue_dma source(%dma_start3A_193 : memref<4096xi32, #tpu.memory_space<hbm>>) target(%arg12 : memref<4096xi32, #tpu.memory_space<vmem>>) target_semaphore(%arg15 : memref<!tpu.dma_semaphore, #tpu.memory_space<semaphore_mem>>)
    %dma_wait3A_194 = arith.constant 8192 : i32
    %dma_wait3A_195 = tpu.memref_slice %arg4[%dma_wait3A_194] : memref<16384xi32, #tpu.memory_space<hbm>> -> memref<4096xi32, #tpu.memory_space<hbm>>
    %dma_wait3A_196 = arith.constant 8192 : i32
    %dma_wait3A_197 = tpu.memref_slice %arg4[%dma_wait3A_196] : memref<16384xi32, #tpu.memory_space<hbm>> -> memref<4096xi32, #tpu.memory_space<hbm>>
    tpu.wait_dma2 semaphore(%arg14 : memref<!tpu.dma_semaphore, #tpu.memory_space<semaphore_mem>>) src(%dma_wait3A_197 : memref<4096xi32, #tpu.memory_space<hbm>>) dst(%arg11 : memref<4096xi32, #tpu.memory_space<vmem>>)
    %scan3A_198 = arith.constant 0 : i32
    %scan3A_199 = arith.constant 0 : i32
    %scan3A_200 = arith.constant 32 : i32
    %scan3A_201 = arith.addi %scan3A_199, %scan3A_200 : i32
    %scan3A_202 = arith.constant 1 : i32
    scf.for %scan3A_448 = %scan3A_199 to %scan3A_201 step %scan3A_202  : i32 {
      %mul3A_449 = arith.constant 16 : i32
      %mul3A_450 = arith.muli %scan3A_448, %mul3A_449 : i32
      %mul3A_451 = arith.constant 8 : i32
      %mul3A_452 = arith.muli %mul3A_450, %mul3A_451 : i32
      %add3A_453 = arith.constant 0 : i32
      %add3A_454 = arith.addi %mul3A_452, %add3A_453 : i32
      %get3A = arith.index_cast %add3A_454 : i32 to index
      %get3A_455 = tpu.vector_load %arg11[%get3A] {strides = array<i32>} : memref<4096xi32, #tpu.memory_space<vmem>>, vector<16xi32>,
      %gather3A = tpu.vector_load_idx %arg9[%get3A_455] : memref<100000xf32, #tpu.memory_space<vmem>>[vector<16xi32>], vector<16xf32>,
      %add3A_456 = arith.constant 8192 : i32
      %add3A_457 = arith.addi %add3A_456, %add3A_454 : i32
      %swap3A = arith.index_cast %add3A_457 : i32 to index
      %swap3A_458 = tpu.vector_load %arg10[%swap3A] {strides = array<i32>} : memref<16384xf32, #tpu.memory_space<vmem>>, vector<16xf32>,
      tpu.vector_store %arg10[%swap3A], %gather3A {add = true, strides = array<i32>} : memref<16384xf32, #tpu.memory_space<vmem>>, vector<16xf32>,
      %mul3A_459 = arith.constant 16 : i32
      %mul3A_460 = arith.muli %scan3A_448, %mul3A_459 : i32
      %mul3A_461 = arith.constant 8 : i32
      %mul3A_462 = arith.muli %mul3A_460, %mul3A_461 : i32
      %add3A_463 = arith.constant 16 : i32
      %add3A_464 = arith.addi %mul3A_462, %add3A_463 : i32
      %get3A_465 = arith.index_cast %add3A_464 : i32 to index
      %get3A_466 = tpu.vector_load %arg11[%get3A_465] {strides = array<i32>} : memref<4096xi32, #tpu.memory_space<vmem>>, vector<16xi32>,
      %gather3A_467 = tpu.vector_load_idx %arg9[%get3A_466] : memref<100000xf32, #tpu.memory_space<vmem>>[vector<16xi32>], vector<16xf32>,
      %add3A_468 = arith.constant 8192 : i32
      %add3A_469 = arith.addi %add3A_468, %add3A_464 : i32
      %swap3A_470 = arith.index_cast %add3A_469 : i32 to index
      %swap3A_471 = tpu.vector_load %arg10[%swap3A_470] {strides = array<i32>} : memref<16384xf32, #tpu.memory_space<vmem>>, vector<16xf32>,
      tpu.vector_store %arg10[%swap3A_470], %gather3A_467 {add = true, strides = array<i32>} : memref<16384xf32, #tpu.memory_space<vmem>>, vector<16xf32>,
      %mul3A_472 = arith.constant 16 : i32
      %mul3A_473 = arith.muli %scan3A_448, %mul3A_472 : i32
      %mul3A_474 = arith.constant 8 : i32
      %mul3A_475 = arith.muli %mul3A_473, %mul3A_474 : i32
      %add3A_476 = arith.constant 32 : i32
      %add3A_477 = arith.addi %mul3A_475, %add3A_476 : i32
      %get3A_478 = arith.index_cast %add3A_477 : i32 to index
      %get3A_479 = tpu.vector_load %arg11[%get3A_478] {strides = array<i32>} : memref<4096xi32, #tpu.memory_space<vmem>>, vector<16xi32>,
      %gather3A_480 = tpu.vector_load_idx %arg9[%get3A_479] : memref<100000xf32, #tpu.memory_space<vmem>>[vector<16xi32>], vector<16xf32>,
      %add3A_481 = arith.constant 8192 : i32
      %add3A_482 = arith.addi %add3A_481, %add3A_477 : i32
      %swap3A_483 = arith.index_cast %add3A_482 : i32 to index
      %swap3A_484 = tpu.vector_load %arg10[%swap3A_483] {strides = array<i32>} : memref<16384xf32, #tpu.memory_space<vmem>>, vector<16xf32>,
      tpu.vector_store %arg10[%swap3A_483], %gather3A_480 {add = true, strides = array<i32>} : memref<16384xf32, #tpu.memory_space<vmem>>, vector<16xf32>,
      %mul3A_485 = arith.constant 16 : i32
      %mul3A_486 = arith.muli %scan3A_448, %mul3A_485 : i32
      %mul3A_487 = arith.constant 8 : i32
      %mul3A_488 = arith.muli %mul3A_486, %mul3A_487 : i32
      %add3A_489 = arith.constant 48 : i32
      %add3A_490 = arith.addi %mul3A_488, %add3A_489 : i32
      %get3A_491 = arith.index_cast %add3A_490 : i32 to index
      %get3A_492 = tpu.vector_load %arg11[%get3A_491] {strides = array<i32>} : memref<4096xi32, #tpu.memory_space<vmem>>, vector<16xi32>,
      %gather3A_493 = tpu.vector_load_idx %arg9[%get3A_492] : memref<100000xf32, #tpu.memory_space<vmem>>[vector<16xi32>], vector<16xf32>,
      %add3A_494 = arith.constant 8192 : i32
      %add3A_495 = arith.addi %add3A_494, %add3A_490 : i32
      %swap3A_496 = arith.index_cast %add3A_495 : i32 to index
      %swap3A_497 = tpu.vector_load %arg10[%swap3A_496] {strides = array<i32>} : memref<16384xf32, #tpu.memory_space<vmem>>, vector<16xf32>,
      tpu.vector_store %arg10[%swap3A_496], %gather3A_493 {add = true, strides = array<i32>} : memref<16384xf32, #tpu.memory_space<vmem>>, vector<16xf32>,
      %mul3A_498 = arith.constant 16 : i32
      %mul3A_499 = arith.muli %scan3A_448, %mul3A_498 : i32
      %mul3A_500 = arith.constant 8 : i32
      %mul3A_501 = arith.muli %mul3A_499, %mul3A_500 : i32
      %add3A_502 = arith.constant 64 : i32
      %add3A_503 = arith.addi %mul3A_501, %add3A_502 : i32
      %get3A_504 = arith.index_cast %add3A_503 : i32 to index
      %get3A_505 = tpu.vector_load %arg11[%get3A_504] {strides = array<i32>} : memref<4096xi32, #tpu.memory_space<vmem>>, vector<16xi32>,
      %gather3A_506 = tpu.vector_load_idx %arg9[%get3A_505] : memref<100000xf32, #tpu.memory_space<vmem>>[vector<16xi32>], vector<16xf32>,
      %add3A_507 = arith.constant 8192 : i32
      %add3A_508 = arith.addi %add3A_507, %add3A_503 : i32
      %swap3A_509 = arith.index_cast %add3A_508 : i32 to index
      %swap3A_510 = tpu.vector_load %arg10[%swap3A_509] {strides = array<i32>} : memref<16384xf32, #tpu.memory_space<vmem>>, vector<16xf32>,
      tpu.vector_store %arg10[%swap3A_509], %gather3A_506 {add = true, strides = array<i32>} : memref<16384xf32, #tpu.memory_space<vmem>>, vector<16xf32>,
      %mul3A_511 = arith.constant 16 : i32
      %mul3A_512 = arith.muli %scan3A_448, %mul3A_511 : i32
      %mul3A_513 = arith.constant 8 : i32
      %mul3A_514 = arith.muli %mul3A_512, %mul3A_513 : i32
      %add3A_515 = arith.constant 80 : i32
      %add3A_516 = arith.addi %mul3A_514, %add3A_515 : i32
      %get3A_517 = arith.index_cast %add3A_516 : i32 to index
      %get3A_518 = tpu.vector_load %arg11[%get3A_517] {strides = array<i32>} : memref<4096xi32, #tpu.memory_space<vmem>>, vector<16xi32>,
      %gather3A_519 = tpu.vector_load_idx %arg9[%get3A_518] : memref<100000xf32, #tpu.memory_space<vmem>>[vector<16xi32>], vector<16xf32>,
      %add3A_520 = arith.constant 8192 : i32
      %add3A_521 = arith.addi %add3A_520, %add3A_516 : i32
      %swap3A_522 = arith.index_cast %add3A_521 : i32 to index
      %swap3A_523 = tpu.vector_load %arg10[%swap3A_522] {strides = array<i32>} : memref<16384xf32, #tpu.memory_space<vmem>>, vector<16xf32>,
      tpu.vector_store %arg10[%swap3A_522], %gather3A_519 {add = true, strides = array<i32>} : memref<16384xf32, #tpu.memory_space<vmem>>, vector<16xf32>,
      %mul3A_524 = arith.constant 16 : i32
      %mul3A_525 = arith.muli %scan3A_448, %mul3A_524 : i32
      %mul3A_526 = arith.constant 8 : i32
      %mul3A_527 = arith.muli %mul3A_525, %mul3A_526 : i32
      %add3A_528 = arith.constant 96 : i32
      %add3A_529 = arith.addi %mul3A_527, %add3A_528 : i32
      %get3A_530 = arith.index_cast %add3A_529 : i32 to index
      %get3A_531 = tpu.vector_load %arg11[%get3A_530] {strides = array<i32>} : memref<4096xi32, #tpu.memory_space<vmem>>, vector<16xi32>,
      %gather3A_532 = tpu.vector_load_idx %arg9[%get3A_531] : memref<100000xf32, #tpu.memory_space<vmem>>[vector<16xi32>], vector<16xf32>,
      %add3A_533 = arith.constant 8192 : i32
      %add3A_534 = arith.addi %add3A_533, %add3A_529 : i32
      %swap3A_535 = arith.index_cast %add3A_534 : i32 to index
      %swap3A_536 = tpu.vector_load %arg10[%swap3A_535] {strides = array<i32>} : memref<16384xf32, #tpu.memory_space<vmem>>, vector<16xf32>,
      tpu.vector_store %arg10[%swap3A_535], %gather3A_532 {add = true, strides = array<i32>} : memref<16384xf32, #tpu.memory_space<vmem>>, vector<16xf32>,
      %mul3A_537 = arith.constant 16 : i32
      %mul3A_538 = arith.muli %scan3A_448, %mul3A_537 : i32
      %mul3A_539 = arith.constant 8 : i32
      %mul3A_540 = arith.muli %mul3A_538, %mul3A_539 : i32
      %add3A_541 = arith.constant 112 : i32
      %add3A_542 = arith.addi %mul3A_540, %add3A_541 : i32
      %get3A_543 = arith.index_cast %add3A_542 : i32 to index
      %get3A_544 = tpu.vector_load %arg11[%get3A_543] {strides = array<i32>} : memref<4096xi32, #tpu.memory_space<vmem>>, vector<16xi32>,
      %gather3A_545 = tpu.vector_load_idx %arg9[%get3A_544] : memref<100000xf32, #tpu.memory_space<vmem>>[vector<16xi32>], vector<16xf32>,
      %add3A_546 = arith.constant 8192 : i32
      %add3A_547 = arith.addi %add3A_546, %add3A_542 : i32
      %swap3A_548 = arith.index_cast %add3A_547 : i32 to index
      %swap3A_549 = tpu.vector_load %arg10[%swap3A_548] {strides = array<i32>} : memref<16384xf32, #tpu.memory_space<vmem>>, vector<16xf32>,
      tpu.vector_store %arg10[%swap3A_548], %gather3A_545 {add = true, strides = array<i32>} : memref<16384xf32, #tpu.memory_space<vmem>>, vector<16xf32>,
    }
    %scan3A_203 = arith.constant 32 : i32
    %dma_start3A_204 = arith.constant 0 : i32
    %dma_start3A_205 = tpu.memref_slice %arg2[%dma_start3A_204] : memref<16384xi32, #tpu.memory_space<hbm>> -> memref<4096xi32, #tpu.memory_space<hbm>>
    %dma_start3A_206 = arith.constant 0 : i32
    %dma_start3A_207 = tpu.memref_slice %arg2[%dma_start3A_206] : memref<16384xi32, #tpu.memory_space<hbm>> -> memref<4096xi32, #tpu.memory_space<hbm>>
    tpu.enqueue_dma source(%dma_start3A_207 : memref<4096xi32, #tpu.memory_space<hbm>>) target(%arg11 : memref<4096xi32, #tpu.memory_space<vmem>>) target_semaphore(%arg14 : memref<!tpu.dma_semaphore, #tpu.memory_space<semaphore_mem>>)
    %dma_wait3A_208 = arith.constant 12288 : i32
    %dma_wait3A_209 = tpu.memref_slice %arg4[%dma_wait3A_208] : memref<16384xi32, #tpu.memory_space<hbm>> -> memref<4096xi32, #tpu.memory_space<hbm>>
    %dma_wait3A_210 = arith.constant 12288 : i32
    %dma_wait3A_211 = tpu.memref_slice %arg4[%dma_wait3A_210] : memref<16384xi32, #tpu.memory_space<hbm>> -> memref<4096xi32, #tpu.memory_space<hbm>>
    tpu.wait_dma2 semaphore(%arg15 : memref<!tpu.dma_semaphore, #tpu.memory_space<semaphore_mem>>) src(%dma_wait3A_211 : memref<4096xi32, #tpu.memory_space<hbm>>) dst(%arg12 : memref<4096xi32, #tpu.memory_space<vmem>>)
    %scan3A_212 = arith.constant 0 : i32
    %scan3A_213 = arith.constant 0 : i32
    %scan3A_214 = arith.constant 32 : i32
    %scan3A_215 = arith.addi %scan3A_213, %scan3A_214 : i32
    %scan3A_216 = arith.constant 1 : i32
    scf.for %scan3A_448 = %scan3A_213 to %scan3A_215 step %scan3A_216  : i32 {
      %mul3A_449 = arith.constant 16 : i32
      %mul3A_450 = arith.muli %scan3A_448, %mul3A_449 : i32
      %mul3A_451 = arith.constant 8 : i32
      %mul3A_452 = arith.muli %mul3A_450, %mul3A_451 : i32
      %add3A_453 = arith.constant 0 : i32
      %add3A_454 = arith.addi %mul3A_452, %add3A_453 : i32
      %get3A = arith.index_cast %add3A_454 : i32 to index
      %get3A_455 = tpu.vector_load %arg12[%get3A] {strides = array<i32>} : memref<4096xi32, #tpu.memory_space<vmem>>, vector<16xi32>,
      %gather3A = tpu.vector_load_idx %arg9[%get3A_455] : memref<100000xf32, #tpu.memory_space<vmem>>[vector<16xi32>], vector<16xf32>,
      %add3A_456 = arith.constant 12288 : i32
      %add3A_457 = arith.addi %add3A_456, %add3A_454 : i32
      %swap3A = arith.index_cast %add3A_457 : i32 to index
      %swap3A_458 = tpu.vector_load %arg10[%swap3A] {strides = array<i32>} : memref<16384xf32, #tpu.memory_space<vmem>>, vector<16xf32>,
      tpu.vector_store %arg10[%swap3A], %gather3A {add = true, strides = array<i32>} : memref<16384xf32, #tpu.memory_space<vmem>>, vector<16xf32>,
      %mul3A_459 = arith.constant 16 : i32
      %mul3A_460 = arith.muli %scan3A_448, %mul3A_459 : i32
      %mul3A_461 = arith.constant 8 : i32
      %mul3A_462 = arith.muli %mul3A_460, %mul3A_461 : i32
      %add3A_463 = arith.constant 16 : i32
      %add3A_464 = arith.addi %mul3A_462, %add3A_463 : i32
      %get3A_465 = arith.index_cast %add3A_464 : i32 to index
      %get3A_466 = tpu.vector_load %arg12[%get3A_465] {strides = array<i32>} : memref<4096xi32, #tpu.memory_space<vmem>>, vector<16xi32>,
      %gather3A_467 = tpu.vector_load_idx %arg9[%get3A_466] : memref<100000xf32, #tpu.memory_space<vmem>>[vector<16xi32>], vector<16xf32>,
      %add3A_468 = arith.constant 12288 : i32
      %add3A_469 = arith.addi %add3A_468, %add3A_464 : i32
      %swap3A_470 = arith.index_cast %add3A_469 : i32 to index
      %swap3A_471 = tpu.vector_load %arg10[%swap3A_470] {strides = array<i32>} : memref<16384xf32, #tpu.memory_space<vmem>>, vector<16xf32>,
      tpu.vector_store %arg10[%swap3A_470], %gather3A_467 {add = true, strides = array<i32>} : memref<16384xf32, #tpu.memory_space<vmem>>, vector<16xf32>,
      %mul3A_472 = arith.constant 16 : i32
      %mul3A_473 = arith.muli %scan3A_448, %mul3A_472 : i32
      %mul3A_474 = arith.constant 8 : i32
      %mul3A_475 = arith.muli %mul3A_473, %mul3A_474 : i32
      %add3A_476 = arith.constant 32 : i32
      %add3A_477 = arith.addi %mul3A_475, %add3A_476 : i32
      %get3A_478 = arith.index_cast %add3A_477 : i32 to index
      %get3A_479 = tpu.vector_load %arg12[%get3A_478] {strides = array<i32>} : memref<4096xi32, #tpu.memory_space<vmem>>, vector<16xi32>,
      %gather3A_480 = tpu.vector_load_idx %arg9[%get3A_479] : memref<100000xf32, #tpu.memory_space<vmem>>[vector<16xi32>], vector<16xf32>,
      %add3A_481 = arith.constant 12288 : i32
      %add3A_482 = arith.addi %add3A_481, %add3A_477 : i32
      %swap3A_483 = arith.index_cast %add3A_482 : i32 to index
      %swap3A_484 = tpu.vector_load %arg10[%swap3A_483] {strides = array<i32>} : memref<16384xf32, #tpu.memory_space<vmem>>, vector<16xf32>,
      tpu.vector_store %arg10[%swap3A_483], %gather3A_480 {add = true, strides = array<i32>} : memref<16384xf32, #tpu.memory_space<vmem>>, vector<16xf32>,
      %mul3A_485 = arith.constant 16 : i32
      %mul3A_486 = arith.muli %scan3A_448, %mul3A_485 : i32
      %mul3A_487 = arith.constant 8 : i32
      %mul3A_488 = arith.muli %mul3A_486, %mul3A_487 : i32
      %add3A_489 = arith.constant 48 : i32
      %add3A_490 = arith.addi %mul3A_488, %add3A_489 : i32
      %get3A_491 = arith.index_cast %add3A_490 : i32 to index
      %get3A_492 = tpu.vector_load %arg12[%get3A_491] {strides = array<i32>} : memref<4096xi32, #tpu.memory_space<vmem>>, vector<16xi32>,
      %gather3A_493 = tpu.vector_load_idx %arg9[%get3A_492] : memref<100000xf32, #tpu.memory_space<vmem>>[vector<16xi32>], vector<16xf32>,
      %add3A_494 = arith.constant 12288 : i32
      %add3A_495 = arith.addi %add3A_494, %add3A_490 : i32
      %swap3A_496 = arith.index_cast %add3A_495 : i32 to index
      %swap3A_497 = tpu.vector_load %arg10[%swap3A_496] {strides = array<i32>} : memref<16384xf32, #tpu.memory_space<vmem>>, vector<16xf32>,
      tpu.vector_store %arg10[%swap3A_496], %gather3A_493 {add = true, strides = array<i32>} : memref<16384xf32, #tpu.memory_space<vmem>>, vector<16xf32>,
      %mul3A_498 = arith.constant 16 : i32
      %mul3A_499 = arith.muli %scan3A_448, %mul3A_498 : i32
      %mul3A_500 = arith.constant 8 : i32
      %mul3A_501 = arith.muli %mul3A_499, %mul3A_500 : i32
      %add3A_502 = arith.constant 64 : i32
      %add3A_503 = arith.addi %mul3A_501, %add3A_502 : i32
      %get3A_504 = arith.index_cast %add3A_503 : i32 to index
      %get3A_505 = tpu.vector_load %arg12[%get3A_504] {strides = array<i32>} : memref<4096xi32, #tpu.memory_space<vmem>>, vector<16xi32>,
      %gather3A_506 = tpu.vector_load_idx %arg9[%get3A_505] : memref<100000xf32, #tpu.memory_space<vmem>>[vector<16xi32>], vector<16xf32>,
      %add3A_507 = arith.constant 12288 : i32
      %add3A_508 = arith.addi %add3A_507, %add3A_503 : i32
      %swap3A_509 = arith.index_cast %add3A_508 : i32 to index
      %swap3A_510 = tpu.vector_load %arg10[%swap3A_509] {strides = array<i32>} : memref<16384xf32, #tpu.memory_space<vmem>>, vector<16xf32>,
      tpu.vector_store %arg10[%swap3A_509], %gather3A_506 {add = true, strides = array<i32>} : memref<16384xf32, #tpu.memory_space<vmem>>, vector<16xf32>,
      %mul3A_511 = arith.constant 16 : i32
      %mul3A_512 = arith.muli %scan3A_448, %mul3A_511 : i32
      %mul3A_513 = arith.constant 8 : i32
      %mul3A_514 = arith.muli %mul3A_512, %mul3A_513 : i32
      %add3A_515 = arith.constant 80 : i32
      %add3A_516 = arith.addi %mul3A_514, %add3A_515 : i32
      %get3A_517 = arith.index_cast %add3A_516 : i32 to index
      %get3A_518 = tpu.vector_load %arg12[%get3A_517] {strides = array<i32>} : memref<4096xi32, #tpu.memory_space<vmem>>, vector<16xi32>,
      %gather3A_519 = tpu.vector_load_idx %arg9[%get3A_518] : memref<100000xf32, #tpu.memory_space<vmem>>[vector<16xi32>], vector<16xf32>,
      %add3A_520 = arith.constant 12288 : i32
      %add3A_521 = arith.addi %add3A_520, %add3A_516 : i32
      %swap3A_522 = arith.index_cast %add3A_521 : i32 to index
      %swap3A_523 = tpu.vector_load %arg10[%swap3A_522] {strides = array<i32>} : memref<16384xf32, #tpu.memory_space<vmem>>, vector<16xf32>,
      tpu.vector_store %arg10[%swap3A_522], %gather3A_519 {add = true, strides = array<i32>} : memref<16384xf32, #tpu.memory_space<vmem>>, vector<16xf32>,
      %mul3A_524 = arith.constant 16 : i32
      %mul3A_525 = arith.muli %scan3A_448, %mul3A_524 : i32
      %mul3A_526 = arith.constant 8 : i32
      %mul3A_527 = arith.muli %mul3A_525, %mul3A_526 : i32
      %add3A_528 = arith.constant 96 : i32
      %add3A_529 = arith.addi %mul3A_527, %add3A_528 : i32
      %get3A_530 = arith.index_cast %add3A_529 : i32 to index
      %get3A_531 = tpu.vector_load %arg12[%get3A_530] {strides = array<i32>} : memref<4096xi32, #tpu.memory_space<vmem>>, vector<16xi32>,
      %gather3A_532 = tpu.vector_load_idx %arg9[%get3A_531] : memref<100000xf32, #tpu.memory_space<vmem>>[vector<16xi32>], vector<16xf32>,
      %add3A_533 = arith.constant 12288 : i32
      %add3A_534 = arith.addi %add3A_533, %add3A_529 : i32
      %swap3A_535 = arith.index_cast %add3A_534 : i32 to index
      %swap3A_536 = tpu.vector_load %arg10[%swap3A_535] {strides = array<i32>} : memref<16384xf32, #tpu.memory_space<vmem>>, vector<16xf32>,
      tpu.vector_store %arg10[%swap3A_535], %gather3A_532 {add = true, strides = array<i32>} : memref<16384xf32, #tpu.memory_space<vmem>>, vector<16xf32>,
      %mul3A_537 = arith.constant 16 : i32
      %mul3A_538 = arith.muli %scan3A_448, %mul3A_537 : i32
      %mul3A_539 = arith.constant 8 : i32
      %mul3A_540 = arith.muli %mul3A_538, %mul3A_539 : i32
      %add3A_541 = arith.constant 112 : i32
      %add3A_542 = arith.addi %mul3A_540, %add3A_541 : i32
      %get3A_543 = arith.index_cast %add3A_542 : i32 to index
      %get3A_544 = tpu.vector_load %arg12[%get3A_543] {strides = array<i32>} : memref<4096xi32, #tpu.memory_space<vmem>>, vector<16xi32>,
      %gather3A_545 = tpu.vector_load_idx %arg9[%get3A_544] : memref<100000xf32, #tpu.memory_space<vmem>>[vector<16xi32>], vector<16xf32>,
      %add3A_546 = arith.constant 12288 : i32
      %add3A_547 = arith.addi %add3A_546, %add3A_542 : i32
      %swap3A_548 = arith.index_cast %add3A_547 : i32 to index
      %swap3A_549 = tpu.vector_load %arg10[%swap3A_548] {strides = array<i32>} : memref<16384xf32, #tpu.memory_space<vmem>>, vector<16xf32>,
      tpu.vector_store %arg10[%swap3A_548], %gather3A_545 {add = true, strides = array<i32>} : memref<16384xf32, #tpu.memory_space<vmem>>, vector<16xf32>,
    }
    %scan3A_217 = arith.constant 32 : i32
    %mul3A_218 = arith.constant 2 : i32
    %mul3A_219 = arith.muli %add3A, %mul3A_218 : i32
    %add3A_220 = arith.constant 1 : i32
    %add3A_221 = arith.addi %mul3A_219, %add3A_220 : i32
    %dma_start3A_222 = arith.constant 0 : i32
    %dma_start3A_223 = tpu.memref_slice %arg5[%add3A_221, %dma_start3A_222] : memref<64x100000xf32, #tpu.memory_space<hbm>> -> memref<1x100000xf32, #tpu.memory_space<hbm>>
    %dma_start3A_224 = tpu.memref_squeeze %dma_start3A_223 : memref<1x100000xf32, #tpu.memory_space<hbm>> -> memref<100000xf32, #tpu.memory_space<hbm>>
    %dma_start3A_225 = arith.constant 0 : i32
    %dma_start3A_226 = tpu.memref_slice %arg5[%add3A_221, %dma_start3A_225] : memref<64x100000xf32, #tpu.memory_space<hbm>> -> memref<1x100000xf32, #tpu.memory_space<hbm>>
    %dma_start3A_227 = tpu.memref_squeeze %dma_start3A_226 : memref<1x100000xf32, #tpu.memory_space<hbm>> -> memref<100000xf32, #tpu.memory_space<hbm>>
    tpu.enqueue_dma source(%dma_start3A_227 : memref<100000xf32, #tpu.memory_space<hbm>>) target(%arg9 : memref<100000xf32, #tpu.memory_space<vmem>>) target_semaphore(%arg13 : memref<!tpu.dma_semaphore, #tpu.memory_space<semaphore_mem>>)
    %mul3A_228 = arith.constant 2 : i32
    %mul3A_229 = arith.muli %add3A, %mul3A_228 : i32
    %dma_start3A_230 = arith.constant 0 : i32
    %dma_start3A_231 = tpu.memref_slice %arg8[%mul3A_229, %dma_start3A_230] : memref<64x16384xf32, #tpu.memory_space<hbm>> -> memref<1x16384xf32, #tpu.memory_space<hbm>>
    %dma_start3A_232 = tpu.memref_squeeze %dma_start3A_231 : memref<1x16384xf32, #tpu.memory_space<hbm>> -> memref<16384xf32, #tpu.memory_space<hbm>>
    %dma_start3A_233 = arith.constant 0 : i32
    %dma_start3A_234 = tpu.memref_slice %arg8[%mul3A_229, %dma_start3A_233] : memref<64x16384xf32, #tpu.memory_space<hbm>> -> memref<1x16384xf32, #tpu.memory_space<hbm>>
    %dma_start3A_235 = tpu.memref_squeeze %dma_start3A_234 : memref<1x16384xf32, #tpu.memory_space<hbm>> -> memref<16384xf32, #tpu.memory_space<hbm>>
    tpu.enqueue_dma source(%arg10 : memref<16384xf32, #tpu.memory_space<vmem>>) target(%dma_start3A_235 : memref<16384xf32, #tpu.memory_space<hbm>>) target_semaphore(%arg16 : memref<!tpu.dma_semaphore, #tpu.memory_space<semaphore_mem>>)
    %dma_wait3A_236 = arith.constant 0 : i32
    %dma_wait3A_237 = tpu.memref_slice %arg5[%add3A_221, %dma_wait3A_236] : memref<64x100000xf32, #tpu.memory_space<hbm>> -> memref<1x100000xf32, #tpu.memory_space<hbm>>
    %dma_wait3A_238 = tpu.memref_squeeze %dma_wait3A_237 : memref<1x100000xf32, #tpu.memory_space<hbm>> -> memref<100000xf32, #tpu.memory_space<hbm>>
    %dma_wait3A_239 = arith.constant 0 : i32
    %dma_wait3A_240 = tpu.memref_slice %arg5[%add3A_221, %dma_wait3A_239] : memref<64x100000xf32, #tpu.memory_space<hbm>> -> memref<1x100000xf32, #tpu.memory_space<hbm>>
    %dma_wait3A_241 = tpu.memref_squeeze %dma_wait3A_240 : memref<1x100000xf32, #tpu.memory_space<hbm>> -> memref<100000xf32, #tpu.memory_space<hbm>>
    tpu.wait_dma2 semaphore(%arg13 : memref<!tpu.dma_semaphore, #tpu.memory_space<semaphore_mem>>) src(%dma_wait3A_241 : memref<100000xf32, #tpu.memory_space<hbm>>) dst(%arg9 : memref<100000xf32, #tpu.memory_space<vmem>>)
    %dma_wait3A_242 = arith.constant 0 : i32
    %dma_wait3A_243 = tpu.memref_slice %arg8[%mul3A_229, %dma_wait3A_242] : memref<64x16384xf32, #tpu.memory_space<hbm>> -> memref<1x16384xf32, #tpu.memory_space<hbm>>
    %dma_wait3A_244 = tpu.memref_squeeze %dma_wait3A_243 : memref<1x16384xf32, #tpu.memory_space<hbm>> -> memref<16384xf32, #tpu.memory_space<hbm>>
    %dma_wait3A_245 = arith.constant 0 : i32
    %dma_wait3A_246 = tpu.memref_slice %arg8[%mul3A_229, %dma_wait3A_245] : memref<64x16384xf32, #tpu.memory_space<hbm>> -> memref<1x16384xf32, #tpu.memory_space<hbm>>
    %dma_wait3A_247 = tpu.memref_squeeze %dma_wait3A_246 : memref<1x16384xf32, #tpu.memory_space<hbm>> -> memref<16384xf32, #tpu.memory_space<hbm>>
    tpu.wait_dma2 semaphore(%arg16 : memref<!tpu.dma_semaphore, #tpu.memory_space<semaphore_mem>>) src(%arg10 : memref<16384xf32, #tpu.memory_space<vmem>>) dst(%dma_wait3A_247 : memref<16384xf32, #tpu.memory_space<hbm>>)
    %dma_start3A_248 = arith.constant 4096 : i32
    %dma_start3A_249 = tpu.memref_slice %arg2[%dma_start3A_248] : memref<16384xi32, #tpu.memory_space<hbm>> -> memref<4096xi32, #tpu.memory_space<hbm>>
    %dma_start3A_250 = arith.constant 4096 : i32
    %dma_start3A_251 = tpu.memref_slice %arg2[%dma_start3A_250] : memref<16384xi32, #tpu.memory_space<hbm>> -> memref<4096xi32, #tpu.memory_space<hbm>>
    tpu.enqueue_dma source(%dma_start3A_251 : memref<4096xi32, #tpu.memory_space<hbm>>) target(%arg12 : memref<4096xi32, #tpu.memory_space<vmem>>) target_semaphore(%arg15 : memref<!tpu.dma_semaphore, #tpu.memory_space<semaphore_mem>>)
    %dma_wait3A_252 = arith.constant 0 : i32
    %dma_wait3A_253 = tpu.memref_slice %arg2[%dma_wait3A_252] : memref<16384xi32, #tpu.memory_space<hbm>> -> memref<4096xi32, #tpu.memory_space<hbm>>
    %dma_wait3A_254 = arith.constant 0 : i32
    %dma_wait3A_255 = tpu.memref_slice %arg2[%dma_wait3A_254] : memref<16384xi32, #tpu.memory_space<hbm>> -> memref<4096xi32, #tpu.memory_space<hbm>>
    tpu.wait_dma2 semaphore(%arg14 : memref<!tpu.dma_semaphore, #tpu.memory_space<semaphore_mem>>) src(%dma_wait3A_255 : memref<4096xi32, #tpu.memory_space<hbm>>) dst(%arg11 : memref<4096xi32, #tpu.memory_space<vmem>>)
    %scan3A_256 = arith.constant 0 : i32
    %scan3A_257 = arith.constant 0 : i32
    %scan3A_258 = arith.constant 32 : i32
    %scan3A_259 = arith.addi %scan3A_257, %scan3A_258 : i32
    %scan3A_260 = arith.constant 1 : i32
    scf.for %scan3A_448 = %scan3A_257 to %scan3A_259 step %scan3A_260  : i32 {
      %mul3A_449 = arith.constant 16 : i32
      %mul3A_450 = arith.muli %scan3A_448, %mul3A_449 : i32
      %mul3A_451 = arith.constant 8 : i32
      %mul3A_452 = arith.muli %mul3A_450, %mul3A_451 : i32
      %add3A_453 = arith.constant 0 : i32
      %add3A_454 = arith.addi %mul3A_452, %add3A_453 : i32
      %get3A = arith.index_cast %add3A_454 : i32 to index
      %get3A_455 = tpu.vector_load %arg11[%get3A] {strides = array<i32>} : memref<4096xi32, #tpu.memory_space<vmem>>, vector<16xi32>,
      %gather3A = tpu.vector_load_idx %arg9[%get3A_455] : memref<100000xf32, #tpu.memory_space<vmem>>[vector<16xi32>], vector<16xf32>,
      %add3A_456 = arith.constant 0 : i32
      %add3A_457 = arith.addi %add3A_456, %add3A_454 : i32
      %swap3A = arith.index_cast %add3A_457 : i32 to index
      %swap3A_458 = tpu.vector_load %arg10[%swap3A] {strides = array<i32>} : memref<16384xf32, #tpu.memory_space<vmem>>, vector<16xf32>,
      tpu.vector_store %arg10[%swap3A], %gather3A {strides = array<i32>} : memref<16384xf32, #tpu.memory_space<vmem>>, vector<16xf32>,
      %mul3A_459 = arith.constant 16 : i32
      %mul3A_460 = arith.muli %scan3A_448, %mul3A_459 : i32
      %mul3A_461 = arith.constant 8 : i32
      %mul3A_462 = arith.muli %mul3A_460, %mul3A_461 : i32
      %add3A_463 = arith.constant 16 : i32
      %add3A_464 = arith.addi %mul3A_462, %add3A_463 : i32
      %get3A_465 = arith.index_cast %add3A_464 : i32 to index
      %get3A_466 = tpu.vector_load %arg11[%get3A_465] {strides = array<i32>} : memref<4096xi32, #tpu.memory_space<vmem>>, vector<16xi32>,
      %gather3A_467 = tpu.vector_load_idx %arg9[%get3A_466] : memref<100000xf32, #tpu.memory_space<vmem>>[vector<16xi32>], vector<16xf32>,
      %add3A_468 = arith.constant 0 : i32
      %add3A_469 = arith.addi %add3A_468, %add3A_464 : i32
      %swap3A_470 = arith.index_cast %add3A_469 : i32 to index
      %swap3A_471 = tpu.vector_load %arg10[%swap3A_470] {strides = array<i32>} : memref<16384xf32, #tpu.memory_space<vmem>>, vector<16xf32>,
      tpu.vector_store %arg10[%swap3A_470], %gather3A_467 {strides = array<i32>} : memref<16384xf32, #tpu.memory_space<vmem>>, vector<16xf32>,
      %mul3A_472 = arith.constant 16 : i32
      %mul3A_473 = arith.muli %scan3A_448, %mul3A_472 : i32
      %mul3A_474 = arith.constant 8 : i32
      %mul3A_475 = arith.muli %mul3A_473, %mul3A_474 : i32
      %add3A_476 = arith.constant 32 : i32
      %add3A_477 = arith.addi %mul3A_475, %add3A_476 : i32
      %get3A_478 = arith.index_cast %add3A_477 : i32 to index
      %get3A_479 = tpu.vector_load %arg11[%get3A_478] {strides = array<i32>} : memref<4096xi32, #tpu.memory_space<vmem>>, vector<16xi32>,
      %gather3A_480 = tpu.vector_load_idx %arg9[%get3A_479] : memref<100000xf32, #tpu.memory_space<vmem>>[vector<16xi32>], vector<16xf32>,
      %add3A_481 = arith.constant 0 : i32
      %add3A_482 = arith.addi %add3A_481, %add3A_477 : i32
      %swap3A_483 = arith.index_cast %add3A_482 : i32 to index
      %swap3A_484 = tpu.vector_load %arg10[%swap3A_483] {strides = array<i32>} : memref<16384xf32, #tpu.memory_space<vmem>>, vector<16xf32>,
      tpu.vector_store %arg10[%swap3A_483], %gather3A_480 {strides = array<i32>} : memref<16384xf32, #tpu.memory_space<vmem>>, vector<16xf32>,
      %mul3A_485 = arith.constant 16 : i32
      %mul3A_486 = arith.muli %scan3A_448, %mul3A_485 : i32
      %mul3A_487 = arith.constant 8 : i32
      %mul3A_488 = arith.muli %mul3A_486, %mul3A_487 : i32
      %add3A_489 = arith.constant 48 : i32
      %add3A_490 = arith.addi %mul3A_488, %add3A_489 : i32
      %get3A_491 = arith.index_cast %add3A_490 : i32 to index
      %get3A_492 = tpu.vector_load %arg11[%get3A_491] {strides = array<i32>} : memref<4096xi32, #tpu.memory_space<vmem>>, vector<16xi32>,
      %gather3A_493 = tpu.vector_load_idx %arg9[%get3A_492] : memref<100000xf32, #tpu.memory_space<vmem>>[vector<16xi32>], vector<16xf32>,
      %add3A_494 = arith.constant 0 : i32
      %add3A_495 = arith.addi %add3A_494, %add3A_490 : i32
      %swap3A_496 = arith.index_cast %add3A_495 : i32 to index
      %swap3A_497 = tpu.vector_load %arg10[%swap3A_496] {strides = array<i32>} : memref<16384xf32, #tpu.memory_space<vmem>>, vector<16xf32>,
      tpu.vector_store %arg10[%swap3A_496], %gather3A_493 {strides = array<i32>} : memref<16384xf32, #tpu.memory_space<vmem>>, vector<16xf32>,
      %mul3A_498 = arith.constant 16 : i32
      %mul3A_499 = arith.muli %scan3A_448, %mul3A_498 : i32
      %mul3A_500 = arith.constant 8 : i32
      %mul3A_501 = arith.muli %mul3A_499, %mul3A_500 : i32
      %add3A_502 = arith.constant 64 : i32
      %add3A_503 = arith.addi %mul3A_501, %add3A_502 : i32
      %get3A_504 = arith.index_cast %add3A_503 : i32 to index
      %get3A_505 = tpu.vector_load %arg11[%get3A_504] {strides = array<i32>} : memref<4096xi32, #tpu.memory_space<vmem>>, vector<16xi32>,
      %gather3A_506 = tpu.vector_load_idx %arg9[%get3A_505] : memref<100000xf32, #tpu.memory_space<vmem>>[vector<16xi32>], vector<16xf32>,
      %add3A_507 = arith.constant 0 : i32
      %add3A_508 = arith.addi %add3A_507, %add3A_503 : i32
      %swap3A_509 = arith.index_cast %add3A_508 : i32 to index
      %swap3A_510 = tpu.vector_load %arg10[%swap3A_509] {strides = array<i32>} : memref<16384xf32, #tpu.memory_space<vmem>>, vector<16xf32>,
      tpu.vector_store %arg10[%swap3A_509], %gather3A_506 {strides = array<i32>} : memref<16384xf32, #tpu.memory_space<vmem>>, vector<16xf32>,
      %mul3A_511 = arith.constant 16 : i32
      %mul3A_512 = arith.muli %scan3A_448, %mul3A_511 : i32
      %mul3A_513 = arith.constant 8 : i32
      %mul3A_514 = arith.muli %mul3A_512, %mul3A_513 : i32
      %add3A_515 = arith.constant 80 : i32
      %add3A_516 = arith.addi %mul3A_514, %add3A_515 : i32
      %get3A_517 = arith.index_cast %add3A_516 : i32 to index
      %get3A_518 = tpu.vector_load %arg11[%get3A_517] {strides = array<i32>} : memref<4096xi32, #tpu.memory_space<vmem>>, vector<16xi32>,
      %gather3A_519 = tpu.vector_load_idx %arg9[%get3A_518] : memref<100000xf32, #tpu.memory_space<vmem>>[vector<16xi32>], vector<16xf32>,
      %add3A_520 = arith.constant 0 : i32
      %add3A_521 = arith.addi %add3A_520, %add3A_516 : i32
      %swap3A_522 = arith.index_cast %add3A_521 : i32 to index
      %swap3A_523 = tpu.vector_load %arg10[%swap3A_522] {strides = array<i32>} : memref<16384xf32, #tpu.memory_space<vmem>>, vector<16xf32>,
      tpu.vector_store %arg10[%swap3A_522], %gather3A_519 {strides = array<i32>} : memref<16384xf32, #tpu.memory_space<vmem>>, vector<16xf32>,
      %mul3A_524 = arith.constant 16 : i32
      %mul3A_525 = arith.muli %scan3A_448, %mul3A_524 : i32
      %mul3A_526 = arith.constant 8 : i32
      %mul3A_527 = arith.muli %mul3A_525, %mul3A_526 : i32
      %add3A_528 = arith.constant 96 : i32
      %add3A_529 = arith.addi %mul3A_527, %add3A_528 : i32
      %get3A_530 = arith.index_cast %add3A_529 : i32 to index
      %get3A_531 = tpu.vector_load %arg11[%get3A_530] {strides = array<i32>} : memref<4096xi32, #tpu.memory_space<vmem>>, vector<16xi32>,
      %gather3A_532 = tpu.vector_load_idx %arg9[%get3A_531] : memref<100000xf32, #tpu.memory_space<vmem>>[vector<16xi32>], vector<16xf32>,
      %add3A_533 = arith.constant 0 : i32
      %add3A_534 = arith.addi %add3A_533, %add3A_529 : i32
      %swap3A_535 = arith.index_cast %add3A_534 : i32 to index
      %swap3A_536 = tpu.vector_load %arg10[%swap3A_535] {strides = array<i32>} : memref<16384xf32, #tpu.memory_space<vmem>>, vector<16xf32>,
      tpu.vector_store %arg10[%swap3A_535], %gather3A_532 {strides = array<i32>} : memref<16384xf32, #tpu.memory_space<vmem>>, vector<16xf32>,
      %mul3A_537 = arith.constant 16 : i32
      %mul3A_538 = arith.muli %scan3A_448, %mul3A_537 : i32
      %mul3A_539 = arith.constant 8 : i32
      %mul3A_540 = arith.muli %mul3A_538, %mul3A_539 : i32
      %add3A_541 = arith.constant 112 : i32
      %add3A_542 = arith.addi %mul3A_540, %add3A_541 : i32
      %get3A_543 = arith.index_cast %add3A_542 : i32 to index
      %get3A_544 = tpu.vector_load %arg11[%get3A_543] {strides = array<i32>} : memref<4096xi32, #tpu.memory_space<vmem>>, vector<16xi32>,
      %gather3A_545 = tpu.vector_load_idx %arg9[%get3A_544] : memref<100000xf32, #tpu.memory_space<vmem>>[vector<16xi32>], vector<16xf32>,
      %add3A_546 = arith.constant 0 : i32
      %add3A_547 = arith.addi %add3A_546, %add3A_542 : i32
      %swap3A_548 = arith.index_cast %add3A_547 : i32 to index
      %swap3A_549 = tpu.vector_load %arg10[%swap3A_548] {strides = array<i32>} : memref<16384xf32, #tpu.memory_space<vmem>>, vector<16xf32>,
      tpu.vector_store %arg10[%swap3A_548], %gather3A_545 {strides = array<i32>} : memref<16384xf32, #tpu.memory_space<vmem>>, vector<16xf32>,
    }
    %scan3A_261 = arith.constant 32 : i32
    %dma_start3A_262 = arith.constant 8192 : i32
    %dma_start3A_263 = tpu.memref_slice %arg2[%dma_start3A_262] : memref<16384xi32, #tpu.memory_space<hbm>> -> memref<4096xi32, #tpu.memory_space<hbm>>
    %dma_start3A_264 = arith.constant 8192 : i32
    %dma_start3A_265 = tpu.memref_slice %arg2[%dma_start3A_264] : memref<16384xi32, #tpu.memory_space<hbm>> -> memref<4096xi32, #tpu.memory_space<hbm>>
    tpu.enqueue_dma source(%dma_start3A_265 : memref<4096xi32, #tpu.memory_space<hbm>>) target(%arg11 : memref<4096xi32, #tpu.memory_space<vmem>>) target_semaphore(%arg14 : memref<!tpu.dma_semaphore, #tpu.memory_space<semaphore_mem>>)
    %dma_wait3A_266 = arith.constant 4096 : i32
    %dma_wait3A_267 = tpu.memref_slice %arg2[%dma_wait3A_266] : memref<16384xi32, #tpu.memory_space<hbm>> -> memref<4096xi32, #tpu.memory_space<hbm>>
    %dma_wait3A_268 = arith.constant 4096 : i32
    %dma_wait3A_269 = tpu.memref_slice %arg2[%dma_wait3A_268] : memref<16384xi32, #tpu.memory_space<hbm>> -> memref<4096xi32, #tpu.memory_space<hbm>>
    tpu.wait_dma2 semaphore(%arg15 : memref<!tpu.dma_semaphore, #tpu.memory_space<semaphore_mem>>) src(%dma_wait3A_269 : memref<4096xi32, #tpu.memory_space<hbm>>) dst(%arg12 : memref<4096xi32, #tpu.memory_space<vmem>>)
    %scan3A_270 = arith.constant 0 : i32
    %scan3A_271 = arith.constant 0 : i32
    %scan3A_272 = arith.constant 32 : i32
    %scan3A_273 = arith.addi %scan3A_271, %scan3A_272 : i32
    %scan3A_274 = arith.constant 1 : i32
    scf.for %scan3A_448 = %scan3A_271 to %scan3A_273 step %scan3A_274  : i32 {
      %mul3A_449 = arith.constant 16 : i32
      %mul3A_450 = arith.muli %scan3A_448, %mul3A_449 : i32
      %mul3A_451 = arith.constant 8 : i32
      %mul3A_452 = arith.muli %mul3A_450, %mul3A_451 : i32
      %add3A_453 = arith.constant 0 : i32
      %add3A_454 = arith.addi %mul3A_452, %add3A_453 : i32
      %get3A = arith.index_cast %add3A_454 : i32 to index
      %get3A_455 = tpu.vector_load %arg12[%get3A] {strides = array<i32>} : memref<4096xi32, #tpu.memory_space<vmem>>, vector<16xi32>,
      %gather3A = tpu.vector_load_idx %arg9[%get3A_455] : memref<100000xf32, #tpu.memory_space<vmem>>[vector<16xi32>], vector<16xf32>,
      %add3A_456 = arith.constant 4096 : i32
      %add3A_457 = arith.addi %add3A_456, %add3A_454 : i32
      %swap3A = arith.index_cast %add3A_457 : i32 to index
      %swap3A_458 = tpu.vector_load %arg10[%swap3A] {strides = array<i32>} : memref<16384xf32, #tpu.memory_space<vmem>>, vector<16xf32>,
      tpu.vector_store %arg10[%swap3A], %gather3A {strides = array<i32>} : memref<16384xf32, #tpu.memory_space<vmem>>, vector<16xf32>,
      %mul3A_459 = arith.constant 16 : i32
      %mul3A_460 = arith.muli %scan3A_448, %mul3A_459 : i32
      %mul3A_461 = arith.constant 8 : i32
      %mul3A_462 = arith.muli %mul3A_460, %mul3A_461 : i32
      %add3A_463 = arith.constant 16 : i32
      %add3A_464 = arith.addi %mul3A_462, %add3A_463 : i32
      %get3A_465 = arith.index_cast %add3A_464 : i32 to index
      %get3A_466 = tpu.vector_load %arg12[%get3A_465] {strides = array<i32>} : memref<4096xi32, #tpu.memory_space<vmem>>, vector<16xi32>,
      %gather3A_467 = tpu.vector_load_idx %arg9[%get3A_466] : memref<100000xf32, #tpu.memory_space<vmem>>[vector<16xi32>], vector<16xf32>,
      %add3A_468 = arith.constant 4096 : i32
      %add3A_469 = arith.addi %add3A_468, %add3A_464 : i32
      %swap3A_470 = arith.index_cast %add3A_469 : i32 to index
      %swap3A_471 = tpu.vector_load %arg10[%swap3A_470] {strides = array<i32>} : memref<16384xf32, #tpu.memory_space<vmem>>, vector<16xf32>,
      tpu.vector_store %arg10[%swap3A_470], %gather3A_467 {strides = array<i32>} : memref<16384xf32, #tpu.memory_space<vmem>>, vector<16xf32>,
      %mul3A_472 = arith.constant 16 : i32
      %mul3A_473 = arith.muli %scan3A_448, %mul3A_472 : i32
      %mul3A_474 = arith.constant 8 : i32
      %mul3A_475 = arith.muli %mul3A_473, %mul3A_474 : i32
      %add3A_476 = arith.constant 32 : i32
      %add3A_477 = arith.addi %mul3A_475, %add3A_476 : i32
      %get3A_478 = arith.index_cast %add3A_477 : i32 to index
      %get3A_479 = tpu.vector_load %arg12[%get3A_478] {strides = array<i32>} : memref<4096xi32, #tpu.memory_space<vmem>>, vector<16xi32>,
      %gather3A_480 = tpu.vector_load_idx %arg9[%get3A_479] : memref<100000xf32, #tpu.memory_space<vmem>>[vector<16xi32>], vector<16xf32>,
      %add3A_481 = arith.constant 4096 : i32
      %add3A_482 = arith.addi %add3A_481, %add3A_477 : i32
      %swap3A_483 = arith.index_cast %add3A_482 : i32 to index
      %swap3A_484 = tpu.vector_load %arg10[%swap3A_483] {strides = array<i32>} : memref<16384xf32, #tpu.memory_space<vmem>>, vector<16xf32>,
      tpu.vector_store %arg10[%swap3A_483], %gather3A_480 {strides = array<i32>} : memref<16384xf32, #tpu.memory_space<vmem>>, vector<16xf32>,
      %mul3A_485 = arith.constant 16 : i32
      %mul3A_486 = arith.muli %scan3A_448, %mul3A_485 : i32
      %mul3A_487 = arith.constant 8 : i32
      %mul3A_488 = arith.muli %mul3A_486, %mul3A_487 : i32
      %add3A_489 = arith.constant 48 : i32
      %add3A_490 = arith.addi %mul3A_488, %add3A_489 : i32
      %get3A_491 = arith.index_cast %add3A_490 : i32 to index
      %get3A_492 = tpu.vector_load %arg12[%get3A_491] {strides = array<i32>} : memref<4096xi32, #tpu.memory_space<vmem>>, vector<16xi32>,
      %gather3A_493 = tpu.vector_load_idx %arg9[%get3A_492] : memref<100000xf32, #tpu.memory_space<vmem>>[vector<16xi32>], vector<16xf32>,
      %add3A_494 = arith.constant 4096 : i32
      %add3A_495 = arith.addi %add3A_494, %add3A_490 : i32
      %swap3A_496 = arith.index_cast %add3A_495 : i32 to index
      %swap3A_497 = tpu.vector_load %arg10[%swap3A_496] {strides = array<i32>} : memref<16384xf32, #tpu.memory_space<vmem>>, vector<16xf32>,
      tpu.vector_store %arg10[%swap3A_496], %gather3A_493 {strides = array<i32>} : memref<16384xf32, #tpu.memory_space<vmem>>, vector<16xf32>,
      %mul3A_498 = arith.constant 16 : i32
      %mul3A_499 = arith.muli %scan3A_448, %mul3A_498 : i32
      %mul3A_500 = arith.constant 8 : i32
      %mul3A_501 = arith.muli %mul3A_499, %mul3A_500 : i32
      %add3A_502 = arith.constant 64 : i32
      %add3A_503 = arith.addi %mul3A_501, %add3A_502 : i32
      %get3A_504 = arith.index_cast %add3A_503 : i32 to index
      %get3A_505 = tpu.vector_load %arg12[%get3A_504] {strides = array<i32>} : memref<4096xi32, #tpu.memory_space<vmem>>, vector<16xi32>,
      %gather3A_506 = tpu.vector_load_idx %arg9[%get3A_505] : memref<100000xf32, #tpu.memory_space<vmem>>[vector<16xi32>], vector<16xf32>,
      %add3A_507 = arith.constant 4096 : i32
      %add3A_508 = arith.addi %add3A_507, %add3A_503 : i32
      %swap3A_509 = arith.index_cast %add3A_508 : i32 to index
      %swap3A_510 = tpu.vector_load %arg10[%swap3A_509] {strides = array<i32>} : memref<16384xf32, #tpu.memory_space<vmem>>, vector<16xf32>,
      tpu.vector_store %arg10[%swap3A_509], %gather3A_506 {strides = array<i32>} : memref<16384xf32, #tpu.memory_space<vmem>>, vector<16xf32>,
      %mul3A_511 = arith.constant 16 : i32
      %mul3A_512 = arith.muli %scan3A_448, %mul3A_511 : i32
      %mul3A_513 = arith.constant 8 : i32
      %mul3A_514 = arith.muli %mul3A_512, %mul3A_513 : i32
      %add3A_515 = arith.constant 80 : i32
      %add3A_516 = arith.addi %mul3A_514, %add3A_515 : i32
      %get3A_517 = arith.index_cast %add3A_516 : i32 to index
      %get3A_518 = tpu.vector_load %arg12[%get3A_517] {strides = array<i32>} : memref<4096xi32, #tpu.memory_space<vmem>>, vector<16xi32>,
      %gather3A_519 = tpu.vector_load_idx %arg9[%get3A_518] : memref<100000xf32, #tpu.memory_space<vmem>>[vector<16xi32>], vector<16xf32>,
      %add3A_520 = arith.constant 4096 : i32
      %add3A_521 = arith.addi %add3A_520, %add3A_516 : i32
      %swap3A_522 = arith.index_cast %add3A_521 : i32 to index
      %swap3A_523 = tpu.vector_load %arg10[%swap3A_522] {strides = array<i32>} : memref<16384xf32, #tpu.memory_space<vmem>>, vector<16xf32>,
      tpu.vector_store %arg10[%swap3A_522], %gather3A_519 {strides = array<i32>} : memref<16384xf32, #tpu.memory_space<vmem>>, vector<16xf32>,
      %mul3A_524 = arith.constant 16 : i32
      %mul3A_525 = arith.muli %scan3A_448, %mul3A_524 : i32
      %mul3A_526 = arith.constant 8 : i32
      %mul3A_527 = arith.muli %mul3A_525, %mul3A_526 : i32
      %add3A_528 = arith.constant 96 : i32
      %add3A_529 = arith.addi %mul3A_527, %add3A_528 : i32
      %get3A_530 = arith.index_cast %add3A_529 : i32 to index
      %get3A_531 = tpu.vector_load %arg12[%get3A_530] {strides = array<i32>} : memref<4096xi32, #tpu.memory_space<vmem>>, vector<16xi32>,
      %gather3A_532 = tpu.vector_load_idx %arg9[%get3A_531] : memref<100000xf32, #tpu.memory_space<vmem>>[vector<16xi32>], vector<16xf32>,
      %add3A_533 = arith.constant 4096 : i32
      %add3A_534 = arith.addi %add3A_533, %add3A_529 : i32
      %swap3A_535 = arith.index_cast %add3A_534 : i32 to index
      %swap3A_536 = tpu.vector_load %arg10[%swap3A_535] {strides = array<i32>} : memref<16384xf32, #tpu.memory_space<vmem>>, vector<16xf32>,
      tpu.vector_store %arg10[%swap3A_535], %gather3A_532 {strides = array<i32>} : memref<16384xf32, #tpu.memory_space<vmem>>, vector<16xf32>,
      %mul3A_537 = arith.constant 16 : i32
      %mul3A_538 = arith.muli %scan3A_448, %mul3A_537 : i32
      %mul3A_539 = arith.constant 8 : i32
      %mul3A_540 = arith.muli %mul3A_538, %mul3A_539 : i32
      %add3A_541 = arith.constant 112 : i32
      %add3A_542 = arith.addi %mul3A_540, %add3A_541 : i32
      %get3A_543 = arith.index_cast %add3A_542 : i32 to index
      %get3A_544 = tpu.vector_load %arg12[%get3A_543] {strides = array<i32>} : memref<4096xi32, #tpu.memory_space<vmem>>, vector<16xi32>,
      %gather3A_545 = tpu.vector_load_idx %arg9[%get3A_544] : memref<100000xf32, #tpu.memory_space<vmem>>[vector<16xi32>], vector<16xf32>,
      %add3A_546 = arith.constant 4096 : i32
      %add3A_547 = arith.addi %add3A_546, %add3A_542 : i32
      %swap3A_548 = arith.index_cast %add3A_547 : i32 to index
      %swap3A_549 = tpu.vector_load %arg10[%swap3A_548] {strides = array<i32>} : memref<16384xf32, #tpu.memory_space<vmem>>, vector<16xf32>,
      tpu.vector_store %arg10[%swap3A_548], %gather3A_545 {strides = array<i32>} : memref<16384xf32, #tpu.memory_space<vmem>>, vector<16xf32>,
    }
    %scan3A_275 = arith.constant 32 : i32
    %dma_start3A_276 = arith.constant 12288 : i32
    %dma_start3A_277 = tpu.memref_slice %arg2[%dma_start3A_276] : memref<16384xi32, #tpu.memory_space<hbm>> -> memref<4096xi32, #tpu.memory_space<hbm>>
    %dma_start3A_278 = arith.constant 12288 : i32
    %dma_start3A_279 = tpu.memref_slice %arg2[%dma_start3A_278] : memref<16384xi32, #tpu.memory_space<hbm>> -> memref<4096xi32, #tpu.memory_space<hbm>>
    tpu.enqueue_dma source(%dma_start3A_279 : memref<4096xi32, #tpu.memory_space<hbm>>) target(%arg12 : memref<4096xi32, #tpu.memory_space<vmem>>) target_semaphore(%arg15 : memref<!tpu.dma_semaphore, #tpu.memory_space<semaphore_mem>>)
    %dma_wait3A_280 = arith.constant 8192 : i32
    %dma_wait3A_281 = tpu.memref_slice %arg2[%dma_wait3A_280] : memref<16384xi32, #tpu.memory_space<hbm>> -> memref<4096xi32, #tpu.memory_space<hbm>>
    %dma_wait3A_282 = arith.constant 8192 : i32
    %dma_wait3A_283 = tpu.memref_slice %arg2[%dma_wait3A_282] : memref<16384xi32, #tpu.memory_space<hbm>> -> memref<4096xi32, #tpu.memory_space<hbm>>
    tpu.wait_dma2 semaphore(%arg14 : memref<!tpu.dma_semaphore, #tpu.memory_space<semaphore_mem>>) src(%dma_wait3A_283 : memref<4096xi32, #tpu.memory_space<hbm>>) dst(%arg11 : memref<4096xi32, #tpu.memory_space<vmem>>)
    %scan3A_284 = arith.constant 0 : i32
    %scan3A_285 = arith.constant 0 : i32
    %scan3A_286 = arith.constant 32 : i32
    %scan3A_287 = arith.addi %scan3A_285, %scan3A_286 : i32
    %scan3A_288 = arith.constant 1 : i32
    scf.for %scan3A_448 = %scan3A_285 to %scan3A_287 step %scan3A_288  : i32 {
      %mul3A_449 = arith.constant 16 : i32
      %mul3A_450 = arith.muli %scan3A_448, %mul3A_449 : i32
      %mul3A_451 = arith.constant 8 : i32
      %mul3A_452 = arith.muli %mul3A_450, %mul3A_451 : i32
      %add3A_453 = arith.constant 0 : i32
      %add3A_454 = arith.addi %mul3A_452, %add3A_453 : i32
      %get3A = arith.index_cast %add3A_454 : i32 to index
      %get3A_455 = tpu.vector_load %arg11[%get3A] {strides = array<i32>} : memref<4096xi32, #tpu.memory_space<vmem>>, vector<16xi32>,
      %gather3A = tpu.vector_load_idx %arg9[%get3A_455] : memref<100000xf32, #tpu.memory_space<vmem>>[vector<16xi32>], vector<16xf32>,
      %add3A_456 = arith.constant 8192 : i32
      %add3A_457 = arith.addi %add3A_456, %add3A_454 : i32
      %swap3A = arith.index_cast %add3A_457 : i32 to index
      %swap3A_458 = tpu.vector_load %arg10[%swap3A] {strides = array<i32>} : memref<16384xf32, #tpu.memory_space<vmem>>, vector<16xf32>,
      tpu.vector_store %arg10[%swap3A], %gather3A {strides = array<i32>} : memref<16384xf32, #tpu.memory_space<vmem>>, vector<16xf32>,
      %mul3A_459 = arith.constant 16 : i32
      %mul3A_460 = arith.muli %scan3A_448, %mul3A_459 : i32
      %mul3A_461 = arith.constant 8 : i32
      %mul3A_462 = arith.muli %mul3A_460, %mul3A_461 : i32
      %add3A_463 = arith.constant 16 : i32
      %add3A_464 = arith.addi %mul3A_462, %add3A_463 : i32
      %get3A_465 = arith.index_cast %add3A_464 : i32 to index
      %get3A_466 = tpu.vector_load %arg11[%get3A_465] {strides = array<i32>} : memref<4096xi32, #tpu.memory_space<vmem>>, vector<16xi32>,
      %gather3A_467 = tpu.vector_load_idx %arg9[%get3A_466] : memref<100000xf32, #tpu.memory_space<vmem>>[vector<16xi32>], vector<16xf32>,
      %add3A_468 = arith.constant 8192 : i32
      %add3A_469 = arith.addi %add3A_468, %add3A_464 : i32
      %swap3A_470 = arith.index_cast %add3A_469 : i32 to index
      %swap3A_471 = tpu.vector_load %arg10[%swap3A_470] {strides = array<i32>} : memref<16384xf32, #tpu.memory_space<vmem>>, vector<16xf32>,
      tpu.vector_store %arg10[%swap3A_470], %gather3A_467 {strides = array<i32>} : memref<16384xf32, #tpu.memory_space<vmem>>, vector<16xf32>,
      %mul3A_472 = arith.constant 16 : i32
      %mul3A_473 = arith.muli %scan3A_448, %mul3A_472 : i32
      %mul3A_474 = arith.constant 8 : i32
      %mul3A_475 = arith.muli %mul3A_473, %mul3A_474 : i32
      %add3A_476 = arith.constant 32 : i32
      %add3A_477 = arith.addi %mul3A_475, %add3A_476 : i32
      %get3A_478 = arith.index_cast %add3A_477 : i32 to index
      %get3A_479 = tpu.vector_load %arg11[%get3A_478] {strides = array<i32>} : memref<4096xi32, #tpu.memory_space<vmem>>, vector<16xi32>,
      %gather3A_480 = tpu.vector_load_idx %arg9[%get3A_479] : memref<100000xf32, #tpu.memory_space<vmem>>[vector<16xi32>], vector<16xf32>,
      %add3A_481 = arith.constant 8192 : i32
      %add3A_482 = arith.addi %add3A_481, %add3A_477 : i32
      %swap3A_483 = arith.index_cast %add3A_482 : i32 to index
      %swap3A_484 = tpu.vector_load %arg10[%swap3A_483] {strides = array<i32>} : memref<16384xf32, #tpu.memory_space<vmem>>, vector<16xf32>,
      tpu.vector_store %arg10[%swap3A_483], %gather3A_480 {strides = array<i32>} : memref<16384xf32, #tpu.memory_space<vmem>>, vector<16xf32>,
      %mul3A_485 = arith.constant 16 : i32
      %mul3A_486 = arith.muli %scan3A_448, %mul3A_485 : i32
      %mul3A_487 = arith.constant 8 : i32
      %mul3A_488 = arith.muli %mul3A_486, %mul3A_487 : i32
      %add3A_489 = arith.constant 48 : i32
      %add3A_490 = arith.addi %mul3A_488, %add3A_489 : i32
      %get3A_491 = arith.index_cast %add3A_490 : i32 to index
      %get3A_492 = tpu.vector_load %arg11[%get3A_491] {strides = array<i32>} : memref<4096xi32, #tpu.memory_space<vmem>>, vector<16xi32>,
      %gather3A_493 = tpu.vector_load_idx %arg9[%get3A_492] : memref<100000xf32, #tpu.memory_space<vmem>>[vector<16xi32>], vector<16xf32>,
      %add3A_494 = arith.constant 8192 : i32
      %add3A_495 = arith.addi %add3A_494, %add3A_490 : i32
      %swap3A_496 = arith.index_cast %add3A_495 : i32 to index
      %swap3A_497 = tpu.vector_load %arg10[%swap3A_496] {strides = array<i32>} : memref<16384xf32, #tpu.memory_space<vmem>>, vector<16xf32>,
      tpu.vector_store %arg10[%swap3A_496], %gather3A_493 {strides = array<i32>} : memref<16384xf32, #tpu.memory_space<vmem>>, vector<16xf32>,
      %mul3A_498 = arith.constant 16 : i32
      %mul3A_499 = arith.muli %scan3A_448, %mul3A_498 : i32
      %mul3A_500 = arith.constant 8 : i32
      %mul3A_501 = arith.muli %mul3A_499, %mul3A_500 : i32
      %add3A_502 = arith.constant 64 : i32
      %add3A_503 = arith.addi %mul3A_501, %add3A_502 : i32
      %get3A_504 = arith.index_cast %add3A_503 : i32 to index
      %get3A_505 = tpu.vector_load %arg11[%get3A_504] {strides = array<i32>} : memref<4096xi32, #tpu.memory_space<vmem>>, vector<16xi32>,
      %gather3A_506 = tpu.vector_load_idx %arg9[%get3A_505] : memref<100000xf32, #tpu.memory_space<vmem>>[vector<16xi32>], vector<16xf32>,
      %add3A_507 = arith.constant 8192 : i32
      %add3A_508 = arith.addi %add3A_507, %add3A_503 : i32
      %swap3A_509 = arith.index_cast %add3A_508 : i32 to index
      %swap3A_510 = tpu.vector_load %arg10[%swap3A_509] {strides = array<i32>} : memref<16384xf32, #tpu.memory_space<vmem>>, vector<16xf32>,
      tpu.vector_store %arg10[%swap3A_509], %gather3A_506 {strides = array<i32>} : memref<16384xf32, #tpu.memory_space<vmem>>, vector<16xf32>,
      %mul3A_511 = arith.constant 16 : i32
      %mul3A_512 = arith.muli %scan3A_448, %mul3A_511 : i32
      %mul3A_513 = arith.constant 8 : i32
      %mul3A_514 = arith.muli %mul3A_512, %mul3A_513 : i32
      %add3A_515 = arith.constant 80 : i32
      %add3A_516 = arith.addi %mul3A_514, %add3A_515 : i32
      %get3A_517 = arith.index_cast %add3A_516 : i32 to index
      %get3A_518 = tpu.vector_load %arg11[%get3A_517] {strides = array<i32>} : memref<4096xi32, #tpu.memory_space<vmem>>, vector<16xi32>,
      %gather3A_519 = tpu.vector_load_idx %arg9[%get3A_518] : memref<100000xf32, #tpu.memory_space<vmem>>[vector<16xi32>], vector<16xf32>,
      %add3A_520 = arith.constant 8192 : i32
      %add3A_521 = arith.addi %add3A_520, %add3A_516 : i32
      %swap3A_522 = arith.index_cast %add3A_521 : i32 to index
      %swap3A_523 = tpu.vector_load %arg10[%swap3A_522] {strides = array<i32>} : memref<16384xf32, #tpu.memory_space<vmem>>, vector<16xf32>,
      tpu.vector_store %arg10[%swap3A_522], %gather3A_519 {strides = array<i32>} : memref<16384xf32, #tpu.memory_space<vmem>>, vector<16xf32>,
      %mul3A_524 = arith.constant 16 : i32
      %mul3A_525 = arith.muli %scan3A_448, %mul3A_524 : i32
      %mul3A_526 = arith.constant 8 : i32
      %mul3A_527 = arith.muli %mul3A_525, %mul3A_526 : i32
      %add3A_528 = arith.constant 96 : i32
      %add3A_529 = arith.addi %mul3A_527, %add3A_528 : i32
      %get3A_530 = arith.index_cast %add3A_529 : i32 to index
      %get3A_531 = tpu.vector_load %arg11[%get3A_530] {strides = array<i32>} : memref<4096xi32, #tpu.memory_space<vmem>>, vector<16xi32>,
      %gather3A_532 = tpu.vector_load_idx %arg9[%get3A_531] : memref<100000xf32, #tpu.memory_space<vmem>>[vector<16xi32>], vector<16xf32>,
      %add3A_533 = arith.constant 8192 : i32
      %add3A_534 = arith.addi %add3A_533, %add3A_529 : i32
      %swap3A_535 = arith.index_cast %add3A_534 : i32 to index
      %swap3A_536 = tpu.vector_load %arg10[%swap3A_535] {strides = array<i32>} : memref<16384xf32, #tpu.memory_space<vmem>>, vector<16xf32>,
      tpu.vector_store %arg10[%swap3A_535], %gather3A_532 {strides = array<i32>} : memref<16384xf32, #tpu.memory_space<vmem>>, vector<16xf32>,
      %mul3A_537 = arith.constant 16 : i32
      %mul3A_538 = arith.muli %scan3A_448, %mul3A_537 : i32
      %mul3A_539 = arith.constant 8 : i32
      %mul3A_540 = arith.muli %mul3A_538, %mul3A_539 : i32
      %add3A_541 = arith.constant 112 : i32
      %add3A_542 = arith.addi %mul3A_540, %add3A_541 : i32
      %get3A_543 = arith.index_cast %add3A_542 : i32 to index
      %get3A_544 = tpu.vector_load %arg11[%get3A_543] {strides = array<i32>} : memref<4096xi32, #tpu.memory_space<vmem>>, vector<16xi32>,
      %gather3A_545 = tpu.vector_load_idx %arg9[%get3A_544] : memref<100000xf32, #tpu.memory_space<vmem>>[vector<16xi32>], vector<16xf32>,
      %add3A_546 = arith.constant 8192 : i32
      %add3A_547 = arith.addi %add3A_546, %add3A_542 : i32
      %swap3A_548 = arith.index_cast %add3A_547 : i32 to index
      %swap3A_549 = tpu.vector_load %arg10[%swap3A_548] {strides = array<i32>} : memref<16384xf32, #tpu.memory_space<vmem>>, vector<16xf32>,
      tpu.vector_store %arg10[%swap3A_548], %gather3A_545 {strides = array<i32>} : memref<16384xf32, #tpu.memory_space<vmem>>, vector<16xf32>,
    }
    %scan3A_289 = arith.constant 32 : i32
    %dma_start3A_290 = arith.constant 0 : i32
    %dma_start3A_291 = tpu.memref_slice %arg3[%dma_start3A_290] : memref<16384xi32, #tpu.memory_space<hbm>> -> memref<4096xi32, #tpu.memory_space<hbm>>
    %dma_start3A_292 = arith.constant 0 : i32
    %dma_start3A_293 = tpu.memref_slice %arg3[%dma_start3A_292] : memref<16384xi32, #tpu.memory_space<hbm>> -> memref<4096xi32, #tpu.memory_space<hbm>>
    tpu.enqueue_dma source(%dma_start3A_293 : memref<4096xi32, #tpu.memory_space<hbm>>) target(%arg11 : memref<4096xi32, #tpu.memory_space<vmem>>) target_semaphore(%arg14 : memref<!tpu.dma_semaphore, #tpu.memory_space<semaphore_mem>>)
    %dma_wait3A_294 = arith.constant 12288 : i32
    %dma_wait3A_295 = tpu.memref_slice %arg2[%dma_wait3A_294] : memref<16384xi32, #tpu.memory_space<hbm>> -> memref<4096xi32, #tpu.memory_space<hbm>>
    %dma_wait3A_296 = arith.constant 12288 : i32
    %dma_wait3A_297 = tpu.memref_slice %arg2[%dma_wait3A_296] : memref<16384xi32, #tpu.memory_space<hbm>> -> memref<4096xi32, #tpu.memory_space<hbm>>
    tpu.wait_dma2 semaphore(%arg15 : memref<!tpu.dma_semaphore, #tpu.memory_space<semaphore_mem>>) src(%dma_wait3A_297 : memref<4096xi32, #tpu.memory_space<hbm>>) dst(%arg12 : memref<4096xi32, #tpu.memory_space<vmem>>)
    %scan3A_298 = arith.constant 0 : i32
    %scan3A_299 = arith.constant 0 : i32
    %scan3A_300 = arith.constant 32 : i32
    %scan3A_301 = arith.addi %scan3A_299, %scan3A_300 : i32
    %scan3A_302 = arith.constant 1 : i32
    scf.for %scan3A_448 = %scan3A_299 to %scan3A_301 step %scan3A_302  : i32 {
      %mul3A_449 = arith.constant 16 : i32
      %mul3A_450 = arith.muli %scan3A_448, %mul3A_449 : i32
      %mul3A_451 = arith.constant 8 : i32
      %mul3A_452 = arith.muli %mul3A_450, %mul3A_451 : i32
      %add3A_453 = arith.constant 0 : i32
      %add3A_454 = arith.addi %mul3A_452, %add3A_453 : i32
      %get3A = arith.index_cast %add3A_454 : i32 to index
      %get3A_455 = tpu.vector_load %arg12[%get3A] {strides = array<i32>} : memref<4096xi32, #tpu.memory_space<vmem>>, vector<16xi32>,
      %gather3A = tpu.vector_load_idx %arg9[%get3A_455] : memref<100000xf32, #tpu.memory_space<vmem>>[vector<16xi32>], vector<16xf32>,
      %add3A_456 = arith.constant 12288 : i32
      %add3A_457 = arith.addi %add3A_456, %add3A_454 : i32
      %swap3A = arith.index_cast %add3A_457 : i32 to index
      %swap3A_458 = tpu.vector_load %arg10[%swap3A] {strides = array<i32>} : memref<16384xf32, #tpu.memory_space<vmem>>, vector<16xf32>,
      tpu.vector_store %arg10[%swap3A], %gather3A {strides = array<i32>} : memref<16384xf32, #tpu.memory_space<vmem>>, vector<16xf32>,
      %mul3A_459 = arith.constant 16 : i32
      %mul3A_460 = arith.muli %scan3A_448, %mul3A_459 : i32
      %mul3A_461 = arith.constant 8 : i32
      %mul3A_462 = arith.muli %mul3A_460, %mul3A_461 : i32
      %add3A_463 = arith.constant 16 : i32
      %add3A_464 = arith.addi %mul3A_462, %add3A_463 : i32
      %get3A_465 = arith.index_cast %add3A_464 : i32 to index
      %get3A_466 = tpu.vector_load %arg12[%get3A_465] {strides = array<i32>} : memref<4096xi32, #tpu.memory_space<vmem>>, vector<16xi32>,
      %gather3A_467 = tpu.vector_load_idx %arg9[%get3A_466] : memref<100000xf32, #tpu.memory_space<vmem>>[vector<16xi32>], vector<16xf32>,
      %add3A_468 = arith.constant 12288 : i32
      %add3A_469 = arith.addi %add3A_468, %add3A_464 : i32
      %swap3A_470 = arith.index_cast %add3A_469 : i32 to index
      %swap3A_471 = tpu.vector_load %arg10[%swap3A_470] {strides = array<i32>} : memref<16384xf32, #tpu.memory_space<vmem>>, vector<16xf32>,
      tpu.vector_store %arg10[%swap3A_470], %gather3A_467 {strides = array<i32>} : memref<16384xf32, #tpu.memory_space<vmem>>, vector<16xf32>,
      %mul3A_472 = arith.constant 16 : i32
      %mul3A_473 = arith.muli %scan3A_448, %mul3A_472 : i32
      %mul3A_474 = arith.constant 8 : i32
      %mul3A_475 = arith.muli %mul3A_473, %mul3A_474 : i32
      %add3A_476 = arith.constant 32 : i32
      %add3A_477 = arith.addi %mul3A_475, %add3A_476 : i32
      %get3A_478 = arith.index_cast %add3A_477 : i32 to index
      %get3A_479 = tpu.vector_load %arg12[%get3A_478] {strides = array<i32>} : memref<4096xi32, #tpu.memory_space<vmem>>, vector<16xi32>,
      %gather3A_480 = tpu.vector_load_idx %arg9[%get3A_479] : memref<100000xf32, #tpu.memory_space<vmem>>[vector<16xi32>], vector<16xf32>,
      %add3A_481 = arith.constant 12288 : i32
      %add3A_482 = arith.addi %add3A_481, %add3A_477 : i32
      %swap3A_483 = arith.index_cast %add3A_482 : i32 to index
      %swap3A_484 = tpu.vector_load %arg10[%swap3A_483] {strides = array<i32>} : memref<16384xf32, #tpu.memory_space<vmem>>, vector<16xf32>,
      tpu.vector_store %arg10[%swap3A_483], %gather3A_480 {strides = array<i32>} : memref<16384xf32, #tpu.memory_space<vmem>>, vector<16xf32>,
      %mul3A_485 = arith.constant 16 : i32
      %mul3A_486 = arith.muli %scan3A_448, %mul3A_485 : i32
      %mul3A_487 = arith.constant 8 : i32
      %mul3A_488 = arith.muli %mul3A_486, %mul3A_487 : i32
      %add3A_489 = arith.constant 48 : i32
      %add3A_490 = arith.addi %mul3A_488, %add3A_489 : i32
      %get3A_491 = arith.index_cast %add3A_490 : i32 to index
      %get3A_492 = tpu.vector_load %arg12[%get3A_491] {strides = array<i32>} : memref<4096xi32, #tpu.memory_space<vmem>>, vector<16xi32>,
      %gather3A_493 = tpu.vector_load_idx %arg9[%get3A_492] : memref<100000xf32, #tpu.memory_space<vmem>>[vector<16xi32>], vector<16xf32>,
      %add3A_494 = arith.constant 12288 : i32
      %add3A_495 = arith.addi %add3A_494, %add3A_490 : i32
      %swap3A_496 = arith.index_cast %add3A_495 : i32 to index
      %swap3A_497 = tpu.vector_load %arg10[%swap3A_496] {strides = array<i32>} : memref<16384xf32, #tpu.memory_space<vmem>>, vector<16xf32>,
      tpu.vector_store %arg10[%swap3A_496], %gather3A_493 {strides = array<i32>} : memref<16384xf32, #tpu.memory_space<vmem>>, vector<16xf32>,
      %mul3A_498 = arith.constant 16 : i32
      %mul3A_499 = arith.muli %scan3A_448, %mul3A_498 : i32
      %mul3A_500 = arith.constant 8 : i32
      %mul3A_501 = arith.muli %mul3A_499, %mul3A_500 : i32
      %add3A_502 = arith.constant 64 : i32
      %add3A_503 = arith.addi %mul3A_501, %add3A_502 : i32
      %get3A_504 = arith.index_cast %add3A_503 : i32 to index
      %get3A_505 = tpu.vector_load %arg12[%get3A_504] {strides = array<i32>} : memref<4096xi32, #tpu.memory_space<vmem>>, vector<16xi32>,
      %gather3A_506 = tpu.vector_load_idx %arg9[%get3A_505] : memref<100000xf32, #tpu.memory_space<vmem>>[vector<16xi32>], vector<16xf32>,
      %add3A_507 = arith.constant 12288 : i32
      %add3A_508 = arith.addi %add3A_507, %add3A_503 : i32
      %swap3A_509 = arith.index_cast %add3A_508 : i32 to index
      %swap3A_510 = tpu.vector_load %arg10[%swap3A_509] {strides = array<i32>} : memref<16384xf32, #tpu.memory_space<vmem>>, vector<16xf32>,
      tpu.vector_store %arg10[%swap3A_509], %gather3A_506 {strides = array<i32>} : memref<16384xf32, #tpu.memory_space<vmem>>, vector<16xf32>,
      %mul3A_511 = arith.constant 16 : i32
      %mul3A_512 = arith.muli %scan3A_448, %mul3A_511 : i32
      %mul3A_513 = arith.constant 8 : i32
      %mul3A_514 = arith.muli %mul3A_512, %mul3A_513 : i32
      %add3A_515 = arith.constant 80 : i32
      %add3A_516 = arith.addi %mul3A_514, %add3A_515 : i32
      %get3A_517 = arith.index_cast %add3A_516 : i32 to index
      %get3A_518 = tpu.vector_load %arg12[%get3A_517] {strides = array<i32>} : memref<4096xi32, #tpu.memory_space<vmem>>, vector<16xi32>,
      %gather3A_519 = tpu.vector_load_idx %arg9[%get3A_518] : memref<100000xf32, #tpu.memory_space<vmem>>[vector<16xi32>], vector<16xf32>,
      %add3A_520 = arith.constant 12288 : i32
      %add3A_521 = arith.addi %add3A_520, %add3A_516 : i32
      %swap3A_522 = arith.index_cast %add3A_521 : i32 to index
      %swap3A_523 = tpu.vector_load %arg10[%swap3A_522] {strides = array<i32>} : memref<16384xf32, #tpu.memory_space<vmem>>, vector<16xf32>,
      tpu.vector_store %arg10[%swap3A_522], %gather3A_519 {strides = array<i32>} : memref<16384xf32, #tpu.memory_space<vmem>>, vector<16xf32>,
      %mul3A_524 = arith.constant 16 : i32
      %mul3A_525 = arith.muli %scan3A_448, %mul3A_524 : i32
      %mul3A_526 = arith.constant 8 : i32
      %mul3A_527 = arith.muli %mul3A_525, %mul3A_526 : i32
      %add3A_528 = arith.constant 96 : i32
      %add3A_529 = arith.addi %mul3A_527, %add3A_528 : i32
      %get3A_530 = arith.index_cast %add3A_529 : i32 to index
      %get3A_531 = tpu.vector_load %arg12[%get3A_530] {strides = array<i32>} : memref<4096xi32, #tpu.memory_space<vmem>>, vector<16xi32>,
      %gather3A_532 = tpu.vector_load_idx %arg9[%get3A_531] : memref<100000xf32, #tpu.memory_space<vmem>>[vector<16xi32>], vector<16xf32>,
      %add3A_533 = arith.constant 12288 : i32
      %add3A_534 = arith.addi %add3A_533, %add3A_529 : i32
      %swap3A_535 = arith.index_cast %add3A_534 : i32 to index
      %swap3A_536 = tpu.vector_load %arg10[%swap3A_535] {strides = array<i32>} : memref<16384xf32, #tpu.memory_space<vmem>>, vector<16xf32>,
      tpu.vector_store %arg10[%swap3A_535], %gather3A_532 {strides = array<i32>} : memref<16384xf32, #tpu.memory_space<vmem>>, vector<16xf32>,
      %mul3A_537 = arith.constant 16 : i32
      %mul3A_538 = arith.muli %scan3A_448, %mul3A_537 : i32
      %mul3A_539 = arith.constant 8 : i32
      %mul3A_540 = arith.muli %mul3A_538, %mul3A_539 : i32
      %add3A_541 = arith.constant 112 : i32
      %add3A_542 = arith.addi %mul3A_540, %add3A_541 : i32
      %get3A_543 = arith.index_cast %add3A_542 : i32 to index
      %get3A_544 = tpu.vector_load %arg12[%get3A_543] {strides = array<i32>} : memref<4096xi32, #tpu.memory_space<vmem>>, vector<16xi32>,
      %gather3A_545 = tpu.vector_load_idx %arg9[%get3A_544] : memref<100000xf32, #tpu.memory_space<vmem>>[vector<16xi32>], vector<16xf32>,
      %add3A_546 = arith.constant 12288 : i32
      %add3A_547 = arith.addi %add3A_546, %add3A_542 : i32
      %swap3A_548 = arith.index_cast %add3A_547 : i32 to index
      %swap3A_549 = tpu.vector_load %arg10[%swap3A_548] {strides = array<i32>} : memref<16384xf32, #tpu.memory_space<vmem>>, vector<16xf32>,
      tpu.vector_store %arg10[%swap3A_548], %gather3A_545 {strides = array<i32>} : memref<16384xf32, #tpu.memory_space<vmem>>, vector<16xf32>,
    }
    %scan3A_303 = arith.constant 32 : i32
    %mul3A_304 = arith.constant 2 : i32
    %mul3A_305 = arith.muli %add3A, %mul3A_304 : i32
    %add3A_306 = arith.constant 1 : i32
    %add3A_307 = arith.addi %mul3A_305, %add3A_306 : i32
    %dma_start3A_308 = arith.constant 0 : i32
    %dma_start3A_309 = tpu.memref_slice %arg6[%add3A_307, %dma_start3A_308] : memref<64x100000xf32, #tpu.memory_space<hbm>> -> memref<1x100000xf32, #tpu.memory_space<hbm>>
    %dma_start3A_310 = tpu.memref_squeeze %dma_start3A_309 : memref<1x100000xf32, #tpu.memory_space<hbm>> -> memref<100000xf32, #tpu.memory_space<hbm>>
    %dma_start3A_311 = arith.constant 0 : i32
    %dma_start3A_312 = tpu.memref_slice %arg6[%add3A_307, %dma_start3A_311] : memref<64x100000xf32, #tpu.memory_space<hbm>> -> memref<1x100000xf32, #tpu.memory_space<hbm>>
    %dma_start3A_313 = tpu.memref_squeeze %dma_start3A_312 : memref<1x100000xf32, #tpu.memory_space<hbm>> -> memref<100000xf32, #tpu.memory_space<hbm>>
    tpu.enqueue_dma source(%dma_start3A_313 : memref<100000xf32, #tpu.memory_space<hbm>>) target(%arg9 : memref<100000xf32, #tpu.memory_space<vmem>>) target_semaphore(%arg13 : memref<!tpu.dma_semaphore, #tpu.memory_space<semaphore_mem>>)
    %dma_wait3A_314 = arith.constant 0 : i32
    %dma_wait3A_315 = tpu.memref_slice %arg6[%add3A_307, %dma_wait3A_314] : memref<64x100000xf32, #tpu.memory_space<hbm>> -> memref<1x100000xf32, #tpu.memory_space<hbm>>
    %dma_wait3A_316 = tpu.memref_squeeze %dma_wait3A_315 : memref<1x100000xf32, #tpu.memory_space<hbm>> -> memref<100000xf32, #tpu.memory_space<hbm>>
    %dma_wait3A_317 = arith.constant 0 : i32
    %dma_wait3A_318 = tpu.memref_slice %arg6[%add3A_307, %dma_wait3A_317] : memref<64x100000xf32, #tpu.memory_space<hbm>> -> memref<1x100000xf32, #tpu.memory_space<hbm>>
    %dma_wait3A_319 = tpu.memref_squeeze %dma_wait3A_318 : memref<1x100000xf32, #tpu.memory_space<hbm>> -> memref<100000xf32, #tpu.memory_space<hbm>>
    tpu.wait_dma2 semaphore(%arg13 : memref<!tpu.dma_semaphore, #tpu.memory_space<semaphore_mem>>) src(%dma_wait3A_319 : memref<100000xf32, #tpu.memory_space<hbm>>) dst(%arg9 : memref<100000xf32, #tpu.memory_space<vmem>>)
    %dma_start3A_320 = arith.constant 4096 : i32
    %dma_start3A_321 = tpu.memref_slice %arg3[%dma_start3A_320] : memref<16384xi32, #tpu.memory_space<hbm>> -> memref<4096xi32, #tpu.memory_space<hbm>>
    %dma_start3A_322 = arith.constant 4096 : i32
    %dma_start3A_323 = tpu.memref_slice %arg3[%dma_start3A_322] : memref<16384xi32, #tpu.memory_space<hbm>> -> memref<4096xi32, #tpu.memory_space<hbm>>
    tpu.enqueue_dma source(%dma_start3A_323 : memref<4096xi32, #tpu.memory_space<hbm>>) target(%arg12 : memref<4096xi32, #tpu.memory_space<vmem>>) target_semaphore(%arg15 : memref<!tpu.dma_semaphore, #tpu.memory_space<semaphore_mem>>)
    %dma_wait3A_324 = arith.constant 0 : i32
    %dma_wait3A_325 = tpu.memref_slice %arg3[%dma_wait3A_324] : memref<16384xi32, #tpu.memory_space<hbm>> -> memref<4096xi32, #tpu.memory_space<hbm>>
    %dma_wait3A_326 = arith.constant 0 : i32
    %dma_wait3A_327 = tpu.memref_slice %arg3[%dma_wait3A_326] : memref<16384xi32, #tpu.memory_space<hbm>> -> memref<4096xi32, #tpu.memory_space<hbm>>
    tpu.wait_dma2 semaphore(%arg14 : memref<!tpu.dma_semaphore, #tpu.memory_space<semaphore_mem>>) src(%dma_wait3A_327 : memref<4096xi32, #tpu.memory_space<hbm>>) dst(%arg11 : memref<4096xi32, #tpu.memory_space<vmem>>)
    %scan3A_328 = arith.constant 0 : i32
    %scan3A_329 = arith.constant 0 : i32
    %scan3A_330 = arith.constant 32 : i32
    %scan3A_331 = arith.addi %scan3A_329, %scan3A_330 : i32
    %scan3A_332 = arith.constant 1 : i32
    scf.for %scan3A_448 = %scan3A_329 to %scan3A_331 step %scan3A_332  : i32 {
      %mul3A_449 = arith.constant 16 : i32
      %mul3A_450 = arith.muli %scan3A_448, %mul3A_449 : i32
      %mul3A_451 = arith.constant 8 : i32
      %mul3A_452 = arith.muli %mul3A_450, %mul3A_451 : i32
      %add3A_453 = arith.constant 0 : i32
      %add3A_454 = arith.addi %mul3A_452, %add3A_453 : i32
      %get3A = arith.index_cast %add3A_454 : i32 to index
      %get3A_455 = tpu.vector_load %arg11[%get3A] {strides = array<i32>} : memref<4096xi32, #tpu.memory_space<vmem>>, vector<16xi32>,
      %gather3A = tpu.vector_load_idx %arg9[%get3A_455] : memref<100000xf32, #tpu.memory_space<vmem>>[vector<16xi32>], vector<16xf32>,
      %add3A_456 = arith.constant 0 : i32
      %add3A_457 = arith.addi %add3A_456, %add3A_454 : i32
      %swap3A = arith.index_cast %add3A_457 : i32 to index
      %swap3A_458 = tpu.vector_load %arg10[%swap3A] {strides = array<i32>} : memref<16384xf32, #tpu.memory_space<vmem>>, vector<16xf32>,
      tpu.vector_store %arg10[%swap3A], %gather3A {add = true, strides = array<i32>} : memref<16384xf32, #tpu.memory_space<vmem>>, vector<16xf32>,
      %mul3A_459 = arith.constant 16 : i32
      %mul3A_460 = arith.muli %scan3A_448, %mul3A_459 : i32
      %mul3A_461 = arith.constant 8 : i32
      %mul3A_462 = arith.muli %mul3A_460, %mul3A_461 : i32
      %add3A_463 = arith.constant 16 : i32
      %add3A_464 = arith.addi %mul3A_462, %add3A_463 : i32
      %get3A_465 = arith.index_cast %add3A_464 : i32 to index
      %get3A_466 = tpu.vector_load %arg11[%get3A_465] {strides = array<i32>} : memref<4096xi32, #tpu.memory_space<vmem>>, vector<16xi32>,
      %gather3A_467 = tpu.vector_load_idx %arg9[%get3A_466] : memref<100000xf32, #tpu.memory_space<vmem>>[vector<16xi32>], vector<16xf32>,
      %add3A_468 = arith.constant 0 : i32
      %add3A_469 = arith.addi %add3A_468, %add3A_464 : i32
      %swap3A_470 = arith.index_cast %add3A_469 : i32 to index
      %swap3A_471 = tpu.vector_load %arg10[%swap3A_470] {strides = array<i32>} : memref<16384xf32, #tpu.memory_space<vmem>>, vector<16xf32>,
      tpu.vector_store %arg10[%swap3A_470], %gather3A_467 {add = true, strides = array<i32>} : memref<16384xf32, #tpu.memory_space<vmem>>, vector<16xf32>,
      %mul3A_472 = arith.constant 16 : i32
      %mul3A_473 = arith.muli %scan3A_448, %mul3A_472 : i32
      %mul3A_474 = arith.constant 8 : i32
      %mul3A_475 = arith.muli %mul3A_473, %mul3A_474 : i32
      %add3A_476 = arith.constant 32 : i32
      %add3A_477 = arith.addi %mul3A_475, %add3A_476 : i32
      %get3A_478 = arith.index_cast %add3A_477 : i32 to index
      %get3A_479 = tpu.vector_load %arg11[%get3A_478] {strides = array<i32>} : memref<4096xi32, #tpu.memory_space<vmem>>, vector<16xi32>,
      %gather3A_480 = tpu.vector_load_idx %arg9[%get3A_479] : memref<100000xf32, #tpu.memory_space<vmem>>[vector<16xi32>], vector<16xf32>,
      %add3A_481 = arith.constant 0 : i32
      %add3A_482 = arith.addi %add3A_481, %add3A_477 : i32
      %swap3A_483 = arith.index_cast %add3A_482 : i32 to index
      %swap3A_484 = tpu.vector_load %arg10[%swap3A_483] {strides = array<i32>} : memref<16384xf32, #tpu.memory_space<vmem>>, vector<16xf32>,
      tpu.vector_store %arg10[%swap3A_483], %gather3A_480 {add = true, strides = array<i32>} : memref<16384xf32, #tpu.memory_space<vmem>>, vector<16xf32>,
      %mul3A_485 = arith.constant 16 : i32
      %mul3A_486 = arith.muli %scan3A_448, %mul3A_485 : i32
      %mul3A_487 = arith.constant 8 : i32
      %mul3A_488 = arith.muli %mul3A_486, %mul3A_487 : i32
      %add3A_489 = arith.constant 48 : i32
      %add3A_490 = arith.addi %mul3A_488, %add3A_489 : i32
      %get3A_491 = arith.index_cast %add3A_490 : i32 to index
      %get3A_492 = tpu.vector_load %arg11[%get3A_491] {strides = array<i32>} : memref<4096xi32, #tpu.memory_space<vmem>>, vector<16xi32>,
      %gather3A_493 = tpu.vector_load_idx %arg9[%get3A_492] : memref<100000xf32, #tpu.memory_space<vmem>>[vector<16xi32>], vector<16xf32>,
      %add3A_494 = arith.constant 0 : i32
      %add3A_495 = arith.addi %add3A_494, %add3A_490 : i32
      %swap3A_496 = arith.index_cast %add3A_495 : i32 to index
      %swap3A_497 = tpu.vector_load %arg10[%swap3A_496] {strides = array<i32>} : memref<16384xf32, #tpu.memory_space<vmem>>, vector<16xf32>,
      tpu.vector_store %arg10[%swap3A_496], %gather3A_493 {add = true, strides = array<i32>} : memref<16384xf32, #tpu.memory_space<vmem>>, vector<16xf32>,
      %mul3A_498 = arith.constant 16 : i32
      %mul3A_499 = arith.muli %scan3A_448, %mul3A_498 : i32
      %mul3A_500 = arith.constant 8 : i32
      %mul3A_501 = arith.muli %mul3A_499, %mul3A_500 : i32
      %add3A_502 = arith.constant 64 : i32
      %add3A_503 = arith.addi %mul3A_501, %add3A_502 : i32
      %get3A_504 = arith.index_cast %add3A_503 : i32 to index
      %get3A_505 = tpu.vector_load %arg11[%get3A_504] {strides = array<i32>} : memref<4096xi32, #tpu.memory_space<vmem>>, vector<16xi32>,
      %gather3A_506 = tpu.vector_load_idx %arg9[%get3A_505] : memref<100000xf32, #tpu.memory_space<vmem>>[vector<16xi32>], vector<16xf32>,
      %add3A_507 = arith.constant 0 : i32
      %add3A_508 = arith.addi %add3A_507, %add3A_503 : i32
      %swap3A_509 = arith.index_cast %add3A_508 : i32 to index
      %swap3A_510 = tpu.vector_load %arg10[%swap3A_509] {strides = array<i32>} : memref<16384xf32, #tpu.memory_space<vmem>>, vector<16xf32>,
      tpu.vector_store %arg10[%swap3A_509], %gather3A_506 {add = true, strides = array<i32>} : memref<16384xf32, #tpu.memory_space<vmem>>, vector<16xf32>,
      %mul3A_511 = arith.constant 16 : i32
      %mul3A_512 = arith.muli %scan3A_448, %mul3A_511 : i32
      %mul3A_513 = arith.constant 8 : i32
      %mul3A_514 = arith.muli %mul3A_512, %mul3A_513 : i32
      %add3A_515 = arith.constant 80 : i32
      %add3A_516 = arith.addi %mul3A_514, %add3A_515 : i32
      %get3A_517 = arith.index_cast %add3A_516 : i32 to index
      %get3A_518 = tpu.vector_load %arg11[%get3A_517] {strides = array<i32>} : memref<4096xi32, #tpu.memory_space<vmem>>, vector<16xi32>,
      %gather3A_519 = tpu.vector_load_idx %arg9[%get3A_518] : memref<100000xf32, #tpu.memory_space<vmem>>[vector<16xi32>], vector<16xf32>,
      %add3A_520 = arith.constant 0 : i32
      %add3A_521 = arith.addi %add3A_520, %add3A_516 : i32
      %swap3A_522 = arith.index_cast %add3A_521 : i32 to index
      %swap3A_523 = tpu.vector_load %arg10[%swap3A_522] {strides = array<i32>} : memref<16384xf32, #tpu.memory_space<vmem>>, vector<16xf32>,
      tpu.vector_store %arg10[%swap3A_522], %gather3A_519 {add = true, strides = array<i32>} : memref<16384xf32, #tpu.memory_space<vmem>>, vector<16xf32>,
      %mul3A_524 = arith.constant 16 : i32
      %mul3A_525 = arith.muli %scan3A_448, %mul3A_524 : i32
      %mul3A_526 = arith.constant 8 : i32
      %mul3A_527 = arith.muli %mul3A_525, %mul3A_526 : i32
      %add3A_528 = arith.constant 96 : i32
      %add3A_529 = arith.addi %mul3A_527, %add3A_528 : i32
      %get3A_530 = arith.index_cast %add3A_529 : i32 to index
      %get3A_531 = tpu.vector_load %arg11[%get3A_530] {strides = array<i32>} : memref<4096xi32, #tpu.memory_space<vmem>>, vector<16xi32>,
      %gather3A_532 = tpu.vector_load_idx %arg9[%get3A_531] : memref<100000xf32, #tpu.memory_space<vmem>>[vector<16xi32>], vector<16xf32>,
      %add3A_533 = arith.constant 0 : i32
      %add3A_534 = arith.addi %add3A_533, %add3A_529 : i32
      %swap3A_535 = arith.index_cast %add3A_534 : i32 to index
      %swap3A_536 = tpu.vector_load %arg10[%swap3A_535] {strides = array<i32>} : memref<16384xf32, #tpu.memory_space<vmem>>, vector<16xf32>,
      tpu.vector_store %arg10[%swap3A_535], %gather3A_532 {add = true, strides = array<i32>} : memref<16384xf32, #tpu.memory_space<vmem>>, vector<16xf32>,
      %mul3A_537 = arith.constant 16 : i32
      %mul3A_538 = arith.muli %scan3A_448, %mul3A_537 : i32
      %mul3A_539 = arith.constant 8 : i32
      %mul3A_540 = arith.muli %mul3A_538, %mul3A_539 : i32
      %add3A_541 = arith.constant 112 : i32
      %add3A_542 = arith.addi %mul3A_540, %add3A_541 : i32
      %get3A_543 = arith.index_cast %add3A_542 : i32 to index
      %get3A_544 = tpu.vector_load %arg11[%get3A_543] {strides = array<i32>} : memref<4096xi32, #tpu.memory_space<vmem>>, vector<16xi32>,
      %gather3A_545 = tpu.vector_load_idx %arg9[%get3A_544] : memref<100000xf32, #tpu.memory_space<vmem>>[vector<16xi32>], vector<16xf32>,
      %add3A_546 = arith.constant 0 : i32
      %add3A_547 = arith.addi %add3A_546, %add3A_542 : i32
      %swap3A_548 = arith.index_cast %add3A_547 : i32 to index
      %swap3A_549 = tpu.vector_load %arg10[%swap3A_548] {strides = array<i32>} : memref<16384xf32, #tpu.memory_space<vmem>>, vector<16xf32>,
      tpu.vector_store %arg10[%swap3A_548], %gather3A_545 {add = true, strides = array<i32>} : memref<16384xf32, #tpu.memory_space<vmem>>, vector<16xf32>,
    }
    %scan3A_333 = arith.constant 32 : i32
    %dma_start3A_334 = arith.constant 8192 : i32
    %dma_start3A_335 = tpu.memref_slice %arg3[%dma_start3A_334] : memref<16384xi32, #tpu.memory_space<hbm>> -> memref<4096xi32, #tpu.memory_space<hbm>>
    %dma_start3A_336 = arith.constant 8192 : i32
    %dma_start3A_337 = tpu.memref_slice %arg3[%dma_start3A_336] : memref<16384xi32, #tpu.memory_space<hbm>> -> memref<4096xi32, #tpu.memory_space<hbm>>
    tpu.enqueue_dma source(%dma_start3A_337 : memref<4096xi32, #tpu.memory_space<hbm>>) target(%arg11 : memref<4096xi32, #tpu.memory_space<vmem>>) target_semaphore(%arg14 : memref<!tpu.dma_semaphore, #tpu.memory_space<semaphore_mem>>)
    %dma_wait3A_338 = arith.constant 4096 : i32
    %dma_wait3A_339 = tpu.memref_slice %arg3[%dma_wait3A_338] : memref<16384xi32, #tpu.memory_space<hbm>> -> memref<4096xi32, #tpu.memory_space<hbm>>
    %dma_wait3A_340 = arith.constant 4096 : i32
    %dma_wait3A_341 = tpu.memref_slice %arg3[%dma_wait3A_340] : memref<16384xi32, #tpu.memory_space<hbm>> -> memref<4096xi32, #tpu.memory_space<hbm>>
    tpu.wait_dma2 semaphore(%arg15 : memref<!tpu.dma_semaphore, #tpu.memory_space<semaphore_mem>>) src(%dma_wait3A_341 : memref<4096xi32, #tpu.memory_space<hbm>>) dst(%arg12 : memref<4096xi32, #tpu.memory_space<vmem>>)
    %scan3A_342 = arith.constant 0 : i32
    %scan3A_343 = arith.constant 0 : i32
    %scan3A_344 = arith.constant 32 : i32
    %scan3A_345 = arith.addi %scan3A_343, %scan3A_344 : i32
    %scan3A_346 = arith.constant 1 : i32
    scf.for %scan3A_448 = %scan3A_343 to %scan3A_345 step %scan3A_346  : i32 {
      %mul3A_449 = arith.constant 16 : i32
      %mul3A_450 = arith.muli %scan3A_448, %mul3A_449 : i32
      %mul3A_451 = arith.constant 8 : i32
      %mul3A_452 = arith.muli %mul3A_450, %mul3A_451 : i32
      %add3A_453 = arith.constant 0 : i32
      %add3A_454 = arith.addi %mul3A_452, %add3A_453 : i32
      %get3A = arith.index_cast %add3A_454 : i32 to index
      %get3A_455 = tpu.vector_load %arg12[%get3A] {strides = array<i32>} : memref<4096xi32, #tpu.memory_space<vmem>>, vector<16xi32>,
      %gather3A = tpu.vector_load_idx %arg9[%get3A_455] : memref<100000xf32, #tpu.memory_space<vmem>>[vector<16xi32>], vector<16xf32>,
      %add3A_456 = arith.constant 4096 : i32
      %add3A_457 = arith.addi %add3A_456, %add3A_454 : i32
      %swap3A = arith.index_cast %add3A_457 : i32 to index
      %swap3A_458 = tpu.vector_load %arg10[%swap3A] {strides = array<i32>} : memref<16384xf32, #tpu.memory_space<vmem>>, vector<16xf32>,
      tpu.vector_store %arg10[%swap3A], %gather3A {add = true, strides = array<i32>} : memref<16384xf32, #tpu.memory_space<vmem>>, vector<16xf32>,
      %mul3A_459 = arith.constant 16 : i32
      %mul3A_460 = arith.muli %scan3A_448, %mul3A_459 : i32
      %mul3A_461 = arith.constant 8 : i32
      %mul3A_462 = arith.muli %mul3A_460, %mul3A_461 : i32
      %add3A_463 = arith.constant 16 : i32
      %add3A_464 = arith.addi %mul3A_462, %add3A_463 : i32
      %get3A_465 = arith.index_cast %add3A_464 : i32 to index
      %get3A_466 = tpu.vector_load %arg12[%get3A_465] {strides = array<i32>} : memref<4096xi32, #tpu.memory_space<vmem>>, vector<16xi32>,
      %gather3A_467 = tpu.vector_load_idx %arg9[%get3A_466] : memref<100000xf32, #tpu.memory_space<vmem>>[vector<16xi32>], vector<16xf32>,
      %add3A_468 = arith.constant 4096 : i32
      %add3A_469 = arith.addi %add3A_468, %add3A_464 : i32
      %swap3A_470 = arith.index_cast %add3A_469 : i32 to index
      %swap3A_471 = tpu.vector_load %arg10[%swap3A_470] {strides = array<i32>} : memref<16384xf32, #tpu.memory_space<vmem>>, vector<16xf32>,
      tpu.vector_store %arg10[%swap3A_470], %gather3A_467 {add = true, strides = array<i32>} : memref<16384xf32, #tpu.memory_space<vmem>>, vector<16xf32>,
      %mul3A_472 = arith.constant 16 : i32
      %mul3A_473 = arith.muli %scan3A_448, %mul3A_472 : i32
      %mul3A_474 = arith.constant 8 : i32
      %mul3A_475 = arith.muli %mul3A_473, %mul3A_474 : i32
      %add3A_476 = arith.constant 32 : i32
      %add3A_477 = arith.addi %mul3A_475, %add3A_476 : i32
      %get3A_478 = arith.index_cast %add3A_477 : i32 to index
      %get3A_479 = tpu.vector_load %arg12[%get3A_478] {strides = array<i32>} : memref<4096xi32, #tpu.memory_space<vmem>>, vector<16xi32>,
      %gather3A_480 = tpu.vector_load_idx %arg9[%get3A_479] : memref<100000xf32, #tpu.memory_space<vmem>>[vector<16xi32>], vector<16xf32>,
      %add3A_481 = arith.constant 4096 : i32
      %add3A_482 = arith.addi %add3A_481, %add3A_477 : i32
      %swap3A_483 = arith.index_cast %add3A_482 : i32 to index
      %swap3A_484 = tpu.vector_load %arg10[%swap3A_483] {strides = array<i32>} : memref<16384xf32, #tpu.memory_space<vmem>>, vector<16xf32>,
      tpu.vector_store %arg10[%swap3A_483], %gather3A_480 {add = true, strides = array<i32>} : memref<16384xf32, #tpu.memory_space<vmem>>, vector<16xf32>,
      %mul3A_485 = arith.constant 16 : i32
      %mul3A_486 = arith.muli %scan3A_448, %mul3A_485 : i32
      %mul3A_487 = arith.constant 8 : i32
      %mul3A_488 = arith.muli %mul3A_486, %mul3A_487 : i32
      %add3A_489 = arith.constant 48 : i32
      %add3A_490 = arith.addi %mul3A_488, %add3A_489 : i32
      %get3A_491 = arith.index_cast %add3A_490 : i32 to index
      %get3A_492 = tpu.vector_load %arg12[%get3A_491] {strides = array<i32>} : memref<4096xi32, #tpu.memory_space<vmem>>, vector<16xi32>,
      %gather3A_493 = tpu.vector_load_idx %arg9[%get3A_492] : memref<100000xf32, #tpu.memory_space<vmem>>[vector<16xi32>], vector<16xf32>,
      %add3A_494 = arith.constant 4096 : i32
      %add3A_495 = arith.addi %add3A_494, %add3A_490 : i32
      %swap3A_496 = arith.index_cast %add3A_495 : i32 to index
      %swap3A_497 = tpu.vector_load %arg10[%swap3A_496] {strides = array<i32>} : memref<16384xf32, #tpu.memory_space<vmem>>, vector<16xf32>,
      tpu.vector_store %arg10[%swap3A_496], %gather3A_493 {add = true, strides = array<i32>} : memref<16384xf32, #tpu.memory_space<vmem>>, vector<16xf32>,
      %mul3A_498 = arith.constant 16 : i32
      %mul3A_499 = arith.muli %scan3A_448, %mul3A_498 : i32
      %mul3A_500 = arith.constant 8 : i32
      %mul3A_501 = arith.muli %mul3A_499, %mul3A_500 : i32
      %add3A_502 = arith.constant 64 : i32
      %add3A_503 = arith.addi %mul3A_501, %add3A_502 : i32
      %get3A_504 = arith.index_cast %add3A_503 : i32 to index
      %get3A_505 = tpu.vector_load %arg12[%get3A_504] {strides = array<i32>} : memref<4096xi32, #tpu.memory_space<vmem>>, vector<16xi32>,
      %gather3A_506 = tpu.vector_load_idx %arg9[%get3A_505] : memref<100000xf32, #tpu.memory_space<vmem>>[vector<16xi32>], vector<16xf32>,
      %add3A_507 = arith.constant 4096 : i32
      %add3A_508 = arith.addi %add3A_507, %add3A_503 : i32
      %swap3A_509 = arith.index_cast %add3A_508 : i32 to index
      %swap3A_510 = tpu.vector_load %arg10[%swap3A_509] {strides = array<i32>} : memref<16384xf32, #tpu.memory_space<vmem>>, vector<16xf32>,
      tpu.vector_store %arg10[%swap3A_509], %gather3A_506 {add = true, strides = array<i32>} : memref<16384xf32, #tpu.memory_space<vmem>>, vector<16xf32>,
      %mul3A_511 = arith.constant 16 : i32
      %mul3A_512 = arith.muli %scan3A_448, %mul3A_511 : i32
      %mul3A_513 = arith.constant 8 : i32
      %mul3A_514 = arith.muli %mul3A_512, %mul3A_513 : i32
      %add3A_515 = arith.constant 80 : i32
      %add3A_516 = arith.addi %mul3A_514, %add3A_515 : i32
      %get3A_517 = arith.index_cast %add3A_516 : i32 to index
      %get3A_518 = tpu.vector_load %arg12[%get3A_517] {strides = array<i32>} : memref<4096xi32, #tpu.memory_space<vmem>>, vector<16xi32>,
      %gather3A_519 = tpu.vector_load_idx %arg9[%get3A_518] : memref<100000xf32, #tpu.memory_space<vmem>>[vector<16xi32>], vector<16xf32>,
      %add3A_520 = arith.constant 4096 : i32
      %add3A_521 = arith.addi %add3A_520, %add3A_516 : i32
      %swap3A_522 = arith.index_cast %add3A_521 : i32 to index
      %swap3A_523 = tpu.vector_load %arg10[%swap3A_522] {strides = array<i32>} : memref<16384xf32, #tpu.memory_space<vmem>>, vector<16xf32>,
      tpu.vector_store %arg10[%swap3A_522], %gather3A_519 {add = true, strides = array<i32>} : memref<16384xf32, #tpu.memory_space<vmem>>, vector<16xf32>,
      %mul3A_524 = arith.constant 16 : i32
      %mul3A_525 = arith.muli %scan3A_448, %mul3A_524 : i32
      %mul3A_526 = arith.constant 8 : i32
      %mul3A_527 = arith.muli %mul3A_525, %mul3A_526 : i32
      %add3A_528 = arith.constant 96 : i32
      %add3A_529 = arith.addi %mul3A_527, %add3A_528 : i32
      %get3A_530 = arith.index_cast %add3A_529 : i32 to index
      %get3A_531 = tpu.vector_load %arg12[%get3A_530] {strides = array<i32>} : memref<4096xi32, #tpu.memory_space<vmem>>, vector<16xi32>,
      %gather3A_532 = tpu.vector_load_idx %arg9[%get3A_531] : memref<100000xf32, #tpu.memory_space<vmem>>[vector<16xi32>], vector<16xf32>,
      %add3A_533 = arith.constant 4096 : i32
      %add3A_534 = arith.addi %add3A_533, %add3A_529 : i32
      %swap3A_535 = arith.index_cast %add3A_534 : i32 to index
      %swap3A_536 = tpu.vector_load %arg10[%swap3A_535] {strides = array<i32>} : memref<16384xf32, #tpu.memory_space<vmem>>, vector<16xf32>,
      tpu.vector_store %arg10[%swap3A_535], %gather3A_532 {add = true, strides = array<i32>} : memref<16384xf32, #tpu.memory_space<vmem>>, vector<16xf32>,
      %mul3A_537 = arith.constant 16 : i32
      %mul3A_538 = arith.muli %scan3A_448, %mul3A_537 : i32
      %mul3A_539 = arith.constant 8 : i32
      %mul3A_540 = arith.muli %mul3A_538, %mul3A_539 : i32
      %add3A_541 = arith.constant 112 : i32
      %add3A_542 = arith.addi %mul3A_540, %add3A_541 : i32
      %get3A_543 = arith.index_cast %add3A_542 : i32 to index
      %get3A_544 = tpu.vector_load %arg12[%get3A_543] {strides = array<i32>} : memref<4096xi32, #tpu.memory_space<vmem>>, vector<16xi32>,
      %gather3A_545 = tpu.vector_load_idx %arg9[%get3A_544] : memref<100000xf32, #tpu.memory_space<vmem>>[vector<16xi32>], vector<16xf32>,
      %add3A_546 = arith.constant 4096 : i32
      %add3A_547 = arith.addi %add3A_546, %add3A_542 : i32
      %swap3A_548 = arith.index_cast %add3A_547 : i32 to index
      %swap3A_549 = tpu.vector_load %arg10[%swap3A_548] {strides = array<i32>} : memref<16384xf32, #tpu.memory_space<vmem>>, vector<16xf32>,
      tpu.vector_store %arg10[%swap3A_548], %gather3A_545 {add = true, strides = array<i32>} : memref<16384xf32, #tpu.memory_space<vmem>>, vector<16xf32>,
    }
    %scan3A_347 = arith.constant 32 : i32
    %dma_start3A_348 = arith.constant 12288 : i32
    %dma_start3A_349 = tpu.memref_slice %arg3[%dma_start3A_348] : memref<16384xi32, #tpu.memory_space<hbm>> -> memref<4096xi32, #tpu.memory_space<hbm>>
    %dma_start3A_350 = arith.constant 12288 : i32
    %dma_start3A_351 = tpu.memref_slice %arg3[%dma_start3A_350] : memref<16384xi32, #tpu.memory_space<hbm>> -> memref<4096xi32, #tpu.memory_space<hbm>>
    tpu.enqueue_dma source(%dma_start3A_351 : memref<4096xi32, #tpu.memory_space<hbm>>) target(%arg12 : memref<4096xi32, #tpu.memory_space<vmem>>) target_semaphore(%arg15 : memref<!tpu.dma_semaphore, #tpu.memory_space<semaphore_mem>>)
    %dma_wait3A_352 = arith.constant 8192 : i32
    %dma_wait3A_353 = tpu.memref_slice %arg3[%dma_wait3A_352] : memref<16384xi32, #tpu.memory_space<hbm>> -> memref<4096xi32, #tpu.memory_space<hbm>>
    %dma_wait3A_354 = arith.constant 8192 : i32
    %dma_wait3A_355 = tpu.memref_slice %arg3[%dma_wait3A_354] : memref<16384xi32, #tpu.memory_space<hbm>> -> memref<4096xi32, #tpu.memory_space<hbm>>
    tpu.wait_dma2 semaphore(%arg14 : memref<!tpu.dma_semaphore, #tpu.memory_space<semaphore_mem>>) src(%dma_wait3A_355 : memref<4096xi32, #tpu.memory_space<hbm>>) dst(%arg11 : memref<4096xi32, #tpu.memory_space<vmem>>)
    %scan3A_356 = arith.constant 0 : i32
    %scan3A_357 = arith.constant 0 : i32
    %scan3A_358 = arith.constant 32 : i32
    %scan3A_359 = arith.addi %scan3A_357, %scan3A_358 : i32
    %scan3A_360 = arith.constant 1 : i32
    scf.for %scan3A_448 = %scan3A_357 to %scan3A_359 step %scan3A_360  : i32 {
      %mul3A_449 = arith.constant 16 : i32
      %mul3A_450 = arith.muli %scan3A_448, %mul3A_449 : i32
      %mul3A_451 = arith.constant 8 : i32
      %mul3A_452 = arith.muli %mul3A_450, %mul3A_451 : i32
      %add3A_453 = arith.constant 0 : i32
      %add3A_454 = arith.addi %mul3A_452, %add3A_453 : i32
      %get3A = arith.index_cast %add3A_454 : i32 to index
      %get3A_455 = tpu.vector_load %arg11[%get3A] {strides = array<i32>} : memref<4096xi32, #tpu.memory_space<vmem>>, vector<16xi32>,
      %gather3A = tpu.vector_load_idx %arg9[%get3A_455] : memref<100000xf32, #tpu.memory_space<vmem>>[vector<16xi32>], vector<16xf32>,
      %add3A_456 = arith.constant 8192 : i32
      %add3A_457 = arith.addi %add3A_456, %add3A_454 : i32
      %swap3A = arith.index_cast %add3A_457 : i32 to index
      %swap3A_458 = tpu.vector_load %arg10[%swap3A] {strides = array<i32>} : memref<16384xf32, #tpu.memory_space<vmem>>, vector<16xf32>,
      tpu.vector_store %arg10[%swap3A], %gather3A {add = true, strides = array<i32>} : memref<16384xf32, #tpu.memory_space<vmem>>, vector<16xf32>,
      %mul3A_459 = arith.constant 16 : i32
      %mul3A_460 = arith.muli %scan3A_448, %mul3A_459 : i32
      %mul3A_461 = arith.constant 8 : i32
      %mul3A_462 = arith.muli %mul3A_460, %mul3A_461 : i32
      %add3A_463 = arith.constant 16 : i32
      %add3A_464 = arith.addi %mul3A_462, %add3A_463 : i32
      %get3A_465 = arith.index_cast %add3A_464 : i32 to index
      %get3A_466 = tpu.vector_load %arg11[%get3A_465] {strides = array<i32>} : memref<4096xi32, #tpu.memory_space<vmem>>, vector<16xi32>,
      %gather3A_467 = tpu.vector_load_idx %arg9[%get3A_466] : memref<100000xf32, #tpu.memory_space<vmem>>[vector<16xi32>], vector<16xf32>,
      %add3A_468 = arith.constant 8192 : i32
      %add3A_469 = arith.addi %add3A_468, %add3A_464 : i32
      %swap3A_470 = arith.index_cast %add3A_469 : i32 to index
      %swap3A_471 = tpu.vector_load %arg10[%swap3A_470] {strides = array<i32>} : memref<16384xf32, #tpu.memory_space<vmem>>, vector<16xf32>,
      tpu.vector_store %arg10[%swap3A_470], %gather3A_467 {add = true, strides = array<i32>} : memref<16384xf32, #tpu.memory_space<vmem>>, vector<16xf32>,
      %mul3A_472 = arith.constant 16 : i32
      %mul3A_473 = arith.muli %scan3A_448, %mul3A_472 : i32
      %mul3A_474 = arith.constant 8 : i32
      %mul3A_475 = arith.muli %mul3A_473, %mul3A_474 : i32
      %add3A_476 = arith.constant 32 : i32
      %add3A_477 = arith.addi %mul3A_475, %add3A_476 : i32
      %get3A_478 = arith.index_cast %add3A_477 : i32 to index
      %get3A_479 = tpu.vector_load %arg11[%get3A_478] {strides = array<i32>} : memref<4096xi32, #tpu.memory_space<vmem>>, vector<16xi32>,
      %gather3A_480 = tpu.vector_load_idx %arg9[%get3A_479] : memref<100000xf32, #tpu.memory_space<vmem>>[vector<16xi32>], vector<16xf32>,
      %add3A_481 = arith.constant 8192 : i32
      %add3A_482 = arith.addi %add3A_481, %add3A_477 : i32
      %swap3A_483 = arith.index_cast %add3A_482 : i32 to index
      %swap3A_484 = tpu.vector_load %arg10[%swap3A_483] {strides = array<i32>} : memref<16384xf32, #tpu.memory_space<vmem>>, vector<16xf32>,
      tpu.vector_store %arg10[%swap3A_483], %gather3A_480 {add = true, strides = array<i32>} : memref<16384xf32, #tpu.memory_space<vmem>>, vector<16xf32>,
      %mul3A_485 = arith.constant 16 : i32
      %mul3A_486 = arith.muli %scan3A_448, %mul3A_485 : i32
      %mul3A_487 = arith.constant 8 : i32
      %mul3A_488 = arith.muli %mul3A_486, %mul3A_487 : i32
      %add3A_489 = arith.constant 48 : i32
      %add3A_490 = arith.addi %mul3A_488, %add3A_489 : i32
      %get3A_491 = arith.index_cast %add3A_490 : i32 to index
      %get3A_492 = tpu.vector_load %arg11[%get3A_491] {strides = array<i32>} : memref<4096xi32, #tpu.memory_space<vmem>>, vector<16xi32>,
      %gather3A_493 = tpu.vector_load_idx %arg9[%get3A_492] : memref<100000xf32, #tpu.memory_space<vmem>>[vector<16xi32>], vector<16xf32>,
      %add3A_494 = arith.constant 8192 : i32
      %add3A_495 = arith.addi %add3A_494, %add3A_490 : i32
      %swap3A_496 = arith.index_cast %add3A_495 : i32 to index
      %swap3A_497 = tpu.vector_load %arg10[%swap3A_496] {strides = array<i32>} : memref<16384xf32, #tpu.memory_space<vmem>>, vector<16xf32>,
      tpu.vector_store %arg10[%swap3A_496], %gather3A_493 {add = true, strides = array<i32>} : memref<16384xf32, #tpu.memory_space<vmem>>, vector<16xf32>,
      %mul3A_498 = arith.constant 16 : i32
      %mul3A_499 = arith.muli %scan3A_448, %mul3A_498 : i32
      %mul3A_500 = arith.constant 8 : i32
      %mul3A_501 = arith.muli %mul3A_499, %mul3A_500 : i32
      %add3A_502 = arith.constant 64 : i32
      %add3A_503 = arith.addi %mul3A_501, %add3A_502 : i32
      %get3A_504 = arith.index_cast %add3A_503 : i32 to index
      %get3A_505 = tpu.vector_load %arg11[%get3A_504] {strides = array<i32>} : memref<4096xi32, #tpu.memory_space<vmem>>, vector<16xi32>,
      %gather3A_506 = tpu.vector_load_idx %arg9[%get3A_505] : memref<100000xf32, #tpu.memory_space<vmem>>[vector<16xi32>], vector<16xf32>,
      %add3A_507 = arith.constant 8192 : i32
      %add3A_508 = arith.addi %add3A_507, %add3A_503 : i32
      %swap3A_509 = arith.index_cast %add3A_508 : i32 to index
      %swap3A_510 = tpu.vector_load %arg10[%swap3A_509] {strides = array<i32>} : memref<16384xf32, #tpu.memory_space<vmem>>, vector<16xf32>,
      tpu.vector_store %arg10[%swap3A_509], %gather3A_506 {add = true, strides = array<i32>} : memref<16384xf32, #tpu.memory_space<vmem>>, vector<16xf32>,
      %mul3A_511 = arith.constant 16 : i32
      %mul3A_512 = arith.muli %scan3A_448, %mul3A_511 : i32
      %mul3A_513 = arith.constant 8 : i32
      %mul3A_514 = arith.muli %mul3A_512, %mul3A_513 : i32
      %add3A_515 = arith.constant 80 : i32
      %add3A_516 = arith.addi %mul3A_514, %add3A_515 : i32
      %get3A_517 = arith.index_cast %add3A_516 : i32 to index
      %get3A_518 = tpu.vector_load %arg11[%get3A_517] {strides = array<i32>} : memref<4096xi32, #tpu.memory_space<vmem>>, vector<16xi32>,
      %gather3A_519 = tpu.vector_load_idx %arg9[%get3A_518] : memref<100000xf32, #tpu.memory_space<vmem>>[vector<16xi32>], vector<16xf32>,
      %add3A_520 = arith.constant 8192 : i32
      %add3A_521 = arith.addi %add3A_520, %add3A_516 : i32
      %swap3A_522 = arith.index_cast %add3A_521 : i32 to index
      %swap3A_523 = tpu.vector_load %arg10[%swap3A_522] {strides = array<i32>} : memref<16384xf32, #tpu.memory_space<vmem>>, vector<16xf32>,
      tpu.vector_store %arg10[%swap3A_522], %gather3A_519 {add = true, strides = array<i32>} : memref<16384xf32, #tpu.memory_space<vmem>>, vector<16xf32>,
      %mul3A_524 = arith.constant 16 : i32
      %mul3A_525 = arith.muli %scan3A_448, %mul3A_524 : i32
      %mul3A_526 = arith.constant 8 : i32
      %mul3A_527 = arith.muli %mul3A_525, %mul3A_526 : i32
      %add3A_528 = arith.constant 96 : i32
      %add3A_529 = arith.addi %mul3A_527, %add3A_528 : i32
      %get3A_530 = arith.index_cast %add3A_529 : i32 to index
      %get3A_531 = tpu.vector_load %arg11[%get3A_530] {strides = array<i32>} : memref<4096xi32, #tpu.memory_space<vmem>>, vector<16xi32>,
      %gather3A_532 = tpu.vector_load_idx %arg9[%get3A_531] : memref<100000xf32, #tpu.memory_space<vmem>>[vector<16xi32>], vector<16xf32>,
      %add3A_533 = arith.constant 8192 : i32
      %add3A_534 = arith.addi %add3A_533, %add3A_529 : i32
      %swap3A_535 = arith.index_cast %add3A_534 : i32 to index
      %swap3A_536 = tpu.vector_load %arg10[%swap3A_535] {strides = array<i32>} : memref<16384xf32, #tpu.memory_space<vmem>>, vector<16xf32>,
      tpu.vector_store %arg10[%swap3A_535], %gather3A_532 {add = true, strides = array<i32>} : memref<16384xf32, #tpu.memory_space<vmem>>, vector<16xf32>,
      %mul3A_537 = arith.constant 16 : i32
      %mul3A_538 = arith.muli %scan3A_448, %mul3A_537 : i32
      %mul3A_539 = arith.constant 8 : i32
      %mul3A_540 = arith.muli %mul3A_538, %mul3A_539 : i32
      %add3A_541 = arith.constant 112 : i32
      %add3A_542 = arith.addi %mul3A_540, %add3A_541 : i32
      %get3A_543 = arith.index_cast %add3A_542 : i32 to index
      %get3A_544 = tpu.vector_load %arg11[%get3A_543] {strides = array<i32>} : memref<4096xi32, #tpu.memory_space<vmem>>, vector<16xi32>,
      %gather3A_545 = tpu.vector_load_idx %arg9[%get3A_544] : memref<100000xf32, #tpu.memory_space<vmem>>[vector<16xi32>], vector<16xf32>,
      %add3A_546 = arith.constant 8192 : i32
      %add3A_547 = arith.addi %add3A_546, %add3A_542 : i32
      %swap3A_548 = arith.index_cast %add3A_547 : i32 to index
      %swap3A_549 = tpu.vector_load %arg10[%swap3A_548] {strides = array<i32>} : memref<16384xf32, #tpu.memory_space<vmem>>, vector<16xf32>,
      tpu.vector_store %arg10[%swap3A_548], %gather3A_545 {add = true, strides = array<i32>} : memref<16384xf32, #tpu.memory_space<vmem>>, vector<16xf32>,
    }
    %scan3A_361 = arith.constant 32 : i32
    %dma_start3A_362 = arith.constant 0 : i32
    %dma_start3A_363 = tpu.memref_slice %arg4[%dma_start3A_362] : memref<16384xi32, #tpu.memory_space<hbm>> -> memref<4096xi32, #tpu.memory_space<hbm>>
    %dma_start3A_364 = arith.constant 0 : i32
    %dma_start3A_365 = tpu.memref_slice %arg4[%dma_start3A_364] : memref<16384xi32, #tpu.memory_space<hbm>> -> memref<4096xi32, #tpu.memory_space<hbm>>
    tpu.enqueue_dma source(%dma_start3A_365 : memref<4096xi32, #tpu.memory_space<hbm>>) target(%arg11 : memref<4096xi32, #tpu.memory_space<vmem>>) target_semaphore(%arg14 : memref<!tpu.dma_semaphore, #tpu.memory_space<semaphore_mem>>)
    %dma_wait3A_366 = arith.constant 12288 : i32
    %dma_wait3A_367 = tpu.memref_slice %arg3[%dma_wait3A_366] : memref<16384xi32, #tpu.memory_space<hbm>> -> memref<4096xi32, #tpu.memory_space<hbm>>
    %dma_wait3A_368 = arith.constant 12288 : i32
    %dma_wait3A_369 = tpu.memref_slice %arg3[%dma_wait3A_368] : memref<16384xi32, #tpu.memory_space<hbm>> -> memref<4096xi32, #tpu.memory_space<hbm>>
    tpu.wait_dma2 semaphore(%arg15 : memref<!tpu.dma_semaphore, #tpu.memory_space<semaphore_mem>>) src(%dma_wait3A_369 : memref<4096xi32, #tpu.memory_space<hbm>>) dst(%arg12 : memref<4096xi32, #tpu.memory_space<vmem>>)
    %scan3A_370 = arith.constant 0 : i32
    %scan3A_371 = arith.constant 0 : i32
    %scan3A_372 = arith.constant 32 : i32
    %scan3A_373 = arith.addi %scan3A_371, %scan3A_372 : i32
    %scan3A_374 = arith.constant 1 : i32
    scf.for %scan3A_448 = %scan3A_371 to %scan3A_373 step %scan3A_374  : i32 {
      %mul3A_449 = arith.constant 16 : i32
      %mul3A_450 = arith.muli %scan3A_448, %mul3A_449 : i32
      %mul3A_451 = arith.constant 8 : i32
      %mul3A_452 = arith.muli %mul3A_450, %mul3A_451 : i32
      %add3A_453 = arith.constant 0 : i32
      %add3A_454 = arith.addi %mul3A_452, %add3A_453 : i32
      %get3A = arith.index_cast %add3A_454 : i32 to index
      %get3A_455 = tpu.vector_load %arg12[%get3A] {strides = array<i32>} : memref<4096xi32, #tpu.memory_space<vmem>>, vector<16xi32>,
      %gather3A = tpu.vector_load_idx %arg9[%get3A_455] : memref<100000xf32, #tpu.memory_space<vmem>>[vector<16xi32>], vector<16xf32>,
      %add3A_456 = arith.constant 12288 : i32
      %add3A_457 = arith.addi %add3A_456, %add3A_454 : i32
      %swap3A = arith.index_cast %add3A_457 : i32 to index
      %swap3A_458 = tpu.vector_load %arg10[%swap3A] {strides = array<i32>} : memref<16384xf32, #tpu.memory_space<vmem>>, vector<16xf32>,
      tpu.vector_store %arg10[%swap3A], %gather3A {add = true, strides = array<i32>} : memref<16384xf32, #tpu.memory_space<vmem>>, vector<16xf32>,
      %mul3A_459 = arith.constant 16 : i32
      %mul3A_460 = arith.muli %scan3A_448, %mul3A_459 : i32
      %mul3A_461 = arith.constant 8 : i32
      %mul3A_462 = arith.muli %mul3A_460, %mul3A_461 : i32
      %add3A_463 = arith.constant 16 : i32
      %add3A_464 = arith.addi %mul3A_462, %add3A_463 : i32
      %get3A_465 = arith.index_cast %add3A_464 : i32 to index
      %get3A_466 = tpu.vector_load %arg12[%get3A_465] {strides = array<i32>} : memref<4096xi32, #tpu.memory_space<vmem>>, vector<16xi32>,
      %gather3A_467 = tpu.vector_load_idx %arg9[%get3A_466] : memref<100000xf32, #tpu.memory_space<vmem>>[vector<16xi32>], vector<16xf32>,
      %add3A_468 = arith.constant 12288 : i32
      %add3A_469 = arith.addi %add3A_468, %add3A_464 : i32
      %swap3A_470 = arith.index_cast %add3A_469 : i32 to index
      %swap3A_471 = tpu.vector_load %arg10[%swap3A_470] {strides = array<i32>} : memref<16384xf32, #tpu.memory_space<vmem>>, vector<16xf32>,
      tpu.vector_store %arg10[%swap3A_470], %gather3A_467 {add = true, strides = array<i32>} : memref<16384xf32, #tpu.memory_space<vmem>>, vector<16xf32>,
      %mul3A_472 = arith.constant 16 : i32
      %mul3A_473 = arith.muli %scan3A_448, %mul3A_472 : i32
      %mul3A_474 = arith.constant 8 : i32
      %mul3A_475 = arith.muli %mul3A_473, %mul3A_474 : i32
      %add3A_476 = arith.constant 32 : i32
      %add3A_477 = arith.addi %mul3A_475, %add3A_476 : i32
      %get3A_478 = arith.index_cast %add3A_477 : i32 to index
      %get3A_479 = tpu.vector_load %arg12[%get3A_478] {strides = array<i32>} : memref<4096xi32, #tpu.memory_space<vmem>>, vector<16xi32>,
      %gather3A_480 = tpu.vector_load_idx %arg9[%get3A_479] : memref<100000xf32, #tpu.memory_space<vmem>>[vector<16xi32>], vector<16xf32>,
      %add3A_481 = arith.constant 12288 : i32
      %add3A_482 = arith.addi %add3A_481, %add3A_477 : i32
      %swap3A_483 = arith.index_cast %add3A_482 : i32 to index
      %swap3A_484 = tpu.vector_load %arg10[%swap3A_483] {strides = array<i32>} : memref<16384xf32, #tpu.memory_space<vmem>>, vector<16xf32>,
      tpu.vector_store %arg10[%swap3A_483], %gather3A_480 {add = true, strides = array<i32>} : memref<16384xf32, #tpu.memory_space<vmem>>, vector<16xf32>,
      %mul3A_485 = arith.constant 16 : i32
      %mul3A_486 = arith.muli %scan3A_448, %mul3A_485 : i32
      %mul3A_487 = arith.constant 8 : i32
      %mul3A_488 = arith.muli %mul3A_486, %mul3A_487 : i32
      %add3A_489 = arith.constant 48 : i32
      %add3A_490 = arith.addi %mul3A_488, %add3A_489 : i32
      %get3A_491 = arith.index_cast %add3A_490 : i32 to index
      %get3A_492 = tpu.vector_load %arg12[%get3A_491] {strides = array<i32>} : memref<4096xi32, #tpu.memory_space<vmem>>, vector<16xi32>,
      %gather3A_493 = tpu.vector_load_idx %arg9[%get3A_492] : memref<100000xf32, #tpu.memory_space<vmem>>[vector<16xi32>], vector<16xf32>,
      %add3A_494 = arith.constant 12288 : i32
      %add3A_495 = arith.addi %add3A_494, %add3A_490 : i32
      %swap3A_496 = arith.index_cast %add3A_495 : i32 to index
      %swap3A_497 = tpu.vector_load %arg10[%swap3A_496] {strides = array<i32>} : memref<16384xf32, #tpu.memory_space<vmem>>, vector<16xf32>,
      tpu.vector_store %arg10[%swap3A_496], %gather3A_493 {add = true, strides = array<i32>} : memref<16384xf32, #tpu.memory_space<vmem>>, vector<16xf32>,
      %mul3A_498 = arith.constant 16 : i32
      %mul3A_499 = arith.muli %scan3A_448, %mul3A_498 : i32
      %mul3A_500 = arith.constant 8 : i32
      %mul3A_501 = arith.muli %mul3A_499, %mul3A_500 : i32
      %add3A_502 = arith.constant 64 : i32
      %add3A_503 = arith.addi %mul3A_501, %add3A_502 : i32
      %get3A_504 = arith.index_cast %add3A_503 : i32 to index
      %get3A_505 = tpu.vector_load %arg12[%get3A_504] {strides = array<i32>} : memref<4096xi32, #tpu.memory_space<vmem>>, vector<16xi32>,
      %gather3A_506 = tpu.vector_load_idx %arg9[%get3A_505] : memref<100000xf32, #tpu.memory_space<vmem>>[vector<16xi32>], vector<16xf32>,
      %add3A_507 = arith.constant 12288 : i32
      %add3A_508 = arith.addi %add3A_507, %add3A_503 : i32
      %swap3A_509 = arith.index_cast %add3A_508 : i32 to index
      %swap3A_510 = tpu.vector_load %arg10[%swap3A_509] {strides = array<i32>} : memref<16384xf32, #tpu.memory_space<vmem>>, vector<16xf32>,
      tpu.vector_store %arg10[%swap3A_509], %gather3A_506 {add = true, strides = array<i32>} : memref<16384xf32, #tpu.memory_space<vmem>>, vector<16xf32>,
      %mul3A_511 = arith.constant 16 : i32
      %mul3A_512 = arith.muli %scan3A_448, %mul3A_511 : i32
      %mul3A_513 = arith.constant 8 : i32
      %mul3A_514 = arith.muli %mul3A_512, %mul3A_513 : i32
      %add3A_515 = arith.constant 80 : i32
      %add3A_516 = arith.addi %mul3A_514, %add3A_515 : i32
      %get3A_517 = arith.index_cast %add3A_516 : i32 to index
      %get3A_518 = tpu.vector_load %arg12[%get3A_517] {strides = array<i32>} : memref<4096xi32, #tpu.memory_space<vmem>>, vector<16xi32>,
      %gather3A_519 = tpu.vector_load_idx %arg9[%get3A_518] : memref<100000xf32, #tpu.memory_space<vmem>>[vector<16xi32>], vector<16xf32>,
      %add3A_520 = arith.constant 12288 : i32
      %add3A_521 = arith.addi %add3A_520, %add3A_516 : i32
      %swap3A_522 = arith.index_cast %add3A_521 : i32 to index
      %swap3A_523 = tpu.vector_load %arg10[%swap3A_522] {strides = array<i32>} : memref<16384xf32, #tpu.memory_space<vmem>>, vector<16xf32>,
      tpu.vector_store %arg10[%swap3A_522], %gather3A_519 {add = true, strides = array<i32>} : memref<16384xf32, #tpu.memory_space<vmem>>, vector<16xf32>,
      %mul3A_524 = arith.constant 16 : i32
      %mul3A_525 = arith.muli %scan3A_448, %mul3A_524 : i32
      %mul3A_526 = arith.constant 8 : i32
      %mul3A_527 = arith.muli %mul3A_525, %mul3A_526 : i32
      %add3A_528 = arith.constant 96 : i32
      %add3A_529 = arith.addi %mul3A_527, %add3A_528 : i32
      %get3A_530 = arith.index_cast %add3A_529 : i32 to index
      %get3A_531 = tpu.vector_load %arg12[%get3A_530] {strides = array<i32>} : memref<4096xi32, #tpu.memory_space<vmem>>, vector<16xi32>,
      %gather3A_532 = tpu.vector_load_idx %arg9[%get3A_531] : memref<100000xf32, #tpu.memory_space<vmem>>[vector<16xi32>], vector<16xf32>,
      %add3A_533 = arith.constant 12288 : i32
      %add3A_534 = arith.addi %add3A_533, %add3A_529 : i32
      %swap3A_535 = arith.index_cast %add3A_534 : i32 to index
      %swap3A_536 = tpu.vector_load %arg10[%swap3A_535] {strides = array<i32>} : memref<16384xf32, #tpu.memory_space<vmem>>, vector<16xf32>,
      tpu.vector_store %arg10[%swap3A_535], %gather3A_532 {add = true, strides = array<i32>} : memref<16384xf32, #tpu.memory_space<vmem>>, vector<16xf32>,
      %mul3A_537 = arith.constant 16 : i32
      %mul3A_538 = arith.muli %scan3A_448, %mul3A_537 : i32
      %mul3A_539 = arith.constant 8 : i32
      %mul3A_540 = arith.muli %mul3A_538, %mul3A_539 : i32
      %add3A_541 = arith.constant 112 : i32
      %add3A_542 = arith.addi %mul3A_540, %add3A_541 : i32
      %get3A_543 = arith.index_cast %add3A_542 : i32 to index
      %get3A_544 = tpu.vector_load %arg12[%get3A_543] {strides = array<i32>} : memref<4096xi32, #tpu.memory_space<vmem>>, vector<16xi32>,
      %gather3A_545 = tpu.vector_load_idx %arg9[%get3A_544] : memref<100000xf32, #tpu.memory_space<vmem>>[vector<16xi32>], vector<16xf32>,
      %add3A_546 = arith.constant 12288 : i32
      %add3A_547 = arith.addi %add3A_546, %add3A_542 : i32
      %swap3A_548 = arith.index_cast %add3A_547 : i32 to index
      %swap3A_549 = tpu.vector_load %arg10[%swap3A_548] {strides = array<i32>} : memref<16384xf32, #tpu.memory_space<vmem>>, vector<16xf32>,
      tpu.vector_store %arg10[%swap3A_548], %gather3A_545 {add = true, strides = array<i32>} : memref<16384xf32, #tpu.memory_space<vmem>>, vector<16xf32>,
    }
    %scan3A_375 = arith.constant 32 : i32
    %mul3A_376 = arith.constant 2 : i32
    %mul3A_377 = arith.muli %add3A, %mul3A_376 : i32
    %add3A_378 = arith.constant 1 : i32
    %add3A_379 = arith.addi %mul3A_377, %add3A_378 : i32
    %dma_start3A_380 = arith.constant 0 : i32
    %dma_start3A_381 = tpu.memref_slice %arg7[%add3A_379, %dma_start3A_380] : memref<64x100000xf32, #tpu.memory_space<hbm>> -> memref<1x100000xf32, #tpu.memory_space<hbm>>
    %dma_start3A_382 = tpu.memref_squeeze %dma_start3A_381 : memref<1x100000xf32, #tpu.memory_space<hbm>> -> memref<100000xf32, #tpu.memory_space<hbm>>
    %dma_start3A_383 = arith.constant 0 : i32
    %dma_start3A_384 = tpu.memref_slice %arg7[%add3A_379, %dma_start3A_383] : memref<64x100000xf32, #tpu.memory_space<hbm>> -> memref<1x100000xf32, #tpu.memory_space<hbm>>
    %dma_start3A_385 = tpu.memref_squeeze %dma_start3A_384 : memref<1x100000xf32, #tpu.memory_space<hbm>> -> memref<100000xf32, #tpu.memory_space<hbm>>
    tpu.enqueue_dma source(%dma_start3A_385 : memref<100000xf32, #tpu.memory_space<hbm>>) target(%arg9 : memref<100000xf32, #tpu.memory_space<vmem>>) target_semaphore(%arg13 : memref<!tpu.dma_semaphore, #tpu.memory_space<semaphore_mem>>)
    %dma_wait3A_386 = arith.constant 0 : i32
    %dma_wait3A_387 = tpu.memref_slice %arg7[%add3A_379, %dma_wait3A_386] : memref<64x100000xf32, #tpu.memory_space<hbm>> -> memref<1x100000xf32, #tpu.memory_space<hbm>>
    %dma_wait3A_388 = tpu.memref_squeeze %dma_wait3A_387 : memref<1x100000xf32, #tpu.memory_space<hbm>> -> memref<100000xf32, #tpu.memory_space<hbm>>
    %dma_wait3A_389 = arith.constant 0 : i32
    %dma_wait3A_390 = tpu.memref_slice %arg7[%add3A_379, %dma_wait3A_389] : memref<64x100000xf32, #tpu.memory_space<hbm>> -> memref<1x100000xf32, #tpu.memory_space<hbm>>
    %dma_wait3A_391 = tpu.memref_squeeze %dma_wait3A_390 : memref<1x100000xf32, #tpu.memory_space<hbm>> -> memref<100000xf32, #tpu.memory_space<hbm>>
    tpu.wait_dma2 semaphore(%arg13 : memref<!tpu.dma_semaphore, #tpu.memory_space<semaphore_mem>>) src(%dma_wait3A_391 : memref<100000xf32, #tpu.memory_space<hbm>>) dst(%arg9 : memref<100000xf32, #tpu.memory_space<vmem>>)
    %dma_start3A_392 = arith.constant 4096 : i32
    %dma_start3A_393 = tpu.memref_slice %arg4[%dma_start3A_392] : memref<16384xi32, #tpu.memory_space<hbm>> -> memref<4096xi32, #tpu.memory_space<hbm>>
    %dma_start3A_394 = arith.constant 4096 : i32
    %dma_start3A_395 = tpu.memref_slice %arg4[%dma_start3A_394] : memref<16384xi32, #tpu.memory_space<hbm>> -> memref<4096xi32, #tpu.memory_space<hbm>>
    tpu.enqueue_dma source(%dma_start3A_395 : memref<4096xi32, #tpu.memory_space<hbm>>) target(%arg12 : memref<4096xi32, #tpu.memory_space<vmem>>) target_semaphore(%arg15 : memref<!tpu.dma_semaphore, #tpu.memory_space<semaphore_mem>>)
    %dma_wait3A_396 = arith.constant 0 : i32
    %dma_wait3A_397 = tpu.memref_slice %arg4[%dma_wait3A_396] : memref<16384xi32, #tpu.memory_space<hbm>> -> memref<4096xi32, #tpu.memory_space<hbm>>
    %dma_wait3A_398 = arith.constant 0 : i32
    %dma_wait3A_399 = tpu.memref_slice %arg4[%dma_wait3A_398] : memref<16384xi32, #tpu.memory_space<hbm>> -> memref<4096xi32, #tpu.memory_space<hbm>>
    tpu.wait_dma2 semaphore(%arg14 : memref<!tpu.dma_semaphore, #tpu.memory_space<semaphore_mem>>) src(%dma_wait3A_399 : memref<4096xi32, #tpu.memory_space<hbm>>) dst(%arg11 : memref<4096xi32, #tpu.memory_space<vmem>>)
    %scan3A_400 = arith.constant 0 : i32
    %scan3A_401 = arith.constant 0 : i32
    %scan3A_402 = arith.constant 32 : i32
    %scan3A_403 = arith.addi %scan3A_401, %scan3A_402 : i32
    %scan3A_404 = arith.constant 1 : i32
    scf.for %scan3A_448 = %scan3A_401 to %scan3A_403 step %scan3A_404  : i32 {
      %mul3A_449 = arith.constant 16 : i32
      %mul3A_450 = arith.muli %scan3A_448, %mul3A_449 : i32
      %mul3A_451 = arith.constant 8 : i32
      %mul3A_452 = arith.muli %mul3A_450, %mul3A_451 : i32
      %add3A_453 = arith.constant 0 : i32
      %add3A_454 = arith.addi %mul3A_452, %add3A_453 : i32
      %get3A = arith.index_cast %add3A_454 : i32 to index
      %get3A_455 = tpu.vector_load %arg11[%get3A] {strides = array<i32>} : memref<4096xi32, #tpu.memory_space<vmem>>, vector<16xi32>,
      %gather3A = tpu.vector_load_idx %arg9[%get3A_455] : memref<100000xf32, #tpu.memory_space<vmem>>[vector<16xi32>], vector<16xf32>,
      %add3A_456 = arith.constant 0 : i32
      %add3A_457 = arith.addi %add3A_456, %add3A_454 : i32
      %swap3A = arith.index_cast %add3A_457 : i32 to index
      %swap3A_458 = tpu.vector_load %arg10[%swap3A] {strides = array<i32>} : memref<16384xf32, #tpu.memory_space<vmem>>, vector<16xf32>,
      tpu.vector_store %arg10[%swap3A], %gather3A {add = true, strides = array<i32>} : memref<16384xf32, #tpu.memory_space<vmem>>, vector<16xf32>,
      %mul3A_459 = arith.constant 16 : i32
      %mul3A_460 = arith.muli %scan3A_448, %mul3A_459 : i32
      %mul3A_461 = arith.constant 8 : i32
      %mul3A_462 = arith.muli %mul3A_460, %mul3A_461 : i32
      %add3A_463 = arith.constant 16 : i32
      %add3A_464 = arith.addi %mul3A_462, %add3A_463 : i32
      %get3A_465 = arith.index_cast %add3A_464 : i32 to index
      %get3A_466 = tpu.vector_load %arg11[%get3A_465] {strides = array<i32>} : memref<4096xi32, #tpu.memory_space<vmem>>, vector<16xi32>,
      %gather3A_467 = tpu.vector_load_idx %arg9[%get3A_466] : memref<100000xf32, #tpu.memory_space<vmem>>[vector<16xi32>], vector<16xf32>,
      %add3A_468 = arith.constant 0 : i32
      %add3A_469 = arith.addi %add3A_468, %add3A_464 : i32
      %swap3A_470 = arith.index_cast %add3A_469 : i32 to index
      %swap3A_471 = tpu.vector_load %arg10[%swap3A_470] {strides = array<i32>} : memref<16384xf32, #tpu.memory_space<vmem>>, vector<16xf32>,
      tpu.vector_store %arg10[%swap3A_470], %gather3A_467 {add = true, strides = array<i32>} : memref<16384xf32, #tpu.memory_space<vmem>>, vector<16xf32>,
      %mul3A_472 = arith.constant 16 : i32
      %mul3A_473 = arith.muli %scan3A_448, %mul3A_472 : i32
      %mul3A_474 = arith.constant 8 : i32
      %mul3A_475 = arith.muli %mul3A_473, %mul3A_474 : i32
      %add3A_476 = arith.constant 32 : i32
      %add3A_477 = arith.addi %mul3A_475, %add3A_476 : i32
      %get3A_478 = arith.index_cast %add3A_477 : i32 to index
      %get3A_479 = tpu.vector_load %arg11[%get3A_478] {strides = array<i32>} : memref<4096xi32, #tpu.memory_space<vmem>>, vector<16xi32>,
      %gather3A_480 = tpu.vector_load_idx %arg9[%get3A_479] : memref<100000xf32, #tpu.memory_space<vmem>>[vector<16xi32>], vector<16xf32>,
      %add3A_481 = arith.constant 0 : i32
      %add3A_482 = arith.addi %add3A_481, %add3A_477 : i32
      %swap3A_483 = arith.index_cast %add3A_482 : i32 to index
      %swap3A_484 = tpu.vector_load %arg10[%swap3A_483] {strides = array<i32>} : memref<16384xf32, #tpu.memory_space<vmem>>, vector<16xf32>,
      tpu.vector_store %arg10[%swap3A_483], %gather3A_480 {add = true, strides = array<i32>} : memref<16384xf32, #tpu.memory_space<vmem>>, vector<16xf32>,
      %mul3A_485 = arith.constant 16 : i32
      %mul3A_486 = arith.muli %scan3A_448, %mul3A_485 : i32
      %mul3A_487 = arith.constant 8 : i32
      %mul3A_488 = arith.muli %mul3A_486, %mul3A_487 : i32
      %add3A_489 = arith.constant 48 : i32
      %add3A_490 = arith.addi %mul3A_488, %add3A_489 : i32
      %get3A_491 = arith.index_cast %add3A_490 : i32 to index
      %get3A_492 = tpu.vector_load %arg11[%get3A_491] {strides = array<i32>} : memref<4096xi32, #tpu.memory_space<vmem>>, vector<16xi32>,
      %gather3A_493 = tpu.vector_load_idx %arg9[%get3A_492] : memref<100000xf32, #tpu.memory_space<vmem>>[vector<16xi32>], vector<16xf32>,
      %add3A_494 = arith.constant 0 : i32
      %add3A_495 = arith.addi %add3A_494, %add3A_490 : i32
      %swap3A_496 = arith.index_cast %add3A_495 : i32 to index
      %swap3A_497 = tpu.vector_load %arg10[%swap3A_496] {strides = array<i32>} : memref<16384xf32, #tpu.memory_space<vmem>>, vector<16xf32>,
      tpu.vector_store %arg10[%swap3A_496], %gather3A_493 {add = true, strides = array<i32>} : memref<16384xf32, #tpu.memory_space<vmem>>, vector<16xf32>,
      %mul3A_498 = arith.constant 16 : i32
      %mul3A_499 = arith.muli %scan3A_448, %mul3A_498 : i32
      %mul3A_500 = arith.constant 8 : i32
      %mul3A_501 = arith.muli %mul3A_499, %mul3A_500 : i32
      %add3A_502 = arith.constant 64 : i32
      %add3A_503 = arith.addi %mul3A_501, %add3A_502 : i32
      %get3A_504 = arith.index_cast %add3A_503 : i32 to index
      %get3A_505 = tpu.vector_load %arg11[%get3A_504] {strides = array<i32>} : memref<4096xi32, #tpu.memory_space<vmem>>, vector<16xi32>,
      %gather3A_506 = tpu.vector_load_idx %arg9[%get3A_505] : memref<100000xf32, #tpu.memory_space<vmem>>[vector<16xi32>], vector<16xf32>,
      %add3A_507 = arith.constant 0 : i32
      %add3A_508 = arith.addi %add3A_507, %add3A_503 : i32
      %swap3A_509 = arith.index_cast %add3A_508 : i32 to index
      %swap3A_510 = tpu.vector_load %arg10[%swap3A_509] {strides = array<i32>} : memref<16384xf32, #tpu.memory_space<vmem>>, vector<16xf32>,
      tpu.vector_store %arg10[%swap3A_509], %gather3A_506 {add = true, strides = array<i32>} : memref<16384xf32, #tpu.memory_space<vmem>>, vector<16xf32>,
      %mul3A_511 = arith.constant 16 : i32
      %mul3A_512 = arith.muli %scan3A_448, %mul3A_511 : i32
      %mul3A_513 = arith.constant 8 : i32
      %mul3A_514 = arith.muli %mul3A_512, %mul3A_513 : i32
      %add3A_515 = arith.constant 80 : i32
      %add3A_516 = arith.addi %mul3A_514, %add3A_515 : i32
      %get3A_517 = arith.index_cast %add3A_516 : i32 to index
      %get3A_518 = tpu.vector_load %arg11[%get3A_517] {strides = array<i32>} : memref<4096xi32, #tpu.memory_space<vmem>>, vector<16xi32>,
      %gather3A_519 = tpu.vector_load_idx %arg9[%get3A_518] : memref<100000xf32, #tpu.memory_space<vmem>>[vector<16xi32>], vector<16xf32>,
      %add3A_520 = arith.constant 0 : i32
      %add3A_521 = arith.addi %add3A_520, %add3A_516 : i32
      %swap3A_522 = arith.index_cast %add3A_521 : i32 to index
      %swap3A_523 = tpu.vector_load %arg10[%swap3A_522] {strides = array<i32>} : memref<16384xf32, #tpu.memory_space<vmem>>, vector<16xf32>,
      tpu.vector_store %arg10[%swap3A_522], %gather3A_519 {add = true, strides = array<i32>} : memref<16384xf32, #tpu.memory_space<vmem>>, vector<16xf32>,
      %mul3A_524 = arith.constant 16 : i32
      %mul3A_525 = arith.muli %scan3A_448, %mul3A_524 : i32
      %mul3A_526 = arith.constant 8 : i32
      %mul3A_527 = arith.muli %mul3A_525, %mul3A_526 : i32
      %add3A_528 = arith.constant 96 : i32
      %add3A_529 = arith.addi %mul3A_527, %add3A_528 : i32
      %get3A_530 = arith.index_cast %add3A_529 : i32 to index
      %get3A_531 = tpu.vector_load %arg11[%get3A_530] {strides = array<i32>} : memref<4096xi32, #tpu.memory_space<vmem>>, vector<16xi32>,
      %gather3A_532 = tpu.vector_load_idx %arg9[%get3A_531] : memref<100000xf32, #tpu.memory_space<vmem>>[vector<16xi32>], vector<16xf32>,
      %add3A_533 = arith.constant 0 : i32
      %add3A_534 = arith.addi %add3A_533, %add3A_529 : i32
      %swap3A_535 = arith.index_cast %add3A_534 : i32 to index
      %swap3A_536 = tpu.vector_load %arg10[%swap3A_535] {strides = array<i32>} : memref<16384xf32, #tpu.memory_space<vmem>>, vector<16xf32>,
      tpu.vector_store %arg10[%swap3A_535], %gather3A_532 {add = true, strides = array<i32>} : memref<16384xf32, #tpu.memory_space<vmem>>, vector<16xf32>,
      %mul3A_537 = arith.constant 16 : i32
      %mul3A_538 = arith.muli %scan3A_448, %mul3A_537 : i32
      %mul3A_539 = arith.constant 8 : i32
      %mul3A_540 = arith.muli %mul3A_538, %mul3A_539 : i32
      %add3A_541 = arith.constant 112 : i32
      %add3A_542 = arith.addi %mul3A_540, %add3A_541 : i32
      %get3A_543 = arith.index_cast %add3A_542 : i32 to index
      %get3A_544 = tpu.vector_load %arg11[%get3A_543] {strides = array<i32>} : memref<4096xi32, #tpu.memory_space<vmem>>, vector<16xi32>,
      %gather3A_545 = tpu.vector_load_idx %arg9[%get3A_544] : memref<100000xf32, #tpu.memory_space<vmem>>[vector<16xi32>], vector<16xf32>,
      %add3A_546 = arith.constant 0 : i32
      %add3A_547 = arith.addi %add3A_546, %add3A_542 : i32
      %swap3A_548 = arith.index_cast %add3A_547 : i32 to index
      %swap3A_549 = tpu.vector_load %arg10[%swap3A_548] {strides = array<i32>} : memref<16384xf32, #tpu.memory_space<vmem>>, vector<16xf32>,
      tpu.vector_store %arg10[%swap3A_548], %gather3A_545 {add = true, strides = array<i32>} : memref<16384xf32, #tpu.memory_space<vmem>>, vector<16xf32>,
    }
    %scan3A_405 = arith.constant 32 : i32
    %dma_start3A_406 = arith.constant 8192 : i32
    %dma_start3A_407 = tpu.memref_slice %arg4[%dma_start3A_406] : memref<16384xi32, #tpu.memory_space<hbm>> -> memref<4096xi32, #tpu.memory_space<hbm>>
    %dma_start3A_408 = arith.constant 8192 : i32
    %dma_start3A_409 = tpu.memref_slice %arg4[%dma_start3A_408] : memref<16384xi32, #tpu.memory_space<hbm>> -> memref<4096xi32, #tpu.memory_space<hbm>>
    tpu.enqueue_dma source(%dma_start3A_409 : memref<4096xi32, #tpu.memory_space<hbm>>) target(%arg11 : memref<4096xi32, #tpu.memory_space<vmem>>) target_semaphore(%arg14 : memref<!tpu.dma_semaphore, #tpu.memory_space<semaphore_mem>>)
    %dma_wait3A_410 = arith.constant 4096 : i32
    %dma_wait3A_411 = tpu.memref_slice %arg4[%dma_wait3A_410] : memref<16384xi32, #tpu.memory_space<hbm>> -> memref<4096xi32, #tpu.memory_space<hbm>>
    %dma_wait3A_412 = arith.constant 4096 : i32
    %dma_wait3A_413 = tpu.memref_slice %arg4[%dma_wait3A_412] : memref<16384xi32, #tpu.memory_space<hbm>> -> memref<4096xi32, #tpu.memory_space<hbm>>
    tpu.wait_dma2 semaphore(%arg15 : memref<!tpu.dma_semaphore, #tpu.memory_space<semaphore_mem>>) src(%dma_wait3A_413 : memref<4096xi32, #tpu.memory_space<hbm>>) dst(%arg12 : memref<4096xi32, #tpu.memory_space<vmem>>)
    %scan3A_414 = arith.constant 0 : i32
    %scan3A_415 = arith.constant 0 : i32
    %scan3A_416 = arith.constant 32 : i32
    %scan3A_417 = arith.addi %scan3A_415, %scan3A_416 : i32
    %scan3A_418 = arith.constant 1 : i32
    scf.for %scan3A_448 = %scan3A_415 to %scan3A_417 step %scan3A_418  : i32 {
      %mul3A_449 = arith.constant 16 : i32
      %mul3A_450 = arith.muli %scan3A_448, %mul3A_449 : i32
      %mul3A_451 = arith.constant 8 : i32
      %mul3A_452 = arith.muli %mul3A_450, %mul3A_451 : i32
      %add3A_453 = arith.constant 0 : i32
      %add3A_454 = arith.addi %mul3A_452, %add3A_453 : i32
      %get3A = arith.index_cast %add3A_454 : i32 to index
      %get3A_455 = tpu.vector_load %arg12[%get3A] {strides = array<i32>} : memref<4096xi32, #tpu.memory_space<vmem>>, vector<16xi32>,
      %gather3A = tpu.vector_load_idx %arg9[%get3A_455] : memref<100000xf32, #tpu.memory_space<vmem>>[vector<16xi32>], vector<16xf32>,
      %add3A_456 = arith.constant 4096 : i32
      %add3A_457 = arith.addi %add3A_456, %add3A_454 : i32
      %swap3A = arith.index_cast %add3A_457 : i32 to index
      %swap3A_458 = tpu.vector_load %arg10[%swap3A] {strides = array<i32>} : memref<16384xf32, #tpu.memory_space<vmem>>, vector<16xf32>,
      tpu.vector_store %arg10[%swap3A], %gather3A {add = true, strides = array<i32>} : memref<16384xf32, #tpu.memory_space<vmem>>, vector<16xf32>,
      %mul3A_459 = arith.constant 16 : i32
      %mul3A_460 = arith.muli %scan3A_448, %mul3A_459 : i32
      %mul3A_461 = arith.constant 8 : i32
      %mul3A_462 = arith.muli %mul3A_460, %mul3A_461 : i32
      %add3A_463 = arith.constant 16 : i32
      %add3A_464 = arith.addi %mul3A_462, %add3A_463 : i32
      %get3A_465 = arith.index_cast %add3A_464 : i32 to index
      %get3A_466 = tpu.vector_load %arg12[%get3A_465] {strides = array<i32>} : memref<4096xi32, #tpu.memory_space<vmem>>, vector<16xi32>,
      %gather3A_467 = tpu.vector_load_idx %arg9[%get3A_466] : memref<100000xf32, #tpu.memory_space<vmem>>[vector<16xi32>], vector<16xf32>,
      %add3A_468 = arith.constant 4096 : i32
      %add3A_469 = arith.addi %add3A_468, %add3A_464 : i32
      %swap3A_470 = arith.index_cast %add3A_469 : i32 to index
      %swap3A_471 = tpu.vector_load %arg10[%swap3A_470] {strides = array<i32>} : memref<16384xf32, #tpu.memory_space<vmem>>, vector<16xf32>,
      tpu.vector_store %arg10[%swap3A_470], %gather3A_467 {add = true, strides = array<i32>} : memref<16384xf32, #tpu.memory_space<vmem>>, vector<16xf32>,
      %mul3A_472 = arith.constant 16 : i32
      %mul3A_473 = arith.muli %scan3A_448, %mul3A_472 : i32
      %mul3A_474 = arith.constant 8 : i32
      %mul3A_475 = arith.muli %mul3A_473, %mul3A_474 : i32
      %add3A_476 = arith.constant 32 : i32
      %add3A_477 = arith.addi %mul3A_475, %add3A_476 : i32
      %get3A_478 = arith.index_cast %add3A_477 : i32 to index
      %get3A_479 = tpu.vector_load %arg12[%get3A_478] {strides = array<i32>} : memref<4096xi32, #tpu.memory_space<vmem>>, vector<16xi32>,
      %gather3A_480 = tpu.vector_load_idx %arg9[%get3A_479] : memref<100000xf32, #tpu.memory_space<vmem>>[vector<16xi32>], vector<16xf32>,
      %add3A_481 = arith.constant 4096 : i32
      %add3A_482 = arith.addi %add3A_481, %add3A_477 : i32
      %swap3A_483 = arith.index_cast %add3A_482 : i32 to index
      %swap3A_484 = tpu.vector_load %arg10[%swap3A_483] {strides = array<i32>} : memref<16384xf32, #tpu.memory_space<vmem>>, vector<16xf32>,
      tpu.vector_store %arg10[%swap3A_483], %gather3A_480 {add = true, strides = array<i32>} : memref<16384xf32, #tpu.memory_space<vmem>>, vector<16xf32>,
      %mul3A_485 = arith.constant 16 : i32
      %mul3A_486 = arith.muli %scan3A_448, %mul3A_485 : i32
      %mul3A_487 = arith.constant 8 : i32
      %mul3A_488 = arith.muli %mul3A_486, %mul3A_487 : i32
      %add3A_489 = arith.constant 48 : i32
      %add3A_490 = arith.addi %mul3A_488, %add3A_489 : i32
      %get3A_491 = arith.index_cast %add3A_490 : i32 to index
      %get3A_492 = tpu.vector_load %arg12[%get3A_491] {strides = array<i32>} : memref<4096xi32, #tpu.memory_space<vmem>>, vector<16xi32>,
      %gather3A_493 = tpu.vector_load_idx %arg9[%get3A_492] : memref<100000xf32, #tpu.memory_space<vmem>>[vector<16xi32>], vector<16xf32>,
      %add3A_494 = arith.constant 4096 : i32
      %add3A_495 = arith.addi %add3A_494, %add3A_490 : i32
      %swap3A_496 = arith.index_cast %add3A_495 : i32 to index
      %swap3A_497 = tpu.vector_load %arg10[%swap3A_496] {strides = array<i32>} : memref<16384xf32, #tpu.memory_space<vmem>>, vector<16xf32>,
      tpu.vector_store %arg10[%swap3A_496], %gather3A_493 {add = true, strides = array<i32>} : memref<16384xf32, #tpu.memory_space<vmem>>, vector<16xf32>,
      %mul3A_498 = arith.constant 16 : i32
      %mul3A_499 = arith.muli %scan3A_448, %mul3A_498 : i32
      %mul3A_500 = arith.constant 8 : i32
      %mul3A_501 = arith.muli %mul3A_499, %mul3A_500 : i32
      %add3A_502 = arith.constant 64 : i32
      %add3A_503 = arith.addi %mul3A_501, %add3A_502 : i32
      %get3A_504 = arith.index_cast %add3A_503 : i32 to index
      %get3A_505 = tpu.vector_load %arg12[%get3A_504] {strides = array<i32>} : memref<4096xi32, #tpu.memory_space<vmem>>, vector<16xi32>,
      %gather3A_506 = tpu.vector_load_idx %arg9[%get3A_505] : memref<100000xf32, #tpu.memory_space<vmem>>[vector<16xi32>], vector<16xf32>,
      %add3A_507 = arith.constant 4096 : i32
      %add3A_508 = arith.addi %add3A_507, %add3A_503 : i32
      %swap3A_509 = arith.index_cast %add3A_508 : i32 to index
      %swap3A_510 = tpu.vector_load %arg10[%swap3A_509] {strides = array<i32>} : memref<16384xf32, #tpu.memory_space<vmem>>, vector<16xf32>,
      tpu.vector_store %arg10[%swap3A_509], %gather3A_506 {add = true, strides = array<i32>} : memref<16384xf32, #tpu.memory_space<vmem>>, vector<16xf32>,
      %mul3A_511 = arith.constant 16 : i32
      %mul3A_512 = arith.muli %scan3A_448, %mul3A_511 : i32
      %mul3A_513 = arith.constant 8 : i32
      %mul3A_514 = arith.muli %mul3A_512, %mul3A_513 : i32
      %add3A_515 = arith.constant 80 : i32
      %add3A_516 = arith.addi %mul3A_514, %add3A_515 : i32
      %get3A_517 = arith.index_cast %add3A_516 : i32 to index
      %get3A_518 = tpu.vector_load %arg12[%get3A_517] {strides = array<i32>} : memref<4096xi32, #tpu.memory_space<vmem>>, vector<16xi32>,
      %gather3A_519 = tpu.vector_load_idx %arg9[%get3A_518] : memref<100000xf32, #tpu.memory_space<vmem>>[vector<16xi32>], vector<16xf32>,
      %add3A_520 = arith.constant 4096 : i32
      %add3A_521 = arith.addi %add3A_520, %add3A_516 : i32
      %swap3A_522 = arith.index_cast %add3A_521 : i32 to index
      %swap3A_523 = tpu.vector_load %arg10[%swap3A_522] {strides = array<i32>} : memref<16384xf32, #tpu.memory_space<vmem>>, vector<16xf32>,
      tpu.vector_store %arg10[%swap3A_522], %gather3A_519 {add = true, strides = array<i32>} : memref<16384xf32, #tpu.memory_space<vmem>>, vector<16xf32>,
      %mul3A_524 = arith.constant 16 : i32
      %mul3A_525 = arith.muli %scan3A_448, %mul3A_524 : i32
      %mul3A_526 = arith.constant 8 : i32
      %mul3A_527 = arith.muli %mul3A_525, %mul3A_526 : i32
      %add3A_528 = arith.constant 96 : i32
      %add3A_529 = arith.addi %mul3A_527, %add3A_528 : i32
      %get3A_530 = arith.index_cast %add3A_529 : i32 to index
      %get3A_531 = tpu.vector_load %arg12[%get3A_530] {strides = array<i32>} : memref<4096xi32, #tpu.memory_space<vmem>>, vector<16xi32>,
      %gather3A_532 = tpu.vector_load_idx %arg9[%get3A_531] : memref<100000xf32, #tpu.memory_space<vmem>>[vector<16xi32>], vector<16xf32>,
      %add3A_533 = arith.constant 4096 : i32
      %add3A_534 = arith.addi %add3A_533, %add3A_529 : i32
      %swap3A_535 = arith.index_cast %add3A_534 : i32 to index
      %swap3A_536 = tpu.vector_load %arg10[%swap3A_535] {strides = array<i32>} : memref<16384xf32, #tpu.memory_space<vmem>>, vector<16xf32>,
      tpu.vector_store %arg10[%swap3A_535], %gather3A_532 {add = true, strides = array<i32>} : memref<16384xf32, #tpu.memory_space<vmem>>, vector<16xf32>,
      %mul3A_537 = arith.constant 16 : i32
      %mul3A_538 = arith.muli %scan3A_448, %mul3A_537 : i32
      %mul3A_539 = arith.constant 8 : i32
      %mul3A_540 = arith.muli %mul3A_538, %mul3A_539 : i32
      %add3A_541 = arith.constant 112 : i32
      %add3A_542 = arith.addi %mul3A_540, %add3A_541 : i32
      %get3A_543 = arith.index_cast %add3A_542 : i32 to index
      %get3A_544 = tpu.vector_load %arg12[%get3A_543] {strides = array<i32>} : memref<4096xi32, #tpu.memory_space<vmem>>, vector<16xi32>,
      %gather3A_545 = tpu.vector_load_idx %arg9[%get3A_544] : memref<100000xf32, #tpu.memory_space<vmem>>[vector<16xi32>], vector<16xf32>,
      %add3A_546 = arith.constant 4096 : i32
      %add3A_547 = arith.addi %add3A_546, %add3A_542 : i32
      %swap3A_548 = arith.index_cast %add3A_547 : i32 to index
      %swap3A_549 = tpu.vector_load %arg10[%swap3A_548] {strides = array<i32>} : memref<16384xf32, #tpu.memory_space<vmem>>, vector<16xf32>,
      tpu.vector_store %arg10[%swap3A_548], %gather3A_545 {add = true, strides = array<i32>} : memref<16384xf32, #tpu.memory_space<vmem>>, vector<16xf32>,
    }
    %scan3A_419 = arith.constant 32 : i32
    %dma_start3A_420 = arith.constant 12288 : i32
    %dma_start3A_421 = tpu.memref_slice %arg4[%dma_start3A_420] : memref<16384xi32, #tpu.memory_space<hbm>> -> memref<4096xi32, #tpu.memory_space<hbm>>
    %dma_start3A_422 = arith.constant 12288 : i32
    %dma_start3A_423 = tpu.memref_slice %arg4[%dma_start3A_422] : memref<16384xi32, #tpu.memory_space<hbm>> -> memref<4096xi32, #tpu.memory_space<hbm>>
    tpu.enqueue_dma source(%dma_start3A_423 : memref<4096xi32, #tpu.memory_space<hbm>>) target(%arg12 : memref<4096xi32, #tpu.memory_space<vmem>>) target_semaphore(%arg15 : memref<!tpu.dma_semaphore, #tpu.memory_space<semaphore_mem>>)
    %dma_wait3A_424 = arith.constant 8192 : i32
    %dma_wait3A_425 = tpu.memref_slice %arg4[%dma_wait3A_424] : memref<16384xi32, #tpu.memory_space<hbm>> -> memref<4096xi32, #tpu.memory_space<hbm>>
    %dma_wait3A_426 = arith.constant 8192 : i32
    %dma_wait3A_427 = tpu.memref_slice %arg4[%dma_wait3A_426] : memref<16384xi32, #tpu.memory_space<hbm>> -> memref<4096xi32, #tpu.memory_space<hbm>>
    tpu.wait_dma2 semaphore(%arg14 : memref<!tpu.dma_semaphore, #tpu.memory_space<semaphore_mem>>) src(%dma_wait3A_427 : memref<4096xi32, #tpu.memory_space<hbm>>) dst(%arg11 : memref<4096xi32, #tpu.memory_space<vmem>>)
    %scan3A_428 = arith.constant 0 : i32
    %scan3A_429 = arith.constant 0 : i32
    %scan3A_430 = arith.constant 32 : i32
    %scan3A_431 = arith.addi %scan3A_429, %scan3A_430 : i32
    %scan3A_432 = arith.constant 1 : i32
    scf.for %scan3A_448 = %scan3A_429 to %scan3A_431 step %scan3A_432  : i32 {
      %mul3A_449 = arith.constant 16 : i32
      %mul3A_450 = arith.muli %scan3A_448, %mul3A_449 : i32
      %mul3A_451 = arith.constant 8 : i32
      %mul3A_452 = arith.muli %mul3A_450, %mul3A_451 : i32
      %add3A_453 = arith.constant 0 : i32
      %add3A_454 = arith.addi %mul3A_452, %add3A_453 : i32
      %get3A = arith.index_cast %add3A_454 : i32 to index
      %get3A_455 = tpu.vector_load %arg11[%get3A] {strides = array<i32>} : memref<4096xi32, #tpu.memory_space<vmem>>, vector<16xi32>,
      %gather3A = tpu.vector_load_idx %arg9[%get3A_455] : memref<100000xf32, #tpu.memory_space<vmem>>[vector<16xi32>], vector<16xf32>,
      %add3A_456 = arith.constant 8192 : i32
      %add3A_457 = arith.addi %add3A_456, %add3A_454 : i32
      %swap3A = arith.index_cast %add3A_457 : i32 to index
      %swap3A_458 = tpu.vector_load %arg10[%swap3A] {strides = array<i32>} : memref<16384xf32, #tpu.memory_space<vmem>>, vector<16xf32>,
      tpu.vector_store %arg10[%swap3A], %gather3A {add = true, strides = array<i32>} : memref<16384xf32, #tpu.memory_space<vmem>>, vector<16xf32>,
      %mul3A_459 = arith.constant 16 : i32
      %mul3A_460 = arith.muli %scan3A_448, %mul3A_459 : i32
      %mul3A_461 = arith.constant 8 : i32
      %mul3A_462 = arith.muli %mul3A_460, %mul3A_461 : i32
      %add3A_463 = arith.constant 16 : i32
      %add3A_464 = arith.addi %mul3A_462, %add3A_463 : i32
      %get3A_465 = arith.index_cast %add3A_464 : i32 to index
      %get3A_466 = tpu.vector_load %arg11[%get3A_465] {strides = array<i32>} : memref<4096xi32, #tpu.memory_space<vmem>>, vector<16xi32>,
      %gather3A_467 = tpu.vector_load_idx %arg9[%get3A_466] : memref<100000xf32, #tpu.memory_space<vmem>>[vector<16xi32>], vector<16xf32>,
      %add3A_468 = arith.constant 8192 : i32
      %add3A_469 = arith.addi %add3A_468, %add3A_464 : i32
      %swap3A_470 = arith.index_cast %add3A_469 : i32 to index
      %swap3A_471 = tpu.vector_load %arg10[%swap3A_470] {strides = array<i32>} : memref<16384xf32, #tpu.memory_space<vmem>>, vector<16xf32>,
      tpu.vector_store %arg10[%swap3A_470], %gather3A_467 {add = true, strides = array<i32>} : memref<16384xf32, #tpu.memory_space<vmem>>, vector<16xf32>,
      %mul3A_472 = arith.constant 16 : i32
      %mul3A_473 = arith.muli %scan3A_448, %mul3A_472 : i32
      %mul3A_474 = arith.constant 8 : i32
      %mul3A_475 = arith.muli %mul3A_473, %mul3A_474 : i32
      %add3A_476 = arith.constant 32 : i32
      %add3A_477 = arith.addi %mul3A_475, %add3A_476 : i32
      %get3A_478 = arith.index_cast %add3A_477 : i32 to index
      %get3A_479 = tpu.vector_load %arg11[%get3A_478] {strides = array<i32>} : memref<4096xi32, #tpu.memory_space<vmem>>, vector<16xi32>,
      %gather3A_480 = tpu.vector_load_idx %arg9[%get3A_479] : memref<100000xf32, #tpu.memory_space<vmem>>[vector<16xi32>], vector<16xf32>,
      %add3A_481 = arith.constant 8192 : i32
      %add3A_482 = arith.addi %add3A_481, %add3A_477 : i32
      %swap3A_483 = arith.index_cast %add3A_482 : i32 to index
      %swap3A_484 = tpu.vector_load %arg10[%swap3A_483] {strides = array<i32>} : memref<16384xf32, #tpu.memory_space<vmem>>, vector<16xf32>,
      tpu.vector_store %arg10[%swap3A_483], %gather3A_480 {add = true, strides = array<i32>} : memref<16384xf32, #tpu.memory_space<vmem>>, vector<16xf32>,
      %mul3A_485 = arith.constant 16 : i32
      %mul3A_486 = arith.muli %scan3A_448, %mul3A_485 : i32
      %mul3A_487 = arith.constant 8 : i32
      %mul3A_488 = arith.muli %mul3A_486, %mul3A_487 : i32
      %add3A_489 = arith.constant 48 : i32
      %add3A_490 = arith.addi %mul3A_488, %add3A_489 : i32
      %get3A_491 = arith.index_cast %add3A_490 : i32 to index
      %get3A_492 = tpu.vector_load %arg11[%get3A_491] {strides = array<i32>} : memref<4096xi32, #tpu.memory_space<vmem>>, vector<16xi32>,
      %gather3A_493 = tpu.vector_load_idx %arg9[%get3A_492] : memref<100000xf32, #tpu.memory_space<vmem>>[vector<16xi32>], vector<16xf32>,
      %add3A_494 = arith.constant 8192 : i32
      %add3A_495 = arith.addi %add3A_494, %add3A_490 : i32
      %swap3A_496 = arith.index_cast %add3A_495 : i32 to index
      %swap3A_497 = tpu.vector_load %arg10[%swap3A_496] {strides = array<i32>} : memref<16384xf32, #tpu.memory_space<vmem>>, vector<16xf32>,
      tpu.vector_store %arg10[%swap3A_496], %gather3A_493 {add = true, strides = array<i32>} : memref<16384xf32, #tpu.memory_space<vmem>>, vector<16xf32>,
      %mul3A_498 = arith.constant 16 : i32
      %mul3A_499 = arith.muli %scan3A_448, %mul3A_498 : i32
      %mul3A_500 = arith.constant 8 : i32
      %mul3A_501 = arith.muli %mul3A_499, %mul3A_500 : i32
      %add3A_502 = arith.constant 64 : i32
      %add3A_503 = arith.addi %mul3A_501, %add3A_502 : i32
      %get3A_504 = arith.index_cast %add3A_503 : i32 to index
      %get3A_505 = tpu.vector_load %arg11[%get3A_504] {strides = array<i32>} : memref<4096xi32, #tpu.memory_space<vmem>>, vector<16xi32>,
      %gather3A_506 = tpu.vector_load_idx %arg9[%get3A_505] : memref<100000xf32, #tpu.memory_space<vmem>>[vector<16xi32>], vector<16xf32>,
      %add3A_507 = arith.constant 8192 : i32
      %add3A_508 = arith.addi %add3A_507, %add3A_503 : i32
      %swap3A_509 = arith.index_cast %add3A_508 : i32 to index
      %swap3A_510 = tpu.vector_load %arg10[%swap3A_509] {strides = array<i32>} : memref<16384xf32, #tpu.memory_space<vmem>>, vector<16xf32>,
      tpu.vector_store %arg10[%swap3A_509], %gather3A_506 {add = true, strides = array<i32>} : memref<16384xf32, #tpu.memory_space<vmem>>, vector<16xf32>,
      %mul3A_511 = arith.constant 16 : i32
      %mul3A_512 = arith.muli %scan3A_448, %mul3A_511 : i32
      %mul3A_513 = arith.constant 8 : i32
      %mul3A_514 = arith.muli %mul3A_512, %mul3A_513 : i32
      %add3A_515 = arith.constant 80 : i32
      %add3A_516 = arith.addi %mul3A_514, %add3A_515 : i32
      %get3A_517 = arith.index_cast %add3A_516 : i32 to index
      %get3A_518 = tpu.vector_load %arg11[%get3A_517] {strides = array<i32>} : memref<4096xi32, #tpu.memory_space<vmem>>, vector<16xi32>,
      %gather3A_519 = tpu.vector_load_idx %arg9[%get3A_518] : memref<100000xf32, #tpu.memory_space<vmem>>[vector<16xi32>], vector<16xf32>,
      %add3A_520 = arith.constant 8192 : i32
      %add3A_521 = arith.addi %add3A_520, %add3A_516 : i32
      %swap3A_522 = arith.index_cast %add3A_521 : i32 to index
      %swap3A_523 = tpu.vector_load %arg10[%swap3A_522] {strides = array<i32>} : memref<16384xf32, #tpu.memory_space<vmem>>, vector<16xf32>,
      tpu.vector_store %arg10[%swap3A_522], %gather3A_519 {add = true, strides = array<i32>} : memref<16384xf32, #tpu.memory_space<vmem>>, vector<16xf32>,
      %mul3A_524 = arith.constant 16 : i32
      %mul3A_525 = arith.muli %scan3A_448, %mul3A_524 : i32
      %mul3A_526 = arith.constant 8 : i32
      %mul3A_527 = arith.muli %mul3A_525, %mul3A_526 : i32
      %add3A_528 = arith.constant 96 : i32
      %add3A_529 = arith.addi %mul3A_527, %add3A_528 : i32
      %get3A_530 = arith.index_cast %add3A_529 : i32 to index
      %get3A_531 = tpu.vector_load %arg11[%get3A_530] {strides = array<i32>} : memref<4096xi32, #tpu.memory_space<vmem>>, vector<16xi32>,
      %gather3A_532 = tpu.vector_load_idx %arg9[%get3A_531] : memref<100000xf32, #tpu.memory_space<vmem>>[vector<16xi32>], vector<16xf32>,
      %add3A_533 = arith.constant 8192 : i32
      %add3A_534 = arith.addi %add3A_533, %add3A_529 : i32
      %swap3A_535 = arith.index_cast %add3A_534 : i32 to index
      %swap3A_536 = tpu.vector_load %arg10[%swap3A_535] {strides = array<i32>} : memref<16384xf32, #tpu.memory_space<vmem>>, vector<16xf32>,
      tpu.vector_store %arg10[%swap3A_535], %gather3A_532 {add = true, strides = array<i32>} : memref<16384xf32, #tpu.memory_space<vmem>>, vector<16xf32>,
      %mul3A_537 = arith.constant 16 : i32
      %mul3A_538 = arith.muli %scan3A_448, %mul3A_537 : i32
      %mul3A_539 = arith.constant 8 : i32
      %mul3A_540 = arith.muli %mul3A_538, %mul3A_539 : i32
      %add3A_541 = arith.constant 112 : i32
      %add3A_542 = arith.addi %mul3A_540, %add3A_541 : i32
      %get3A_543 = arith.index_cast %add3A_542 : i32 to index
      %get3A_544 = tpu.vector_load %arg11[%get3A_543] {strides = array<i32>} : memref<4096xi32, #tpu.memory_space<vmem>>, vector<16xi32>,
      %gather3A_545 = tpu.vector_load_idx %arg9[%get3A_544] : memref<100000xf32, #tpu.memory_space<vmem>>[vector<16xi32>], vector<16xf32>,
      %add3A_546 = arith.constant 8192 : i32
      %add3A_547 = arith.addi %add3A_546, %add3A_542 : i32
      %swap3A_548 = arith.index_cast %add3A_547 : i32 to index
      %swap3A_549 = tpu.vector_load %arg10[%swap3A_548] {strides = array<i32>} : memref<16384xf32, #tpu.memory_space<vmem>>, vector<16xf32>,
      tpu.vector_store %arg10[%swap3A_548], %gather3A_545 {add = true, strides = array<i32>} : memref<16384xf32, #tpu.memory_space<vmem>>, vector<16xf32>,
    }
    %scan3A_433 = arith.constant 32 : i32
    %dma_wait3A_434 = arith.constant 12288 : i32
    %dma_wait3A_435 = tpu.memref_slice %arg4[%dma_wait3A_434] : memref<16384xi32, #tpu.memory_space<hbm>> -> memref<4096xi32, #tpu.memory_space<hbm>>
    %dma_wait3A_436 = arith.constant 12288 : i32
    %dma_wait3A_437 = tpu.memref_slice %arg4[%dma_wait3A_436] : memref<16384xi32, #tpu.memory_space<hbm>> -> memref<4096xi32, #tpu.memory_space<hbm>>
    tpu.wait_dma2 semaphore(%arg15 : memref<!tpu.dma_semaphore, #tpu.memory_space<semaphore_mem>>) src(%dma_wait3A_437 : memref<4096xi32, #tpu.memory_space<hbm>>) dst(%arg12 : memref<4096xi32, #tpu.memory_space<vmem>>)
    %scan3A_438 = arith.constant 0 : i32
    %scan3A_439 = arith.constant 0 : i32
    %scan3A_440 = arith.constant 32 : i32
    %scan3A_441 = arith.addi %scan3A_439, %scan3A_440 : i32
    %scan3A_442 = arith.constant 1 : i32
    scf.for %scan3A_448 = %scan3A_439 to %scan3A_441 step %scan3A_442  : i32 {
      %mul3A_449 = arith.constant 16 : i32
      %mul3A_450 = arith.muli %scan3A_448, %mul3A_449 : i32
      %mul3A_451 = arith.constant 8 : i32
      %mul3A_452 = arith.muli %mul3A_450, %mul3A_451 : i32
      %add3A_453 = arith.constant 0 : i32
      %add3A_454 = arith.addi %mul3A_452, %add3A_453 : i32
      %get3A = arith.index_cast %add3A_454 : i32 to index
      %get3A_455 = tpu.vector_load %arg12[%get3A] {strides = array<i32>} : memref<4096xi32, #tpu.memory_space<vmem>>, vector<16xi32>,
      %gather3A = tpu.vector_load_idx %arg9[%get3A_455] : memref<100000xf32, #tpu.memory_space<vmem>>[vector<16xi32>], vector<16xf32>,
      %add3A_456 = arith.constant 12288 : i32
      %add3A_457 = arith.addi %add3A_456, %add3A_454 : i32
      %swap3A = arith.index_cast %add3A_457 : i32 to index
      %swap3A_458 = tpu.vector_load %arg10[%swap3A] {strides = array<i32>} : memref<16384xf32, #tpu.memory_space<vmem>>, vector<16xf32>,
      tpu.vector_store %arg10[%swap3A], %gather3A {add = true, strides = array<i32>} : memref<16384xf32, #tpu.memory_space<vmem>>, vector<16xf32>,
      %mul3A_459 = arith.constant 16 : i32
      %mul3A_460 = arith.muli %scan3A_448, %mul3A_459 : i32
      %mul3A_461 = arith.constant 8 : i32
      %mul3A_462 = arith.muli %mul3A_460, %mul3A_461 : i32
      %add3A_463 = arith.constant 16 : i32
      %add3A_464 = arith.addi %mul3A_462, %add3A_463 : i32
      %get3A_465 = arith.index_cast %add3A_464 : i32 to index
      %get3A_466 = tpu.vector_load %arg12[%get3A_465] {strides = array<i32>} : memref<4096xi32, #tpu.memory_space<vmem>>, vector<16xi32>,
      %gather3A_467 = tpu.vector_load_idx %arg9[%get3A_466] : memref<100000xf32, #tpu.memory_space<vmem>>[vector<16xi32>], vector<16xf32>,
      %add3A_468 = arith.constant 12288 : i32
      %add3A_469 = arith.addi %add3A_468, %add3A_464 : i32
      %swap3A_470 = arith.index_cast %add3A_469 : i32 to index
      %swap3A_471 = tpu.vector_load %arg10[%swap3A_470] {strides = array<i32>} : memref<16384xf32, #tpu.memory_space<vmem>>, vector<16xf32>,
      tpu.vector_store %arg10[%swap3A_470], %gather3A_467 {add = true, strides = array<i32>} : memref<16384xf32, #tpu.memory_space<vmem>>, vector<16xf32>,
      %mul3A_472 = arith.constant 16 : i32
      %mul3A_473 = arith.muli %scan3A_448, %mul3A_472 : i32
      %mul3A_474 = arith.constant 8 : i32
      %mul3A_475 = arith.muli %mul3A_473, %mul3A_474 : i32
      %add3A_476 = arith.constant 32 : i32
      %add3A_477 = arith.addi %mul3A_475, %add3A_476 : i32
      %get3A_478 = arith.index_cast %add3A_477 : i32 to index
      %get3A_479 = tpu.vector_load %arg12[%get3A_478] {strides = array<i32>} : memref<4096xi32, #tpu.memory_space<vmem>>, vector<16xi32>,
      %gather3A_480 = tpu.vector_load_idx %arg9[%get3A_479] : memref<100000xf32, #tpu.memory_space<vmem>>[vector<16xi32>], vector<16xf32>,
      %add3A_481 = arith.constant 12288 : i32
      %add3A_482 = arith.addi %add3A_481, %add3A_477 : i32
      %swap3A_483 = arith.index_cast %add3A_482 : i32 to index
      %swap3A_484 = tpu.vector_load %arg10[%swap3A_483] {strides = array<i32>} : memref<16384xf32, #tpu.memory_space<vmem>>, vector<16xf32>,
      tpu.vector_store %arg10[%swap3A_483], %gather3A_480 {add = true, strides = array<i32>} : memref<16384xf32, #tpu.memory_space<vmem>>, vector<16xf32>,
      %mul3A_485 = arith.constant 16 : i32
      %mul3A_486 = arith.muli %scan3A_448, %mul3A_485 : i32
      %mul3A_487 = arith.constant 8 : i32
      %mul3A_488 = arith.muli %mul3A_486, %mul3A_487 : i32
      %add3A_489 = arith.constant 48 : i32
      %add3A_490 = arith.addi %mul3A_488, %add3A_489 : i32
      %get3A_491 = arith.index_cast %add3A_490 : i32 to index
      %get3A_492 = tpu.vector_load %arg12[%get3A_491] {strides = array<i32>} : memref<4096xi32, #tpu.memory_space<vmem>>, vector<16xi32>,
      %gather3A_493 = tpu.vector_load_idx %arg9[%get3A_492] : memref<100000xf32, #tpu.memory_space<vmem>>[vector<16xi32>], vector<16xf32>,
      %add3A_494 = arith.constant 12288 : i32
      %add3A_495 = arith.addi %add3A_494, %add3A_490 : i32
      %swap3A_496 = arith.index_cast %add3A_495 : i32 to index
      %swap3A_497 = tpu.vector_load %arg10[%swap3A_496] {strides = array<i32>} : memref<16384xf32, #tpu.memory_space<vmem>>, vector<16xf32>,
      tpu.vector_store %arg10[%swap3A_496], %gather3A_493 {add = true, strides = array<i32>} : memref<16384xf32, #tpu.memory_space<vmem>>, vector<16xf32>,
      %mul3A_498 = arith.constant 16 : i32
      %mul3A_499 = arith.muli %scan3A_448, %mul3A_498 : i32
      %mul3A_500 = arith.constant 8 : i32
      %mul3A_501 = arith.muli %mul3A_499, %mul3A_500 : i32
      %add3A_502 = arith.constant 64 : i32
      %add3A_503 = arith.addi %mul3A_501, %add3A_502 : i32
      %get3A_504 = arith.index_cast %add3A_503 : i32 to index
      %get3A_505 = tpu.vector_load %arg12[%get3A_504] {strides = array<i32>} : memref<4096xi32, #tpu.memory_space<vmem>>, vector<16xi32>,
      %gather3A_506 = tpu.vector_load_idx %arg9[%get3A_505] : memref<100000xf32, #tpu.memory_space<vmem>>[vector<16xi32>], vector<16xf32>,
      %add3A_507 = arith.constant 12288 : i32
      %add3A_508 = arith.addi %add3A_507, %add3A_503 : i32
      %swap3A_509 = arith.index_cast %add3A_508 : i32 to index
      %swap3A_510 = tpu.vector_load %arg10[%swap3A_509] {strides = array<i32>} : memref<16384xf32, #tpu.memory_space<vmem>>, vector<16xf32>,
      tpu.vector_store %arg10[%swap3A_509], %gather3A_506 {add = true, strides = array<i32>} : memref<16384xf32, #tpu.memory_space<vmem>>, vector<16xf32>,
      %mul3A_511 = arith.constant 16 : i32
      %mul3A_512 = arith.muli %scan3A_448, %mul3A_511 : i32
      %mul3A_513 = arith.constant 8 : i32
      %mul3A_514 = arith.muli %mul3A_512, %mul3A_513 : i32
      %add3A_515 = arith.constant 80 : i32
      %add3A_516 = arith.addi %mul3A_514, %add3A_515 : i32
      %get3A_517 = arith.index_cast %add3A_516 : i32 to index
      %get3A_518 = tpu.vector_load %arg12[%get3A_517] {strides = array<i32>} : memref<4096xi32, #tpu.memory_space<vmem>>, vector<16xi32>,
      %gather3A_519 = tpu.vector_load_idx %arg9[%get3A_518] : memref<100000xf32, #tpu.memory_space<vmem>>[vector<16xi32>], vector<16xf32>,
      %add3A_520 = arith.constant 12288 : i32
      %add3A_521 = arith.addi %add3A_520, %add3A_516 : i32
      %swap3A_522 = arith.index_cast %add3A_521 : i32 to index
      %swap3A_523 = tpu.vector_load %arg10[%swap3A_522] {strides = array<i32>} : memref<16384xf32, #tpu.memory_space<vmem>>, vector<16xf32>,
      tpu.vector_store %arg10[%swap3A_522], %gather3A_519 {add = true, strides = array<i32>} : memref<16384xf32, #tpu.memory_space<vmem>>, vector<16xf32>,
      %mul3A_524 = arith.constant 16 : i32
      %mul3A_525 = arith.muli %scan3A_448, %mul3A_524 : i32
      %mul3A_526 = arith.constant 8 : i32
      %mul3A_527 = arith.muli %mul3A_525, %mul3A_526 : i32
      %add3A_528 = arith.constant 96 : i32
      %add3A_529 = arith.addi %mul3A_527, %add3A_528 : i32
      %get3A_530 = arith.index_cast %add3A_529 : i32 to index
      %get3A_531 = tpu.vector_load %arg12[%get3A_530] {strides = array<i32>} : memref<4096xi32, #tpu.memory_space<vmem>>, vector<16xi32>,
      %gather3A_532 = tpu.vector_load_idx %arg9[%get3A_531] : memref<100000xf32, #tpu.memory_space<vmem>>[vector<16xi32>], vector<16xf32>,
      %add3A_533 = arith.constant 12288 : i32
      %add3A_534 = arith.addi %add3A_533, %add3A_529 : i32
      %swap3A_535 = arith.index_cast %add3A_534 : i32 to index
      %swap3A_536 = tpu.vector_load %arg10[%swap3A_535] {strides = array<i32>} : memref<16384xf32, #tpu.memory_space<vmem>>, vector<16xf32>,
      tpu.vector_store %arg10[%swap3A_535], %gather3A_532 {add = true, strides = array<i32>} : memref<16384xf32, #tpu.memory_space<vmem>>, vector<16xf32>,
      %mul3A_537 = arith.constant 16 : i32
      %mul3A_538 = arith.muli %scan3A_448, %mul3A_537 : i32
      %mul3A_539 = arith.constant 8 : i32
      %mul3A_540 = arith.muli %mul3A_538, %mul3A_539 : i32
      %add3A_541 = arith.constant 112 : i32
      %add3A_542 = arith.addi %mul3A_540, %add3A_541 : i32
      %get3A_543 = arith.index_cast %add3A_542 : i32 to index
      %get3A_544 = tpu.vector_load %arg12[%get3A_543] {strides = array<i32>} : memref<4096xi32, #tpu.memory_space<vmem>>, vector<16xi32>,
      %gather3A_545 = tpu.vector_load_idx %arg9[%get3A_544] : memref<100000xf32, #tpu.memory_space<vmem>>[vector<16xi32>], vector<16xf32>,
      %add3A_546 = arith.constant 12288 : i32
      %add3A_547 = arith.addi %add3A_546, %add3A_542 : i32
      %swap3A_548 = arith.index_cast %add3A_547 : i32 to index
      %swap3A_549 = tpu.vector_load %arg10[%swap3A_548] {strides = array<i32>} : memref<16384xf32, #tpu.memory_space<vmem>>, vector<16xf32>,
      tpu.vector_store %arg10[%swap3A_548], %gather3A_545 {add = true, strides = array<i32>} : memref<16384xf32, #tpu.memory_space<vmem>>, vector<16xf32>,
    }
    %scan3A_443 = arith.constant 32 : i32
    %mul3A_444 = arith.constant 2 : i32
    %mul3A_445 = arith.muli %add3A, %mul3A_444 : i32
    %add3A_446 = arith.constant 1 : i32
    %add3A_447 = arith.addi %mul3A_445, %add3A_446 : i32
    "tpu.region"() ({
      %run_scoped3A = tpu.sem_alloc : memref<!tpu.dma_semaphore, #tpu.memory_space<semaphore_mem>>
      %dma_start3A_448 = arith.constant 0 : i32
      %dma_start3A_449 = tpu.memref_slice %arg8[%add3A_447, %dma_start3A_448] : memref<64x16384xf32, #tpu.memory_space<hbm>> -> memref<1x16384xf32, #tpu.memory_space<hbm>>
      %dma_start3A_450 = tpu.memref_squeeze %dma_start3A_449 : memref<1x16384xf32, #tpu.memory_space<hbm>> -> memref<16384xf32, #tpu.memory_space<hbm>>
      %dma_start3A_451 = arith.constant 0 : i32
      %dma_start3A_452 = tpu.memref_slice %arg8[%add3A_447, %dma_start3A_451] : memref<64x16384xf32, #tpu.memory_space<hbm>> -> memref<1x16384xf32, #tpu.memory_space<hbm>>
      %dma_start3A_453 = tpu.memref_squeeze %dma_start3A_452 : memref<1x16384xf32, #tpu.memory_space<hbm>> -> memref<16384xf32, #tpu.memory_space<hbm>>
      tpu.enqueue_dma source(%arg10 : memref<16384xf32, #tpu.memory_space<vmem>>) target(%dma_start3A_453 : memref<16384xf32, #tpu.memory_space<hbm>>) target_semaphore(%run_scoped3A : memref<!tpu.dma_semaphore, #tpu.memory_space<semaphore_mem>>)
      %dma_wait3A_454 = arith.constant 0 : i32
      %dma_wait3A_455 = tpu.memref_slice %arg8[%add3A_447, %dma_wait3A_454] : memref<64x16384xf32, #tpu.memory_space<hbm>> -> memref<1x16384xf32, #tpu.memory_space<hbm>>
      %dma_wait3A_456 = tpu.memref_squeeze %dma_wait3A_455 : memref<1x16384xf32, #tpu.memory_space<hbm>> -> memref<16384xf32, #tpu.memory_space<hbm>>
      %dma_wait3A_457 = arith.constant 0 : i32
      %dma_wait3A_458 = tpu.memref_slice %arg8[%add3A_447, %dma_wait3A_457] : memref<64x16384xf32, #tpu.memory_space<hbm>> -> memref<1x16384xf32, #tpu.memory_space<hbm>>
      %dma_wait3A_459 = tpu.memref_squeeze %dma_wait3A_458 : memref<1x16384xf32, #tpu.memory_space<hbm>> -> memref<16384xf32, #tpu.memory_space<hbm>>
      tpu.wait_dma2 semaphore(%run_scoped3A : memref<!tpu.dma_semaphore, #tpu.memory_space<semaphore_mem>>) src(%arg10 : memref<16384xf32, #tpu.memory_space<vmem>>) dst(%dma_wait3A_459 : memref<16384xf32, #tpu.memory_space<hbm>>)
      tpu.yield
    }) : () -> ()
    return
  }
}

</mosaic_0001>

<sc_bundles>
// kernel: kernel.3.cloned.1.call-start
scs
__scs_entry_jumppad:
0x0: {  	(pc) =	sbr.rel $0x88, $3  }
0x1: {  	(tag) =	ssettag $0x0;
	lr =	simm.s32 $0x1  }
0x2: {  	[smem:$0x3F9B] =	sst lr;
	_ =	strace $0xD0000000  }
0x3: {  	_ = 	snop  }
0x4: {  	_ = 	snop  }
0x5: {  	_ = 	snop  }
0x6: {  	_ = 	snop  }
0x7: {  	_ = 	snop  }
__scs_overlays_trampoline_lowered:
0x8: {  	[smem:$0x3FAA] =	sst s0  }
0x9: {  	[smem:$0x3FAB] =	sst s1  }
0xa: {  	[smem:$0x3FAC] =	sst s2  }
0xb: {  	[smem:$0x3FAD] =	sst s3  }
0xc: {  	[smem:$0x3FAE] =	sst s4  }
0xd: {  	[smem:$0x3FAF] =	sst s5  }
0xe: {  	[smem:$0x3FB0] =	sst s6  }
0xf: {  	[smem:$0x3FB1] =	sst s7  }
0x10: {  	[smem:$0x3FB2] =	sst s8  }
0x11: {  	[smem:$0x3FB3] =	sst s9;
	s0 =	simm.s32 @!p0 $0x0  }
0x12: {  	s1 =	sld [smem:$0x3F99];
	s0 =	simm.s32 @p0 $0x1  }
0x13: {  	[smem:$0x3FB4] =	sst s0;
	s0 =	simm.s32 @!p1 $0x0  }
0x14: {  	s2 =	sld [smem:$0x3F98];
	s0 =	simm.s32 @p1 $0x1  }
0x15: {  	[smem:$0x3FB5] =	sst s0;
	s0 =	simm.s32 @!p2 $0x0  }
0x16: {  	s3 =	sld [smem:$0x3FDB];
	s0 =	simm.s32 @p2 $0x1  }
0x17: {  	s4 =	simm.s32 $0x1BF5;
	[smem:$0x3FB7] =	sst s0  }
0x18: {  	s0 =	sld [smem:$0x3F9A];
	_ =	swait.ge [sflag:s4], $0x0  }
0x19: {  	s7 =	sld [smem:$0x3F9B]  }
0x1a: {  	s8 =	sadd.s32 $0xFFFFE003, lr  }
0x1b: {  	s9 =	sadd.s32 $0xFFFFFEF7, lr;
	s5 =	simm.s32 $0xFFFFFFFF;
	p2 =	slt.u32 s8, $0xFFFFF086  }
0x1c: {  	p1 =	slt.u32 s9, $0xF7A;
	s5 =	simm.s32 @!p2 $0x0  }
0x1d: {  	s5 =	simm.s32 @p1 $0x1;
	p0 =	seq.s32 s7, s2  }
0x1e: {  	s7 =	smul.u32 @!p0 $0xF7A, s2;
	p2 =	seq.s32 @!p0 s5, $0x0  }
0x1f: {  	s9 =	smul.u32 $0xF7A, s1;
	s8 =	simm.s32 @!p0 $0x1BF5;
	p2 =	por !p2, p0  }
0x20: {  	[sflag:s8] =	ssyncset.s32 @!p0 $0xFFFFF086;
	s6 =	sadd.s32 @!p0 s3, s7;
	s7 =	simm.s32 @!p0 $0x108  }
0x21: {  	s3 =	sadd.s32 s3, s9;
	s6 =	sadd.s32 @!p0 $0x88, s6;
	s7 =	simm.s32 @p2 $0x1082  }
0x22: {  	[simem:s7], [sflag:s8] =	dma.local @!p0 [hbm:s6], $0xF7A  }
0x23: {  	s9 =	sor.u32 $0xD0000000, s2;
	s6 =	simm.s32 $0x108;
	_ =	swait.ge @!p0 [sflag:s8], $0x0  }
0x24: {  	s3 =	sadd.s32 $0x88, s3;
	s6 =	simm.s32 @!p1 $0x1082;
	[sflag:s4] =	ssyncset.s32 $0xFFFFF086  }
0x25: {  	[simem:s6], [sflag:s4] =	dma.local [hbm:s3], $0xF7A  }
0x26: {  	[smem:$0x3F9B] =	sst s1;
	(tag) =	ssettag s2;
	_ =	strace s9  }
0x27: {  	s1 =	sld [smem:$0x3FAB]  }
0x28: {  	s2 =	sld [smem:$0x3FAC]  }
0x29: {  	s4 =	sld [smem:$0x3FAE]  }
0x2a: {  	p0 =	seq.s32 s5, $0x0;
	s5 =	sld [smem:$0x3FAF]  }
0x2b: {  	s6 =	sld [smem:$0x3FB0]  }
0x2c: {  	s7 =	sld [smem:$0x3FB1]  }
0x2d: {  	s3 =	simm.s32 $0x108;
	s8 =	sld [smem:$0x3FB2]  }
0x2e: {  	s3 =	simm.s32 @!p0 $0x1082;
	s9 =	sld [smem:$0x3FB3]  }
0x2f: {  	lr =	sadd.s32 s0, s3;
	s0 =	sld [smem:$0x3FAA]  }
0x30: {  	s3 =	sld [smem:$0x3FAD]  }
0x31: {  	[smem:$0x3FB6] =	sst s10  }
0x32: {  	s10 =	sld [smem:$0x3FB4];
	_ =	sdelay $0x3  }
0x33: {  	p0 =	seq.s32 s10, $0x1;
	s10 =	sld [smem:$0x3FB6];
	_ =	sdelay $0x3  }
0x34: {  	[smem:$0x3FB6] =	sst s10  }
0x35: {  	s10 =	sld [smem:$0x3FB5];
	_ =	sdelay $0x3  }
0x36: {  	p1 =	seq.s32 s10, $0x1;
	s10 =	sld [smem:$0x3FB6];
	_ =	sdelay $0x3  }
0x37: {  	[smem:$0x3FB6] =	sst s10  }
0x38: {  	s10 =	sld [smem:$0x3FB7]  }
0x39: {  	_ = 	snop;
	(pc) =	sbr.ind lr, $3  }
0x3a: {  	_ = 	snop  }
0x3b: {  	_ = 	snop  }
0x3c: {  	p2 =	seq.s32 s10, $0x1;
	s10 =	sld [smem:$0x3FB6]  }
0x3d: {  	_ =	shalt  }
0x3e: {  	_ =	shalt  }
0x3f: {  	_ =	shalt  }
0x40: {  	_ =	shalt  }
0x41: {  	_ =	shalt  }
0x42: {  	_ =	shalt  }
0x43: {  	_ =	shalt  }
0x44: {  	_ =	shalt  }
0x45: {  	_ =	shalt  }
0x46: {  	_ =	shalt  }
0x47: {  	_ =	shalt  }
0x48: {  	_ =	shalt  }
0x49: {  	_ =	shalt  }
0x4a: {  	_ =	shalt  }
0x4b: {  	_ =	shalt  }
0x4c: {  	_ =	shalt  }
0x4d: {  	_ =	shalt  }
0x4e: {  	_ =	shalt  }
0x4f: {  	_ =	shalt  }
0x50: {  	_ =	shalt  }
0x51: {  	_ =	shalt  }
0x52: {  	_ =	shalt  }
0x53: {  	_ =	shalt  }
0x54: {  	_ =	shalt  }
0x55: {  	_ =	shalt  }
0x56: {  	_ =	shalt  }
0x57: {  	_ =	shalt  }
0x58: {  	_ =	shalt  }
0x59: {  	_ =	shalt  }
0x5a: {  	_ =	shalt  }
0x5b: {  	_ =	shalt  }
0x5c: {  	_ =	shalt  }
0x5d: {  	_ =	shalt  }
0x5e: {  	_ =	shalt  }
0x5f: {  	_ =	shalt  }
0x60: {  	_ =	shalt  }
0x61: {  	_ =	shalt  }
0x62: {  	_ =	shalt  }
0x63: {  	_ =	shalt  }
0x64: {  	_ =	shalt  }
0x65: {  	_ =	shalt  }
0x66: {  	_ =	shalt  }
0x67: {  	_ =	shalt  }
0x68: {  	_ =	shalt  }
0x69: {  	_ =	shalt  }
0x6a: {  	_ =	shalt  }
0x6b: {  	_ =	shalt  }
0x6c: {  	_ =	shalt  }
0x6d: {  	_ =	shalt  }
0x6e: {  	_ =	shalt  }
0x6f: {  	_ =	shalt  }
0x70: {  	_ =	shalt  }
0x71: {  	_ =	shalt  }
0x72: {  	_ =	shalt  }
0x73: {  	_ =	shalt  }
0x74: {  	_ =	shalt  }
0x75: {  	_ =	shalt  }
0x76: {  	_ =	shalt  }
0x77: {  	_ =	shalt  }
0x78: {  	_ =	shalt  }
0x79: {  	_ =	shalt  }
0x7a: {  	_ =	shalt  }
0x7b: {  	_ =	shalt  }
0x7c: {  	_ =	shalt  }
0x7d: {  	_ =	shalt  }
0x7e: {  	_ =	shalt  }
0x7f: {  	_ =	shalt  }
0x80: {  	_ =	shalt  }
0x81: {  	_ =	shalt  }
0x82: {  	_ =	shalt  }
0x83: {  	_ =	shalt  }
0x84: {  	_ =	shalt  }
0x85: {  	_ =	shalt  }
0x86: {  	_ =	shalt  }
0x87: {  	_ =	shalt  }
.Lfunc_end0:
.L_simem_size_0:
called_computation_lowered:
.L_overlay_start_0:
0x88: {  	s2 =	sld [smem:$0x3FD9]  }
0x89: {  	s3 =	sld [smem:$0x3FFE];
	_ =	sdelay $0x1  }
0x8a: {  	s1 =	srdreg.scid  }
0x8b: {  	s0 =	sand.u32 $0x1, s1  }
0x8c: {  	s18 =	sshll.u32 s0, $0xA;
	s2 =	sadd.s32 s3, s2  }
0x8d: {  	s2 =	sadd.s32 s2, s18  }
0x8e: {  	[smem:$0x3FC2] =	sst s2  }
0x8f: {  	_ = 	snop  }
0x90: {  	s2 =	sld [smem:$0x3FC9]  }
0x91: {  	s19 =	sld [smem:$0x3FC8]  }
0x92: {  	s4 =	sld [smem:$0x3FC7]  }
0x93: {  	s5 =	sld [smem:$0x3FC6]  }
0x94: {  	s6 =	sld [smem:$0x3FC5]  }
0x95: {  	s7 =	sld [smem:$0x3FC4]  }
0x96: {  	s8 =	sld [smem:$0x3FD0];
	(tm) =	ssettm $0x1  }
0x97: {  	s9 =	sld [smem:$0x3FFB];
	_ =	sdelay $0x3  }
0x98: {  	_ =	strace s9  }
0x99: {  	s9 =	sld [smem:$0x3FFC];
	_ =	sdelay $0x3  }
0x9a: {  	_ =	strace s9  }
0x9b: {  	s9 =	sld [smem:$0x3FFD];
	_ =	sdelay $0x3  }
0x9c: {  	_ =	strace s9  }
0x9d: {  	_ =	strace $0x8FFFFFFF  }
0x9e: {  	s20 =	sld [smem:$0x3FDB];
	_ =	sdelay $0x1  }
0x9f: {  	s10 =	simm.s32 $_scs_section_size  }
0xa0: {  	s11 =	simm.s32 $_size__tile_overlayer_lowered;
	s12 =	simm.s32 $_tile_overlayer_lowered  }
0xa1: {  	s23 =	simm.s32 $0x1BFF;
	s22 =	sshll.u32 s12, $0x1;
	s9 =	sadd.s32 s10, s20  }
0xa2: {  	s13 =	simm.s32 $0x0;
	s21 =	sshll.u32 s11, $0x1;
	s11 =	sadd.s32 s22, s9  }
0xa3: {  	[timem:s13], [sflag:s23] =	dma.local [hbm:s11], s21  }
0xa4: {  	_ =	swait.ge [sflag:s23], s21  }
0xa5: {  	s10 =	ssub.s32 $0x0, s21;
	[sflag:s23] =	ssyncset.done $0x0  }
0xa6: {  	[sflag:s23] =	ssyncadd.s32 s10;
	_ =	sdelay $0x1  }
0xa7: {  	s24 =	simm.s32 $0x1B8B  }
0xa8: {  	_ =	swait.ge [sflag:s24], $0x1  }
0xa9: {  	[sflag:s24] =	ssyncset.done $0x0  }
0xaa: {  	s25 =	simm.s32 $0x1B8E;
	[sflag:s24] =	ssyncadd.s32 $0xFFFFFFFF  }
0xab: {  	s26 =	simm.s32 $execute0_lowered;
	[smem:$0x3FD2] =	sst s25  }
0xac: {  	s10 =	sshll.u32 s26, $0x1;
	_ =	strace $0x80000046;
	[dreg:$0x1] =	wrdreg $0xFFFFFFFF  }
0xad: {  	s28 =	simm.s32 $_size_execute0_lowered;
	s9 =	sadd.s32 s9, s10;
	[dreg:$0x0] =	wrdreg $0x0  }
0xae: {  	s10 =	sshll.u32 s28, $0x1;
	[dreg:$0x2] =	wrdreg s9  }
0xaf: {  	[dreg:$0x3] =	wrdreg s10  }
0xb0: {  	[dreg:$0x4] =	wrdreg $0xC0  }
0xb1: {  	_ =	task [dreg:s13], $0x5FFFF  }
0xb2: {  	[dreg:$0x1] =	wrdreg $0xFFFFFFFF  }
0xb3: {  	[dreg:$0x0] =	wrdreg $0x60  }
0xb4: {  	[dreg:$0x2] =	wrdreg s2  }
0xb5: {  	[dreg:$0x3] =	wrdreg s19  }
0xb6: {  	[dreg:$0x4] =	wrdreg s4  }
0xb7: {  	[dreg:$0x5] =	wrdreg s5  }
0xb8: {  	[dreg:$0x6] =	wrdreg s6  }
0xb9: {  	[dreg:$0x7] =	wrdreg s7  }
0xba: {  	[dreg:$0x8] =	wrdreg s8  }
0xbb: {  	[dreg:$0x9] =	wrdreg $0x9  }
0xbc: {  	_ =	task.clear_ibuf [dreg:s13], $0xAFFFF;
	_ =	strace $0x90000046  }
0xbd: {  	s29 =	simm.s32 $0x9;
	_ =	strace $0x80000048  }
0xbe: {  	_ =	swait.ge [sflag:s29], $0x1  }
0xbf: {  	[sflag:s29] =	ssyncadd.s32 $0xFFFFFFFF  }
0xc0: {  	_ =	strace $0x90000048  }
0xc1: {  	_ =	sfence  }
0xc2: {  	s30 =	sld [smem:$0x0];
	_ =	sdelay $0x2  }
0xc3: {  	s31 =	sshll.u32 s1, $0xD;
	s1 =	sshrl.u32 s1, $0x2  }
0xc4: {  	s3 =	sand.u32 $0x4000, s31;
	s1 =	sadd.s32 s1, s30  }
0xc5: {  	s0 =	sor.u32 s3, s0;
	s1 =	sshll.u32 s1, $0x11  }
0xc6: {  	s0 =	sor.u32 s1, s0  }
0xc7: {  	s0 =	sadd.s32 $0x8F2B, s0  }
0xc8: {  	[sflag:s0] =	ssyncadd.remote.s32 $0x1  }
0xc9: {  	_ =	sfence.sel $0xFFFF  }
0xca: {  	[dreg:$0x0] =	wrdreg $0xFFFFFFFF;
	(pc) =	sbr.abs _section_cstart, $3  }
0xcb: {  	[dreg:$0x1] =	wrdreg $0xFFFFFFFF  }
0xcc: {  	_ =	task.clear_ibuf [dreg:s13], $0x2FFFF;
	_ =	strace $0x9FFFFFFF  }
0xcd: {  	(tm) =	ssettm $0x7FFFFFFF  }
tec
execute0_lowered:
.L_overlay_start_1:
0x0: {  	(tag) =	ssettag $0x1  }
0x1: {  	s0 =	rddreg [dreg:$0x0]  }
0x2: {  	s1 =	rddreg [dreg:$0x1]  }
0x3: {  	s2 =	rddreg [dreg:$0x2]  }
0x4: {  	s3 =	rddreg [dreg:$0x3]  }
0x5: {  	s4 =	rddreg [dreg:$0x4]  }
0x6: {  	s6 =	rddreg [dreg:$0x5]  }
0x7: {  	s10 =	rddreg [dreg:$0x6]  }
0x8: {  	s5 =	srdreg.scid;
	s8 =	stileid.u32;
	s28 =	simm.s32 $0x1  }
0x9: {  	s29 =	simm.s32 $0x1D700;
	s30 =	simm.s32 $0x2;
	s31 =	simm.s32 $0x3  }
0xa: {  	s7 =	sand.u32 $0x1, s5;
	s23 =	sshll.u32 s8, $0x9;
	s14 =	sshrl.u32 s8, $0x1  }
0xb: {  	s12 =	sadd.s32 $0x400, s1;
	s13 =	sadd.s32 $0x600, s1;
	s16 =	sadd.s32 $0x400, s2  }
0xc: {  	s24 =	sshll.u32 s7, $0x8;
	s5 =	sand.u32 $0x200, s23;
	s17 =	smul.u32 $0xC3800, s14  }
0xd: {  	s7 =	ssub.s32 $0x2, s7;
	s14 =	sshll.u32 s14, $0x11;
	s18 =	sor.u32 s24, s5  }
0xe: {  	s5 =	simm.s32 $0x0;
	s9 =	sshrl.u32 s7, $0x1;
	s24 =	simm.s32 $0x80  }
0xf: {  	s8 =	sor.u32 s17, s18;
	[smem:$0x7FF] =	sst s5;
	s23 =	ssub.s32 s7, s9  }
0x10: {  	s7 =	sadd.s32 $0x200, s0;
	s9 =	sadd.s32 $0x600, s0;
	s19 =	sor.u32 $0x80, s18  }
0x11: {  	s18 =	sor.u32 s14, s18;
	s15 =	sshrl.u32 s8, $0x3;
	_ =	strace $0x80000047  }
0x12: {  	s8 =	sadd.s32 $0x400, s0;
	s20 =	sor.u32 s17, s19;
	s14 =	sor.u32 s14, s19  }
0x13: {  	s17 =	sadd.s32 $0x600, s2;
	s18 =	sshrl.u32 s18, $0x3;
	s23 =	smax.u32 s23, $0x1  }
0x14: {  	s25 =	sadd.s32 s3, s15;
	s11 =	sadd.s32 s4, s15;
	s15 =	sadd.s32 s6, s15  }
0x15: {  	s21 =	sshrl.u32 s20, $0x3;
	s19 =	sadd.s32 s10, s18;
	[dreg:$0x8] =	wrdreg s25  }
0x16: {  	s26 =	sshrl.u32 s14, $0x3;
	[dreg:$0x9] =	wrdreg s11;
	s11 =	sadd.s32 $0x200, s1  }
0x17: {  	[dreg:$0xa] =	wrdreg s15;
	s15 =	sadd.s32 $0x200, s2;
	s3 =	sadd.s32 s3, s21  }
0x18: {  	s20 =	sadd.s32 s4, s21;
	s21 =	sadd.s32 s6, s21;
	s22 =	sadd.s32 s10, s26  }
0x19: {  	s25 =	simm.s32 $0x400;
	s26 =	simm.s32 $0x1C700;
	s4 =	simm.s32 $0x5  }
0x1a: {  	s6 =	simm.s32 $0x0;
	[dreg:$0xb] =	wrdreg s3;
	s3 =	simm.s32 $0x4  }
.LBB2_1:
0x1b: {  	s10 =	rddreg [dreg:$0x8]  }
0x1c: {  	[tilespmem:s5], [sflag:$0x1] =	stream.strided.gather [hbm4b:s10+s24], $0x18700, s25, s24, $0x38;
	[tilespmem:$0x1E700] =	vst v63  }
0x1d: {  	_ = 	snop  }
0x1e: {  	[tilespmem:s26], [sflag:$0x2] =	stream.linear.gather [hbm4b:s0+s5], $0x1000, $0x38;
	[tilespmem:$0x1E700] =	vst v63  }
0x1f: {  	_ =	swait.ge [sflag:s28], $0x18700  }
0x20: {  	[sflag:s28] =	ssyncset.done $0x0  }
0x21: {  	[sflag:s28] =	ssyncadd.s32 $0xFFFE7900  }
0x22: {  	[tilespmem:s29], [sflag:$0x3] =	stream.linear.gather [hbm4b:s7+s5], $0x1000, $0x38;
	[tilespmem:$0x1E700] =	vst v63  }
0x23: {  	_ =	swait.ge [sflag:s30], $0x1000  }
0x24: {  	[sflag:s30] =	ssyncset.done $0x0  }
0x25: {  	s10 =	simm.s32 $0x0;
	[sflag:s30] =	ssyncadd.s32 $0xFFFFF000  }
0x26: {  	v0 =	vld [tilespmem:s10+$0x1C700];
	_ =	sdelay $0x5  }
0x27: {  	v1 =	vld [tilespmem:s10+$0x1C710];
	_ =	sdelay $0x1  }
0x28: {  	v0 =	vld.idx.msk [tilespmem:v0+s5+$0x0], $0xffff;
	_ =	sdelay $0x4  }
0x29: {  	[tilespmem:s10+$0x18700] =	vst v0;
	v0 =	vld [tilespmem:s10+$0x1C720]  }
0x2a: {  	v1 =	vld.idx.msk [tilespmem:v1+s5+$0x0], $0xffff;
	_ =	sdelay $0x4  }
0x2b: {  	[tilespmem:s10+$0x18710] =	vst v1;
	v1 =	vld [tilespmem:s10+$0x1C730];
	_ =	sdelay $0x1  }
0x2c: {  	v0 =	vld.idx.msk [tilespmem:v0+s5+$0x0], $0xffff;
	_ =	sdelay $0x4  }
0x2d: {  	[tilespmem:s10+$0x18720] =	vst v0;
	v0 =	vld [tilespmem:s10+$0x1C740]  }
0x2e: {  	v1 =	vld.idx.msk [tilespmem:v1+s5+$0x0], $0xffff;
	_ =	sdelay $0x4  }
0x2f: {  	[tilespmem:s10+$0x18730] =	vst v1;
	v1 =	vld [tilespmem:s10+$0x1C750];
	_ =	sdelay $0x1  }
0x30: {  	v0 =	vld.idx.msk [tilespmem:v0+s5+$0x0], $0xffff;
	_ =	sdelay $0x4  }
0x31: {  	v2 =	vld [tilespmem:s10+$0x1C760];
	[tilespmem:s10+$0x18740] =	vst v0  }
0x32: {  	v0 =	vld.idx.msk [tilespmem:v1+s5+$0x0], $0xffff;
	_ =	sdelay $0x4  }
0x33: {  	[tilespmem:s10+$0x18750] =	vst v0;
	v0 =	vld [tilespmem:s10+$0x1C770];
	_ =	sdelay $0x1  }
0x34: {  	v1 =	vld.idx.msk [tilespmem:v2+s5+$0x0], $0xffff;
	_ =	sdelay $0x3  }
0x35: {  	s18 =	simm.s32 $0x80;
	s14 =	simm.s32 $0x400  }
.LBB2_2:
0x36: {  	p0 =	sne.s32 s14, $0x3E00;
	v2 =	vld [tilespmem:s18+$0x1C700];
	[tilespmem:s10+$0x18760] =	vst v1  }
0x37: {  	v0 =	vld.idx.msk [tilespmem:v0+s5+$0x0], $0xffff;
	_ =	sdelay $0x5  }
0x38: {  	v1 =	vld [tilespmem:s18+$0x1C710];
	[tilespmem:s10+$0x18770] =	vst v0;
	s10 =	smov.u32 s18  }
0x39: {  	v0 =	vld.idx.msk [tilespmem:v2+s5+$0x0], $0xffff;
	_ =	sdelay $0x5  }
0x3a: {  	[tilespmem:s10+$0x18700] =	vst v0;
	v0 =	vld [tilespmem:s10+$0x1C720]  }
0x3b: {  	v1 =	vld.idx.msk [tilespmem:v1+s5+$0x0], $0xffff;
	_ =	sdelay $0x5  }
0x3c: {  	[tilespmem:s10+$0x18710] =	vst v1;
	v1 =	vld [tilespmem:s10+$0x1C730]  }
0x3d: {  	v0 =	vld.idx.msk [tilespmem:v0+s5+$0x0], $0xffff;
	_ =	sdelay $0x5  }
0x3e: {  	[tilespmem:s10+$0x18720] =	vst v0;
	v0 =	vld [tilespmem:s10+$0x1C740]  }
0x3f: {  	v1 =	vld.idx.msk [tilespmem:v1+s5+$0x0], $0xffff;
	_ =	sdelay $0x5  }
0x40: {  	[tilespmem:s10+$0x18730] =	vst v1;
	v1 =	vld [tilespmem:s10+$0x1C750]  }
0x41: {  	v0 =	vld.idx.msk [tilespmem:v0+s5+$0x0], $0xffff;
	_ =	sdelay $0x5  }
0x42: {  	[tilespmem:s10+$0x18740] =	vst v0;
	v2 =	vld [tilespmem:s10+$0x1C760]  }
0x43: {  	v0 =	vld.idx.msk [tilespmem:v1+s5+$0x0], $0xffff;
	_ =	sdelay $0x5  }
0x44: {  	[tilespmem:s10+$0x18750] =	vst v0;
	v0 =	vld [tilespmem:s10+$0x1C770]  }
0x45: {  	v1 =	vld.idx.msk [tilespmem:v2+s5+$0x0], $0xffff  }
.Ltmp0:
0x46: {  	(pc) =	sbr.rel @p0 .LBB2_2-.Ltmp0, $2  }
0x47: {  	_ =	sdelay $0x2  }
0x48: {  	s18 =	sshra.s32 s14, $0x2;
	s14 =	sadd.s32 $0x200, s14  }
0x49: {  	_ =	sdelay $0x1  }
0x4a: {  	v2 =	vld [tilespmem:s18+$0x1C700]  }
0x4b: {  	[tilespmem:s10+$0x18760] =	vst v1  }
0x4c: {  	v0 =	vld.idx.msk [tilespmem:v0+s5+$0x0], $0xffff;
	_ =	sdelay $0x3  }
0x4d: {  	v1 =	vld [tilespmem:s18+$0x1C710]  }
0x4e: {  	[tilespmem:s10+$0x18770] =	vst v0  }
0x4f: {  	v0 =	vld.idx.msk [tilespmem:v2+s5+$0x0], $0xffff;
	_ =	sdelay $0x4  }
0x50: {  	[tilespmem:s18+$0x18700] =	vst v0;
	v0 =	vld [tilespmem:s18+$0x1C720]  }
0x51: {  	v1 =	vld.idx.msk [tilespmem:v1+s5+$0x0], $0xffff;
	_ =	sdelay $0x4  }
0x52: {  	[tilespmem:s18+$0x18710] =	vst v1;
	v1 =	vld [tilespmem:s18+$0x1C730];
	_ =	sdelay $0x1  }
0x53: {  	v0 =	vld.idx.msk [tilespmem:v0+s5+$0x0], $0xffff;
	_ =	sdelay $0x4  }
0x54: {  	[tilespmem:s18+$0x18720] =	vst v0;
	v0 =	vld [tilespmem:s18+$0x1C740]  }
0x55: {  	v1 =	vld.idx.msk [tilespmem:v1+s5+$0x0], $0xffff;
	_ =	sdelay $0x4  }
0x56: {  	[tilespmem:s18+$0x18730] =	vst v1;
	v1 =	vld [tilespmem:s18+$0x1C750];
	_ =	sdelay $0x1  }
0x57: {  	v0 =	vld.idx.msk [tilespmem:v0+s5+$0x0], $0xffff;
	_ =	sdelay $0x4  }
0x58: {  	[tilespmem:s18+$0x18740] =	vst v0;
	v0 =	vld [tilespmem:s18+$0x1C760]  }
0x59: {  	v1 =	vld.idx.msk [tilespmem:v1+s5+$0x0], $0xffff;
	_ =	sdelay $0x4  }
0x5a: {  	[tilespmem:s18+$0x18750] =	vst v1;
	v1 =	vld [tilespmem:s18+$0x1C770];
	_ =	sdelay $0x1  }
0x5b: {  	v0 =	vld.idx.msk [tilespmem:v0+s5+$0x0], $0xffff;
	_ =	sdelay $0x4  }
0x5c: {  	[tilespmem:s18+$0x18760] =	vst v0  }
0x5d: {  	v0 =	vld.idx.msk [tilespmem:v1+s5+$0x0], $0xffff;
	_ =	sdelay $0x4  }
0x5e: {  	[tilespmem:s18+$0x18770] =	vst v0;
	s18 =	simm.s32 $0x0  }
0x5f: {  	[tilespmem:s26], [sflag:$0x2] =	stream.linear.gather [hbm4b:s8+s18], $0x1000, $0x38;
	[tilespmem:$0x1E700] =	vst v63  }
0x60: {  	_ =	swait.ge [sflag:s31], $0x1000  }
0x61: {  	[sflag:s31] =	ssyncset.done $0x0  }
0x62: {  	s10 =	simm.s32 $0x0;
	[sflag:s31] =	ssyncadd.s32 $0xFFFFF000  }
0x63: {  	v0 =	vld [tilespmem:s10+$0x1D700];
	_ =	sdelay $0x5  }
0x64: {  	v1 =	vld [tilespmem:s10+$0x1D710];
	_ =	sdelay $0x1  }
0x65: {  	v0 =	vld.idx.msk [tilespmem:v0+s5+$0x0], $0xffff;
	_ =	sdelay $0x4  }
0x66: {  	[tilespmem:s10+$0x19700] =	vst v0;
	v0 =	vld [tilespmem:s10+$0x1D720]  }
0x67: {  	v1 =	vld.idx.msk [tilespmem:v1+s5+$0x0], $0xffff;
	_ =	sdelay $0x4  }
0x68: {  	[tilespmem:s10+$0x19710] =	vst v1;
	v1 =	vld [tilespmem:s10+$0x1D730];
	_ =	sdelay $0x1  }
0x69: {  	v0 =	vld.idx.msk [tilespmem:v0+s5+$0x0], $0xffff;
	_ =	sdelay $0x4  }
0x6a: {  	[tilespmem:s10+$0x19720] =	vst v0;
	v0 =	vld [tilespmem:s10+$0x1D740]  }
0x6b: {  	v1 =	vld.idx.msk [tilespmem:v1+s5+$0x0], $0xffff;
	_ =	sdelay $0x4  }
0x6c: {  	[tilespmem:s10+$0x19730] =	vst v1;
	v1 =	vld [tilespmem:s10+$0x1D750];
	_ =	sdelay $0x1  }
0x6d: {  	v0 =	vld.idx.msk [tilespmem:v0+s5+$0x0], $0xffff;
	_ =	sdelay $0x4  }
0x6e: {  	v2 =	vld [tilespmem:s10+$0x1D760];
	[tilespmem:s10+$0x19740] =	vst v0  }
0x6f: {  	v0 =	vld.idx.msk [tilespmem:v1+s5+$0x0], $0xffff;
	_ =	sdelay $0x4  }
0x70: {  	[tilespmem:s10+$0x19750] =	vst v0;
	v0 =	vld [tilespmem:s10+$0x1D770];
	_ =	sdelay $0x1  }
0x71: {  	v1 =	vld.idx.msk [tilespmem:v2+s5+$0x0], $0xffff;
	_ =	sdelay $0x3  }
0x72: {  	s14 =	simm.s32 $0x400;
	s18 =	simm.s32 $0x80  }
.LBB2_4:
0x73: {  	p0 =	sne.s32 s14, $0x3E00;
	v2 =	vld [tilespmem:s18+$0x1D700];
	[tilespmem:s10+$0x19760] =	vst v1  }
0x74: {  	v0 =	vld.idx.msk [tilespmem:v0+s5+$0x0], $0xffff;
	_ =	sdelay $0x5  }
0x75: {  	v1 =	vld [tilespmem:s18+$0x1D710];
	[tilespmem:s10+$0x19770] =	vst v0;
	s10 =	smov.u32 s18  }
0x76: {  	v0 =	vld.idx.msk [tilespmem:v2+s5+$0x0], $0xffff;
	_ =	sdelay $0x5  }
0x77: {  	[tilespmem:s10+$0x19700] =	vst v0;
	v0 =	vld [tilespmem:s10+$0x1D720]  }
0x78: {  	v1 =	vld.idx.msk [tilespmem:v1+s5+$0x0], $0xffff;
	_ =	sdelay $0x5  }
0x79: {  	[tilespmem:s10+$0x19710] =	vst v1;
	v1 =	vld [tilespmem:s10+$0x1D730]  }
0x7a: {  	v0 =	vld.idx.msk [tilespmem:v0+s5+$0x0], $0xffff;
	_ =	sdelay $0x5  }
0x7b: {  	[tilespmem:s10+$0x19720] =	vst v0;
	v0 =	vld [tilespmem:s10+$0x1D740]  }
0x7c: {  	v1 =	vld.idx.msk [tilespmem:v1+s5+$0x0], $0xffff;
	_ =	sdelay $0x5  }
0x7d: {  	[tilespmem:s10+$0x19730] =	vst v1;
	v1 =	vld [tilespmem:s10+$0x1D750]  }
0x7e: {  	v0 =	vld.idx.msk [tilespmem:v0+s5+$0x0], $0xffff;
	_ =	sdelay $0x5  }
0x7f: {  	[tilespmem:s10+$0x19740] =	vst v0;
	v2 =	vld [tilespmem:s10+$0x1D760]  }
0x80: {  	v0 =	vld.idx.msk [tilespmem:v1+s5+$0x0], $0xffff;
	_ =	sdelay $0x5  }
0x81: {  	[tilespmem:s10+$0x19750] =	vst v0;
	v0 =	vld [tilespmem:s10+$0x1D770]  }
0x82: {  	v1 =	vld.idx.msk [tilespmem:v2+s5+$0x0], $0xffff  }
.Ltmp1:
0x83: {  	(pc) =	sbr.rel @p0 .LBB2_4-.Ltmp1, $2  }
0x84: {  	_ =	sdelay $0x2  }
0x85: {  	s18 =	sshra.s32 s14, $0x2;
	s14 =	sadd.s32 $0x200, s14  }
0x86: {  	_ =	sdelay $0x1  }
0x87: {  	v2 =	vld [tilespmem:s18+$0x1D700]  }
0x88: {  	[tilespmem:s10+$0x19760] =	vst v1  }
0x89: {  	v0 =	vld.idx.msk [tilespmem:v0+s5+$0x0], $0xffff;
	_ =	sdelay $0x3  }
0x8a: {  	v1 =	vld [tilespmem:s18+$0x1D710]  }
0x8b: {  	[tilespmem:s10+$0x19770] =	vst v0  }
0x8c: {  	v0 =	vld.idx.msk [tilespmem:v2+s5+$0x0], $0xffff;
	_ =	sdelay $0x4  }
0x8d: {  	[tilespmem:s18+$0x19700] =	vst v0;
	v0 =	vld [tilespmem:s18+$0x1D720]  }
0x8e: {  	v1 =	vld.idx.msk [tilespmem:v1+s5+$0x0], $0xffff;
	_ =	sdelay $0x4  }
0x8f: {  	[tilespmem:s18+$0x19710] =	vst v1;
	v1 =	vld [tilespmem:s18+$0x1D730];
	_ =	sdelay $0x1  }
0x90: {  	v0 =	vld.idx.msk [tilespmem:v0+s5+$0x0], $0xffff;
	_ =	sdelay $0x4  }
0x91: {  	[tilespmem:s18+$0x19720] =	vst v0;
	v0 =	vld [tilespmem:s18+$0x1D740]  }
0x92: {  	v1 =	vld.idx.msk [tilespmem:v1+s5+$0x0], $0xffff;
	_ =	sdelay $0x4  }
0x93: {  	[tilespmem:s18+$0x19730] =	vst v1;
	v1 =	vld [tilespmem:s18+$0x1D750];
	_ =	sdelay $0x1  }
0x94: {  	v0 =	vld.idx.msk [tilespmem:v0+s5+$0x0], $0xffff;
	_ =	sdelay $0x4  }
0x95: {  	[tilespmem:s18+$0x19740] =	vst v0;
	v0 =	vld [tilespmem:s18+$0x1D760]  }
0x96: {  	v1 =	vld.idx.msk [tilespmem:v1+s5+$0x0], $0xffff;
	_ =	sdelay $0x4  }
0x97: {  	[tilespmem:s18+$0x19750] =	vst v1;
	v1 =	vld [tilespmem:s18+$0x1D770];
	_ =	sdelay $0x1  }
0x98: {  	v0 =	vld.idx.msk [tilespmem:v0+s5+$0x0], $0xffff;
	_ =	sdelay $0x4  }
0x99: {  	[tilespmem:s18+$0x19760] =	vst v0  }
0x9a: {  	v0 =	vld.idx.msk [tilespmem:v1+s5+$0x0], $0xffff;
	_ =	sdelay $0x4  }
0x9b: {  	[tilespmem:s18+$0x19770] =	vst v0;
	s18 =	simm.s32 $0x0  }
0x9c: {  	[tilespmem:s29], [sflag:$0x3] =	stream.linear.gather [hbm4b:s9+s18], $0x1000, $0x38;
	[tilespmem:$0x1E700] =	vst v63  }
0x9d: {  	_ =	swait.ge [sflag:s30], $0x1000  }
0x9e: {  	[sflag:s30] =	ssyncset.done $0x0  }
0x9f: {  	s10 =	simm.s32 $0x0;
	[sflag:s30] =	ssyncadd.s32 $0xFFFFF000  }
0xa0: {  	v0 =	vld [tilespmem:s10+$0x1C700];
	_ =	sdelay $0x5  }
0xa1: {  	v1 =	vld [tilespmem:s10+$0x1C710];
	_ =	sdelay $0x1  }
0xa2: {  	v0 =	vld.idx.msk [tilespmem:v0+s5+$0x0], $0xffff;
	_ =	sdelay $0x4  }
0xa3: {  	[tilespmem:s10+$0x1A700] =	vst v0;
	v0 =	vld [tilespmem:s10+$0x1C720]  }
0xa4: {  	v1 =	vld.idx.msk [tilespmem:v1+s5+$0x0], $0xffff;
	_ =	sdelay $0x4  }
0xa5: {  	[tilespmem:s10+$0x1A710] =	vst v1;
	v1 =	vld [tilespmem:s10+$0x1C730];
	_ =	sdelay $0x1  }
0xa6: {  	v0 =	vld.idx.msk [tilespmem:v0+s5+$0x0], $0xffff;
	_ =	sdelay $0x4  }
0xa7: {  	[tilespmem:s10+$0x1A720] =	vst v0;
	v0 =	vld [tilespmem:s10+$0x1C740]  }
0xa8: {  	v1 =	vld.idx.msk [tilespmem:v1+s5+$0x0], $0xffff;
	_ =	sdelay $0x4  }
0xa9: {  	[tilespmem:s10+$0x1A730] =	vst v1;
	v1 =	vld [tilespmem:s10+$0x1C750];
	_ =	sdelay $0x1  }
0xaa: {  	v0 =	vld.idx.msk [tilespmem:v0+s5+$0x0], $0xffff;
	_ =	sdelay $0x4  }
0xab: {  	v2 =	vld [tilespmem:s10+$0x1C760];
	[tilespmem:s10+$0x1A740] =	vst v0  }
0xac: {  	v0 =	vld.idx.msk [tilespmem:v1+s5+$0x0], $0xffff;
	_ =	sdelay $0x4  }
0xad: {  	[tilespmem:s10+$0x1A750] =	vst v0;
	v0 =	vld [tilespmem:s10+$0x1C770];
	_ =	sdelay $0x1  }
0xae: {  	v1 =	vld.idx.msk [tilespmem:v2+s5+$0x0], $0xffff;
	_ =	sdelay $0x3  }
0xaf: {  	s14 =	simm.s32 $0x400;
	s18 =	simm.s32 $0x80  }
.LBB2_6:
0xb0: {  	p0 =	sne.s32 s14, $0x3E00;
	v2 =	vld [tilespmem:s18+$0x1C700];
	[tilespmem:s10+$0x1A760] =	vst v1  }
0xb1: {  	v0 =	vld.idx.msk [tilespmem:v0+s5+$0x0], $0xffff;
	_ =	sdelay $0x5  }
0xb2: {  	v1 =	vld [tilespmem:s18+$0x1C710];
	[tilespmem:s10+$0x1A770] =	vst v0;
	s10 =	smov.u32 s18  }
0xb3: {  	v0 =	vld.idx.msk [tilespmem:v2+s5+$0x0], $0xffff;
	_ =	sdelay $0x5  }
0xb4: {  	[tilespmem:s10+$0x1A700] =	vst v0;
	v0 =	vld [tilespmem:s10+$0x1C720]  }
0xb5: {  	v1 =	vld.idx.msk [tilespmem:v1+s5+$0x0], $0xffff;
	_ =	sdelay $0x5  }
0xb6: {  	[tilespmem:s10+$0x1A710] =	vst v1;
	v1 =	vld [tilespmem:s10+$0x1C730]  }
0xb7: {  	v0 =	vld.idx.msk [tilespmem:v0+s5+$0x0], $0xffff;
	_ =	sdelay $0x5  }
0xb8: {  	[tilespmem:s10+$0x1A720] =	vst v0;
	v0 =	vld [tilespmem:s10+$0x1C740]  }
0xb9: {  	v1 =	vld.idx.msk [tilespmem:v1+s5+$0x0], $0xffff;
	_ =	sdelay $0x5  }
0xba: {  	[tilespmem:s10+$0x1A730] =	vst v1;
	v1 =	vld [tilespmem:s10+$0x1C750]  }
0xbb: {  	v0 =	vld.idx.msk [tilespmem:v0+s5+$0x0], $0xffff;
	_ =	sdelay $0x5  }
0xbc: {  	[tilespmem:s10+$0x1A740] =	vst v0;
	v2 =	vld [tilespmem:s10+$0x1C760]  }
0xbd: {  	v0 =	vld.idx.msk [tilespmem:v1+s5+$0x0], $0xffff;
	_ =	sdelay $0x5  }
0xbe: {  	[tilespmem:s10+$0x1A750] =	vst v0;
	v0 =	vld [tilespmem:s10+$0x1C770]  }
0xbf: {  	v1 =	vld.idx.msk [tilespmem:v2+s5+$0x0], $0xffff  }
.Ltmp2:
0xc0: {  	(pc) =	sbr.rel @p0 .LBB2_6-.Ltmp2, $2  }
0xc1: {  	_ =	sdelay $0x2  }
0xc2: {  	s18 =	sshra.s32 s14, $0x2;
	s14 =	sadd.s32 $0x200, s14  }
0xc3: {  	_ =	sdelay $0x1  }
0xc4: {  	v2 =	vld [tilespmem:s18+$0x1C700]  }
0xc5: {  	[tilespmem:s10+$0x1A760] =	vst v1  }
0xc6: {  	v0 =	vld.idx.msk [tilespmem:v0+s5+$0x0], $0xffff;
	_ =	sdelay $0x3  }
0xc7: {  	v1 =	vld [tilespmem:s18+$0x1C710]  }
0xc8: {  	[tilespmem:s10+$0x1A770] =	vst v0  }
0xc9: {  	v0 =	vld.idx.msk [tilespmem:v2+s5+$0x0], $0xffff;
	_ =	sdelay $0x4  }
0xca: {  	[tilespmem:s18+$0x1A700] =	vst v0;
	v0 =	vld [tilespmem:s18+$0x1C720]  }
0xcb: {  	v1 =	vld.idx.msk [tilespmem:v1+s5+$0x0], $0xffff;
	_ =	sdelay $0x4  }
0xcc: {  	[tilespmem:s18+$0x1A710] =	vst v1;
	v1 =	vld [tilespmem:s18+$0x1C730];
	_ =	sdelay $0x1  }
0xcd: {  	v0 =	vld.idx.msk [tilespmem:v0+s5+$0x0], $0xffff;
	_ =	sdelay $0x4  }
0xce: {  	[tilespmem:s18+$0x1A720] =	vst v0;
	v0 =	vld [tilespmem:s18+$0x1C740]  }
0xcf: {  	v1 =	vld.idx.msk [tilespmem:v1+s5+$0x0], $0xffff;
	_ =	sdelay $0x4  }
0xd0: {  	[tilespmem:s18+$0x1A730] =	vst v1;
	v1 =	vld [tilespmem:s18+$0x1C750];
	_ =	sdelay $0x1  }
0xd1: {  	v0 =	vld.idx.msk [tilespmem:v0+s5+$0x0], $0xffff;
	_ =	sdelay $0x4  }
0xd2: {  	[tilespmem:s18+$0x1A740] =	vst v0;
	v0 =	vld [tilespmem:s18+$0x1C760]  }
0xd3: {  	v1 =	vld.idx.msk [tilespmem:v1+s5+$0x0], $0xffff;
	_ =	sdelay $0x4  }
0xd4: {  	[tilespmem:s18+$0x1A750] =	vst v1;
	v1 =	vld [tilespmem:s18+$0x1C770];
	_ =	sdelay $0x1  }
0xd5: {  	v0 =	vld.idx.msk [tilespmem:v0+s5+$0x0], $0xffff;
	_ =	sdelay $0x4  }
0xd6: {  	[tilespmem:s18+$0x1A760] =	vst v0  }
0xd7: {  	v0 =	vld.idx.msk [tilespmem:v1+s5+$0x0], $0xffff;
	_ =	sdelay $0x4  }
0xd8: {  	[tilespmem:s18+$0x1A770] =	vst v0;
	s18 =	simm.s32 $0x0  }
0xd9: {  	[tilespmem:s26], [sflag:$0x2] =	stream.linear.gather [hbm4b:s1+s18], $0x1000, $0x38;
	[tilespmem:$0x1E700] =	vst v63  }
0xda: {  	_ =	swait.ge [sflag:s31], $0x1000  }
0xdb: {  	[sflag:s31] =	ssyncset.done $0x0  }
0xdc: {  	s10 =	simm.s32 $0x0;
	[sflag:s31] =	ssyncadd.s32 $0xFFFFF000  }
0xdd: {  	v0 =	vld [tilespmem:s10+$0x1D700];
	_ =	sdelay $0x5  }
0xde: {  	v1 =	vld [tilespmem:s10+$0x1D710];
	_ =	sdelay $0x1  }
0xdf: {  	v0 =	vld.idx.msk [tilespmem:v0+s5+$0x0], $0xffff;
	_ =	sdelay $0x4  }
0xe0: {  	[tilespmem:s10+$0x1B700] =	vst v0;
	v0 =	vld [tilespmem:s10+$0x1D720]  }
0xe1: {  	v1 =	vld.idx.msk [tilespmem:v1+s5+$0x0], $0xffff;
	_ =	sdelay $0x4  }
0xe2: {  	[tilespmem:s10+$0x1B710] =	vst v1;
	v1 =	vld [tilespmem:s10+$0x1D730];
	_ =	sdelay $0x1  }
0xe3: {  	v0 =	vld.idx.msk [tilespmem:v0+s5+$0x0], $0xffff;
	_ =	sdelay $0x4  }
0xe4: {  	[tilespmem:s10+$0x1B720] =	vst v0;
	v0 =	vld [tilespmem:s10+$0x1D740]  }
0xe5: {  	v1 =	vld.idx.msk [tilespmem:v1+s5+$0x0], $0xffff;
	_ =	sdelay $0x4  }
0xe6: {  	[tilespmem:s10+$0x1B730] =	vst v1;
	v1 =	vld [tilespmem:s10+$0x1D750];
	_ =	sdelay $0x1  }
0xe7: {  	v0 =	vld.idx.msk [tilespmem:v0+s5+$0x0], $0xffff;
	_ =	sdelay $0x4  }
0xe8: {  	v2 =	vld [tilespmem:s10+$0x1D760];
	[tilespmem:s10+$0x1B740] =	vst v0  }
0xe9: {  	v0 =	vld.idx.msk [tilespmem:v1+s5+$0x0], $0xffff;
	_ =	sdelay $0x4  }
0xea: {  	[tilespmem:s10+$0x1B750] =	vst v0;
	v0 =	vld [tilespmem:s10+$0x1D770];
	_ =	sdelay $0x1  }
0xeb: {  	v1 =	vld.idx.msk [tilespmem:v2+s5+$0x0], $0xffff;
	_ =	sdelay $0x3  }
0xec: {  	s14 =	simm.s32 $0x400;
	s18 =	simm.s32 $0x80  }
.LBB2_8:
0xed: {  	p0 =	sne.s32 s14, $0x3E00;
	v2 =	vld [tilespmem:s18+$0x1D700];
	[tilespmem:s10+$0x1B760] =	vst v1  }
0xee: {  	v0 =	vld.idx.msk [tilespmem:v0+s5+$0x0], $0xffff;
	_ =	sdelay $0x5  }
0xef: {  	v1 =	vld [tilespmem:s18+$0x1D710];
	[tilespmem:s10+$0x1B770] =	vst v0;
	s10 =	smov.u32 s18  }
0xf0: {  	v0 =	vld.idx.msk [tilespmem:v2+s5+$0x0], $0xffff;
	_ =	sdelay $0x5  }
0xf1: {  	[tilespmem:s10+$0x1B700] =	vst v0;
	v0 =	vld [tilespmem:s10+$0x1D720]  }
0xf2: {  	v1 =	vld.idx.msk [tilespmem:v1+s5+$0x0], $0xffff;
	_ =	sdelay $0x5  }
0xf3: {  	[tilespmem:s10+$0x1B710] =	vst v1;
	v1 =	vld [tilespmem:s10+$0x1D730]  }
0xf4: {  	v0 =	vld.idx.msk [tilespmem:v0+s5+$0x0], $0xffff;
	_ =	sdelay $0x5  }
0xf5: {  	[tilespmem:s10+$0x1B720] =	vst v0;
	v0 =	vld [tilespmem:s10+$0x1D740]  }
0xf6: {  	v1 =	vld.idx.msk [tilespmem:v1+s5+$0x0], $0xffff;
	_ =	sdelay $0x5  }
0xf7: {  	[tilespmem:s10+$0x1B730] =	vst v1;
	v1 =	vld [tilespmem:s10+$0x1D750]  }
0xf8: {  	v0 =	vld.idx.msk [tilespmem:v0+s5+$0x0], $0xffff;
	_ =	sdelay $0x5  }
0xf9: {  	[tilespmem:s10+$0x1B740] =	vst v0;
	v2 =	vld [tilespmem:s10+$0x1D760]  }
0xfa: {  	v0 =	vld.idx.msk [tilespmem:v1+s5+$0x0], $0xffff;
	_ =	sdelay $0x5  }
0xfb: {  	[tilespmem:s10+$0x1B750] =	vst v0;
	v0 =	vld [tilespmem:s10+$0x1D770]  }
0xfc: {  	v1 =	vld.idx.msk [tilespmem:v2+s5+$0x0], $0xffff  }
.Ltmp3:
0xfd: {  	(pc) =	sbr.rel @p0 .LBB2_8-.Ltmp3, $2  }
0xfe: {  	_ =	sdelay $0x2  }
0xff: {  	s18 =	sshra.s32 s14, $0x2;
	s14 =	sadd.s32 $0x200, s14  }
0x100: {  	_ =	sdelay $0x1  }
0x101: {  	v2 =	vld [tilespmem:s18+$0x1D700]  }
0x102: {  	[tilespmem:s10+$0x1B760] =	vst v1  }
0x103: {  	v0 =	vld.idx.msk [tilespmem:v0+s5+$0x0], $0xffff;
	_ =	sdelay $0x3  }
0x104: {  	v1 =	vld [tilespmem:s18+$0x1D710]  }
0x105: {  	[tilespmem:s10+$0x1B770] =	vst v0  }
0x106: {  	v0 =	vld.idx.msk [tilespmem:v2+s5+$0x0], $0xffff;
	_ =	sdelay $0x4  }
0x107: {  	[tilespmem:s18+$0x1B700] =	vst v0;
	v0 =	vld [tilespmem:s18+$0x1D720]  }
0x108: {  	v1 =	vld.idx.msk [tilespmem:v1+s5+$0x0], $0xffff;
	_ =	sdelay $0x4  }
0x109: {  	[tilespmem:s18+$0x1B710] =	vst v1;
	v1 =	vld [tilespmem:s18+$0x1D730];
	_ =	sdelay $0x1  }
0x10a: {  	v0 =	vld.idx.msk [tilespmem:v0+s5+$0x0], $0xffff;
	_ =	sdelay $0x4  }
0x10b: {  	[tilespmem:s18+$0x1B720] =	vst v0;
	v0 =	vld [tilespmem:s18+$0x1D740]  }
0x10c: {  	v1 =	vld.idx.msk [tilespmem:v1+s5+$0x0], $0xffff;
	_ =	sdelay $0x4  }
0x10d: {  	[tilespmem:s18+$0x1B730] =	vst v1;
	v1 =	vld [tilespmem:s18+$0x1D750];
	_ =	sdelay $0x1  }
0x10e: {  	v0 =	vld.idx.msk [tilespmem:v0+s5+$0x0], $0xffff;
	_ =	sdelay $0x4  }
0x10f: {  	[tilespmem:s18+$0x1B740] =	vst v0;
	v0 =	vld [tilespmem:s18+$0x1D760]  }
0x110: {  	v1 =	vld.idx.msk [tilespmem:v1+s5+$0x0], $0xffff;
	_ =	sdelay $0x4  }
0x111: {  	[tilespmem:s18+$0x1B750] =	vst v1;
	v1 =	vld [tilespmem:s18+$0x1D770];
	_ =	sdelay $0x1  }
0x112: {  	v0 =	vld.idx.msk [tilespmem:v0+s5+$0x0], $0xffff;
	_ =	sdelay $0x4  }
0x113: {  	[tilespmem:s18+$0x1B760] =	vst v0  }
0x114: {  	v0 =	vld.idx.msk [tilespmem:v1+s5+$0x0], $0xffff;
	_ =	sdelay $0x4  }
0x115: {  	s14 =	rddreg [dreg:$0x9];
	[tilespmem:s18+$0x1B770] =	vst v0;
	s18 =	simm.s32 $0x0  }
0x116: {  	[tilespmem:s18], [sflag:$0x1] =	stream.strided.gather [hbm4b:s14+s24], $0x18700, s25, s24, $0x38;
	[tilespmem:$0x1E700] =	vst v63  }
0x117: {  	_ =	swait.ge [sflag:s28], $0x18700  }
0x118: {  	[sflag:s28] =	ssyncset.done $0x0  }
0x119: {  	[sflag:s28] =	ssyncadd.s32 $0xFFFE7900  }
0x11a: {  	[tilespmem:s29], [sflag:$0x3] =	stream.linear.gather [hbm4b:s11+s18], $0x1000, $0x38;
	[tilespmem:$0x1E700] =	vst v63  }
0x11b: {  	_ =	swait.ge [sflag:s30], $0x1000  }
0x11c: {  	[sflag:s30] =	ssyncset.done $0x0  }
0x11d: {  	s10 =	simm.s32 $0x0;
	[sflag:s30] =	ssyncadd.s32 $0xFFFFF000  }
0x11e: {  	v0 =	vld [tilespmem:s10+$0x1C700];
	_ =	sdelay $0x5  }
0x11f: {  	v1 =	vld [tilespmem:s10+$0x1C710];
	_ =	sdelay $0x1  }
0x120: {  	v0 =	vld.idx.msk [tilespmem:v0+s5+$0x0], $0xffff;
	_ =	sdelay $0x3  }
0x121: {  	v2 =	vld [tilespmem:s10+$0x1C720]  }
0x122: {  	[tilespmem:s10+$0x18700] =	vst.add.f32.msk $0xffff, v0  }
0x123: {  	v0 =	vld.idx.msk [tilespmem:v1+s5+$0x0], $0xffff;
	_ =	sdelay $0x3  }
0x124: {  	v1 =	vld [tilespmem:s10+$0x1C730]  }
0x125: {  	[tilespmem:s10+$0x18710] =	vst.add.f32.msk $0xffff, v0  }
0x126: {  	v0 =	vld.idx.msk [tilespmem:v2+s5+$0x0], $0xffff;
	_ =	sdelay $0x3  }
0x127: {  	v2 =	vld [tilespmem:s10+$0x1C740]  }
0x128: {  	[tilespmem:s10+$0x18720] =	vst.add.f32.msk $0xffff, v0  }
0x129: {  	v0 =	vld.idx.msk [tilespmem:v1+s5+$0x0], $0xffff;
	_ =	sdelay $0x3  }
0x12a: {  	v1 =	vld [tilespmem:s10+$0x1C750]  }
0x12b: {  	[tilespmem:s10+$0x18730] =	vst.add.f32.msk $0xffff, v0  }
0x12c: {  	v0 =	vld.idx.msk [tilespmem:v2+s5+$0x0], $0xffff;
	_ =	sdelay $0x3  }
0x12d: {  	v2 =	vld [tilespmem:s10+$0x1C760]  }
0x12e: {  	[tilespmem:s10+$0x18740] =	vst.add.f32.msk $0xffff, v0  }
0x12f: {  	v1 =	vld.idx.msk [tilespmem:v1+s5+$0x0], $0xffff;
	_ =	sdelay $0x3  }
0x130: {  	v0 =	vld [tilespmem:s10+$0x1C770]  }
0x131: {  	[tilespmem:s10+$0x18750] =	vst.add.f32.msk $0xffff, v1  }
0x132: {  	v2 =	vld.idx.msk [tilespmem:v2+s5+$0x0], $0xffff;
	_ =	sdelay $0x2  }
0x133: {  	s18 =	simm.s32 $0x80  }
0x134: {  	s14 =	simm.s32 $0x400;
	v1 =	vld [tilespmem:s18+$0x1C700]  }
.LBB2_10:
0x135: {  	p0 =	sne.s32 s14, $0x3E00;
	[tilespmem:s10+$0x18760] =	vst.add.f32.msk $0xffff, v2  }
0x136: {  	v0 =	vld.idx.msk [tilespmem:v0+s5+$0x0], $0xffff;
	_ =	sdelay $0x4  }
0x137: {  	v2 =	vld [tilespmem:s18+$0x1C710]  }
0x138: {  	[tilespmem:s10+$0x18770] =	vst.add.f32.msk $0xffff, v0;
	s10 =	smov.u32 s18  }
0x139: {  	v0 =	vld.idx.msk [tilespmem:v1+s5+$0x0], $0xffff;
	_ =	sdelay $0x4  }
0x13a: {  	v1 =	vld [tilespmem:s10+$0x1C720]  }
0x13b: {  	[tilespmem:s10+$0x18700] =	vst.add.f32.msk $0xffff, v0  }
0x13c: {  	v0 =	vld.idx.msk [tilespmem:v2+s5+$0x0], $0xffff;
	_ =	sdelay $0x4  }
0x13d: {  	v2 =	vld [tilespmem:s10+$0x1C730]  }
0x13e: {  	[tilespmem:s10+$0x18710] =	vst.add.f32.msk $0xffff, v0  }
0x13f: {  	v0 =	vld.idx.msk [tilespmem:v1+s5+$0x0], $0xffff;
	_ =	sdelay $0x4  }
0x140: {  	v1 =	vld [tilespmem:s10+$0x1C740]  }
0x141: {  	[tilespmem:s10+$0x18720] =	vst.add.f32.msk $0xffff, v0  }
0x142: {  	v0 =	vld.idx.msk [tilespmem:v2+s5+$0x0], $0xffff;
	_ =	sdelay $0x4  }
0x143: {  	v2 =	vld [tilespmem:s10+$0x1C750]  }
0x144: {  	[tilespmem:s10+$0x18730] =	vst.add.f32.msk $0xffff, v0  }
0x145: {  	v0 =	vld.idx.msk [tilespmem:v1+s5+$0x0], $0xffff;
	_ =	sdelay $0x4  }
0x146: {  	v1 =	vld [tilespmem:s10+$0x1C760]  }
0x147: {  	[tilespmem:s10+$0x18740] =	vst.add.f32.msk $0xffff, v0  }
0x148: {  	v2 =	vld.idx.msk [tilespmem:v2+s5+$0x0], $0xffff;
	_ =	sdelay $0x4  }
0x149: {  	v0 =	vld [tilespmem:s10+$0x1C770]  }
0x14a: {  	[tilespmem:s10+$0x18750] =	vst.add.f32.msk $0xffff, v2  }
0x14b: {  	v2 =	vld.idx.msk [tilespmem:v1+s5+$0x0], $0xffff  }
.Ltmp4:
0x14c: {  	(pc) =	sbr.rel @p0 .LBB2_10-.Ltmp4, $3  }
0x14d: {  	_ =	sdelay $0x1  }
0x14e: {  	s18 =	sshra.s32 s14, $0x2  }
0x14f: {  	s14 =	sadd.s32 $0x200, s14;
	v1 =	vld [tilespmem:s18+$0x1C700]  }
0x150: {  	_ =	sdelay $0x2  }
0x151: {  	[tilespmem:s10+$0x18760] =	vst.add.f32.msk $0xffff, v2  }
0x152: {  	v0 =	vld.idx.msk [tilespmem:v0+s5+$0x0], $0xffff;
	_ =	sdelay $0x3  }
0x153: {  	v2 =	vld [tilespmem:s18+$0x1C710]  }
0x154: {  	[tilespmem:s10+$0x18770] =	vst.add.f32.msk $0xffff, v0  }
0x155: {  	v0 =	vld.idx.msk [tilespmem:v1+s5+$0x0], $0xffff;
	_ =	sdelay $0x3  }
0x156: {  	v1 =	vld [tilespmem:s18+$0x1C720]  }
0x157: {  	[tilespmem:s18+$0x18700] =	vst.add.f32.msk $0xffff, v0  }
0x158: {  	v0 =	vld.idx.msk [tilespmem:v2+s5+$0x0], $0xffff;
	_ =	sdelay $0x3  }
0x159: {  	v2 =	vld [tilespmem:s18+$0x1C730]  }
0x15a: {  	[tilespmem:s18+$0x18710] =	vst.add.f32.msk $0xffff, v0  }
0x15b: {  	v0 =	vld.idx.msk [tilespmem:v1+s5+$0x0], $0xffff;
	_ =	sdelay $0x3  }
0x15c: {  	v1 =	vld [tilespmem:s18+$0x1C740]  }
0x15d: {  	[tilespmem:s18+$0x18720] =	vst.add.f32.msk $0xffff, v0  }
0x15e: {  	v0 =	vld.idx.msk [tilespmem:v2+s5+$0x0], $0xffff;
	_ =	sdelay $0x3  }
0x15f: {  	v2 =	vld [tilespmem:s18+$0x1C750]  }
0x160: {  	[tilespmem:s18+$0x18730] =	vst.add.f32.msk $0xffff, v0  }
0x161: {  	v0 =	vld.idx.msk [tilespmem:v1+s5+$0x0], $0xffff;
	_ =	sdelay $0x3  }
0x162: {  	v1 =	vld [tilespmem:s18+$0x1C760]  }
0x163: {  	[tilespmem:s18+$0x18740] =	vst.add.f32.msk $0xffff, v0  }
0x164: {  	v0 =	vld.idx.msk [tilespmem:v2+s5+$0x0], $0xffff;
	_ =	sdelay $0x3  }
0x165: {  	v2 =	vld [tilespmem:s18+$0x1C770]  }
0x166: {  	[tilespmem:s18+$0x18750] =	vst.add.f32.msk $0xffff, v0  }
0x167: {  	v0 =	vld.idx.msk [tilespmem:v1+s5+$0x0], $0xffff;
	_ =	sdelay $0x4  }
0x168: {  	[tilespmem:s18+$0x18760] =	vst.add.f32.msk $0xffff, v0  }
0x169: {  	v0 =	vld.idx.msk [tilespmem:v2+s5+$0x0], $0xffff;
	_ =	sdelay $0x4  }
0x16a: {  	[tilespmem:s18+$0x18770] =	vst.add.f32.msk $0xffff, v0;
	s18 =	simm.s32 $0x0  }
0x16b: {  	[tilespmem:s26], [sflag:$0x2] =	stream.linear.gather [hbm4b:s12+s18], $0x1000, $0x38;
	[tilespmem:$0x1E700] =	vst v63  }
0x16c: {  	_ =	swait.ge [sflag:s31], $0x1000  }
0x16d: {  	[sflag:s31] =	ssyncset.done $0x0  }
0x16e: {  	s10 =	simm.s32 $0x0;
	[sflag:s31] =	ssyncadd.s32 $0xFFFFF000  }
0x16f: {  	v0 =	vld [tilespmem:s10+$0x1D700];
	_ =	sdelay $0x5  }
0x170: {  	v1 =	vld [tilespmem:s10+$0x1D710];
	_ =	sdelay $0x1  }
0x171: {  	v0 =	vld.idx.msk [tilespmem:v0+s5+$0x0], $0xffff;
	_ =	sdelay $0x3  }
0x172: {  	v2 =	vld [tilespmem:s10+$0x1D720]  }
0x173: {  	[tilespmem:s10+$0x19700] =	vst.add.f32.msk $0xffff, v0  }
0x174: {  	v0 =	vld.idx.msk [tilespmem:v1+s5+$0x0], $0xffff;
	_ =	sdelay $0x3  }
0x175: {  	v1 =	vld [tilespmem:s10+$0x1D730]  }
0x176: {  	[tilespmem:s10+$0x19710] =	vst.add.f32.msk $0xffff, v0  }
0x177: {  	v0 =	vld.idx.msk [tilespmem:v2+s5+$0x0], $0xffff;
	_ =	sdelay $0x3  }
0x178: {  	v2 =	vld [tilespmem:s10+$0x1D740]  }
0x179: {  	[tilespmem:s10+$0x19720] =	vst.add.f32.msk $0xffff, v0  }
0x17a: {  	v0 =	vld.idx.msk [tilespmem:v1+s5+$0x0], $0xffff;
	_ =	sdelay $0x3  }
0x17b: {  	v1 =	vld [tilespmem:s10+$0x1D750]  }
0x17c: {  	[tilespmem:s10+$0x19730] =	vst.add.f32.msk $0xffff, v0  }
0x17d: {  	v0 =	vld.idx.msk [tilespmem:v2+s5+$0x0], $0xffff;
	_ =	sdelay $0x3  }
0x17e: {  	v2 =	vld [tilespmem:s10+$0x1D760]  }
0x17f: {  	[tilespmem:s10+$0x19740] =	vst.add.f32.msk $0xffff, v0  }
0x180: {  	v1 =	vld.idx.msk [tilespmem:v1+s5+$0x0], $0xffff;
	_ =	sdelay $0x3  }
0x181: {  	v0 =	vld [tilespmem:s10+$0x1D770]  }
0x182: {  	[tilespmem:s10+$0x19750] =	vst.add.f32.msk $0xffff, v1  }
0x183: {  	v2 =	vld.idx.msk [tilespmem:v2+s5+$0x0], $0xffff;
	_ =	sdelay $0x2  }
0x184: {  	s18 =	simm.s32 $0x80  }
0x185: {  	s14 =	simm.s32 $0x400;
	v1 =	vld [tilespmem:s18+$0x1D700]  }
.LBB2_12:
0x186: {  	p0 =	sne.s32 s14, $0x3E00;
	[tilespmem:s10+$0x19760] =	vst.add.f32.msk $0xffff, v2  }
0x187: {  	v0 =	vld.idx.msk [tilespmem:v0+s5+$0x0], $0xffff;
	_ =	sdelay $0x4  }
0x188: {  	v2 =	vld [tilespmem:s18+$0x1D710]  }
0x189: {  	[tilespmem:s10+$0x19770] =	vst.add.f32.msk $0xffff, v0;
	s10 =	smov.u32 s18  }
0x18a: {  	v0 =	vld.idx.msk [tilespmem:v1+s5+$0x0], $0xffff;
	_ =	sdelay $0x4  }
0x18b: {  	v1 =	vld [tilespmem:s10+$0x1D720]  }
0x18c: {  	[tilespmem:s10+$0x19700] =	vst.add.f32.msk $0xffff, v0  }
0x18d: {  	v0 =	vld.idx.msk [tilespmem:v2+s5+$0x0], $0xffff;
	_ =	sdelay $0x4  }
0x18e: {  	v2 =	vld [tilespmem:s10+$0x1D730]  }
0x18f: {  	[tilespmem:s10+$0x19710] =	vst.add.f32.msk $0xffff, v0  }
0x190: {  	v0 =	vld.idx.msk [tilespmem:v1+s5+$0x0], $0xffff;
	_ =	sdelay $0x4  }
0x191: {  	v1 =	vld [tilespmem:s10+$0x1D740]  }
0x192: {  	[tilespmem:s10+$0x19720] =	vst.add.f32.msk $0xffff, v0  }
0x193: {  	v0 =	vld.idx.msk [tilespmem:v2+s5+$0x0], $0xffff;
	_ =	sdelay $0x4  }
0x194: {  	v2 =	vld [tilespmem:s10+$0x1D750]  }
0x195: {  	[tilespmem:s10+$0x19730] =	vst.add.f32.msk $0xffff, v0  }
0x196: {  	v0 =	vld.idx.msk [tilespmem:v1+s5+$0x0], $0xffff;
	_ =	sdelay $0x4  }
0x197: {  	v1 =	vld [tilespmem:s10+$0x1D760]  }
0x198: {  	[tilespmem:s10+$0x19740] =	vst.add.f32.msk $0xffff, v0  }
0x199: {  	v2 =	vld.idx.msk [tilespmem:v2+s5+$0x0], $0xffff;
	_ =	sdelay $0x4  }
0x19a: {  	v0 =	vld [tilespmem:s10+$0x1D770]  }
0x19b: {  	[tilespmem:s10+$0x19750] =	vst.add.f32.msk $0xffff, v2  }
0x19c: {  	v2 =	vld.idx.msk [tilespmem:v1+s5+$0x0], $0xffff  }
.Ltmp5:
0x19d: {  	(pc) =	sbr.rel @p0 .LBB2_12-.Ltmp5, $3  }
0x19e: {  	_ =	sdelay $0x1  }
0x19f: {  	s18 =	sshra.s32 s14, $0x2  }
0x1a0: {  	s14 =	sadd.s32 $0x200, s14;
	v1 =	vld [tilespmem:s18+$0x1D700]  }
0x1a1: {  	_ =	sdelay $0x2  }
0x1a2: {  	[tilespmem:s10+$0x19760] =	vst.add.f32.msk $0xffff, v2  }
0x1a3: {  	v0 =	vld.idx.msk [tilespmem:v0+s5+$0x0], $0xffff;
	_ =	sdelay $0x3  }
0x1a4: {  	v2 =	vld [tilespmem:s18+$0x1D710]  }
0x1a5: {  	[tilespmem:s10+$0x19770] =	vst.add.f32.msk $0xffff, v0  }
0x1a6: {  	v0 =	vld.idx.msk [tilespmem:v1+s5+$0x0], $0xffff;
	_ =	sdelay $0x3  }
0x1a7: {  	v1 =	vld [tilespmem:s18+$0x1D720]  }
0x1a8: {  	[tilespmem:s18+$0x19700] =	vst.add.f32.msk $0xffff, v0  }
0x1a9: {  	v0 =	vld.idx.msk [tilespmem:v2+s5+$0x0], $0xffff;
	_ =	sdelay $0x3  }
0x1aa: {  	v2 =	vld [tilespmem:s18+$0x1D730]  }
0x1ab: {  	[tilespmem:s18+$0x19710] =	vst.add.f32.msk $0xffff, v0  }
0x1ac: {  	v0 =	vld.idx.msk [tilespmem:v1+s5+$0x0], $0xffff;
	_ =	sdelay $0x3  }
0x1ad: {  	v1 =	vld [tilespmem:s18+$0x1D740]  }
0x1ae: {  	[tilespmem:s18+$0x19720] =	vst.add.f32.msk $0xffff, v0  }
0x1af: {  	v0 =	vld.idx.msk [tilespmem:v2+s5+$0x0], $0xffff;
	_ =	sdelay $0x3  }
0x1b0: {  	v2 =	vld [tilespmem:s18+$0x1D750]  }
0x1b1: {  	[tilespmem:s18+$0x19730] =	vst.add.f32.msk $0xffff, v0  }
0x1b2: {  	v0 =	vld.idx.msk [tilespmem:v1+s5+$0x0], $0xffff;
	_ =	sdelay $0x3  }
0x1b3: {  	v1 =	vld [tilespmem:s18+$0x1D760]  }
0x1b4: {  	[tilespmem:s18+$0x19740] =	vst.add.f32.msk $0xffff, v0  }
0x1b5: {  	v0 =	vld.idx.msk [tilespmem:v2+s5+$0x0], $0xffff;
	_ =	sdelay $0x3  }
0x1b6: {  	v2 =	vld [tilespmem:s18+$0x1D770]  }
0x1b7: {  	[tilespmem:s18+$0x19750] =	vst.add.f32.msk $0xffff, v0  }
0x1b8: {  	v0 =	vld.idx.msk [tilespmem:v1+s5+$0x0], $0xffff;
	_ =	sdelay $0x4  }
0x1b9: {  	[tilespmem:s18+$0x19760] =	vst.add.f32.msk $0xffff, v0  }
0x1ba: {  	v0 =	vld.idx.msk [tilespmem:v2+s5+$0x0], $0xffff;
	_ =	sdelay $0x4  }
0x1bb: {  	[tilespmem:s18+$0x19770] =	vst.add.f32.msk $0xffff, v0;
	s18 =	simm.s32 $0x0  }
0x1bc: {  	[tilespmem:s29], [sflag:$0x3] =	stream.linear.gather [hbm4b:s13+s18], $0x1000, $0x38;
	[tilespmem:$0x1E700] =	vst v63  }
0x1bd: {  	_ =	swait.ge [sflag:s30], $0x1000  }
0x1be: {  	[sflag:s30] =	ssyncset.done $0x0  }
0x1bf: {  	s10 =	simm.s32 $0x0;
	[sflag:s30] =	ssyncadd.s32 $0xFFFFF000  }
0x1c0: {  	v0 =	vld [tilespmem:s10+$0x1C700];
	_ =	sdelay $0x5  }
0x1c1: {  	v1 =	vld [tilespmem:s10+$0x1C710];
	_ =	sdelay $0x1  }
0x1c2: {  	v0 =	vld.idx.msk [tilespmem:v0+s5+$0x0], $0xffff;
	_ =	sdelay $0x3  }
0x1c3: {  	v2 =	vld [tilespmem:s10+$0x1C720]  }
0x1c4: {  	[tilespmem:s10+$0x1A700] =	vst.add.f32.msk $0xffff, v0  }
0x1c5: {  	v0 =	vld.idx.msk [tilespmem:v1+s5+$0x0], $0xffff;
	_ =	sdelay $0x3  }
0x1c6: {  	v1 =	vld [tilespmem:s10+$0x1C730]  }
0x1c7: {  	[tilespmem:s10+$0x1A710] =	vst.add.f32.msk $0xffff, v0  }
0x1c8: {  	v0 =	vld.idx.msk [tilespmem:v2+s5+$0x0], $0xffff;
	_ =	sdelay $0x3  }
0x1c9: {  	v2 =	vld [tilespmem:s10+$0x1C740]  }
0x1ca: {  	[tilespmem:s10+$0x1A720] =	vst.add.f32.msk $0xffff, v0  }
0x1cb: {  	v0 =	vld.idx.msk [tilespmem:v1+s5+$0x0], $0xffff;
	_ =	sdelay $0x3  }
0x1cc: {  	v1 =	vld [tilespmem:s10+$0x1C750]  }
0x1cd: {  	[tilespmem:s10+$0x1A730] =	vst.add.f32.msk $0xffff, v0  }
0x1ce: {  	v0 =	vld.idx.msk [tilespmem:v2+s5+$0x0], $0xffff;
	_ =	sdelay $0x3  }
0x1cf: {  	v2 =	vld [tilespmem:s10+$0x1C760]  }
0x1d0: {  	[tilespmem:s10+$0x1A740] =	vst.add.f32.msk $0xffff, v0  }
0x1d1: {  	v1 =	vld.idx.msk [tilespmem:v1+s5+$0x0], $0xffff;
	_ =	sdelay $0x3  }
0x1d2: {  	v0 =	vld [tilespmem:s10+$0x1C770]  }
0x1d3: {  	[tilespmem:s10+$0x1A750] =	vst.add.f32.msk $0xffff, v1  }
0x1d4: {  	v2 =	vld.idx.msk [tilespmem:v2+s5+$0x0], $0xffff;
	_ =	sdelay $0x2  }
0x1d5: {  	s18 =	simm.s32 $0x80  }
0x1d6: {  	s14 =	simm.s32 $0x400;
	v1 =	vld [tilespmem:s18+$0x1C700]  }
.LBB2_14:
0x1d7: {  	p0 =	sne.s32 s14, $0x3E00;
	[tilespmem:s10+$0x1A760] =	vst.add.f32.msk $0xffff, v2  }
0x1d8: {  	v0 =	vld.idx.msk [tilespmem:v0+s5+$0x0], $0xffff;
	_ =	sdelay $0x4  }
0x1d9: {  	v2 =	vld [tilespmem:s18+$0x1C710]  }
0x1da: {  	[tilespmem:s10+$0x1A770] =	vst.add.f32.msk $0xffff, v0;
	s10 =	smov.u32 s18  }
0x1db: {  	v0 =	vld.idx.msk [tilespmem:v1+s5+$0x0], $0xffff;
	_ =	sdelay $0x4  }
0x1dc: {  	v1 =	vld [tilespmem:s10+$0x1C720]  }
0x1dd: {  	[tilespmem:s10+$0x1A700] =	vst.add.f32.msk $0xffff, v0  }
0x1de: {  	v0 =	vld.idx.msk [tilespmem:v2+s5+$0x0], $0xffff;
	_ =	sdelay $0x4  }
0x1df: {  	v2 =	vld [tilespmem:s10+$0x1C730]  }
0x1e0: {  	[tilespmem:s10+$0x1A710] =	vst.add.f32.msk $0xffff, v0  }
0x1e1: {  	v0 =	vld.idx.msk [tilespmem:v1+s5+$0x0], $0xffff;
	_ =	sdelay $0x4  }
0x1e2: {  	v1 =	vld [tilespmem:s10+$0x1C740]  }
0x1e3: {  	[tilespmem:s10+$0x1A720] =	vst.add.f32.msk $0xffff, v0  }
0x1e4: {  	v0 =	vld.idx.msk [tilespmem:v2+s5+$0x0], $0xffff;
	_ =	sdelay $0x4  }
0x1e5: {  	v2 =	vld [tilespmem:s10+$0x1C750]  }
0x1e6: {  	[tilespmem:s10+$0x1A730] =	vst.add.f32.msk $0xffff, v0  }
0x1e7: {  	v0 =	vld.idx.msk [tilespmem:v1+s5+$0x0], $0xffff;
	_ =	sdelay $0x4  }
0x1e8: {  	v1 =	vld [tilespmem:s10+$0x1C760]  }
0x1e9: {  	[tilespmem:s10+$0x1A740] =	vst.add.f32.msk $0xffff, v0  }
0x1ea: {  	v2 =	vld.idx.msk [tilespmem:v2+s5+$0x0], $0xffff;
	_ =	sdelay $0x4  }
0x1eb: {  	v0 =	vld [tilespmem:s10+$0x1C770]  }
0x1ec: {  	[tilespmem:s10+$0x1A750] =	vst.add.f32.msk $0xffff, v2  }
0x1ed: {  	v2 =	vld.idx.msk [tilespmem:v1+s5+$0x0], $0xffff  }
.Ltmp6:
0x1ee: {  	(pc) =	sbr.rel @p0 .LBB2_14-.Ltmp6, $3  }
0x1ef: {  	_ =	sdelay $0x1  }
0x1f0: {  	s18 =	sshra.s32 s14, $0x2  }
0x1f1: {  	s14 =	sadd.s32 $0x200, s14;
	v1 =	vld [tilespmem:s18+$0x1C700]  }
0x1f2: {  	_ =	sdelay $0x2  }
0x1f3: {  	[tilespmem:s10+$0x1A760] =	vst.add.f32.msk $0xffff, v2  }
0x1f4: {  	v0 =	vld.idx.msk [tilespmem:v0+s5+$0x0], $0xffff;
	_ =	sdelay $0x3  }
0x1f5: {  	v2 =	vld [tilespmem:s18+$0x1C710]  }
0x1f6: {  	[tilespmem:s10+$0x1A770] =	vst.add.f32.msk $0xffff, v0  }
0x1f7: {  	v0 =	vld.idx.msk [tilespmem:v1+s5+$0x0], $0xffff;
	_ =	sdelay $0x3  }
0x1f8: {  	v1 =	vld [tilespmem:s18+$0x1C720]  }
0x1f9: {  	[tilespmem:s18+$0x1A700] =	vst.add.f32.msk $0xffff, v0  }
0x1fa: {  	v0 =	vld.idx.msk [tilespmem:v2+s5+$0x0], $0xffff;
	_ =	sdelay $0x3  }
0x1fb: {  	v2 =	vld [tilespmem:s18+$0x1C730]  }
0x1fc: {  	[tilespmem:s18+$0x1A710] =	vst.add.f32.msk $0xffff, v0  }
0x1fd: {  	v0 =	vld.idx.msk [tilespmem:v1+s5+$0x0], $0xffff;
	_ =	sdelay $0x3  }
0x1fe: {  	v1 =	vld [tilespmem:s18+$0x1C740]  }
0x1ff: {  	[tilespmem:s18+$0x1A720] =	vst.add.f32.msk $0xffff, v0  }
0x200: {  	v0 =	vld.idx.msk [tilespmem:v2+s5+$0x0], $0xffff;
	_ =	sdelay $0x3  }
0x201: {  	v2 =	vld [tilespmem:s18+$0x1C750]  }
0x202: {  	[tilespmem:s18+$0x1A730] =	vst.add.f32.msk $0xffff, v0  }
0x203: {  	v0 =	vld.idx.msk [tilespmem:v1+s5+$0x0], $0xffff;
	_ =	sdelay $0x3  }
0x204: {  	v1 =	vld [tilespmem:s18+$0x1C760]  }
0x205: {  	[tilespmem:s18+$0x1A740] =	vst.add.f32.msk $0xffff, v0  }
0x206: {  	v0 =	vld.idx.msk [tilespmem:v2+s5+$0x0], $0xffff;
	_ =	sdelay $0x3  }
0x207: {  	v2 =	vld [tilespmem:s18+$0x1C770]  }
0x208: {  	[tilespmem:s18+$0x1A750] =	vst.add.f32.msk $0xffff, v0  }
0x209: {  	v0 =	vld.idx.msk [tilespmem:v1+s5+$0x0], $0xffff;
	_ =	sdelay $0x4  }
0x20a: {  	[tilespmem:s18+$0x1A760] =	vst.add.f32.msk $0xffff, v0  }
0x20b: {  	v0 =	vld.idx.msk [tilespmem:v2+s5+$0x0], $0xffff;
	_ =	sdelay $0x4  }
0x20c: {  	[tilespmem:s18+$0x1A770] =	vst.add.f32.msk $0xffff, v0;
	s18 =	simm.s32 $0x0  }
0x20d: {  	[tilespmem:s26], [sflag:$0x2] =	stream.linear.gather [hbm4b:s2+s18], $0x1000, $0x38;
	[tilespmem:$0x1E700] =	vst v63  }
0x20e: {  	_ =	swait.ge [sflag:s31], $0x1000  }
0x20f: {  	[sflag:s31] =	ssyncset.done $0x0  }
0x210: {  	s10 =	simm.s32 $0x0;
	[sflag:s31] =	ssyncadd.s32 $0xFFFFF000  }
0x211: {  	v0 =	vld [tilespmem:s10+$0x1D700];
	_ =	sdelay $0x5  }
0x212: {  	v1 =	vld [tilespmem:s10+$0x1D710];
	_ =	sdelay $0x1  }
0x213: {  	v0 =	vld.idx.msk [tilespmem:v0+s5+$0x0], $0xffff;
	_ =	sdelay $0x3  }
0x214: {  	v2 =	vld [tilespmem:s10+$0x1D720]  }
0x215: {  	[tilespmem:s10+$0x1B700] =	vst.add.f32.msk $0xffff, v0  }
0x216: {  	v0 =	vld.idx.msk [tilespmem:v1+s5+$0x0], $0xffff;
	_ =	sdelay $0x3  }
0x217: {  	v1 =	vld [tilespmem:s10+$0x1D730]  }
0x218: {  	[tilespmem:s10+$0x1B710] =	vst.add.f32.msk $0xffff, v0  }
0x219: {  	v0 =	vld.idx.msk [tilespmem:v2+s5+$0x0], $0xffff;
	_ =	sdelay $0x3  }
0x21a: {  	v2 =	vld [tilespmem:s10+$0x1D740]  }
0x21b: {  	[tilespmem:s10+$0x1B720] =	vst.add.f32.msk $0xffff, v0  }
0x21c: {  	v0 =	vld.idx.msk [tilespmem:v1+s5+$0x0], $0xffff;
	_ =	sdelay $0x3  }
0x21d: {  	v1 =	vld [tilespmem:s10+$0x1D750]  }
0x21e: {  	[tilespmem:s10+$0x1B730] =	vst.add.f32.msk $0xffff, v0  }
0x21f: {  	v0 =	vld.idx.msk [tilespmem:v2+s5+$0x0], $0xffff;
	_ =	sdelay $0x3  }
0x220: {  	v2 =	vld [tilespmem:s10+$0x1D760]  }
0x221: {  	[tilespmem:s10+$0x1B740] =	vst.add.f32.msk $0xffff, v0  }
0x222: {  	v1 =	vld.idx.msk [tilespmem:v1+s5+$0x0], $0xffff;
	_ =	sdelay $0x3  }
0x223: {  	v0 =	vld [tilespmem:s10+$0x1D770]  }
0x224: {  	[tilespmem:s10+$0x1B750] =	vst.add.f32.msk $0xffff, v1  }
0x225: {  	v2 =	vld.idx.msk [tilespmem:v2+s5+$0x0], $0xffff;
	_ =	sdelay $0x2  }
0x226: {  	s18 =	simm.s32 $0x80  }
0x227: {  	s14 =	simm.s32 $0x400;
	v1 =	vld [tilespmem:s18+$0x1D700]  }
.LBB2_16:
0x228: {  	p0 =	sne.s32 s14, $0x3E00;
	[tilespmem:s10+$0x1B760] =	vst.add.f32.msk $0xffff, v2  }
0x229: {  	v0 =	vld.idx.msk [tilespmem:v0+s5+$0x0], $0xffff;
	_ =	sdelay $0x4  }
0x22a: {  	v2 =	vld [tilespmem:s18+$0x1D710]  }
0x22b: {  	[tilespmem:s10+$0x1B770] =	vst.add.f32.msk $0xffff, v0;
	s10 =	smov.u32 s18  }
0x22c: {  	v0 =	vld.idx.msk [tilespmem:v1+s5+$0x0], $0xffff;
	_ =	sdelay $0x4  }
0x22d: {  	v1 =	vld [tilespmem:s10+$0x1D720]  }
0x22e: {  	[tilespmem:s10+$0x1B700] =	vst.add.f32.msk $0xffff, v0  }
0x22f: {  	v0 =	vld.idx.msk [tilespmem:v2+s5+$0x0], $0xffff;
	_ =	sdelay $0x4  }
0x230: {  	v2 =	vld [tilespmem:s10+$0x1D730]  }
0x231: {  	[tilespmem:s10+$0x1B710] =	vst.add.f32.msk $0xffff, v0  }
0x232: {  	v0 =	vld.idx.msk [tilespmem:v1+s5+$0x0], $0xffff;
	_ =	sdelay $0x4  }
0x233: {  	v1 =	vld [tilespmem:s10+$0x1D740]  }
0x234: {  	[tilespmem:s10+$0x1B720] =	vst.add.f32.msk $0xffff, v0  }
0x235: {  	v0 =	vld.idx.msk [tilespmem:v2+s5+$0x0], $0xffff;
	_ =	sdelay $0x4  }
0x236: {  	v2 =	vld [tilespmem:s10+$0x1D750]  }
0x237: {  	[tilespmem:s10+$0x1B730] =	vst.add.f32.msk $0xffff, v0  }
0x238: {  	v0 =	vld.idx.msk [tilespmem:v1+s5+$0x0], $0xffff;
	_ =	sdelay $0x4  }
0x239: {  	v1 =	vld [tilespmem:s10+$0x1D760]  }
0x23a: {  	[tilespmem:s10+$0x1B740] =	vst.add.f32.msk $0xffff, v0  }
0x23b: {  	v2 =	vld.idx.msk [tilespmem:v2+s5+$0x0], $0xffff;
	_ =	sdelay $0x4  }
0x23c: {  	v0 =	vld [tilespmem:s10+$0x1D770]  }
0x23d: {  	[tilespmem:s10+$0x1B750] =	vst.add.f32.msk $0xffff, v2  }
0x23e: {  	v2 =	vld.idx.msk [tilespmem:v1+s5+$0x0], $0xffff  }
.Ltmp7:
0x23f: {  	(pc) =	sbr.rel @p0 .LBB2_16-.Ltmp7, $3  }
0x240: {  	_ =	sdelay $0x1  }
0x241: {  	s18 =	sshra.s32 s14, $0x2  }
0x242: {  	s14 =	sadd.s32 $0x200, s14;
	v1 =	vld [tilespmem:s18+$0x1D700]  }
0x243: {  	_ =	sdelay $0x2  }
0x244: {  	[tilespmem:s10+$0x1B760] =	vst.add.f32.msk $0xffff, v2  }
0x245: {  	v0 =	vld.idx.msk [tilespmem:v0+s5+$0x0], $0xffff;
	_ =	sdelay $0x3  }
0x246: {  	v2 =	vld [tilespmem:s18+$0x1D710]  }
0x247: {  	[tilespmem:s10+$0x1B770] =	vst.add.f32.msk $0xffff, v0  }
0x248: {  	v0 =	vld.idx.msk [tilespmem:v1+s5+$0x0], $0xffff;
	_ =	sdelay $0x3  }
0x249: {  	v1 =	vld [tilespmem:s18+$0x1D720]  }
0x24a: {  	[tilespmem:s18+$0x1B700] =	vst.add.f32.msk $0xffff, v0  }
0x24b: {  	v0 =	vld.idx.msk [tilespmem:v2+s5+$0x0], $0xffff;
	_ =	sdelay $0x3  }
0x24c: {  	v2 =	vld [tilespmem:s18+$0x1D730]  }
0x24d: {  	[tilespmem:s18+$0x1B710] =	vst.add.f32.msk $0xffff, v0  }
0x24e: {  	v0 =	vld.idx.msk [tilespmem:v1+s5+$0x0], $0xffff;
	_ =	sdelay $0x3  }
0x24f: {  	v1 =	vld [tilespmem:s18+$0x1D740]  }
0x250: {  	[tilespmem:s18+$0x1B720] =	vst.add.f32.msk $0xffff, v0  }
0x251: {  	v0 =	vld.idx.msk [tilespmem:v2+s5+$0x0], $0xffff;
	_ =	sdelay $0x3  }
0x252: {  	v2 =	vld [tilespmem:s18+$0x1D750]  }
0x253: {  	[tilespmem:s18+$0x1B730] =	vst.add.f32.msk $0xffff, v0  }
0x254: {  	v0 =	vld.idx.msk [tilespmem:v1+s5+$0x0], $0xffff;
	_ =	sdelay $0x3  }
0x255: {  	v1 =	vld [tilespmem:s18+$0x1D760]  }
0x256: {  	[tilespmem:s18+$0x1B740] =	vst.add.f32.msk $0xffff, v0  }
0x257: {  	v0 =	vld.idx.msk [tilespmem:v2+s5+$0x0], $0xffff;
	_ =	sdelay $0x3  }
0x258: {  	v2 =	vld [tilespmem:s18+$0x1D770]  }
0x259: {  	[tilespmem:s18+$0x1B750] =	vst.add.f32.msk $0xffff, v0  }
0x25a: {  	v0 =	vld.idx.msk [tilespmem:v1+s5+$0x0], $0xffff;
	_ =	sdelay $0x4  }
0x25b: {  	[tilespmem:s18+$0x1B760] =	vst.add.f32.msk $0xffff, v0  }
0x25c: {  	v0 =	vld.idx.msk [tilespmem:v2+s5+$0x0], $0xffff;
	_ =	sdelay $0x4  }
0x25d: {  	s14 =	rddreg [dreg:$0xa];
	[tilespmem:s18+$0x1B770] =	vst.add.f32.msk $0xffff, v0;
	s18 =	simm.s32 $0x0  }
0x25e: {  	[tilespmem:s18], [sflag:$0x1] =	stream.strided.gather [hbm4b:s14+s24], $0x18700, s25, s24, $0x38;
	[tilespmem:$0x1E700] =	vst v63  }
0x25f: {  	_ =	swait.ge [sflag:s28], $0x18700  }
0x260: {  	[sflag:s28] =	ssyncset.done $0x0  }
0x261: {  	[sflag:s28] =	ssyncadd.s32 $0xFFFE7900  }
0x262: {  	[tilespmem:s29], [sflag:$0x3] =	stream.linear.gather [hbm4b:s15+s18], $0x1000, $0x38;
	[tilespmem:$0x1E700] =	vst v63  }
0x263: {  	_ =	swait.ge [sflag:s30], $0x1000  }
0x264: {  	[sflag:s30] =	ssyncset.done $0x0  }
0x265: {  	s10 =	simm.s32 $0x0;
	[sflag:s30] =	ssyncadd.s32 $0xFFFFF000  }
0x266: {  	v0 =	vld [tilespmem:s10+$0x1C700];
	_ =	sdelay $0x5  }
0x267: {  	v1 =	vld [tilespmem:s10+$0x1C710];
	_ =	sdelay $0x1  }
0x268: {  	v0 =	vld.idx.msk [tilespmem:v0+s5+$0x0], $0xffff;
	_ =	sdelay $0x3  }
0x269: {  	v2 =	vld [tilespmem:s10+$0x1C720]  }
0x26a: {  	[tilespmem:s10+$0x18700] =	vst.add.f32.msk $0xffff, v0  }
0x26b: {  	v0 =	vld.idx.msk [tilespmem:v1+s5+$0x0], $0xffff;
	_ =	sdelay $0x3  }
0x26c: {  	v1 =	vld [tilespmem:s10+$0x1C730]  }
0x26d: {  	[tilespmem:s10+$0x18710] =	vst.add.f32.msk $0xffff, v0  }
0x26e: {  	v0 =	vld.idx.msk [tilespmem:v2+s5+$0x0], $0xffff;
	_ =	sdelay $0x3  }
0x26f: {  	v2 =	vld [tilespmem:s10+$0x1C740]  }
0x270: {  	[tilespmem:s10+$0x18720] =	vst.add.f32.msk $0xffff, v0  }
0x271: {  	v0 =	vld.idx.msk [tilespmem:v1+s5+$0x0], $0xffff;
	_ =	sdelay $0x3  }
0x272: {  	v1 =	vld [tilespmem:s10+$0x1C750]  }
0x273: {  	[tilespmem:s10+$0x18730] =	vst.add.f32.msk $0xffff, v0  }
0x274: {  	v0 =	vld.idx.msk [tilespmem:v2+s5+$0x0], $0xffff;
	_ =	sdelay $0x3  }
0x275: {  	v2 =	vld [tilespmem:s10+$0x1C760]  }
0x276: {  	[tilespmem:s10+$0x18740] =	vst.add.f32.msk $0xffff, v0  }
0x277: {  	v1 =	vld.idx.msk [tilespmem:v1+s5+$0x0], $0xffff;
	_ =	sdelay $0x3  }
0x278: {  	v0 =	vld [tilespmem:s10+$0x1C770]  }
0x279: {  	[tilespmem:s10+$0x18750] =	vst.add.f32.msk $0xffff, v1  }
0x27a: {  	v2 =	vld.idx.msk [tilespmem:v2+s5+$0x0], $0xffff;
	_ =	sdelay $0x2  }
0x27b: {  	s18 =	simm.s32 $0x80  }
0x27c: {  	s14 =	simm.s32 $0x400;
	v1 =	vld [tilespmem:s18+$0x1C700]  }
.LBB2_18:
0x27d: {  	p0 =	sne.s32 s14, $0x3E00;
	[tilespmem:s10+$0x18760] =	vst.add.f32.msk $0xffff, v2  }
0x27e: {  	v0 =	vld.idx.msk [tilespmem:v0+s5+$0x0], $0xffff;
	_ =	sdelay $0x4  }
0x27f: {  	v2 =	vld [tilespmem:s18+$0x1C710]  }
0x280: {  	[tilespmem:s10+$0x18770] =	vst.add.f32.msk $0xffff, v0;
	s10 =	smov.u32 s18  }
0x281: {  	v0 =	vld.idx.msk [tilespmem:v1+s5+$0x0], $0xffff;
	_ =	sdelay $0x4  }
0x282: {  	v1 =	vld [tilespmem:s10+$0x1C720]  }
0x283: {  	[tilespmem:s10+$0x18700] =	vst.add.f32.msk $0xffff, v0  }
0x284: {  	v0 =	vld.idx.msk [tilespmem:v2+s5+$0x0], $0xffff;
	_ =	sdelay $0x4  }
0x285: {  	v2 =	vld [tilespmem:s10+$0x1C730]  }
0x286: {  	[tilespmem:s10+$0x18710] =	vst.add.f32.msk $0xffff, v0  }
0x287: {  	v0 =	vld.idx.msk [tilespmem:v1+s5+$0x0], $0xffff;
	_ =	sdelay $0x4  }
0x288: {  	v1 =	vld [tilespmem:s10+$0x1C740]  }
0x289: {  	[tilespmem:s10+$0x18720] =	vst.add.f32.msk $0xffff, v0  }
0x28a: {  	v0 =	vld.idx.msk [tilespmem:v2+s5+$0x0], $0xffff;
	_ =	sdelay $0x4  }
0x28b: {  	v2 =	vld [tilespmem:s10+$0x1C750]  }
0x28c: {  	[tilespmem:s10+$0x18730] =	vst.add.f32.msk $0xffff, v0  }
0x28d: {  	v0 =	vld.idx.msk [tilespmem:v1+s5+$0x0], $0xffff;
	_ =	sdelay $0x4  }
0x28e: {  	v1 =	vld [tilespmem:s10+$0x1C760]  }
0x28f: {  	[tilespmem:s10+$0x18740] =	vst.add.f32.msk $0xffff, v0  }
0x290: {  	v2 =	vld.idx.msk [tilespmem:v2+s5+$0x0], $0xffff;
	_ =	sdelay $0x4  }
0x291: {  	v0 =	vld [tilespmem:s10+$0x1C770]  }
0x292: {  	[tilespmem:s10+$0x18750] =	vst.add.f32.msk $0xffff, v2  }
0x293: {  	v2 =	vld.idx.msk [tilespmem:v1+s5+$0x0], $0xffff  }
.Ltmp8:
0x294: {  	(pc) =	sbr.rel @p0 .LBB2_18-.Ltmp8, $3  }
0x295: {  	_ =	sdelay $0x1  }
0x296: {  	s18 =	sshra.s32 s14, $0x2  }
0x297: {  	s14 =	sadd.s32 $0x200, s14;
	v1 =	vld [tilespmem:s18+$0x1C700]  }
0x298: {  	_ =	sdelay $0x2  }
0x299: {  	[tilespmem:s10+$0x18760] =	vst.add.f32.msk $0xffff, v2  }
0x29a: {  	v0 =	vld.idx.msk [tilespmem:v0+s5+$0x0], $0xffff;
	_ =	sdelay $0x3  }
0x29b: {  	v2 =	vld [tilespmem:s18+$0x1C710]  }
0x29c: {  	[tilespmem:s10+$0x18770] =	vst.add.f32.msk $0xffff, v0  }
0x29d: {  	v0 =	vld.idx.msk [tilespmem:v1+s5+$0x0], $0xffff;
	_ =	sdelay $0x3  }
0x29e: {  	v1 =	vld [tilespmem:s18+$0x1C720]  }
0x29f: {  	[tilespmem:s18+$0x18700] =	vst.add.f32.msk $0xffff, v0  }
0x2a0: {  	v0 =	vld.idx.msk [tilespmem:v2+s5+$0x0], $0xffff;
	_ =	sdelay $0x3  }
0x2a1: {  	v2 =	vld [tilespmem:s18+$0x1C730]  }
0x2a2: {  	[tilespmem:s18+$0x18710] =	vst.add.f32.msk $0xffff, v0  }
0x2a3: {  	v0 =	vld.idx.msk [tilespmem:v1+s5+$0x0], $0xffff;
	_ =	sdelay $0x3  }
0x2a4: {  	v1 =	vld [tilespmem:s18+$0x1C740]  }
0x2a5: {  	[tilespmem:s18+$0x18720] =	vst.add.f32.msk $0xffff, v0  }
0x2a6: {  	v0 =	vld.idx.msk [tilespmem:v2+s5+$0x0], $0xffff;
	_ =	sdelay $0x3  }
0x2a7: {  	v2 =	vld [tilespmem:s18+$0x1C750]  }
0x2a8: {  	[tilespmem:s18+$0x18730] =	vst.add.f32.msk $0xffff, v0  }
0x2a9: {  	v0 =	vld.idx.msk [tilespmem:v1+s5+$0x0], $0xffff;
	_ =	sdelay $0x3  }
0x2aa: {  	v1 =	vld [tilespmem:s18+$0x1C760]  }
0x2ab: {  	[tilespmem:s18+$0x18740] =	vst.add.f32.msk $0xffff, v0  }
0x2ac: {  	v0 =	vld.idx.msk [tilespmem:v2+s5+$0x0], $0xffff;
	_ =	sdelay $0x3  }
0x2ad: {  	v2 =	vld [tilespmem:s18+$0x1C770]  }
0x2ae: {  	[tilespmem:s18+$0x18750] =	vst.add.f32.msk $0xffff, v0  }
0x2af: {  	v0 =	vld.idx.msk [tilespmem:v1+s5+$0x0], $0xffff;
	_ =	sdelay $0x4  }
0x2b0: {  	[tilespmem:s18+$0x18760] =	vst.add.f32.msk $0xffff, v0  }
0x2b1: {  	v0 =	vld.idx.msk [tilespmem:v2+s5+$0x0], $0xffff;
	_ =	sdelay $0x4  }
0x2b2: {  	[tilespmem:s18+$0x18770] =	vst.add.f32.msk $0xffff, v0;
	s18 =	simm.s32 $0x0  }
0x2b3: {  	[tilespmem:s26], [sflag:$0x2] =	stream.linear.gather [hbm4b:s16+s18], $0x1000, $0x38;
	[tilespmem:$0x1E700] =	vst v63  }
0x2b4: {  	_ =	swait.ge [sflag:s31], $0x1000  }
0x2b5: {  	[sflag:s31] =	ssyncset.done $0x0  }
0x2b6: {  	s10 =	simm.s32 $0x0;
	[sflag:s31] =	ssyncadd.s32 $0xFFFFF000  }
0x2b7: {  	v0 =	vld [tilespmem:s10+$0x1D700];
	_ =	sdelay $0x5  }
0x2b8: {  	v1 =	vld [tilespmem:s10+$0x1D710];
	_ =	sdelay $0x1  }
0x2b9: {  	v0 =	vld.idx.msk [tilespmem:v0+s5+$0x0], $0xffff;
	_ =	sdelay $0x3  }
0x2ba: {  	v2 =	vld [tilespmem:s10+$0x1D720]  }
0x2bb: {  	[tilespmem:s10+$0x19700] =	vst.add.f32.msk $0xffff, v0  }
0x2bc: {  	v0 =	vld.idx.msk [tilespmem:v1+s5+$0x0], $0xffff;
	_ =	sdelay $0x3  }
0x2bd: {  	v1 =	vld [tilespmem:s10+$0x1D730]  }
0x2be: {  	[tilespmem:s10+$0x19710] =	vst.add.f32.msk $0xffff, v0  }
0x2bf: {  	v0 =	vld.idx.msk [tilespmem:v2+s5+$0x0], $0xffff;
	_ =	sdelay $0x3  }
0x2c0: {  	v2 =	vld [tilespmem:s10+$0x1D740]  }
0x2c1: {  	[tilespmem:s10+$0x19720] =	vst.add.f32.msk $0xffff, v0  }
0x2c2: {  	v0 =	vld.idx.msk [tilespmem:v1+s5+$0x0], $0xffff;
	_ =	sdelay $0x3  }
0x2c3: {  	v1 =	vld [tilespmem:s10+$0x1D750]  }
0x2c4: {  	[tilespmem:s10+$0x19730] =	vst.add.f32.msk $0xffff, v0  }
0x2c5: {  	v0 =	vld.idx.msk [tilespmem:v2+s5+$0x0], $0xffff;
	_ =	sdelay $0x3  }
0x2c6: {  	v2 =	vld [tilespmem:s10+$0x1D760]  }
0x2c7: {  	[tilespmem:s10+$0x19740] =	vst.add.f32.msk $0xffff, v0  }
0x2c8: {  	v1 =	vld.idx.msk [tilespmem:v1+s5+$0x0], $0xffff;
	_ =	sdelay $0x3  }
0x2c9: {  	v0 =	vld [tilespmem:s10+$0x1D770]  }
0x2ca: {  	[tilespmem:s10+$0x19750] =	vst.add.f32.msk $0xffff, v1  }
0x2cb: {  	v2 =	vld.idx.msk [tilespmem:v2+s5+$0x0], $0xffff;
	_ =	sdelay $0x2  }
0x2cc: {  	s18 =	simm.s32 $0x80  }
0x2cd: {  	s14 =	simm.s32 $0x400;
	v1 =	vld [tilespmem:s18+$0x1D700]  }
.LBB2_20:
0x2ce: {  	p0 =	sne.s32 s14, $0x3E00;
	[tilespmem:s10+$0x19760] =	vst.add.f32.msk $0xffff, v2  }
0x2cf: {  	v0 =	vld.idx.msk [tilespmem:v0+s5+$0x0], $0xffff;
	_ =	sdelay $0x4  }
0x2d0: {  	v2 =	vld [tilespmem:s18+$0x1D710]  }
0x2d1: {  	[tilespmem:s10+$0x19770] =	vst.add.f32.msk $0xffff, v0;
	s10 =	smov.u32 s18  }
0x2d2: {  	v0 =	vld.idx.msk [tilespmem:v1+s5+$0x0], $0xffff;
	_ =	sdelay $0x4  }
0x2d3: {  	v1 =	vld [tilespmem:s10+$0x1D720]  }
0x2d4: {  	[tilespmem:s10+$0x19700] =	vst.add.f32.msk $0xffff, v0  }
0x2d5: {  	v0 =	vld.idx.msk [tilespmem:v2+s5+$0x0], $0xffff;
	_ =	sdelay $0x4  }
0x2d6: {  	v2 =	vld [tilespmem:s10+$0x1D730]  }
0x2d7: {  	[tilespmem:s10+$0x19710] =	vst.add.f32.msk $0xffff, v0  }
0x2d8: {  	v0 =	vld.idx.msk [tilespmem:v1+s5+$0x0], $0xffff;
	_ =	sdelay $0x4  }
0x2d9: {  	v1 =	vld [tilespmem:s10+$0x1D740]  }
0x2da: {  	[tilespmem:s10+$0x19720] =	vst.add.f32.msk $0xffff, v0  }
0x2db: {  	v0 =	vld.idx.msk [tilespmem:v2+s5+$0x0], $0xffff;
	_ =	sdelay $0x4  }
0x2dc: {  	v2 =	vld [tilespmem:s10+$0x1D750]  }
0x2dd: {  	[tilespmem:s10+$0x19730] =	vst.add.f32.msk $0xffff, v0  }
0x2de: {  	v0 =	vld.idx.msk [tilespmem:v1+s5+$0x0], $0xffff;
	_ =	sdelay $0x4  }
0x2df: {  	v1 =	vld [tilespmem:s10+$0x1D760]  }
0x2e0: {  	[tilespmem:s10+$0x19740] =	vst.add.f32.msk $0xffff, v0  }
0x2e1: {  	v2 =	vld.idx.msk [tilespmem:v2+s5+$0x0], $0xffff;
	_ =	sdelay $0x4  }
0x2e2: {  	v0 =	vld [tilespmem:s10+$0x1D770]  }
0x2e3: {  	[tilespmem:s10+$0x19750] =	vst.add.f32.msk $0xffff, v2  }
0x2e4: {  	v2 =	vld.idx.msk [tilespmem:v1+s5+$0x0], $0xffff  }
.Ltmp9:
0x2e5: {  	(pc) =	sbr.rel @p0 .LBB2_20-.Ltmp9, $3  }
0x2e6: {  	_ =	sdelay $0x1  }
0x2e7: {  	s18 =	sshra.s32 s14, $0x2  }
0x2e8: {  	s14 =	sadd.s32 $0x200, s14;
	v1 =	vld [tilespmem:s18+$0x1D700]  }
0x2e9: {  	_ =	sdelay $0x2  }
0x2ea: {  	[tilespmem:s10+$0x19760] =	vst.add.f32.msk $0xffff, v2  }
0x2eb: {  	v0 =	vld.idx.msk [tilespmem:v0+s5+$0x0], $0xffff;
	_ =	sdelay $0x3  }
0x2ec: {  	v2 =	vld [tilespmem:s18+$0x1D710]  }
0x2ed: {  	[tilespmem:s10+$0x19770] =	vst.add.f32.msk $0xffff, v0  }
0x2ee: {  	v0 =	vld.idx.msk [tilespmem:v1+s5+$0x0], $0xffff;
	_ =	sdelay $0x3  }
0x2ef: {  	v1 =	vld [tilespmem:s18+$0x1D720]  }
0x2f0: {  	[tilespmem:s18+$0x19700] =	vst.add.f32.msk $0xffff, v0  }
0x2f1: {  	v0 =	vld.idx.msk [tilespmem:v2+s5+$0x0], $0xffff;
	_ =	sdelay $0x3  }
0x2f2: {  	v2 =	vld [tilespmem:s18+$0x1D730]  }
0x2f3: {  	[tilespmem:s18+$0x19710] =	vst.add.f32.msk $0xffff, v0  }
0x2f4: {  	v0 =	vld.idx.msk [tilespmem:v1+s5+$0x0], $0xffff;
	_ =	sdelay $0x3  }
0x2f5: {  	v1 =	vld [tilespmem:s18+$0x1D740]  }
0x2f6: {  	[tilespmem:s18+$0x19720] =	vst.add.f32.msk $0xffff, v0  }
0x2f7: {  	v0 =	vld.idx.msk [tilespmem:v2+s5+$0x0], $0xffff;
	_ =	sdelay $0x3  }
0x2f8: {  	v2 =	vld [tilespmem:s18+$0x1D750]  }
0x2f9: {  	[tilespmem:s18+$0x19730] =	vst.add.f32.msk $0xffff, v0  }
0x2fa: {  	v0 =	vld.idx.msk [tilespmem:v1+s5+$0x0], $0xffff;
	_ =	sdelay $0x3  }
0x2fb: {  	v1 =	vld [tilespmem:s18+$0x1D760]  }
0x2fc: {  	[tilespmem:s18+$0x19740] =	vst.add.f32.msk $0xffff, v0  }
0x2fd: {  	v0 =	vld.idx.msk [tilespmem:v2+s5+$0x0], $0xffff;
	_ =	sdelay $0x3  }
0x2fe: {  	v2 =	vld [tilespmem:s18+$0x1D770]  }
0x2ff: {  	[tilespmem:s18+$0x19750] =	vst.add.f32.msk $0xffff, v0  }
0x300: {  	v0 =	vld.idx.msk [tilespmem:v1+s5+$0x0], $0xffff;
	_ =	sdelay $0x4  }
0x301: {  	[tilespmem:s18+$0x19760] =	vst.add.f32.msk $0xffff, v0  }
0x302: {  	v0 =	vld.idx.msk [tilespmem:v2+s5+$0x0], $0xffff;
	_ =	sdelay $0x4  }
0x303: {  	[tilespmem:s18+$0x19770] =	vst.add.f32.msk $0xffff, v0;
	s18 =	simm.s32 $0x0  }
0x304: {  	[tilespmem:s29], [sflag:$0x3] =	stream.linear.gather [hbm4b:s17+s18], $0x1000, $0x38;
	[tilespmem:$0x1E700] =	vst v63  }
0x305: {  	_ =	swait.ge [sflag:s30], $0x1000  }
0x306: {  	[sflag:s30] =	ssyncset.done $0x0  }
0x307: {  	s10 =	simm.s32 $0x0;
	[sflag:s30] =	ssyncadd.s32 $0xFFFFF000  }
0x308: {  	v0 =	vld [tilespmem:s10+$0x1C700];
	_ =	sdelay $0x5  }
0x309: {  	v1 =	vld [tilespmem:s10+$0x1C710];
	_ =	sdelay $0x1  }
0x30a: {  	v0 =	vld.idx.msk [tilespmem:v0+s5+$0x0], $0xffff;
	_ =	sdelay $0x3  }
0x30b: {  	v2 =	vld [tilespmem:s10+$0x1C720]  }
0x30c: {  	[tilespmem:s10+$0x1A700] =	vst.add.f32.msk $0xffff, v0  }
0x30d: {  	v0 =	vld.idx.msk [tilespmem:v1+s5+$0x0], $0xffff;
	_ =	sdelay $0x3  }
0x30e: {  	v1 =	vld [tilespmem:s10+$0x1C730]  }
0x30f: {  	[tilespmem:s10+$0x1A710] =	vst.add.f32.msk $0xffff, v0  }
0x310: {  	v0 =	vld.idx.msk [tilespmem:v2+s5+$0x0], $0xffff;
	_ =	sdelay $0x3  }
0x311: {  	v2 =	vld [tilespmem:s10+$0x1C740]  }
0x312: {  	[tilespmem:s10+$0x1A720] =	vst.add.f32.msk $0xffff, v0  }
0x313: {  	v0 =	vld.idx.msk [tilespmem:v1+s5+$0x0], $0xffff;
	_ =	sdelay $0x3  }
0x314: {  	v1 =	vld [tilespmem:s10+$0x1C750]  }
0x315: {  	[tilespmem:s10+$0x1A730] =	vst.add.f32.msk $0xffff, v0  }
0x316: {  	v0 =	vld.idx.msk [tilespmem:v2+s5+$0x0], $0xffff;
	_ =	sdelay $0x3  }
0x317: {  	v2 =	vld [tilespmem:s10+$0x1C760]  }
0x318: {  	[tilespmem:s10+$0x1A740] =	vst.add.f32.msk $0xffff, v0  }
0x319: {  	v1 =	vld.idx.msk [tilespmem:v1+s5+$0x0], $0xffff;
	_ =	sdelay $0x3  }
0x31a: {  	v0 =	vld [tilespmem:s10+$0x1C770]  }
0x31b: {  	[tilespmem:s10+$0x1A750] =	vst.add.f32.msk $0xffff, v1  }
0x31c: {  	v2 =	vld.idx.msk [tilespmem:v2+s5+$0x0], $0xffff;
	_ =	sdelay $0x2  }
0x31d: {  	s18 =	simm.s32 $0x80  }
0x31e: {  	s14 =	simm.s32 $0x400;
	v1 =	vld [tilespmem:s18+$0x1C700]  }
.LBB2_22:
0x31f: {  	p0 =	sne.s32 s14, $0x3E00;
	[tilespmem:s10+$0x1A760] =	vst.add.f32.msk $0xffff, v2  }
0x320: {  	v0 =	vld.idx.msk [tilespmem:v0+s5+$0x0], $0xffff;
	_ =	sdelay $0x4  }
0x321: {  	v2 =	vld [tilespmem:s18+$0x1C710]  }
0x322: {  	[tilespmem:s10+$0x1A770] =	vst.add.f32.msk $0xffff, v0;
	s10 =	smov.u32 s18  }
0x323: {  	v0 =	vld.idx.msk [tilespmem:v1+s5+$0x0], $0xffff;
	_ =	sdelay $0x4  }
0x324: {  	v1 =	vld [tilespmem:s10+$0x1C720]  }
0x325: {  	[tilespmem:s10+$0x1A700] =	vst.add.f32.msk $0xffff, v0  }
0x326: {  	v0 =	vld.idx.msk [tilespmem:v2+s5+$0x0], $0xffff;
	_ =	sdelay $0x4  }
0x327: {  	v2 =	vld [tilespmem:s10+$0x1C730]  }
0x328: {  	[tilespmem:s10+$0x1A710] =	vst.add.f32.msk $0xffff, v0  }
0x329: {  	v0 =	vld.idx.msk [tilespmem:v1+s5+$0x0], $0xffff;
	_ =	sdelay $0x4  }
0x32a: {  	v1 =	vld [tilespmem:s10+$0x1C740]  }
0x32b: {  	[tilespmem:s10+$0x1A720] =	vst.add.f32.msk $0xffff, v0  }
0x32c: {  	v0 =	vld.idx.msk [tilespmem:v2+s5+$0x0], $0xffff;
	_ =	sdelay $0x4  }
0x32d: {  	v2 =	vld [tilespmem:s10+$0x1C750]  }
0x32e: {  	[tilespmem:s10+$0x1A730] =	vst.add.f32.msk $0xffff, v0  }
0x32f: {  	v0 =	vld.idx.msk [tilespmem:v1+s5+$0x0], $0xffff;
	_ =	sdelay $0x4  }
0x330: {  	v1 =	vld [tilespmem:s10+$0x1C760]  }
0x331: {  	[tilespmem:s10+$0x1A740] =	vst.add.f32.msk $0xffff, v0  }
0x332: {  	v2 =	vld.idx.msk [tilespmem:v2+s5+$0x0], $0xffff;
	_ =	sdelay $0x4  }
0x333: {  	v0 =	vld [tilespmem:s10+$0x1C770]  }
0x334: {  	[tilespmem:s10+$0x1A750] =	vst.add.f32.msk $0xffff, v2  }
0x335: {  	v2 =	vld.idx.msk [tilespmem:v1+s5+$0x0], $0xffff  }
.Ltmp10:
0x336: {  	(pc) =	sbr.rel @p0 .LBB2_22-.Ltmp10, $3  }
0x337: {  	_ =	sdelay $0x1  }
0x338: {  	s18 =	sshra.s32 s14, $0x2  }
0x339: {  	s14 =	sadd.s32 $0x200, s14;
	v1 =	vld [tilespmem:s18+$0x1C700]  }
0x33a: {  	_ =	sdelay $0x2  }
0x33b: {  	[tilespmem:s10+$0x1A760] =	vst.add.f32.msk $0xffff, v2  }
0x33c: {  	v0 =	vld.idx.msk [tilespmem:v0+s5+$0x0], $0xffff;
	_ =	sdelay $0x3  }
0x33d: {  	v2 =	vld [tilespmem:s18+$0x1C710]  }
0x33e: {  	[tilespmem:s10+$0x1A770] =	vst.add.f32.msk $0xffff, v0  }
0x33f: {  	v0 =	vld.idx.msk [tilespmem:v1+s5+$0x0], $0xffff;
	_ =	sdelay $0x3  }
0x340: {  	v1 =	vld [tilespmem:s18+$0x1C720]  }
0x341: {  	[tilespmem:s18+$0x1A700] =	vst.add.f32.msk $0xffff, v0  }
0x342: {  	v0 =	vld.idx.msk [tilespmem:v2+s5+$0x0], $0xffff;
	_ =	sdelay $0x3  }
0x343: {  	v2 =	vld [tilespmem:s18+$0x1C730]  }
0x344: {  	[tilespmem:s18+$0x1A710] =	vst.add.f32.msk $0xffff, v0  }
0x345: {  	v0 =	vld.idx.msk [tilespmem:v1+s5+$0x0], $0xffff;
	_ =	sdelay $0x3  }
0x346: {  	v1 =	vld [tilespmem:s18+$0x1C740]  }
0x347: {  	[tilespmem:s18+$0x1A720] =	vst.add.f32.msk $0xffff, v0  }
0x348: {  	v0 =	vld.idx.msk [tilespmem:v2+s5+$0x0], $0xffff;
	_ =	sdelay $0x3  }
0x349: {  	v2 =	vld [tilespmem:s18+$0x1C750]  }
0x34a: {  	[tilespmem:s18+$0x1A730] =	vst.add.f32.msk $0xffff, v0  }
0x34b: {  	v0 =	vld.idx.msk [tilespmem:v1+s5+$0x0], $0xffff;
	_ =	sdelay $0x3  }
0x34c: {  	v1 =	vld [tilespmem:s18+$0x1C760]  }
0x34d: {  	[tilespmem:s18+$0x1A740] =	vst.add.f32.msk $0xffff, v0  }
0x34e: {  	v0 =	vld.idx.msk [tilespmem:v2+s5+$0x0], $0xffff;
	_ =	sdelay $0x3  }
0x34f: {  	v2 =	vld [tilespmem:s18+$0x1C770]  }
0x350: {  	[tilespmem:s18+$0x1A750] =	vst.add.f32.msk $0xffff, v0  }
0x351: {  	v0 =	vld.idx.msk [tilespmem:v1+s5+$0x0], $0xffff;
	_ =	sdelay $0x4  }
0x352: {  	[tilespmem:s18+$0x1A760] =	vst.add.f32.msk $0xffff, v0  }
0x353: {  	v0 =	vld.idx.msk [tilespmem:v2+s5+$0x0], $0xffff;
	_ =	sdelay $0x4  }
0x354: {  	[tilespmem:s18+$0x1A770] =	vst.add.f32.msk $0xffff, v0;
	s18 =	simm.s32 $0x0  }
0x355: {  	[tilespmem:s26], [sflag:$0x2] =	stream.linear.gather [hbm4b:s0+s18], $0x1000, $0x38;
	[tilespmem:$0x1E700] =	vst v63  }
0x356: {  	_ =	swait.ge [sflag:s31], $0x1000  }
0x357: {  	[sflag:s31] =	ssyncset.done $0x0  }
0x358: {  	s10 =	simm.s32 $0x0;
	[sflag:s31] =	ssyncadd.s32 $0xFFFFF000  }
0x359: {  	v0 =	vld [tilespmem:s10+$0x1D700];
	_ =	sdelay $0x5  }
0x35a: {  	v1 =	vld [tilespmem:s10+$0x1D710];
	_ =	sdelay $0x1  }
0x35b: {  	v0 =	vld.idx.msk [tilespmem:v0+s5+$0x0], $0xffff;
	_ =	sdelay $0x3  }
0x35c: {  	v2 =	vld [tilespmem:s10+$0x1D720]  }
0x35d: {  	[tilespmem:s10+$0x1B700] =	vst.add.f32.msk $0xffff, v0  }
0x35e: {  	v0 =	vld.idx.msk [tilespmem:v1+s5+$0x0], $0xffff;
	_ =	sdelay $0x3  }
0x35f: {  	v1 =	vld [tilespmem:s10+$0x1D730]  }
0x360: {  	[tilespmem:s10+$0x1B710] =	vst.add.f32.msk $0xffff, v0  }
0x361: {  	v0 =	vld.idx.msk [tilespmem:v2+s5+$0x0], $0xffff;
	_ =	sdelay $0x3  }
0x362: {  	v2 =	vld [tilespmem:s10+$0x1D740]  }
0x363: {  	[tilespmem:s10+$0x1B720] =	vst.add.f32.msk $0xffff, v0  }
0x364: {  	v0 =	vld.idx.msk [tilespmem:v1+s5+$0x0], $0xffff;
	_ =	sdelay $0x3  }
0x365: {  	v1 =	vld [tilespmem:s10+$0x1D750]  }
0x366: {  	[tilespmem:s10+$0x1B730] =	vst.add.f32.msk $0xffff, v0  }
0x367: {  	v0 =	vld.idx.msk [tilespmem:v2+s5+$0x0], $0xffff;
	_ =	sdelay $0x3  }
0x368: {  	v2 =	vld [tilespmem:s10+$0x1D760]  }
0x369: {  	[tilespmem:s10+$0x1B740] =	vst.add.f32.msk $0xffff, v0  }
0x36a: {  	v1 =	vld.idx.msk [tilespmem:v1+s5+$0x0], $0xffff;
	_ =	sdelay $0x3  }
0x36b: {  	v0 =	vld [tilespmem:s10+$0x1D770]  }
0x36c: {  	[tilespmem:s10+$0x1B750] =	vst.add.f32.msk $0xffff, v1  }
0x36d: {  	v2 =	vld.idx.msk [tilespmem:v2+s5+$0x0], $0xffff;
	_ =	sdelay $0x2  }
0x36e: {  	s18 =	simm.s32 $0x80  }
0x36f: {  	s14 =	simm.s32 $0x400;
	v1 =	vld [tilespmem:s18+$0x1D700]  }
.LBB2_24:
0x370: {  	p0 =	sne.s32 s14, $0x3E00;
	[tilespmem:s10+$0x1B760] =	vst.add.f32.msk $0xffff, v2  }
0x371: {  	v0 =	vld.idx.msk [tilespmem:v0+s5+$0x0], $0xffff;
	_ =	sdelay $0x4  }
0x372: {  	v2 =	vld [tilespmem:s18+$0x1D710]  }
0x373: {  	[tilespmem:s10+$0x1B770] =	vst.add.f32.msk $0xffff, v0;
	s10 =	smov.u32 s18  }
0x374: {  	v0 =	vld.idx.msk [tilespmem:v1+s5+$0x0], $0xffff;
	_ =	sdelay $0x4  }
0x375: {  	v1 =	vld [tilespmem:s10+$0x1D720]  }
0x376: {  	[tilespmem:s10+$0x1B700] =	vst.add.f32.msk $0xffff, v0  }
0x377: {  	v0 =	vld.idx.msk [tilespmem:v2+s5+$0x0], $0xffff;
	_ =	sdelay $0x4  }
0x378: {  	v2 =	vld [tilespmem:s10+$0x1D730]  }
0x379: {  	[tilespmem:s10+$0x1B710] =	vst.add.f32.msk $0xffff, v0  }
0x37a: {  	v0 =	vld.idx.msk [tilespmem:v1+s5+$0x0], $0xffff;
	_ =	sdelay $0x4  }
0x37b: {  	v1 =	vld [tilespmem:s10+$0x1D740]  }
0x37c: {  	[tilespmem:s10+$0x1B720] =	vst.add.f32.msk $0xffff, v0  }
0x37d: {  	v0 =	vld.idx.msk [tilespmem:v2+s5+$0x0], $0xffff;
	_ =	sdelay $0x4  }
0x37e: {  	v2 =	vld [tilespmem:s10+$0x1D750]  }
0x37f: {  	[tilespmem:s10+$0x1B730] =	vst.add.f32.msk $0xffff, v0  }
0x380: {  	v0 =	vld.idx.msk [tilespmem:v1+s5+$0x0], $0xffff;
	_ =	sdelay $0x4  }
0x381: {  	v1 =	vld [tilespmem:s10+$0x1D760]  }
0x382: {  	[tilespmem:s10+$0x1B740] =	vst.add.f32.msk $0xffff, v0  }
0x383: {  	v2 =	vld.idx.msk [tilespmem:v2+s5+$0x0], $0xffff;
	_ =	sdelay $0x4  }
0x384: {  	v0 =	vld [tilespmem:s10+$0x1D770]  }
0x385: {  	[tilespmem:s10+$0x1B750] =	vst.add.f32.msk $0xffff, v2  }
0x386: {  	v2 =	vld.idx.msk [tilespmem:v1+s5+$0x0], $0xffff  }
.Ltmp11:
0x387: {  	(pc) =	sbr.rel @p0 .LBB2_24-.Ltmp11, $3  }
0x388: {  	_ =	sdelay $0x1  }
0x389: {  	s18 =	sshra.s32 s14, $0x2  }
0x38a: {  	s14 =	sadd.s32 $0x200, s14;
	v1 =	vld [tilespmem:s18+$0x1D700]  }
0x38b: {  	_ =	sdelay $0x2  }
0x38c: {  	[tilespmem:s10+$0x1B760] =	vst.add.f32.msk $0xffff, v2  }
0x38d: {  	v0 =	vld.idx.msk [tilespmem:v0+s5+$0x0], $0xffff;
	_ =	sdelay $0x3  }
0x38e: {  	v2 =	vld [tilespmem:s18+$0x1D710]  }
0x38f: {  	[tilespmem:s10+$0x1B770] =	vst.add.f32.msk $0xffff, v0  }
0x390: {  	v0 =	vld.idx.msk [tilespmem:v1+s5+$0x0], $0xffff;
	_ =	sdelay $0x3  }
0x391: {  	v1 =	vld [tilespmem:s18+$0x1D720]  }
0x392: {  	[tilespmem:s18+$0x1B700] =	vst.add.f32.msk $0xffff, v0  }
0x393: {  	v0 =	vld.idx.msk [tilespmem:v2+s5+$0x0], $0xffff;
	_ =	sdelay $0x3  }
0x394: {  	v2 =	vld [tilespmem:s18+$0x1D730]  }
0x395: {  	[tilespmem:s18+$0x1B710] =	vst.add.f32.msk $0xffff, v0  }
0x396: {  	v0 =	vld.idx.msk [tilespmem:v1+s5+$0x0], $0xffff;
	_ =	sdelay $0x3  }
0x397: {  	v1 =	vld [tilespmem:s18+$0x1D740]  }
0x398: {  	[tilespmem:s18+$0x1B720] =	vst.add.f32.msk $0xffff, v0  }
0x399: {  	v0 =	vld.idx.msk [tilespmem:v2+s5+$0x0], $0xffff;
	_ =	sdelay $0x3  }
0x39a: {  	v2 =	vld [tilespmem:s18+$0x1D750]  }
0x39b: {  	[tilespmem:s18+$0x1B730] =	vst.add.f32.msk $0xffff, v0  }
0x39c: {  	v0 =	vld.idx.msk [tilespmem:v1+s5+$0x0], $0xffff;
	_ =	sdelay $0x3  }
0x39d: {  	v1 =	vld [tilespmem:s18+$0x1D760]  }
0x39e: {  	[tilespmem:s18+$0x1B740] =	vst.add.f32.msk $0xffff, v0  }
0x39f: {  	v0 =	vld.idx.msk [tilespmem:v2+s5+$0x0], $0xffff;
	_ =	sdelay $0x3  }
0x3a0: {  	v2 =	vld [tilespmem:s18+$0x1D770]  }
0x3a1: {  	[tilespmem:s18+$0x1B750] =	vst.add.f32.msk $0xffff, v0  }
0x3a2: {  	v0 =	vld.idx.msk [tilespmem:v1+s5+$0x0], $0xffff;
	_ =	sdelay $0x4  }
0x3a3: {  	[tilespmem:s18+$0x1B760] =	vst.add.f32.msk $0xffff, v0  }
0x3a4: {  	v0 =	vld.idx.msk [tilespmem:v2+s5+$0x0], $0xffff;
	_ =	sdelay $0x4  }
0x3a5: {  	s14 =	rddreg [dreg:$0xb];
	s10 =	simm.s32 $0x0;
	[tilespmem:s18+$0x1B770] =	vst.add.f32.msk $0xffff, v0  }
0x3a6: {  	[tilespmem:s10], [sflag:$0x1] =	stream.strided.gather [hbm4b:s14+s24], $0x18700, s25, s24, $0x38;
	[tilespmem:$0x1E700] =	vst v63  }
0x3a7: {  	s18 =	simm.s32 $0x18700  }
0x3a8: {  	[hbm4b:s19+s24] =	stream.strided.scatter [tilespmem:s18], [sflag:$0x4], $0x4000, s25, s24, $0x38;
	[tilespmem:$0x1E700] =	vst v63  }
0x3a9: {  	_ =	swait.ge [sflag:s28], $0x18700  }
0x3aa: {  	[sflag:s28] =	ssyncset.done $0x0  }
0x3ab: {  	[sflag:s28] =	ssyncadd.s32 $0xFFFE7900  }
0x3ac: {  	_ =	swait.ge [sflag:s3], $0x4000  }
0x3ad: {  	[sflag:s3] =	ssyncset.done $0x0  }
0x3ae: {  	[sflag:s3] =	ssyncadd.s32 $0xFFFFC000  }
0x3af: {  	[tilespmem:s29], [sflag:$0x3] =	stream.linear.gather [hbm4b:s7+s10], $0x1000, $0x38;
	[tilespmem:$0x1E700] =	vst v63  }
0x3b0: {  	_ =	swait.ge [sflag:s30], $0x1000  }
0x3b1: {  	[sflag:s30] =	ssyncset.done $0x0  }
0x3b2: {  	s10 =	simm.s32 $0x0;
	[sflag:s30] =	ssyncadd.s32 $0xFFFFF000  }
0x3b3: {  	v0 =	vld [tilespmem:s10+$0x1C700];
	_ =	sdelay $0x5  }
0x3b4: {  	v1 =	vld [tilespmem:s10+$0x1C710];
	_ =	sdelay $0x1  }
0x3b5: {  	v0 =	vld.idx.msk [tilespmem:v0+s5+$0x0], $0xffff;
	_ =	sdelay $0x4  }
0x3b6: {  	[tilespmem:s10+$0x18700] =	vst v0;
	v0 =	vld [tilespmem:s10+$0x1C720]  }
0x3b7: {  	v1 =	vld.idx.msk [tilespmem:v1+s5+$0x0], $0xffff;
	_ =	sdelay $0x4  }
0x3b8: {  	[tilespmem:s10+$0x18710] =	vst v1;
	v1 =	vld [tilespmem:s10+$0x1C730];
	_ =	sdelay $0x1  }
0x3b9: {  	v0 =	vld.idx.msk [tilespmem:v0+s5+$0x0], $0xffff;
	_ =	sdelay $0x4  }
0x3ba: {  	[tilespmem:s10+$0x18720] =	vst v0;
	v0 =	vld [tilespmem:s10+$0x1C740]  }
0x3bb: {  	v1 =	vld.idx.msk [tilespmem:v1+s5+$0x0], $0xffff;
	_ =	sdelay $0x4  }
0x3bc: {  	[tilespmem:s10+$0x18730] =	vst v1;
	v1 =	vld [tilespmem:s10+$0x1C750];
	_ =	sdelay $0x1  }
0x3bd: {  	v0 =	vld.idx.msk [tilespmem:v0+s5+$0x0], $0xffff;
	_ =	sdelay $0x4  }
0x3be: {  	v2 =	vld [tilespmem:s10+$0x1C760];
	[tilespmem:s10+$0x18740] =	vst v0  }
0x3bf: {  	v0 =	vld.idx.msk [tilespmem:v1+s5+$0x0], $0xffff;
	_ =	sdelay $0x4  }
0x3c0: {  	[tilespmem:s10+$0x18750] =	vst v0;
	v0 =	vld [tilespmem:s10+$0x1C770];
	_ =	sdelay $0x1  }
0x3c1: {  	v1 =	vld.idx.msk [tilespmem:v2+s5+$0x0], $0xffff;
	_ =	sdelay $0x3  }
0x3c2: {  	s14 =	simm.s32 $0x400;
	s18 =	simm.s32 $0x80  }
.LBB2_26:
0x3c3: {  	p0 =	sne.s32 s14, $0x3E00;
	v2 =	vld [tilespmem:s18+$0x1C700];
	[tilespmem:s10+$0x18760] =	vst v1  }
0x3c4: {  	v0 =	vld.idx.msk [tilespmem:v0+s5+$0x0], $0xffff;
	_ =	sdelay $0x5  }
0x3c5: {  	v1 =	vld [tilespmem:s18+$0x1C710];
	[tilespmem:s10+$0x18770] =	vst v0;
	s10 =	smov.u32 s18  }
0x3c6: {  	v0 =	vld.idx.msk [tilespmem:v2+s5+$0x0], $0xffff;
	_ =	sdelay $0x5  }
0x3c7: {  	[tilespmem:s10+$0x18700] =	vst v0;
	v0 =	vld [tilespmem:s10+$0x1C720]  }
0x3c8: {  	v1 =	vld.idx.msk [tilespmem:v1+s5+$0x0], $0xffff;
	_ =	sdelay $0x5  }
0x3c9: {  	[tilespmem:s10+$0x18710] =	vst v1;
	v1 =	vld [tilespmem:s10+$0x1C730]  }
0x3ca: {  	v0 =	vld.idx.msk [tilespmem:v0+s5+$0x0], $0xffff;
	_ =	sdelay $0x5  }
0x3cb: {  	[tilespmem:s10+$0x18720] =	vst v0;
	v0 =	vld [tilespmem:s10+$0x1C740]  }
0x3cc: {  	v1 =	vld.idx.msk [tilespmem:v1+s5+$0x0], $0xffff;
	_ =	sdelay $0x5  }
0x3cd: {  	[tilespmem:s10+$0x18730] =	vst v1;
	v1 =	vld [tilespmem:s10+$0x1C750]  }
0x3ce: {  	v0 =	vld.idx.msk [tilespmem:v0+s5+$0x0], $0xffff;
	_ =	sdelay $0x5  }
0x3cf: {  	[tilespmem:s10+$0x18740] =	vst v0;
	v2 =	vld [tilespmem:s10+$0x1C760]  }
0x3d0: {  	v0 =	vld.idx.msk [tilespmem:v1+s5+$0x0], $0xffff;
	_ =	sdelay $0x5  }
0x3d1: {  	[tilespmem:s10+$0x18750] =	vst v0;
	v0 =	vld [tilespmem:s10+$0x1C770]  }
0x3d2: {  	v1 =	vld.idx.msk [tilespmem:v2+s5+$0x0], $0xffff  }
.Ltmp12:
0x3d3: {  	(pc) =	sbr.rel @p0 .LBB2_26-.Ltmp12, $2  }
0x3d4: {  	_ =	sdelay $0x2  }
0x3d5: {  	s18 =	sshra.s32 s14, $0x2;
	s14 =	sadd.s32 $0x200, s14  }
0x3d6: {  	_ =	sdelay $0x1  }
0x3d7: {  	v2 =	vld [tilespmem:s18+$0x1C700]  }
0x3d8: {  	[tilespmem:s10+$0x18760] =	vst v1  }
0x3d9: {  	v0 =	vld.idx.msk [tilespmem:v0+s5+$0x0], $0xffff;
	_ =	sdelay $0x3  }
0x3da: {  	v1 =	vld [tilespmem:s18+$0x1C710]  }
0x3db: {  	[tilespmem:s10+$0x18770] =	vst v0  }
0x3dc: {  	v0 =	vld.idx.msk [tilespmem:v2+s5+$0x0], $0xffff;
	_ =	sdelay $0x4  }
0x3dd: {  	[tilespmem:s18+$0x18700] =	vst v0;
	v0 =	vld [tilespmem:s18+$0x1C720]  }
0x3de: {  	v1 =	vld.idx.msk [tilespmem:v1+s5+$0x0], $0xffff;
	_ =	sdelay $0x4  }
0x3df: {  	[tilespmem:s18+$0x18710] =	vst v1;
	v1 =	vld [tilespmem:s18+$0x1C730];
	_ =	sdelay $0x1  }
0x3e0: {  	v0 =	vld.idx.msk [tilespmem:v0+s5+$0x0], $0xffff;
	_ =	sdelay $0x4  }
0x3e1: {  	[tilespmem:s18+$0x18720] =	vst v0;
	v0 =	vld [tilespmem:s18+$0x1C740]  }
0x3e2: {  	v1 =	vld.idx.msk [tilespmem:v1+s5+$0x0], $0xffff;
	_ =	sdelay $0x4  }
0x3e3: {  	[tilespmem:s18+$0x18730] =	vst v1;
	v1 =	vld [tilespmem:s18+$0x1C750];
	_ =	sdelay $0x1  }
0x3e4: {  	v0 =	vld.idx.msk [tilespmem:v0+s5+$0x0], $0xffff;
	_ =	sdelay $0x4  }
0x3e5: {  	[tilespmem:s18+$0x18740] =	vst v0;
	v0 =	vld [tilespmem:s18+$0x1C760]  }
0x3e6: {  	v1 =	vld.idx.msk [tilespmem:v1+s5+$0x0], $0xffff;
	_ =	sdelay $0x4  }
0x3e7: {  	[tilespmem:s18+$0x18750] =	vst v1;
	v1 =	vld [tilespmem:s18+$0x1C770];
	_ =	sdelay $0x1  }
0x3e8: {  	v0 =	vld.idx.msk [tilespmem:v0+s5+$0x0], $0xffff;
	_ =	sdelay $0x4  }
0x3e9: {  	[tilespmem:s18+$0x18760] =	vst v0  }
0x3ea: {  	v0 =	vld.idx.msk [tilespmem:v1+s5+$0x0], $0xffff;
	_ =	sdelay $0x4  }
0x3eb: {  	[tilespmem:s18+$0x18770] =	vst v0;
	s18 =	simm.s32 $0x0  }
0x3ec: {  	[tilespmem:s26], [sflag:$0x2] =	stream.linear.gather [hbm4b:s8+s18], $0x1000, $0x38;
	[tilespmem:$0x1E700] =	vst v63  }
0x3ed: {  	_ =	swait.ge [sflag:s31], $0x1000  }
0x3ee: {  	[sflag:s31] =	ssyncset.done $0x0  }
0x3ef: {  	s10 =	simm.s32 $0x0;
	[sflag:s31] =	ssyncadd.s32 $0xFFFFF000  }
0x3f0: {  	v0 =	vld [tilespmem:s10+$0x1D700];
	_ =	sdelay $0x5  }
0x3f1: {  	v1 =	vld [tilespmem:s10+$0x1D710];
	_ =	sdelay $0x1  }
0x3f2: {  	v0 =	vld.idx.msk [tilespmem:v0+s5+$0x0], $0xffff;
	_ =	sdelay $0x4  }
0x3f3: {  	[tilespmem:s10+$0x19700] =	vst v0;
	v0 =	vld [tilespmem:s10+$0x1D720]  }
0x3f4: {  	v1 =	vld.idx.msk [tilespmem:v1+s5+$0x0], $0xffff;
	_ =	sdelay $0x4  }
0x3f5: {  	[tilespmem:s10+$0x19710] =	vst v1;
	v1 =	vld [tilespmem:s10+$0x1D730];
	_ =	sdelay $0x1  }
0x3f6: {  	v0 =	vld.idx.msk [tilespmem:v0+s5+$0x0], $0xffff;
	_ =	sdelay $0x4  }
0x3f7: {  	[tilespmem:s10+$0x19720] =	vst v0;
	v0 =	vld [tilespmem:s10+$0x1D740]  }
0x3f8: {  	v1 =	vld.idx.msk [tilespmem:v1+s5+$0x0], $0xffff;
	_ =	sdelay $0x4  }
0x3f9: {  	[tilespmem:s10+$0x19730] =	vst v1;
	v1 =	vld [tilespmem:s10+$0x1D750];
	_ =	sdelay $0x1  }
0x3fa: {  	v0 =	vld.idx.msk [tilespmem:v0+s5+$0x0], $0xffff;
	_ =	sdelay $0x4  }
0x3fb: {  	v2 =	vld [tilespmem:s10+$0x1D760];
	[tilespmem:s10+$0x19740] =	vst v0  }
0x3fc: {  	v0 =	vld.idx.msk [tilespmem:v1+s5+$0x0], $0xffff;
	_ =	sdelay $0x4  }
0x3fd: {  	[tilespmem:s10+$0x19750] =	vst v0;
	v0 =	vld [tilespmem:s10+$0x1D770];
	_ =	sdelay $0x1  }
0x3fe: {  	v1 =	vld.idx.msk [tilespmem:v2+s5+$0x0], $0xffff;
	_ =	sdelay $0x3  }
0x3ff: {  	s14 =	simm.s32 $0x400;
	s18 =	simm.s32 $0x80  }
.LBB2_28:
0x400: {  	p0 =	sne.s32 s14, $0x3E00;
	v2 =	vld [tilespmem:s18+$0x1D700];
	[tilespmem:s10+$0x19760] =	vst v1  }
0x401: {  	v0 =	vld.idx.msk [tilespmem:v0+s5+$0x0], $0xffff;
	_ =	sdelay $0x5  }
0x402: {  	v1 =	vld [tilespmem:s18+$0x1D710];
	[tilespmem:s10+$0x19770] =	vst v0;
	s10 =	smov.u32 s18  }
0x403: {  	v0 =	vld.idx.msk [tilespmem:v2+s5+$0x0], $0xffff;
	_ =	sdelay $0x5  }
0x404: {  	[tilespmem:s10+$0x19700] =	vst v0;
	v0 =	vld [tilespmem:s10+$0x1D720]  }
0x405: {  	v1 =	vld.idx.msk [tilespmem:v1+s5+$0x0], $0xffff;
	_ =	sdelay $0x5  }
0x406: {  	[tilespmem:s10+$0x19710] =	vst v1;
	v1 =	vld [tilespmem:s10+$0x1D730]  }
0x407: {  	v0 =	vld.idx.msk [tilespmem:v0+s5+$0x0], $0xffff;
	_ =	sdelay $0x5  }
0x408: {  	[tilespmem:s10+$0x19720] =	vst v0;
	v0 =	vld [tilespmem:s10+$0x1D740]  }
0x409: {  	v1 =	vld.idx.msk [tilespmem:v1+s5+$0x0], $0xffff;
	_ =	sdelay $0x5  }
0x40a: {  	[tilespmem:s10+$0x19730] =	vst v1;
	v1 =	vld [tilespmem:s10+$0x1D750]  }
0x40b: {  	v0 =	vld.idx.msk [tilespmem:v0+s5+$0x0], $0xffff;
	_ =	sdelay $0x5  }
0x40c: {  	[tilespmem:s10+$0x19740] =	vst v0;
	v2 =	vld [tilespmem:s10+$0x1D760]  }
0x40d: {  	v0 =	vld.idx.msk [tilespmem:v1+s5+$0x0], $0xffff;
	_ =	sdelay $0x5  }
0x40e: {  	[tilespmem:s10+$0x19750] =	vst v0;
	v0 =	vld [tilespmem:s10+$0x1D770]  }
0x40f: {  	v1 =	vld.idx.msk [tilespmem:v2+s5+$0x0], $0xffff  }
.Ltmp13:
0x410: {  	(pc) =	sbr.rel @p0 .LBB2_28-.Ltmp13, $2  }
0x411: {  	_ =	sdelay $0x2  }
0x412: {  	s18 =	sshra.s32 s14, $0x2;
	s14 =	sadd.s32 $0x200, s14  }
0x413: {  	_ =	sdelay $0x1  }
0x414: {  	v2 =	vld [tilespmem:s18+$0x1D700]  }
0x415: {  	[tilespmem:s10+$0x19760] =	vst v1  }
0x416: {  	v0 =	vld.idx.msk [tilespmem:v0+s5+$0x0], $0xffff;
	_ =	sdelay $0x3  }
0x417: {  	v1 =	vld [tilespmem:s18+$0x1D710]  }
0x418: {  	[tilespmem:s10+$0x19770] =	vst v0  }
0x419: {  	v0 =	vld.idx.msk [tilespmem:v2+s5+$0x0], $0xffff;
	_ =	sdelay $0x4  }
0x41a: {  	[tilespmem:s18+$0x19700] =	vst v0;
	v0 =	vld [tilespmem:s18+$0x1D720]  }
0x41b: {  	v1 =	vld.idx.msk [tilespmem:v1+s5+$0x0], $0xffff;
	_ =	sdelay $0x4  }
0x41c: {  	[tilespmem:s18+$0x19710] =	vst v1;
	v1 =	vld [tilespmem:s18+$0x1D730];
	_ =	sdelay $0x1  }
0x41d: {  	v0 =	vld.idx.msk [tilespmem:v0+s5+$0x0], $0xffff;
	_ =	sdelay $0x4  }
0x41e: {  	[tilespmem:s18+$0x19720] =	vst v0;
	v0 =	vld [tilespmem:s18+$0x1D740]  }
0x41f: {  	v1 =	vld.idx.msk [tilespmem:v1+s5+$0x0], $0xffff;
	_ =	sdelay $0x4  }
0x420: {  	[tilespmem:s18+$0x19730] =	vst v1;
	v1 =	vld [tilespmem:s18+$0x1D750];
	_ =	sdelay $0x1  }
0x421: {  	v0 =	vld.idx.msk [tilespmem:v0+s5+$0x0], $0xffff;
	_ =	sdelay $0x4  }
0x422: {  	[tilespmem:s18+$0x19740] =	vst v0;
	v0 =	vld [tilespmem:s18+$0x1D760]  }
0x423: {  	v1 =	vld.idx.msk [tilespmem:v1+s5+$0x0], $0xffff;
	_ =	sdelay $0x4  }
0x424: {  	[tilespmem:s18+$0x19750] =	vst v1;
	v1 =	vld [tilespmem:s18+$0x1D770];
	_ =	sdelay $0x1  }
0x425: {  	v0 =	vld.idx.msk [tilespmem:v0+s5+$0x0], $0xffff;
	_ =	sdelay $0x4  }
0x426: {  	[tilespmem:s18+$0x19760] =	vst v0  }
0x427: {  	v0 =	vld.idx.msk [tilespmem:v1+s5+$0x0], $0xffff;
	_ =	sdelay $0x4  }
0x428: {  	[tilespmem:s18+$0x19770] =	vst v0;
	s18 =	simm.s32 $0x0  }
0x429: {  	[tilespmem:s29], [sflag:$0x3] =	stream.linear.gather [hbm4b:s9+s18], $0x1000, $0x38;
	[tilespmem:$0x1E700] =	vst v63  }
0x42a: {  	_ =	swait.ge [sflag:s30], $0x1000  }
0x42b: {  	[sflag:s30] =	ssyncset.done $0x0  }
0x42c: {  	s10 =	simm.s32 $0x0;
	[sflag:s30] =	ssyncadd.s32 $0xFFFFF000  }
0x42d: {  	v0 =	vld [tilespmem:s10+$0x1C700];
	_ =	sdelay $0x5  }
0x42e: {  	v1 =	vld [tilespmem:s10+$0x1C710];
	_ =	sdelay $0x1  }
0x42f: {  	v0 =	vld.idx.msk [tilespmem:v0+s5+$0x0], $0xffff;
	_ =	sdelay $0x4  }
0x430: {  	[tilespmem:s10+$0x1A700] =	vst v0;
	v0 =	vld [tilespmem:s10+$0x1C720]  }
0x431: {  	v1 =	vld.idx.msk [tilespmem:v1+s5+$0x0], $0xffff;
	_ =	sdelay $0x4  }
0x432: {  	[tilespmem:s10+$0x1A710] =	vst v1;
	v1 =	vld [tilespmem:s10+$0x1C730];
	_ =	sdelay $0x1  }
0x433: {  	v0 =	vld.idx.msk [tilespmem:v0+s5+$0x0], $0xffff;
	_ =	sdelay $0x4  }
0x434: {  	[tilespmem:s10+$0x1A720] =	vst v0;
	v0 =	vld [tilespmem:s10+$0x1C740]  }
0x435: {  	v1 =	vld.idx.msk [tilespmem:v1+s5+$0x0], $0xffff;
	_ =	sdelay $0x4  }
0x436: {  	[tilespmem:s10+$0x1A730] =	vst v1;
	v1 =	vld [tilespmem:s10+$0x1C750];
	_ =	sdelay $0x1  }
0x437: {  	v0 =	vld.idx.msk [tilespmem:v0+s5+$0x0], $0xffff;
	_ =	sdelay $0x4  }
0x438: {  	v2 =	vld [tilespmem:s10+$0x1C760];
	[tilespmem:s10+$0x1A740] =	vst v0  }
0x439: {  	v0 =	vld.idx.msk [tilespmem:v1+s5+$0x0], $0xffff;
	_ =	sdelay $0x4  }
0x43a: {  	[tilespmem:s10+$0x1A750] =	vst v0;
	v0 =	vld [tilespmem:s10+$0x1C770];
	_ =	sdelay $0x1  }
0x43b: {  	v1 =	vld.idx.msk [tilespmem:v2+s5+$0x0], $0xffff;
	_ =	sdelay $0x3  }
0x43c: {  	s14 =	simm.s32 $0x400;
	s18 =	simm.s32 $0x80  }
.LBB2_30:
0x43d: {  	p0 =	sne.s32 s14, $0x3E00;
	v2 =	vld [tilespmem:s18+$0x1C700];
	[tilespmem:s10+$0x1A760] =	vst v1  }
0x43e: {  	v0 =	vld.idx.msk [tilespmem:v0+s5+$0x0], $0xffff;
	_ =	sdelay $0x5  }
0x43f: {  	v1 =	vld [tilespmem:s18+$0x1C710];
	[tilespmem:s10+$0x1A770] =	vst v0;
	s10 =	smov.u32 s18  }
0x440: {  	v0 =	vld.idx.msk [tilespmem:v2+s5+$0x0], $0xffff;
	_ =	sdelay $0x5  }
0x441: {  	[tilespmem:s10+$0x1A700] =	vst v0;
	v0 =	vld [tilespmem:s10+$0x1C720]  }
0x442: {  	v1 =	vld.idx.msk [tilespmem:v1+s5+$0x0], $0xffff;
	_ =	sdelay $0x5  }
0x443: {  	[tilespmem:s10+$0x1A710] =	vst v1;
	v1 =	vld [tilespmem:s10+$0x1C730]  }
0x444: {  	v0 =	vld.idx.msk [tilespmem:v0+s5+$0x0], $0xffff;
	_ =	sdelay $0x5  }
0x445: {  	[tilespmem:s10+$0x1A720] =	vst v0;
	v0 =	vld [tilespmem:s10+$0x1C740]  }
0x446: {  	v1 =	vld.idx.msk [tilespmem:v1+s5+$0x0], $0xffff;
	_ =	sdelay $0x5  }
0x447: {  	[tilespmem:s10+$0x1A730] =	vst v1;
	v1 =	vld [tilespmem:s10+$0x1C750]  }
0x448: {  	v0 =	vld.idx.msk [tilespmem:v0+s5+$0x0], $0xffff;
	_ =	sdelay $0x5  }
0x449: {  	[tilespmem:s10+$0x1A740] =	vst v0;
	v2 =	vld [tilespmem:s10+$0x1C760]  }
0x44a: {  	v0 =	vld.idx.msk [tilespmem:v1+s5+$0x0], $0xffff;
	_ =	sdelay $0x5  }
0x44b: {  	[tilespmem:s10+$0x1A750] =	vst v0;
	v0 =	vld [tilespmem:s10+$0x1C770]  }
0x44c: {  	v1 =	vld.idx.msk [tilespmem:v2+s5+$0x0], $0xffff  }
.Ltmp14:
0x44d: {  	(pc) =	sbr.rel @p0 .LBB2_30-.Ltmp14, $2  }
0x44e: {  	_ =	sdelay $0x2  }
0x44f: {  	s18 =	sshra.s32 s14, $0x2;
	s14 =	sadd.s32 $0x200, s14  }
0x450: {  	_ =	sdelay $0x1  }
0x451: {  	v2 =	vld [tilespmem:s18+$0x1C700]  }
0x452: {  	[tilespmem:s10+$0x1A760] =	vst v1  }
0x453: {  	v0 =	vld.idx.msk [tilespmem:v0+s5+$0x0], $0xffff;
	_ =	sdelay $0x3  }
0x454: {  	v1 =	vld [tilespmem:s18+$0x1C710]  }
0x455: {  	[tilespmem:s10+$0x1A770] =	vst v0  }
0x456: {  	v0 =	vld.idx.msk [tilespmem:v2+s5+$0x0], $0xffff;
	_ =	sdelay $0x4  }
0x457: {  	[tilespmem:s18+$0x1A700] =	vst v0;
	v0 =	vld [tilespmem:s18+$0x1C720]  }
0x458: {  	v1 =	vld.idx.msk [tilespmem:v1+s5+$0x0], $0xffff;
	_ =	sdelay $0x4  }
0x459: {  	[tilespmem:s18+$0x1A710] =	vst v1;
	v1 =	vld [tilespmem:s18+$0x1C730];
	_ =	sdelay $0x1  }
0x45a: {  	v0 =	vld.idx.msk [tilespmem:v0+s5+$0x0], $0xffff;
	_ =	sdelay $0x4  }
0x45b: {  	[tilespmem:s18+$0x1A720] =	vst v0;
	v0 =	vld [tilespmem:s18+$0x1C740]  }
0x45c: {  	v1 =	vld.idx.msk [tilespmem:v1+s5+$0x0], $0xffff;
	_ =	sdelay $0x4  }
0x45d: {  	[tilespmem:s18+$0x1A730] =	vst v1;
	v1 =	vld [tilespmem:s18+$0x1C750];
	_ =	sdelay $0x1  }
0x45e: {  	v0 =	vld.idx.msk [tilespmem:v0+s5+$0x0], $0xffff;
	_ =	sdelay $0x4  }
0x45f: {  	[tilespmem:s18+$0x1A740] =	vst v0;
	v0 =	vld [tilespmem:s18+$0x1C760]  }
0x460: {  	v1 =	vld.idx.msk [tilespmem:v1+s5+$0x0], $0xffff;
	_ =	sdelay $0x4  }
0x461: {  	[tilespmem:s18+$0x1A750] =	vst v1;
	v1 =	vld [tilespmem:s18+$0x1C770];
	_ =	sdelay $0x1  }
0x462: {  	v0 =	vld.idx.msk [tilespmem:v0+s5+$0x0], $0xffff;
	_ =	sdelay $0x4  }
0x463: {  	[tilespmem:s18+$0x1A760] =	vst v0  }
0x464: {  	v0 =	vld.idx.msk [tilespmem:v1+s5+$0x0], $0xffff;
	_ =	sdelay $0x4  }
0x465: {  	[tilespmem:s18+$0x1A770] =	vst v0;
	s18 =	simm.s32 $0x0  }
0x466: {  	[tilespmem:s26], [sflag:$0x2] =	stream.linear.gather [hbm4b:s1+s18], $0x1000, $0x38;
	[tilespmem:$0x1E700] =	vst v63  }
0x467: {  	_ =	swait.ge [sflag:s31], $0x1000  }
0x468: {  	[sflag:s31] =	ssyncset.done $0x0  }
0x469: {  	s10 =	simm.s32 $0x0;
	[sflag:s31] =	ssyncadd.s32 $0xFFFFF000  }
0x46a: {  	v0 =	vld [tilespmem:s10+$0x1D700];
	_ =	sdelay $0x5  }
0x46b: {  	v1 =	vld [tilespmem:s10+$0x1D710];
	_ =	sdelay $0x1  }
0x46c: {  	v0 =	vld.idx.msk [tilespmem:v0+s5+$0x0], $0xffff;
	_ =	sdelay $0x4  }
0x46d: {  	[tilespmem:s10+$0x1B700] =	vst v0;
	v0 =	vld [tilespmem:s10+$0x1D720]  }
0x46e: {  	v1 =	vld.idx.msk [tilespmem:v1+s5+$0x0], $0xffff;
	_ =	sdelay $0x4  }
0x46f: {  	[tilespmem:s10+$0x1B710] =	vst v1;
	v1 =	vld [tilespmem:s10+$0x1D730];
	_ =	sdelay $0x1  }
0x470: {  	v0 =	vld.idx.msk [tilespmem:v0+s5+$0x0], $0xffff;
	_ =	sdelay $0x4  }
0x471: {  	[tilespmem:s10+$0x1B720] =	vst v0;
	v0 =	vld [tilespmem:s10+$0x1D740]  }
0x472: {  	v1 =	vld.idx.msk [tilespmem:v1+s5+$0x0], $0xffff;
	_ =	sdelay $0x4  }
0x473: {  	[tilespmem:s10+$0x1B730] =	vst v1;
	v1 =	vld [tilespmem:s10+$0x1D750];
	_ =	sdelay $0x1  }
0x474: {  	v0 =	vld.idx.msk [tilespmem:v0+s5+$0x0], $0xffff;
	_ =	sdelay $0x4  }
0x475: {  	v2 =	vld [tilespmem:s10+$0x1D760];
	[tilespmem:s10+$0x1B740] =	vst v0  }
0x476: {  	v0 =	vld.idx.msk [tilespmem:v1+s5+$0x0], $0xffff;
	_ =	sdelay $0x4  }
0x477: {  	[tilespmem:s10+$0x1B750] =	vst v0;
	v0 =	vld [tilespmem:s10+$0x1D770];
	_ =	sdelay $0x1  }
0x478: {  	v1 =	vld.idx.msk [tilespmem:v2+s5+$0x0], $0xffff;
	_ =	sdelay $0x3  }
0x479: {  	s14 =	simm.s32 $0x400;
	s18 =	simm.s32 $0x80  }
.LBB2_32:
0x47a: {  	p0 =	sne.s32 s14, $0x3E00;
	v2 =	vld [tilespmem:s18+$0x1D700];
	[tilespmem:s10+$0x1B760] =	vst v1  }
0x47b: {  	v0 =	vld.idx.msk [tilespmem:v0+s5+$0x0], $0xffff;
	_ =	sdelay $0x5  }
0x47c: {  	v1 =	vld [tilespmem:s18+$0x1D710];
	[tilespmem:s10+$0x1B770] =	vst v0;
	s10 =	smov.u32 s18  }
0x47d: {  	v0 =	vld.idx.msk [tilespmem:v2+s5+$0x0], $0xffff;
	_ =	sdelay $0x5  }
0x47e: {  	[tilespmem:s10+$0x1B700] =	vst v0;
	v0 =	vld [tilespmem:s10+$0x1D720]  }
0x47f: {  	v1 =	vld.idx.msk [tilespmem:v1+s5+$0x0], $0xffff;
	_ =	sdelay $0x5  }
0x480: {  	[tilespmem:s10+$0x1B710] =	vst v1;
	v1 =	vld [tilespmem:s10+$0x1D730]  }
0x481: {  	v0 =	vld.idx.msk [tilespmem:v0+s5+$0x0], $0xffff;
	_ =	sdelay $0x5  }
0x482: {  	[tilespmem:s10+$0x1B720] =	vst v0;
	v0 =	vld [tilespmem:s10+$0x1D740]  }
0x483: {  	v1 =	vld.idx.msk [tilespmem:v1+s5+$0x0], $0xffff;
	_ =	sdelay $0x5  }
0x484: {  	[tilespmem:s10+$0x1B730] =	vst v1;
	v1 =	vld [tilespmem:s10+$0x1D750]  }
0x485: {  	v0 =	vld.idx.msk [tilespmem:v0+s5+$0x0], $0xffff;
	_ =	sdelay $0x5  }
0x486: {  	[tilespmem:s10+$0x1B740] =	vst v0;
	v2 =	vld [tilespmem:s10+$0x1D760]  }
0x487: {  	v0 =	vld.idx.msk [tilespmem:v1+s5+$0x0], $0xffff;
	_ =	sdelay $0x5  }
0x488: {  	[tilespmem:s10+$0x1B750] =	vst v0;
	v0 =	vld [tilespmem:s10+$0x1D770]  }
0x489: {  	v1 =	vld.idx.msk [tilespmem:v2+s5+$0x0], $0xffff  }
.Ltmp15:
0x48a: {  	(pc) =	sbr.rel @p0 .LBB2_32-.Ltmp15, $2  }
0x48b: {  	_ =	sdelay $0x2  }
0x48c: {  	s18 =	sshra.s32 s14, $0x2;
	s14 =	sadd.s32 $0x200, s14  }
0x48d: {  	_ =	sdelay $0x1  }
0x48e: {  	v2 =	vld [tilespmem:s18+$0x1D700]  }
0x48f: {  	[tilespmem:s10+$0x1B760] =	vst v1  }
0x490: {  	v0 =	vld.idx.msk [tilespmem:v0+s5+$0x0], $0xffff;
	_ =	sdelay $0x3  }
0x491: {  	v1 =	vld [tilespmem:s18+$0x1D710]  }
0x492: {  	[tilespmem:s10+$0x1B770] =	vst v0  }
0x493: {  	v0 =	vld.idx.msk [tilespmem:v2+s5+$0x0], $0xffff;
	_ =	sdelay $0x4  }
0x494: {  	[tilespmem:s18+$0x1B700] =	vst v0;
	v0 =	vld [tilespmem:s18+$0x1D720]  }
0x495: {  	v1 =	vld.idx.msk [tilespmem:v1+s5+$0x0], $0xffff;
	_ =	sdelay $0x4  }
0x496: {  	[tilespmem:s18+$0x1B710] =	vst v1;
	v1 =	vld [tilespmem:s18+$0x1D730];
	_ =	sdelay $0x1  }
0x497: {  	v0 =	vld.idx.msk [tilespmem:v0+s5+$0x0], $0xffff;
	_ =	sdelay $0x4  }
0x498: {  	[tilespmem:s18+$0x1B720] =	vst v0;
	v0 =	vld [tilespmem:s18+$0x1D740]  }
0x499: {  	v1 =	vld.idx.msk [tilespmem:v1+s5+$0x0], $0xffff;
	_ =	sdelay $0x4  }
0x49a: {  	[tilespmem:s18+$0x1B730] =	vst v1;
	v1 =	vld [tilespmem:s18+$0x1D750];
	_ =	sdelay $0x1  }
0x49b: {  	v0 =	vld.idx.msk [tilespmem:v0+s5+$0x0], $0xffff;
	_ =	sdelay $0x4  }
0x49c: {  	[tilespmem:s18+$0x1B740] =	vst v0;
	v0 =	vld [tilespmem:s18+$0x1D760]  }
0x49d: {  	v1 =	vld.idx.msk [tilespmem:v1+s5+$0x0], $0xffff;
	_ =	sdelay $0x4  }
0x49e: {  	[tilespmem:s18+$0x1B750] =	vst v1;
	v1 =	vld [tilespmem:s18+$0x1D770];
	_ =	sdelay $0x1  }
0x49f: {  	v0 =	vld.idx.msk [tilespmem:v0+s5+$0x0], $0xffff;
	_ =	sdelay $0x4  }
0x4a0: {  	[tilespmem:s18+$0x1B760] =	vst v0  }
0x4a1: {  	v0 =	vld.idx.msk [tilespmem:v1+s5+$0x0], $0xffff;
	_ =	sdelay $0x4  }
0x4a2: {  	[tilespmem:s18+$0x1B770] =	vst v0;
	s18 =	simm.s32 $0x0  }
0x4a3: {  	[tilespmem:s18], [sflag:$0x1] =	stream.strided.gather [hbm4b:s20+s24], $0x18700, s25, s24, $0x38;
	[tilespmem:$0x1E700] =	vst v63  }
0x4a4: {  	_ =	swait.ge [sflag:s28], $0x18700  }
0x4a5: {  	[sflag:s28] =	ssyncset.done $0x0  }
0x4a6: {  	[sflag:s28] =	ssyncadd.s32 $0xFFFE7900  }
0x4a7: {  	[tilespmem:s29], [sflag:$0x3] =	stream.linear.gather [hbm4b:s11+s18], $0x1000, $0x38;
	[tilespmem:$0x1E700] =	vst v63  }
0x4a8: {  	_ =	swait.ge [sflag:s30], $0x1000  }
0x4a9: {  	[sflag:s30] =	ssyncset.done $0x0  }
0x4aa: {  	s10 =	simm.s32 $0x0;
	[sflag:s30] =	ssyncadd.s32 $0xFFFFF000  }
0x4ab: {  	v0 =	vld [tilespmem:s10+$0x1C700];
	_ =	sdelay $0x5  }
0x4ac: {  	v1 =	vld [tilespmem:s10+$0x1C710];
	_ =	sdelay $0x1  }
0x4ad: {  	v0 =	vld.idx.msk [tilespmem:v0+s5+$0x0], $0xffff;
	_ =	sdelay $0x3  }
0x4ae: {  	v2 =	vld [tilespmem:s10+$0x1C720]  }
0x4af: {  	[tilespmem:s10+$0x18700] =	vst.add.f32.msk $0xffff, v0  }
0x4b0: {  	v0 =	vld.idx.msk [tilespmem:v1+s5+$0x0], $0xffff;
	_ =	sdelay $0x3  }
0x4b1: {  	v1 =	vld [tilespmem:s10+$0x1C730]  }
0x4b2: {  	[tilespmem:s10+$0x18710] =	vst.add.f32.msk $0xffff, v0  }
0x4b3: {  	v0 =	vld.idx.msk [tilespmem:v2+s5+$0x0], $0xffff;
	_ =	sdelay $0x3  }
0x4b4: {  	v2 =	vld [tilespmem:s10+$0x1C740]  }
0x4b5: {  	[tilespmem:s10+$0x18720] =	vst.add.f32.msk $0xffff, v0  }
0x4b6: {  	v0 =	vld.idx.msk [tilespmem:v1+s5+$0x0], $0xffff;
	_ =	sdelay $0x3  }
0x4b7: {  	v1 =	vld [tilespmem:s10+$0x1C750]  }
0x4b8: {  	[tilespmem:s10+$0x18730] =	vst.add.f32.msk $0xffff, v0  }
0x4b9: {  	v0 =	vld.idx.msk [tilespmem:v2+s5+$0x0], $0xffff;
	_ =	sdelay $0x3  }
0x4ba: {  	v2 =	vld [tilespmem:s10+$0x1C760]  }
0x4bb: {  	[tilespmem:s10+$0x18740] =	vst.add.f32.msk $0xffff, v0  }
0x4bc: {  	v1 =	vld.idx.msk [tilespmem:v1+s5+$0x0], $0xffff;
	_ =	sdelay $0x3  }
0x4bd: {  	v0 =	vld [tilespmem:s10+$0x1C770]  }
0x4be: {  	[tilespmem:s10+$0x18750] =	vst.add.f32.msk $0xffff, v1  }
0x4bf: {  	v2 =	vld.idx.msk [tilespmem:v2+s5+$0x0], $0xffff;
	_ =	sdelay $0x2  }
0x4c0: {  	s18 =	simm.s32 $0x80  }
0x4c1: {  	s14 =	simm.s32 $0x400;
	v1 =	vld [tilespmem:s18+$0x1C700]  }
.LBB2_34:
0x4c2: {  	p0 =	sne.s32 s14, $0x3E00;
	[tilespmem:s10+$0x18760] =	vst.add.f32.msk $0xffff, v2  }
0x4c3: {  	v0 =	vld.idx.msk [tilespmem:v0+s5+$0x0], $0xffff;
	_ =	sdelay $0x4  }
0x4c4: {  	v2 =	vld [tilespmem:s18+$0x1C710]  }
0x4c5: {  	[tilespmem:s10+$0x18770] =	vst.add.f32.msk $0xffff, v0;
	s10 =	smov.u32 s18  }
0x4c6: {  	v0 =	vld.idx.msk [tilespmem:v1+s5+$0x0], $0xffff;
	_ =	sdelay $0x4  }
0x4c7: {  	v1 =	vld [tilespmem:s10+$0x1C720]  }
0x4c8: {  	[tilespmem:s10+$0x18700] =	vst.add.f32.msk $0xffff, v0  }
0x4c9: {  	v0 =	vld.idx.msk [tilespmem:v2+s5+$0x0], $0xffff;
	_ =	sdelay $0x4  }
0x4ca: {  	v2 =	vld [tilespmem:s10+$0x1C730]  }
0x4cb: {  	[tilespmem:s10+$0x18710] =	vst.add.f32.msk $0xffff, v0  }
0x4cc: {  	v0 =	vld.idx.msk [tilespmem:v1+s5+$0x0], $0xffff;
	_ =	sdelay $0x4  }
0x4cd: {  	v1 =	vld [tilespmem:s10+$0x1C740]  }
0x4ce: {  	[tilespmem:s10+$0x18720] =	vst.add.f32.msk $0xffff, v0  }
0x4cf: {  	v0 =	vld.idx.msk [tilespmem:v2+s5+$0x0], $0xffff;
	_ =	sdelay $0x4  }
0x4d0: {  	v2 =	vld [tilespmem:s10+$0x1C750]  }
0x4d1: {  	[tilespmem:s10+$0x18730] =	vst.add.f32.msk $0xffff, v0  }
0x4d2: {  	v0 =	vld.idx.msk [tilespmem:v1+s5+$0x0], $0xffff;
	_ =	sdelay $0x4  }
0x4d3: {  	v1 =	vld [tilespmem:s10+$0x1C760]  }
0x4d4: {  	[tilespmem:s10+$0x18740] =	vst.add.f32.msk $0xffff, v0  }
0x4d5: {  	v2 =	vld.idx.msk [tilespmem:v2+s5+$0x0], $0xffff;
	_ =	sdelay $0x4  }
0x4d6: {  	v0 =	vld [tilespmem:s10+$0x1C770]  }
0x4d7: {  	[tilespmem:s10+$0x18750] =	vst.add.f32.msk $0xffff, v2  }
0x4d8: {  	v2 =	vld.idx.msk [tilespmem:v1+s5+$0x0], $0xffff  }
.Ltmp16:
0x4d9: {  	(pc) =	sbr.rel @p0 .LBB2_34-.Ltmp16, $3  }
0x4da: {  	_ =	sdelay $0x1  }
0x4db: {  	s18 =	sshra.s32 s14, $0x2  }
0x4dc: {  	s14 =	sadd.s32 $0x200, s14;
	v1 =	vld [tilespmem:s18+$0x1C700]  }
0x4dd: {  	_ =	sdelay $0x2  }
0x4de: {  	[tilespmem:s10+$0x18760] =	vst.add.f32.msk $0xffff, v2  }
0x4df: {  	v0 =	vld.idx.msk [tilespmem:v0+s5+$0x0], $0xffff;
	_ =	sdelay $0x3  }
0x4e0: {  	v2 =	vld [tilespmem:s18+$0x1C710]  }
0x4e1: {  	[tilespmem:s10+$0x18770] =	vst.add.f32.msk $0xffff, v0  }
0x4e2: {  	v0 =	vld.idx.msk [tilespmem:v1+s5+$0x0], $0xffff;
	_ =	sdelay $0x3  }
0x4e3: {  	v1 =	vld [tilespmem:s18+$0x1C720]  }
0x4e4: {  	[tilespmem:s18+$0x18700] =	vst.add.f32.msk $0xffff, v0  }
0x4e5: {  	v0 =	vld.idx.msk [tilespmem:v2+s5+$0x0], $0xffff;
	_ =	sdelay $0x3  }
0x4e6: {  	v2 =	vld [tilespmem:s18+$0x1C730]  }
0x4e7: {  	[tilespmem:s18+$0x18710] =	vst.add.f32.msk $0xffff, v0  }
0x4e8: {  	v0 =	vld.idx.msk [tilespmem:v1+s5+$0x0], $0xffff;
	_ =	sdelay $0x3  }
0x4e9: {  	v1 =	vld [tilespmem:s18+$0x1C740]  }
0x4ea: {  	[tilespmem:s18+$0x18720] =	vst.add.f32.msk $0xffff, v0  }
0x4eb: {  	v0 =	vld.idx.msk [tilespmem:v2+s5+$0x0], $0xffff;
	_ =	sdelay $0x3  }
0x4ec: {  	v2 =	vld [tilespmem:s18+$0x1C750]  }
0x4ed: {  	[tilespmem:s18+$0x18730] =	vst.add.f32.msk $0xffff, v0  }
0x4ee: {  	v0 =	vld.idx.msk [tilespmem:v1+s5+$0x0], $0xffff;
	_ =	sdelay $0x3  }
0x4ef: {  	v1 =	vld [tilespmem:s18+$0x1C760]  }
0x4f0: {  	[tilespmem:s18+$0x18740] =	vst.add.f32.msk $0xffff, v0  }
0x4f1: {  	v0 =	vld.idx.msk [tilespmem:v2+s5+$0x0], $0xffff;
	_ =	sdelay $0x3  }
0x4f2: {  	v2 =	vld [tilespmem:s18+$0x1C770]  }
0x4f3: {  	[tilespmem:s18+$0x18750] =	vst.add.f32.msk $0xffff, v0  }
0x4f4: {  	v0 =	vld.idx.msk [tilespmem:v1+s5+$0x0], $0xffff;
	_ =	sdelay $0x4  }
0x4f5: {  	[tilespmem:s18+$0x18760] =	vst.add.f32.msk $0xffff, v0  }
0x4f6: {  	v0 =	vld.idx.msk [tilespmem:v2+s5+$0x0], $0xffff;
	_ =	sdelay $0x4  }
0x4f7: {  	[tilespmem:s18+$0x18770] =	vst.add.f32.msk $0xffff, v0;
	s18 =	simm.s32 $0x0  }
0x4f8: {  	[tilespmem:s26], [sflag:$0x2] =	stream.linear.gather [hbm4b:s12+s18], $0x1000, $0x38;
	[tilespmem:$0x1E700] =	vst v63  }
0x4f9: {  	_ =	swait.ge [sflag:s31], $0x1000  }
0x4fa: {  	[sflag:s31] =	ssyncset.done $0x0  }
0x4fb: {  	s10 =	simm.s32 $0x0;
	[sflag:s31] =	ssyncadd.s32 $0xFFFFF000  }
0x4fc: {  	v0 =	vld [tilespmem:s10+$0x1D700];
	_ =	sdelay $0x5  }
0x4fd: {  	v1 =	vld [tilespmem:s10+$0x1D710];
	_ =	sdelay $0x1  }
0x4fe: {  	v0 =	vld.idx.msk [tilespmem:v0+s5+$0x0], $0xffff;
	_ =	sdelay $0x3  }
0x4ff: {  	v2 =	vld [tilespmem:s10+$0x1D720]  }
0x500: {  	[tilespmem:s10+$0x19700] =	vst.add.f32.msk $0xffff, v0  }
0x501: {  	v0 =	vld.idx.msk [tilespmem:v1+s5+$0x0], $0xffff;
	_ =	sdelay $0x3  }
0x502: {  	v1 =	vld [tilespmem:s10+$0x1D730]  }
0x503: {  	[tilespmem:s10+$0x19710] =	vst.add.f32.msk $0xffff, v0  }
0x504: {  	v0 =	vld.idx.msk [tilespmem:v2+s5+$0x0], $0xffff;
	_ =	sdelay $0x3  }
0x505: {  	v2 =	vld [tilespmem:s10+$0x1D740]  }
0x506: {  	[tilespmem:s10+$0x19720] =	vst.add.f32.msk $0xffff, v0  }
0x507: {  	v0 =	vld.idx.msk [tilespmem:v1+s5+$0x0], $0xffff;
	_ =	sdelay $0x3  }
0x508: {  	v1 =	vld [tilespmem:s10+$0x1D750]  }
0x509: {  	[tilespmem:s10+$0x19730] =	vst.add.f32.msk $0xffff, v0  }
0x50a: {  	v0 =	vld.idx.msk [tilespmem:v2+s5+$0x0], $0xffff;
	_ =	sdelay $0x3  }
0x50b: {  	v2 =	vld [tilespmem:s10+$0x1D760]  }
0x50c: {  	[tilespmem:s10+$0x19740] =	vst.add.f32.msk $0xffff, v0  }
0x50d: {  	v1 =	vld.idx.msk [tilespmem:v1+s5+$0x0], $0xffff;
	_ =	sdelay $0x3  }
0x50e: {  	v0 =	vld [tilespmem:s10+$0x1D770]  }
0x50f: {  	[tilespmem:s10+$0x19750] =	vst.add.f32.msk $0xffff, v1  }
0x510: {  	v2 =	vld.idx.msk [tilespmem:v2+s5+$0x0], $0xffff;
	_ =	sdelay $0x2  }
0x511: {  	s18 =	simm.s32 $0x80  }
0x512: {  	s14 =	simm.s32 $0x400;
	v1 =	vld [tilespmem:s18+$0x1D700]  }
.LBB2_36:
0x513: {  	p0 =	sne.s32 s14, $0x3E00;
	[tilespmem:s10+$0x19760] =	vst.add.f32.msk $0xffff, v2  }
0x514: {  	v0 =	vld.idx.msk [tilespmem:v0+s5+$0x0], $0xffff;
	_ =	sdelay $0x4  }
0x515: {  	v2 =	vld [tilespmem:s18+$0x1D710]  }
0x516: {  	[tilespmem:s10+$0x19770] =	vst.add.f32.msk $0xffff, v0;
	s10 =	smov.u32 s18  }
0x517: {  	v0 =	vld.idx.msk [tilespmem:v1+s5+$0x0], $0xffff;
	_ =	sdelay $0x4  }
0x518: {  	v1 =	vld [tilespmem:s10+$0x1D720]  }
0x519: {  	[tilespmem:s10+$0x19700] =	vst.add.f32.msk $0xffff, v0  }
0x51a: {  	v0 =	vld.idx.msk [tilespmem:v2+s5+$0x0], $0xffff;
	_ =	sdelay $0x4  }
0x51b: {  	v2 =	vld [tilespmem:s10+$0x1D730]  }
0x51c: {  	[tilespmem:s10+$0x19710] =	vst.add.f32.msk $0xffff, v0  }
0x51d: {  	v0 =	vld.idx.msk [tilespmem:v1+s5+$0x0], $0xffff;
	_ =	sdelay $0x4  }
0x51e: {  	v1 =	vld [tilespmem:s10+$0x1D740]  }
0x51f: {  	[tilespmem:s10+$0x19720] =	vst.add.f32.msk $0xffff, v0  }
0x520: {  	v0 =	vld.idx.msk [tilespmem:v2+s5+$0x0], $0xffff;
	_ =	sdelay $0x4  }
0x521: {  	v2 =	vld [tilespmem:s10+$0x1D750]  }
0x522: {  	[tilespmem:s10+$0x19730] =	vst.add.f32.msk $0xffff, v0  }
0x523: {  	v0 =	vld.idx.msk [tilespmem:v1+s5+$0x0], $0xffff;
	_ =	sdelay $0x4  }
0x524: {  	v1 =	vld [tilespmem:s10+$0x1D760]  }
0x525: {  	[tilespmem:s10+$0x19740] =	vst.add.f32.msk $0xffff, v0  }
0x526: {  	v2 =	vld.idx.msk [tilespmem:v2+s5+$0x0], $0xffff;
	_ =	sdelay $0x4  }
0x527: {  	v0 =	vld [tilespmem:s10+$0x1D770]  }
0x528: {  	[tilespmem:s10+$0x19750] =	vst.add.f32.msk $0xffff, v2  }
0x529: {  	v2 =	vld.idx.msk [tilespmem:v1+s5+$0x0], $0xffff  }
.Ltmp17:
0x52a: {  	(pc) =	sbr.rel @p0 .LBB2_36-.Ltmp17, $3  }
0x52b: {  	_ =	sdelay $0x1  }
0x52c: {  	s18 =	sshra.s32 s14, $0x2  }
0x52d: {  	s14 =	sadd.s32 $0x200, s14;
	v1 =	vld [tilespmem:s18+$0x1D700]  }
0x52e: {  	_ =	sdelay $0x2  }
0x52f: {  	[tilespmem:s10+$0x19760] =	vst.add.f32.msk $0xffff, v2  }
0x530: {  	v0 =	vld.idx.msk [tilespmem:v0+s5+$0x0], $0xffff;
	_ =	sdelay $0x3  }
0x531: {  	v2 =	vld [tilespmem:s18+$0x1D710]  }
0x532: {  	[tilespmem:s10+$0x19770] =	vst.add.f32.msk $0xffff, v0  }
0x533: {  	v0 =	vld.idx.msk [tilespmem:v1+s5+$0x0], $0xffff;
	_ =	sdelay $0x3  }
0x534: {  	v1 =	vld [tilespmem:s18+$0x1D720]  }
0x535: {  	[tilespmem:s18+$0x19700] =	vst.add.f32.msk $0xffff, v0  }
0x536: {  	v0 =	vld.idx.msk [tilespmem:v2+s5+$0x0], $0xffff;
	_ =	sdelay $0x3  }
0x537: {  	v2 =	vld [tilespmem:s18+$0x1D730]  }
0x538: {  	[tilespmem:s18+$0x19710] =	vst.add.f32.msk $0xffff, v0  }
0x539: {  	v0 =	vld.idx.msk [tilespmem:v1+s5+$0x0], $0xffff;
	_ =	sdelay $0x3  }
0x53a: {  	v1 =	vld [tilespmem:s18+$0x1D740]  }
0x53b: {  	[tilespmem:s18+$0x19720] =	vst.add.f32.msk $0xffff, v0  }
0x53c: {  	v0 =	vld.idx.msk [tilespmem:v2+s5+$0x0], $0xffff;
	_ =	sdelay $0x3  }
0x53d: {  	v2 =	vld [tilespmem:s18+$0x1D750]  }
0x53e: {  	[tilespmem:s18+$0x19730] =	vst.add.f32.msk $0xffff, v0  }
0x53f: {  	v0 =	vld.idx.msk [tilespmem:v1+s5+$0x0], $0xffff;
	_ =	sdelay $0x3  }
0x540: {  	v1 =	vld [tilespmem:s18+$0x1D760]  }
0x541: {  	[tilespmem:s18+$0x19740] =	vst.add.f32.msk $0xffff, v0  }
0x542: {  	v0 =	vld.idx.msk [tilespmem:v2+s5+$0x0], $0xffff;
	_ =	sdelay $0x3  }
0x543: {  	v2 =	vld [tilespmem:s18+$0x1D770]  }
0x544: {  	[tilespmem:s18+$0x19750] =	vst.add.f32.msk $0xffff, v0  }
0x545: {  	v0 =	vld.idx.msk [tilespmem:v1+s5+$0x0], $0xffff;
	_ =	sdelay $0x4  }
0x546: {  	[tilespmem:s18+$0x19760] =	vst.add.f32.msk $0xffff, v0  }
0x547: {  	v0 =	vld.idx.msk [tilespmem:v2+s5+$0x0], $0xffff;
	_ =	sdelay $0x4  }
0x548: {  	[tilespmem:s18+$0x19770] =	vst.add.f32.msk $0xffff, v0;
	s18 =	simm.s32 $0x0  }
0x549: {  	[tilespmem:s29], [sflag:$0x3] =	stream.linear.gather [hbm4b:s13+s18], $0x1000, $0x38;
	[tilespmem:$0x1E700] =	vst v63  }
0x54a: {  	_ =	swait.ge [sflag:s30], $0x1000  }
0x54b: {  	[sflag:s30] =	ssyncset.done $0x0  }
0x54c: {  	s10 =	simm.s32 $0x0;
	[sflag:s30] =	ssyncadd.s32 $0xFFFFF000  }
0x54d: {  	v0 =	vld [tilespmem:s10+$0x1C700];
	_ =	sdelay $0x5  }
0x54e: {  	v1 =	vld [tilespmem:s10+$0x1C710];
	_ =	sdelay $0x1  }
0x54f: {  	v0 =	vld.idx.msk [tilespmem:v0+s5+$0x0], $0xffff;
	_ =	sdelay $0x3  }
0x550: {  	v2 =	vld [tilespmem:s10+$0x1C720]  }
0x551: {  	[tilespmem:s10+$0x1A700] =	vst.add.f32.msk $0xffff, v0  }
0x552: {  	v0 =	vld.idx.msk [tilespmem:v1+s5+$0x0], $0xffff;
	_ =	sdelay $0x3  }
0x553: {  	v1 =	vld [tilespmem:s10+$0x1C730]  }
0x554: {  	[tilespmem:s10+$0x1A710] =	vst.add.f32.msk $0xffff, v0  }
0x555: {  	v0 =	vld.idx.msk [tilespmem:v2+s5+$0x0], $0xffff;
	_ =	sdelay $0x3  }
0x556: {  	v2 =	vld [tilespmem:s10+$0x1C740]  }
0x557: {  	[tilespmem:s10+$0x1A720] =	vst.add.f32.msk $0xffff, v0  }
0x558: {  	v0 =	vld.idx.msk [tilespmem:v1+s5+$0x0], $0xffff;
	_ =	sdelay $0x3  }
0x559: {  	v1 =	vld [tilespmem:s10+$0x1C750]  }
0x55a: {  	[tilespmem:s10+$0x1A730] =	vst.add.f32.msk $0xffff, v0  }
0x55b: {  	v0 =	vld.idx.msk [tilespmem:v2+s5+$0x0], $0xffff;
	_ =	sdelay $0x3  }
0x55c: {  	v2 =	vld [tilespmem:s10+$0x1C760]  }
0x55d: {  	[tilespmem:s10+$0x1A740] =	vst.add.f32.msk $0xffff, v0  }
0x55e: {  	v1 =	vld.idx.msk [tilespmem:v1+s5+$0x0], $0xffff;
	_ =	sdelay $0x3  }
0x55f: {  	v0 =	vld [tilespmem:s10+$0x1C770]  }
0x560: {  	[tilespmem:s10+$0x1A750] =	vst.add.f32.msk $0xffff, v1  }
0x561: {  	v2 =	vld.idx.msk [tilespmem:v2+s5+$0x0], $0xffff;
	_ =	sdelay $0x2  }
0x562: {  	s18 =	simm.s32 $0x80  }
0x563: {  	s14 =	simm.s32 $0x400;
	v1 =	vld [tilespmem:s18+$0x1C700]  }
.LBB2_38:
0x564: {  	p0 =	sne.s32 s14, $0x3E00;
	[tilespmem:s10+$0x1A760] =	vst.add.f32.msk $0xffff, v2  }
0x565: {  	v0 =	vld.idx.msk [tilespmem:v0+s5+$0x0], $0xffff;
	_ =	sdelay $0x4  }
0x566: {  	v2 =	vld [tilespmem:s18+$0x1C710]  }
0x567: {  	[tilespmem:s10+$0x1A770] =	vst.add.f32.msk $0xffff, v0;
	s10 =	smov.u32 s18  }
0x568: {  	v0 =	vld.idx.msk [tilespmem:v1+s5+$0x0], $0xffff;
	_ =	sdelay $0x4  }
0x569: {  	v1 =	vld [tilespmem:s10+$0x1C720]  }
0x56a: {  	[tilespmem:s10+$0x1A700] =	vst.add.f32.msk $0xffff, v0  }
0x56b: {  	v0 =	vld.idx.msk [tilespmem:v2+s5+$0x0], $0xffff;
	_ =	sdelay $0x4  }
0x56c: {  	v2 =	vld [tilespmem:s10+$0x1C730]  }
0x56d: {  	[tilespmem:s10+$0x1A710] =	vst.add.f32.msk $0xffff, v0  }
0x56e: {  	v0 =	vld.idx.msk [tilespmem:v1+s5+$0x0], $0xffff;
	_ =	sdelay $0x4  }
0x56f: {  	v1 =	vld [tilespmem:s10+$0x1C740]  }
0x570: {  	[tilespmem:s10+$0x1A720] =	vst.add.f32.msk $0xffff, v0  }
0x571: {  	v0 =	vld.idx.msk [tilespmem:v2+s5+$0x0], $0xffff;
	_ =	sdelay $0x4  }
0x572: {  	v2 =	vld [tilespmem:s10+$0x1C750]  }
0x573: {  	[tilespmem:s10+$0x1A730] =	vst.add.f32.msk $0xffff, v0  }
0x574: {  	v0 =	vld.idx.msk [tilespmem:v1+s5+$0x0], $0xffff;
	_ =	sdelay $0x4  }
0x575: {  	v1 =	vld [tilespmem:s10+$0x1C760]  }
0x576: {  	[tilespmem:s10+$0x1A740] =	vst.add.f32.msk $0xffff, v0  }
0x577: {  	v2 =	vld.idx.msk [tilespmem:v2+s5+$0x0], $0xffff;
	_ =	sdelay $0x4  }
0x578: {  	v0 =	vld [tilespmem:s10+$0x1C770]  }
0x579: {  	[tilespmem:s10+$0x1A750] =	vst.add.f32.msk $0xffff, v2  }
0x57a: {  	v2 =	vld.idx.msk [tilespmem:v1+s5+$0x0], $0xffff  }
.Ltmp18:
0x57b: {  	(pc) =	sbr.rel @p0 .LBB2_38-.Ltmp18, $3  }
0x57c: {  	_ =	sdelay $0x1  }
0x57d: {  	s18 =	sshra.s32 s14, $0x2  }
0x57e: {  	s14 =	sadd.s32 $0x200, s14;
	v1 =	vld [tilespmem:s18+$0x1C700]  }
0x57f: {  	_ =	sdelay $0x2  }
0x580: {  	[tilespmem:s10+$0x1A760] =	vst.add.f32.msk $0xffff, v2  }
0x581: {  	v0 =	vld.idx.msk [tilespmem:v0+s5+$0x0], $0xffff;
	_ =	sdelay $0x3  }
0x582: {  	v2 =	vld [tilespmem:s18+$0x1C710]  }
0x583: {  	[tilespmem:s10+$0x1A770] =	vst.add.f32.msk $0xffff, v0  }
0x584: {  	v0 =	vld.idx.msk [tilespmem:v1+s5+$0x0], $0xffff;
	_ =	sdelay $0x3  }
0x585: {  	v1 =	vld [tilespmem:s18+$0x1C720]  }
0x586: {  	[tilespmem:s18+$0x1A700] =	vst.add.f32.msk $0xffff, v0  }
0x587: {  	v0 =	vld.idx.msk [tilespmem:v2+s5+$0x0], $0xffff;
	_ =	sdelay $0x3  }
0x588: {  	v2 =	vld [tilespmem:s18+$0x1C730]  }
0x589: {  	[tilespmem:s18+$0x1A710] =	vst.add.f32.msk $0xffff, v0  }
0x58a: {  	v0 =	vld.idx.msk [tilespmem:v1+s5+$0x0], $0xffff;
	_ =	sdelay $0x3  }
0x58b: {  	v1 =	vld [tilespmem:s18+$0x1C740]  }
0x58c: {  	[tilespmem:s18+$0x1A720] =	vst.add.f32.msk $0xffff, v0  }
0x58d: {  	v0 =	vld.idx.msk [tilespmem:v2+s5+$0x0], $0xffff;
	_ =	sdelay $0x3  }
0x58e: {  	v2 =	vld [tilespmem:s18+$0x1C750]  }
0x58f: {  	[tilespmem:s18+$0x1A730] =	vst.add.f32.msk $0xffff, v0  }
0x590: {  	v0 =	vld.idx.msk [tilespmem:v1+s5+$0x0], $0xffff;
	_ =	sdelay $0x3  }
0x591: {  	v1 =	vld [tilespmem:s18+$0x1C760]  }
0x592: {  	[tilespmem:s18+$0x1A740] =	vst.add.f32.msk $0xffff, v0  }
0x593: {  	v0 =	vld.idx.msk [tilespmem:v2+s5+$0x0], $0xffff;
	_ =	sdelay $0x3  }
0x594: {  	v2 =	vld [tilespmem:s18+$0x1C770]  }
0x595: {  	[tilespmem:s18+$0x1A750] =	vst.add.f32.msk $0xffff, v0  }
0x596: {  	v0 =	vld.idx.msk [tilespmem:v1+s5+$0x0], $0xffff;
	_ =	sdelay $0x4  }
0x597: {  	[tilespmem:s18+$0x1A760] =	vst.add.f32.msk $0xffff, v0  }
0x598: {  	v0 =	vld.idx.msk [tilespmem:v2+s5+$0x0], $0xffff;
	_ =	sdelay $0x4  }
0x599: {  	[tilespmem:s18+$0x1A770] =	vst.add.f32.msk $0xffff, v0;
	s18 =	simm.s32 $0x0  }
0x59a: {  	[tilespmem:s26], [sflag:$0x2] =	stream.linear.gather [hbm4b:s2+s18], $0x1000, $0x38;
	[tilespmem:$0x1E700] =	vst v63  }
0x59b: {  	_ =	swait.ge [sflag:s31], $0x1000  }
0x59c: {  	[sflag:s31] =	ssyncset.done $0x0  }
0x59d: {  	s10 =	simm.s32 $0x0;
	[sflag:s31] =	ssyncadd.s32 $0xFFFFF000  }
0x59e: {  	v0 =	vld [tilespmem:s10+$0x1D700];
	_ =	sdelay $0x5  }
0x59f: {  	v1 =	vld [tilespmem:s10+$0x1D710];
	_ =	sdelay $0x1  }
0x5a0: {  	v0 =	vld.idx.msk [tilespmem:v0+s5+$0x0], $0xffff;
	_ =	sdelay $0x3  }
0x5a1: {  	v2 =	vld [tilespmem:s10+$0x1D720]  }
0x5a2: {  	[tilespmem:s10+$0x1B700] =	vst.add.f32.msk $0xffff, v0  }
0x5a3: {  	v0 =	vld.idx.msk [tilespmem:v1+s5+$0x0], $0xffff;
	_ =	sdelay $0x3  }
0x5a4: {  	v1 =	vld [tilespmem:s10+$0x1D730]  }
0x5a5: {  	[tilespmem:s10+$0x1B710] =	vst.add.f32.msk $0xffff, v0  }
0x5a6: {  	v0 =	vld.idx.msk [tilespmem:v2+s5+$0x0], $0xffff;
	_ =	sdelay $0x3  }
0x5a7: {  	v2 =	vld [tilespmem:s10+$0x1D740]  }
0x5a8: {  	[tilespmem:s10+$0x1B720] =	vst.add.f32.msk $0xffff, v0  }
0x5a9: {  	v0 =	vld.idx.msk [tilespmem:v1+s5+$0x0], $0xffff;
	_ =	sdelay $0x3  }
0x5aa: {  	v1 =	vld [tilespmem:s10+$0x1D750]  }
0x5ab: {  	[tilespmem:s10+$0x1B730] =	vst.add.f32.msk $0xffff, v0  }
0x5ac: {  	v0 =	vld.idx.msk [tilespmem:v2+s5+$0x0], $0xffff;
	_ =	sdelay $0x3  }
0x5ad: {  	v2 =	vld [tilespmem:s10+$0x1D760]  }
0x5ae: {  	[tilespmem:s10+$0x1B740] =	vst.add.f32.msk $0xffff, v0  }
0x5af: {  	v1 =	vld.idx.msk [tilespmem:v1+s5+$0x0], $0xffff;
	_ =	sdelay $0x3  }
0x5b0: {  	v0 =	vld [tilespmem:s10+$0x1D770]  }
0x5b1: {  	[tilespmem:s10+$0x1B750] =	vst.add.f32.msk $0xffff, v1  }
0x5b2: {  	v2 =	vld.idx.msk [tilespmem:v2+s5+$0x0], $0xffff;
	_ =	sdelay $0x2  }
0x5b3: {  	s18 =	simm.s32 $0x80  }
0x5b4: {  	s14 =	simm.s32 $0x400;
	v1 =	vld [tilespmem:s18+$0x1D700]  }
.LBB2_40:
0x5b5: {  	p0 =	sne.s32 s14, $0x3E00;
	[tilespmem:s10+$0x1B760] =	vst.add.f32.msk $0xffff, v2  }
0x5b6: {  	v0 =	vld.idx.msk [tilespmem:v0+s5+$0x0], $0xffff;
	_ =	sdelay $0x4  }
0x5b7: {  	v2 =	vld [tilespmem:s18+$0x1D710]  }
0x5b8: {  	[tilespmem:s10+$0x1B770] =	vst.add.f32.msk $0xffff, v0;
	s10 =	smov.u32 s18  }
0x5b9: {  	v0 =	vld.idx.msk [tilespmem:v1+s5+$0x0], $0xffff;
	_ =	sdelay $0x4  }
0x5ba: {  	v1 =	vld [tilespmem:s10+$0x1D720]  }
0x5bb: {  	[tilespmem:s10+$0x1B700] =	vst.add.f32.msk $0xffff, v0  }
0x5bc: {  	v0 =	vld.idx.msk [tilespmem:v2+s5+$0x0], $0xffff;
	_ =	sdelay $0x4  }
0x5bd: {  	v2 =	vld [tilespmem:s10+$0x1D730]  }
0x5be: {  	[tilespmem:s10+$0x1B710] =	vst.add.f32.msk $0xffff, v0  }
0x5bf: {  	v0 =	vld.idx.msk [tilespmem:v1+s5+$0x0], $0xffff;
	_ =	sdelay $0x4  }
0x5c0: {  	v1 =	vld [tilespmem:s10+$0x1D740]  }
0x5c1: {  	[tilespmem:s10+$0x1B720] =	vst.add.f32.msk $0xffff, v0  }
0x5c2: {  	v0 =	vld.idx.msk [tilespmem:v2+s5+$0x0], $0xffff;
	_ =	sdelay $0x4  }
0x5c3: {  	v2 =	vld [tilespmem:s10+$0x1D750]  }
0x5c4: {  	[tilespmem:s10+$0x1B730] =	vst.add.f32.msk $0xffff, v0  }
0x5c5: {  	v0 =	vld.idx.msk [tilespmem:v1+s5+$0x0], $0xffff;
	_ =	sdelay $0x4  }
0x5c6: {  	v1 =	vld [tilespmem:s10+$0x1D760]  }
0x5c7: {  	[tilespmem:s10+$0x1B740] =	vst.add.f32.msk $0xffff, v0  }
0x5c8: {  	v2 =	vld.idx.msk [tilespmem:v2+s5+$0x0], $0xffff;
	_ =	sdelay $0x4  }
0x5c9: {  	v0 =	vld [tilespmem:s10+$0x1D770]  }
0x5ca: {  	[tilespmem:s10+$0x1B750] =	vst.add.f32.msk $0xffff, v2  }
0x5cb: {  	v2 =	vld.idx.msk [tilespmem:v1+s5+$0x0], $0xffff  }
.Ltmp19:
0x5cc: {  	(pc) =	sbr.rel @p0 .LBB2_40-.Ltmp19, $3  }
0x5cd: {  	_ =	sdelay $0x1  }
0x5ce: {  	s18 =	sshra.s32 s14, $0x2  }
0x5cf: {  	s14 =	sadd.s32 $0x200, s14;
	v1 =	vld [tilespmem:s18+$0x1D700]  }
0x5d0: {  	_ =	sdelay $0x2  }
0x5d1: {  	[tilespmem:s10+$0x1B760] =	vst.add.f32.msk $0xffff, v2  }
0x5d2: {  	v0 =	vld.idx.msk [tilespmem:v0+s5+$0x0], $0xffff;
	_ =	sdelay $0x3  }
0x5d3: {  	v2 =	vld [tilespmem:s18+$0x1D710]  }
0x5d4: {  	[tilespmem:s10+$0x1B770] =	vst.add.f32.msk $0xffff, v0  }
0x5d5: {  	v0 =	vld.idx.msk [tilespmem:v1+s5+$0x0], $0xffff;
	_ =	sdelay $0x3  }
0x5d6: {  	v1 =	vld [tilespmem:s18+$0x1D720]  }
0x5d7: {  	[tilespmem:s18+$0x1B700] =	vst.add.f32.msk $0xffff, v0  }
0x5d8: {  	v0 =	vld.idx.msk [tilespmem:v2+s5+$0x0], $0xffff;
	_ =	sdelay $0x3  }
0x5d9: {  	v2 =	vld [tilespmem:s18+$0x1D730]  }
0x5da: {  	[tilespmem:s18+$0x1B710] =	vst.add.f32.msk $0xffff, v0  }
0x5db: {  	v0 =	vld.idx.msk [tilespmem:v1+s5+$0x0], $0xffff;
	_ =	sdelay $0x3  }
0x5dc: {  	v1 =	vld [tilespmem:s18+$0x1D740]  }
0x5dd: {  	[tilespmem:s18+$0x1B720] =	vst.add.f32.msk $0xffff, v0  }
0x5de: {  	v0 =	vld.idx.msk [tilespmem:v2+s5+$0x0], $0xffff;
	_ =	sdelay $0x3  }
0x5df: {  	v2 =	vld [tilespmem:s18+$0x1D750]  }
0x5e0: {  	[tilespmem:s18+$0x1B730] =	vst.add.f32.msk $0xffff, v0  }
0x5e1: {  	v0 =	vld.idx.msk [tilespmem:v1+s5+$0x0], $0xffff;
	_ =	sdelay $0x3  }
0x5e2: {  	v1 =	vld [tilespmem:s18+$0x1D760]  }
0x5e3: {  	[tilespmem:s18+$0x1B740] =	vst.add.f32.msk $0xffff, v0  }
0x5e4: {  	v0 =	vld.idx.msk [tilespmem:v2+s5+$0x0], $0xffff;
	_ =	sdelay $0x3  }
0x5e5: {  	v2 =	vld [tilespmem:s18+$0x1D770]  }
0x5e6: {  	[tilespmem:s18+$0x1B750] =	vst.add.f32.msk $0xffff, v0  }
0x5e7: {  	v0 =	vld.idx.msk [tilespmem:v1+s5+$0x0], $0xffff;
	_ =	sdelay $0x4  }
0x5e8: {  	[tilespmem:s18+$0x1B760] =	vst.add.f32.msk $0xffff, v0  }
0x5e9: {  	v0 =	vld.idx.msk [tilespmem:v2+s5+$0x0], $0xffff;
	_ =	sdelay $0x4  }
0x5ea: {  	[tilespmem:s18+$0x1B770] =	vst.add.f32.msk $0xffff, v0;
	s18 =	simm.s32 $0x0  }
0x5eb: {  	[tilespmem:s18], [sflag:$0x1] =	stream.strided.gather [hbm4b:s21+s24], $0x18700, s25, s24, $0x38;
	[tilespmem:$0x1E700] =	vst v63  }
0x5ec: {  	_ =	swait.ge [sflag:s28], $0x18700  }
0x5ed: {  	[sflag:s28] =	ssyncset.done $0x0  }
0x5ee: {  	[sflag:s28] =	ssyncadd.s32 $0xFFFE7900  }
0x5ef: {  	[tilespmem:s29], [sflag:$0x3] =	stream.linear.gather [hbm4b:s15+s18], $0x1000, $0x38;
	[tilespmem:$0x1E700] =	vst v63  }
0x5f0: {  	_ =	swait.ge [sflag:s30], $0x1000  }
0x5f1: {  	[sflag:s30] =	ssyncset.done $0x0  }
0x5f2: {  	s10 =	simm.s32 $0x0;
	[sflag:s30] =	ssyncadd.s32 $0xFFFFF000  }
0x5f3: {  	v0 =	vld [tilespmem:s10+$0x1C700];
	_ =	sdelay $0x5  }
0x5f4: {  	v1 =	vld [tilespmem:s10+$0x1C710];
	_ =	sdelay $0x1  }
0x5f5: {  	v0 =	vld.idx.msk [tilespmem:v0+s5+$0x0], $0xffff;
	_ =	sdelay $0x3  }
0x5f6: {  	v2 =	vld [tilespmem:s10+$0x1C720]  }
0x5f7: {  	[tilespmem:s10+$0x18700] =	vst.add.f32.msk $0xffff, v0  }
0x5f8: {  	v0 =	vld.idx.msk [tilespmem:v1+s5+$0x0], $0xffff;
	_ =	sdelay $0x3  }
0x5f9: {  	v1 =	vld [tilespmem:s10+$0x1C730]  }
0x5fa: {  	[tilespmem:s10+$0x18710] =	vst.add.f32.msk $0xffff, v0  }
0x5fb: {  	v0 =	vld.idx.msk [tilespmem:v2+s5+$0x0], $0xffff;
	_ =	sdelay $0x3  }
0x5fc: {  	v2 =	vld [tilespmem:s10+$0x1C740]  }
0x5fd: {  	[tilespmem:s10+$0x18720] =	vst.add.f32.msk $0xffff, v0  }
0x5fe: {  	v0 =	vld.idx.msk [tilespmem:v1+s5+$0x0], $0xffff;
	_ =	sdelay $0x3  }
0x5ff: {  	v1 =	vld [tilespmem:s10+$0x1C750]  }
0x600: {  	[tilespmem:s10+$0x18730] =	vst.add.f32.msk $0xffff, v0  }
0x601: {  	v0 =	vld.idx.msk [tilespmem:v2+s5+$0x0], $0xffff;
	_ =	sdelay $0x3  }
0x602: {  	v2 =	vld [tilespmem:s10+$0x1C760]  }
0x603: {  	[tilespmem:s10+$0x18740] =	vst.add.f32.msk $0xffff, v0  }
0x604: {  	v1 =	vld.idx.msk [tilespmem:v1+s5+$0x0], $0xffff;
	_ =	sdelay $0x3  }
0x605: {  	v0 =	vld [tilespmem:s10+$0x1C770]  }
0x606: {  	[tilespmem:s10+$0x18750] =	vst.add.f32.msk $0xffff, v1  }
0x607: {  	v2 =	vld.idx.msk [tilespmem:v2+s5+$0x0], $0xffff;
	_ =	sdelay $0x2  }
0x608: {  	s18 =	simm.s32 $0x80  }
0x609: {  	s14 =	simm.s32 $0x400;
	v1 =	vld [tilespmem:s18+$0x1C700]  }
.LBB2_42:
0x60a: {  	p0 =	sne.s32 s14, $0x3E00;
	[tilespmem:s10+$0x18760] =	vst.add.f32.msk $0xffff, v2  }
0x60b: {  	v0 =	vld.idx.msk [tilespmem:v0+s5+$0x0], $0xffff;
	_ =	sdelay $0x4  }
0x60c: {  	v2 =	vld [tilespmem:s18+$0x1C710]  }
0x60d: {  	[tilespmem:s10+$0x18770] =	vst.add.f32.msk $0xffff, v0;
	s10 =	smov.u32 s18  }
0x60e: {  	v0 =	vld.idx.msk [tilespmem:v1+s5+$0x0], $0xffff;
	_ =	sdelay $0x4  }
0x60f: {  	v1 =	vld [tilespmem:s10+$0x1C720]  }
0x610: {  	[tilespmem:s10+$0x18700] =	vst.add.f32.msk $0xffff, v0  }
0x611: {  	v0 =	vld.idx.msk [tilespmem:v2+s5+$0x0], $0xffff;
	_ =	sdelay $0x4  }
0x612: {  	v2 =	vld [tilespmem:s10+$0x1C730]  }
0x613: {  	[tilespmem:s10+$0x18710] =	vst.add.f32.msk $0xffff, v0  }
0x614: {  	v0 =	vld.idx.msk [tilespmem:v1+s5+$0x0], $0xffff;
	_ =	sdelay $0x4  }
0x615: {  	v1 =	vld [tilespmem:s10+$0x1C740]  }
0x616: {  	[tilespmem:s10+$0x18720] =	vst.add.f32.msk $0xffff, v0  }
0x617: {  	v0 =	vld.idx.msk [tilespmem:v2+s5+$0x0], $0xffff;
	_ =	sdelay $0x4  }
0x618: {  	v2 =	vld [tilespmem:s10+$0x1C750]  }
0x619: {  	[tilespmem:s10+$0x18730] =	vst.add.f32.msk $0xffff, v0  }
0x61a: {  	v0 =	vld.idx.msk [tilespmem:v1+s5+$0x0], $0xffff;
	_ =	sdelay $0x4  }
0x61b: {  	v1 =	vld [tilespmem:s10+$0x1C760]  }
0x61c: {  	[tilespmem:s10+$0x18740] =	vst.add.f32.msk $0xffff, v0  }
0x61d: {  	v2 =	vld.idx.msk [tilespmem:v2+s5+$0x0], $0xffff;
	_ =	sdelay $0x4  }
0x61e: {  	v0 =	vld [tilespmem:s10+$0x1C770]  }
0x61f: {  	[tilespmem:s10+$0x18750] =	vst.add.f32.msk $0xffff, v2  }
0x620: {  	v2 =	vld.idx.msk [tilespmem:v1+s5+$0x0], $0xffff  }
.Ltmp20:
0x621: {  	(pc) =	sbr.rel @p0 .LBB2_42-.Ltmp20, $3  }
0x622: {  	_ =	sdelay $0x1  }
0x623: {  	s18 =	sshra.s32 s14, $0x2  }
0x624: {  	s14 =	sadd.s32 $0x200, s14;
	v1 =	vld [tilespmem:s18+$0x1C700]  }
0x625: {  	_ =	sdelay $0x2  }
0x626: {  	[tilespmem:s10+$0x18760] =	vst.add.f32.msk $0xffff, v2  }
0x627: {  	v0 =	vld.idx.msk [tilespmem:v0+s5+$0x0], $0xffff;
	_ =	sdelay $0x3  }
0x628: {  	v2 =	vld [tilespmem:s18+$0x1C710]  }
0x629: {  	[tilespmem:s10+$0x18770] =	vst.add.f32.msk $0xffff, v0  }
0x62a: {  	v0 =	vld.idx.msk [tilespmem:v1+s5+$0x0], $0xffff;
	_ =	sdelay $0x3  }
0x62b: {  	v1 =	vld [tilespmem:s18+$0x1C720]  }
0x62c: {  	[tilespmem:s18+$0x18700] =	vst.add.f32.msk $0xffff, v0  }
0x62d: {  	v0 =	vld.idx.msk [tilespmem:v2+s5+$0x0], $0xffff;
	_ =	sdelay $0x3  }
0x62e: {  	v2 =	vld [tilespmem:s18+$0x1C730]  }
0x62f: {  	[tilespmem:s18+$0x18710] =	vst.add.f32.msk $0xffff, v0  }
0x630: {  	v0 =	vld.idx.msk [tilespmem:v1+s5+$0x0], $0xffff;
	_ =	sdelay $0x3  }
0x631: {  	v1 =	vld [tilespmem:s18+$0x1C740]  }
0x632: {  	[tilespmem:s18+$0x18720] =	vst.add.f32.msk $0xffff, v0  }
0x633: {  	v0 =	vld.idx.msk [tilespmem:v2+s5+$0x0], $0xffff;
	_ =	sdelay $0x3  }
0x634: {  	v2 =	vld [tilespmem:s18+$0x1C750]  }
0x635: {  	[tilespmem:s18+$0x18730] =	vst.add.f32.msk $0xffff, v0  }
0x636: {  	v0 =	vld.idx.msk [tilespmem:v1+s5+$0x0], $0xffff;
	_ =	sdelay $0x3  }
0x637: {  	v1 =	vld [tilespmem:s18+$0x1C760]  }
0x638: {  	[tilespmem:s18+$0x18740] =	vst.add.f32.msk $0xffff, v0  }
0x639: {  	v0 =	vld.idx.msk [tilespmem:v2+s5+$0x0], $0xffff;
	_ =	sdelay $0x3  }
0x63a: {  	v2 =	vld [tilespmem:s18+$0x1C770]  }
0x63b: {  	[tilespmem:s18+$0x18750] =	vst.add.f32.msk $0xffff, v0  }
0x63c: {  	v0 =	vld.idx.msk [tilespmem:v1+s5+$0x0], $0xffff;
	_ =	sdelay $0x4  }
0x63d: {  	[tilespmem:s18+$0x18760] =	vst.add.f32.msk $0xffff, v0  }
0x63e: {  	v0 =	vld.idx.msk [tilespmem:v2+s5+$0x0], $0xffff;
	_ =	sdelay $0x4  }
0x63f: {  	[tilespmem:s18+$0x18770] =	vst.add.f32.msk $0xffff, v0;
	s18 =	simm.s32 $0x0  }
0x640: {  	[tilespmem:s26], [sflag:$0x2] =	stream.linear.gather [hbm4b:s16+s18], $0x1000, $0x38;
	[tilespmem:$0x1E700] =	vst v63  }
0x641: {  	_ =	swait.ge [sflag:s31], $0x1000  }
0x642: {  	[sflag:s31] =	ssyncset.done $0x0  }
0x643: {  	s10 =	simm.s32 $0x0;
	[sflag:s31] =	ssyncadd.s32 $0xFFFFF000  }
0x644: {  	v0 =	vld [tilespmem:s10+$0x1D700];
	_ =	sdelay $0x5  }
0x645: {  	v1 =	vld [tilespmem:s10+$0x1D710];
	_ =	sdelay $0x1  }
0x646: {  	v0 =	vld.idx.msk [tilespmem:v0+s5+$0x0], $0xffff;
	_ =	sdelay $0x3  }
0x647: {  	v2 =	vld [tilespmem:s10+$0x1D720]  }
0x648: {  	[tilespmem:s10+$0x19700] =	vst.add.f32.msk $0xffff, v0  }
0x649: {  	v0 =	vld.idx.msk [tilespmem:v1+s5+$0x0], $0xffff;
	_ =	sdelay $0x3  }
0x64a: {  	v1 =	vld [tilespmem:s10+$0x1D730]  }
0x64b: {  	[tilespmem:s10+$0x19710] =	vst.add.f32.msk $0xffff, v0  }
0x64c: {  	v0 =	vld.idx.msk [tilespmem:v2+s5+$0x0], $0xffff;
	_ =	sdelay $0x3  }
0x64d: {  	v2 =	vld [tilespmem:s10+$0x1D740]  }
0x64e: {  	[tilespmem:s10+$0x19720] =	vst.add.f32.msk $0xffff, v0  }
0x64f: {  	v0 =	vld.idx.msk [tilespmem:v1+s5+$0x0], $0xffff;
	_ =	sdelay $0x3  }
0x650: {  	v1 =	vld [tilespmem:s10+$0x1D750]  }
0x651: {  	[tilespmem:s10+$0x19730] =	vst.add.f32.msk $0xffff, v0  }
0x652: {  	v0 =	vld.idx.msk [tilespmem:v2+s5+$0x0], $0xffff;
	_ =	sdelay $0x3  }
0x653: {  	v2 =	vld [tilespmem:s10+$0x1D760]  }
0x654: {  	[tilespmem:s10+$0x19740] =	vst.add.f32.msk $0xffff, v0  }
0x655: {  	v1 =	vld.idx.msk [tilespmem:v1+s5+$0x0], $0xffff;
	_ =	sdelay $0x3  }
0x656: {  	v0 =	vld [tilespmem:s10+$0x1D770]  }
0x657: {  	[tilespmem:s10+$0x19750] =	vst.add.f32.msk $0xffff, v1  }
0x658: {  	v2 =	vld.idx.msk [tilespmem:v2+s5+$0x0], $0xffff;
	_ =	sdelay $0x2  }
0x659: {  	s18 =	simm.s32 $0x80  }
0x65a: {  	s14 =	simm.s32 $0x400;
	v1 =	vld [tilespmem:s18+$0x1D700]  }
.LBB2_44:
0x65b: {  	p0 =	sne.s32 s14, $0x3E00;
	[tilespmem:s10+$0x19760] =	vst.add.f32.msk $0xffff, v2  }
0x65c: {  	v0 =	vld.idx.msk [tilespmem:v0+s5+$0x0], $0xffff;
	_ =	sdelay $0x4  }
0x65d: {  	v2 =	vld [tilespmem:s18+$0x1D710]  }
0x65e: {  	[tilespmem:s10+$0x19770] =	vst.add.f32.msk $0xffff, v0;
	s10 =	smov.u32 s18  }
0x65f: {  	v0 =	vld.idx.msk [tilespmem:v1+s5+$0x0], $0xffff;
	_ =	sdelay $0x4  }
0x660: {  	v1 =	vld [tilespmem:s10+$0x1D720]  }
0x661: {  	[tilespmem:s10+$0x19700] =	vst.add.f32.msk $0xffff, v0  }
0x662: {  	v0 =	vld.idx.msk [tilespmem:v2+s5+$0x0], $0xffff;
	_ =	sdelay $0x4  }
0x663: {  	v2 =	vld [tilespmem:s10+$0x1D730]  }
0x664: {  	[tilespmem:s10+$0x19710] =	vst.add.f32.msk $0xffff, v0  }
0x665: {  	v0 =	vld.idx.msk [tilespmem:v1+s5+$0x0], $0xffff;
	_ =	sdelay $0x4  }
0x666: {  	v1 =	vld [tilespmem:s10+$0x1D740]  }
0x667: {  	[tilespmem:s10+$0x19720] =	vst.add.f32.msk $0xffff, v0  }
0x668: {  	v0 =	vld.idx.msk [tilespmem:v2+s5+$0x0], $0xffff;
	_ =	sdelay $0x4  }
0x669: {  	v2 =	vld [tilespmem:s10+$0x1D750]  }
0x66a: {  	[tilespmem:s10+$0x19730] =	vst.add.f32.msk $0xffff, v0  }
0x66b: {  	v0 =	vld.idx.msk [tilespmem:v1+s5+$0x0], $0xffff;
	_ =	sdelay $0x4  }
0x66c: {  	v1 =	vld [tilespmem:s10+$0x1D760]  }
0x66d: {  	[tilespmem:s10+$0x19740] =	vst.add.f32.msk $0xffff, v0  }
0x66e: {  	v2 =	vld.idx.msk [tilespmem:v2+s5+$0x0], $0xffff;
	_ =	sdelay $0x4  }
0x66f: {  	v0 =	vld [tilespmem:s10+$0x1D770]  }
0x670: {  	[tilespmem:s10+$0x19750] =	vst.add.f32.msk $0xffff, v2  }
0x671: {  	v2 =	vld.idx.msk [tilespmem:v1+s5+$0x0], $0xffff  }
.Ltmp21:
0x672: {  	(pc) =	sbr.rel @p0 .LBB2_44-.Ltmp21, $3  }
0x673: {  	_ =	sdelay $0x1  }
0x674: {  	s18 =	sshra.s32 s14, $0x2  }
0x675: {  	s14 =	sadd.s32 $0x200, s14;
	v1 =	vld [tilespmem:s18+$0x1D700]  }
0x676: {  	_ =	sdelay $0x2  }
0x677: {  	[tilespmem:s10+$0x19760] =	vst.add.f32.msk $0xffff, v2  }
0x678: {  	v0 =	vld.idx.msk [tilespmem:v0+s5+$0x0], $0xffff;
	_ =	sdelay $0x3  }
0x679: {  	v2 =	vld [tilespmem:s18+$0x1D710]  }
0x67a: {  	[tilespmem:s10+$0x19770] =	vst.add.f32.msk $0xffff, v0  }
0x67b: {  	v0 =	vld.idx.msk [tilespmem:v1+s5+$0x0], $0xffff;
	_ =	sdelay $0x3  }
0x67c: {  	v1 =	vld [tilespmem:s18+$0x1D720]  }
0x67d: {  	[tilespmem:s18+$0x19700] =	vst.add.f32.msk $0xffff, v0  }
0x67e: {  	v0 =	vld.idx.msk [tilespmem:v2+s5+$0x0], $0xffff;
	_ =	sdelay $0x3  }
0x67f: {  	v2 =	vld [tilespmem:s18+$0x1D730]  }
0x680: {  	[tilespmem:s18+$0x19710] =	vst.add.f32.msk $0xffff, v0  }
0x681: {  	v0 =	vld.idx.msk [tilespmem:v1+s5+$0x0], $0xffff;
	_ =	sdelay $0x3  }
0x682: {  	v1 =	vld [tilespmem:s18+$0x1D740]  }
0x683: {  	[tilespmem:s18+$0x19720] =	vst.add.f32.msk $0xffff, v0  }
0x684: {  	v0 =	vld.idx.msk [tilespmem:v2+s5+$0x0], $0xffff;
	_ =	sdelay $0x3  }
0x685: {  	v2 =	vld [tilespmem:s18+$0x1D750]  }
0x686: {  	[tilespmem:s18+$0x19730] =	vst.add.f32.msk $0xffff, v0  }
0x687: {  	v0 =	vld.idx.msk [tilespmem:v1+s5+$0x0], $0xffff;
	_ =	sdelay $0x3  }
0x688: {  	v1 =	vld [tilespmem:s18+$0x1D760]  }
0x689: {  	[tilespmem:s18+$0x19740] =	vst.add.f32.msk $0xffff, v0  }
0x68a: {  	v0 =	vld.idx.msk [tilespmem:v2+s5+$0x0], $0xffff;
	_ =	sdelay $0x3  }
0x68b: {  	v2 =	vld [tilespmem:s18+$0x1D770]  }
0x68c: {  	[tilespmem:s18+$0x19750] =	vst.add.f32.msk $0xffff, v0  }
0x68d: {  	v0 =	vld.idx.msk [tilespmem:v1+s5+$0x0], $0xffff;
	_ =	sdelay $0x4  }
0x68e: {  	[tilespmem:s18+$0x19760] =	vst.add.f32.msk $0xffff, v0  }
0x68f: {  	v0 =	vld.idx.msk [tilespmem:v2+s5+$0x0], $0xffff;
	_ =	sdelay $0x4  }
0x690: {  	[tilespmem:s18+$0x19770] =	vst.add.f32.msk $0xffff, v0;
	s18 =	simm.s32 $0x0  }
0x691: {  	[tilespmem:s29], [sflag:$0x3] =	stream.linear.gather [hbm4b:s17+s18], $0x1000, $0x38;
	[tilespmem:$0x1E700] =	vst v63  }
0x692: {  	_ =	swait.ge [sflag:s30], $0x1000  }
0x693: {  	[sflag:s30] =	ssyncset.done $0x0  }
0x694: {  	s10 =	simm.s32 $0x0;
	[sflag:s30] =	ssyncadd.s32 $0xFFFFF000  }
0x695: {  	v0 =	vld [tilespmem:s10+$0x1C700];
	_ =	sdelay $0x5  }
0x696: {  	v1 =	vld [tilespmem:s10+$0x1C710];
	_ =	sdelay $0x1  }
0x697: {  	v0 =	vld.idx.msk [tilespmem:v0+s5+$0x0], $0xffff;
	_ =	sdelay $0x3  }
0x698: {  	v2 =	vld [tilespmem:s10+$0x1C720]  }
0x699: {  	[tilespmem:s10+$0x1A700] =	vst.add.f32.msk $0xffff, v0  }
0x69a: {  	v0 =	vld.idx.msk [tilespmem:v1+s5+$0x0], $0xffff;
	_ =	sdelay $0x3  }
0x69b: {  	v1 =	vld [tilespmem:s10+$0x1C730]  }
0x69c: {  	[tilespmem:s10+$0x1A710] =	vst.add.f32.msk $0xffff, v0  }
0x69d: {  	v0 =	vld.idx.msk [tilespmem:v2+s5+$0x0], $0xffff;
	_ =	sdelay $0x3  }
0x69e: {  	v2 =	vld [tilespmem:s10+$0x1C740]  }
0x69f: {  	[tilespmem:s10+$0x1A720] =	vst.add.f32.msk $0xffff, v0  }
0x6a0: {  	v0 =	vld.idx.msk [tilespmem:v1+s5+$0x0], $0xffff;
	_ =	sdelay $0x3  }
0x6a1: {  	v1 =	vld [tilespmem:s10+$0x1C750]  }
0x6a2: {  	[tilespmem:s10+$0x1A730] =	vst.add.f32.msk $0xffff, v0  }
0x6a3: {  	v0 =	vld.idx.msk [tilespmem:v2+s5+$0x0], $0xffff;
	_ =	sdelay $0x3  }
0x6a4: {  	v2 =	vld [tilespmem:s10+$0x1C760]  }
0x6a5: {  	[tilespmem:s10+$0x1A740] =	vst.add.f32.msk $0xffff, v0  }
0x6a6: {  	v1 =	vld.idx.msk [tilespmem:v1+s5+$0x0], $0xffff;
	_ =	sdelay $0x3  }
0x6a7: {  	v0 =	vld [tilespmem:s10+$0x1C770]  }
0x6a8: {  	[tilespmem:s10+$0x1A750] =	vst.add.f32.msk $0xffff, v1  }
0x6a9: {  	v2 =	vld.idx.msk [tilespmem:v2+s5+$0x0], $0xffff;
	_ =	sdelay $0x2  }
0x6aa: {  	s18 =	simm.s32 $0x80  }
0x6ab: {  	s14 =	simm.s32 $0x400;
	v1 =	vld [tilespmem:s18+$0x1C700]  }
.LBB2_46:
0x6ac: {  	p0 =	sne.s32 s14, $0x3E00;
	[tilespmem:s10+$0x1A760] =	vst.add.f32.msk $0xffff, v2  }
0x6ad: {  	v0 =	vld.idx.msk [tilespmem:v0+s5+$0x0], $0xffff;
	_ =	sdelay $0x4  }
0x6ae: {  	v2 =	vld [tilespmem:s18+$0x1C710]  }
0x6af: {  	[tilespmem:s10+$0x1A770] =	vst.add.f32.msk $0xffff, v0;
	s10 =	smov.u32 s18  }
0x6b0: {  	v0 =	vld.idx.msk [tilespmem:v1+s5+$0x0], $0xffff;
	_ =	sdelay $0x4  }
0x6b1: {  	v1 =	vld [tilespmem:s10+$0x1C720]  }
0x6b2: {  	[tilespmem:s10+$0x1A700] =	vst.add.f32.msk $0xffff, v0  }
0x6b3: {  	v0 =	vld.idx.msk [tilespmem:v2+s5+$0x0], $0xffff;
	_ =	sdelay $0x4  }
0x6b4: {  	v2 =	vld [tilespmem:s10+$0x1C730]  }
0x6b5: {  	[tilespmem:s10+$0x1A710] =	vst.add.f32.msk $0xffff, v0  }
0x6b6: {  	v0 =	vld.idx.msk [tilespmem:v1+s5+$0x0], $0xffff;
	_ =	sdelay $0x4  }
0x6b7: {  	v1 =	vld [tilespmem:s10+$0x1C740]  }
0x6b8: {  	[tilespmem:s10+$0x1A720] =	vst.add.f32.msk $0xffff, v0  }
0x6b9: {  	v0 =	vld.idx.msk [tilespmem:v2+s5+$0x0], $0xffff;
	_ =	sdelay $0x4  }
0x6ba: {  	v2 =	vld [tilespmem:s10+$0x1C750]  }
0x6bb: {  	[tilespmem:s10+$0x1A730] =	vst.add.f32.msk $0xffff, v0  }
0x6bc: {  	v0 =	vld.idx.msk [tilespmem:v1+s5+$0x0], $0xffff;
	_ =	sdelay $0x4  }
0x6bd: {  	v1 =	vld [tilespmem:s10+$0x1C760]  }
0x6be: {  	[tilespmem:s10+$0x1A740] =	vst.add.f32.msk $0xffff, v0  }
0x6bf: {  	v2 =	vld.idx.msk [tilespmem:v2+s5+$0x0], $0xffff;
	_ =	sdelay $0x4  }
0x6c0: {  	v0 =	vld [tilespmem:s10+$0x1C770]  }
0x6c1: {  	[tilespmem:s10+$0x1A750] =	vst.add.f32.msk $0xffff, v2  }
0x6c2: {  	v2 =	vld.idx.msk [tilespmem:v1+s5+$0x0], $0xffff  }
.Ltmp22:
0x6c3: {  	(pc) =	sbr.rel @p0 .LBB2_46-.Ltmp22, $3  }
0x6c4: {  	_ =	sdelay $0x1  }
0x6c5: {  	s18 =	sshra.s32 s14, $0x2  }
0x6c6: {  	s14 =	sadd.s32 $0x200, s14;
	v1 =	vld [tilespmem:s18+$0x1C700]  }
0x6c7: {  	_ =	sdelay $0x2  }
0x6c8: {  	[tilespmem:s10+$0x1A760] =	vst.add.f32.msk $0xffff, v2  }
0x6c9: {  	v0 =	vld.idx.msk [tilespmem:v0+s5+$0x0], $0xffff;
	_ =	sdelay $0x3  }
0x6ca: {  	v2 =	vld [tilespmem:s18+$0x1C710]  }
0x6cb: {  	[tilespmem:s10+$0x1A770] =	vst.add.f32.msk $0xffff, v0  }
0x6cc: {  	v0 =	vld.idx.msk [tilespmem:v1+s5+$0x0], $0xffff;
	_ =	sdelay $0x3  }
0x6cd: {  	v1 =	vld [tilespmem:s18+$0x1C720]  }
0x6ce: {  	[tilespmem:s18+$0x1A700] =	vst.add.f32.msk $0xffff, v0  }
0x6cf: {  	v0 =	vld.idx.msk [tilespmem:v2+s5+$0x0], $0xffff;
	_ =	sdelay $0x3  }
0x6d0: {  	v2 =	vld [tilespmem:s18+$0x1C730]  }
0x6d1: {  	[tilespmem:s18+$0x1A710] =	vst.add.f32.msk $0xffff, v0  }
0x6d2: {  	v0 =	vld.idx.msk [tilespmem:v1+s5+$0x0], $0xffff;
	_ =	sdelay $0x3  }
0x6d3: {  	v1 =	vld [tilespmem:s18+$0x1C740]  }
0x6d4: {  	[tilespmem:s18+$0x1A720] =	vst.add.f32.msk $0xffff, v0  }
0x6d5: {  	v0 =	vld.idx.msk [tilespmem:v2+s5+$0x0], $0xffff;
	_ =	sdelay $0x3  }
0x6d6: {  	v2 =	vld [tilespmem:s18+$0x1C750]  }
0x6d7: {  	[tilespmem:s18+$0x1A730] =	vst.add.f32.msk $0xffff, v0  }
0x6d8: {  	v0 =	vld.idx.msk [tilespmem:v1+s5+$0x0], $0xffff;
	_ =	sdelay $0x3  }
0x6d9: {  	v1 =	vld [tilespmem:s18+$0x1C760]  }
0x6da: {  	[tilespmem:s18+$0x1A740] =	vst.add.f32.msk $0xffff, v0  }
0x6db: {  	v0 =	vld.idx.msk [tilespmem:v2+s5+$0x0], $0xffff;
	_ =	sdelay $0x3  }
0x6dc: {  	v2 =	vld [tilespmem:s18+$0x1C770]  }
0x6dd: {  	[tilespmem:s18+$0x1A750] =	vst.add.f32.msk $0xffff, v0  }
0x6de: {  	v0 =	vld.idx.msk [tilespmem:v1+s5+$0x0], $0xffff;
	_ =	sdelay $0x4  }
0x6df: {  	[tilespmem:s18+$0x1A760] =	vst.add.f32.msk $0xffff, v0  }
0x6e0: {  	v0 =	vld.idx.msk [tilespmem:v2+s5+$0x0], $0xffff;
	_ =	sdelay $0x4  }
0x6e1: {  	[tilespmem:s18+$0x1A770] =	vst.add.f32.msk $0xffff, v0  }
0x6e2: {  	_ =	swait.ge [sflag:s31], $0x1000  }
0x6e3: {  	[sflag:s31] =	ssyncset.done $0x0  }
0x6e4: {  	s10 =	simm.s32 $0x0;
	[sflag:s31] =	ssyncadd.s32 $0xFFFFF000  }
0x6e5: {  	v0 =	vld [tilespmem:s10+$0x1D700];
	_ =	sdelay $0x5  }
0x6e6: {  	v1 =	vld [tilespmem:s10+$0x1D710];
	_ =	sdelay $0x1  }
0x6e7: {  	v0 =	vld.idx.msk [tilespmem:v0+s5+$0x0], $0xffff;
	_ =	sdelay $0x3  }
0x6e8: {  	v2 =	vld [tilespmem:s10+$0x1D720]  }
0x6e9: {  	[tilespmem:s10+$0x1B700] =	vst.add.f32.msk $0xffff, v0  }
0x6ea: {  	v0 =	vld.idx.msk [tilespmem:v1+s5+$0x0], $0xffff;
	_ =	sdelay $0x3  }
0x6eb: {  	v1 =	vld [tilespmem:s10+$0x1D730]  }
0x6ec: {  	[tilespmem:s10+$0x1B710] =	vst.add.f32.msk $0xffff, v0  }
0x6ed: {  	v0 =	vld.idx.msk [tilespmem:v2+s5+$0x0], $0xffff;
	_ =	sdelay $0x3  }
0x6ee: {  	v2 =	vld [tilespmem:s10+$0x1D740]  }
0x6ef: {  	[tilespmem:s10+$0x1B720] =	vst.add.f32.msk $0xffff, v0  }
0x6f0: {  	v0 =	vld.idx.msk [tilespmem:v1+s5+$0x0], $0xffff;
	_ =	sdelay $0x3  }
0x6f1: {  	v1 =	vld [tilespmem:s10+$0x1D750]  }
0x6f2: {  	[tilespmem:s10+$0x1B730] =	vst.add.f32.msk $0xffff, v0  }
0x6f3: {  	v0 =	vld.idx.msk [tilespmem:v2+s5+$0x0], $0xffff;
	_ =	sdelay $0x3  }
0x6f4: {  	v2 =	vld [tilespmem:s10+$0x1D760]  }
0x6f5: {  	[tilespmem:s10+$0x1B740] =	vst.add.f32.msk $0xffff, v0  }
0x6f6: {  	v1 =	vld.idx.msk [tilespmem:v1+s5+$0x0], $0xffff;
	_ =	sdelay $0x3  }
0x6f7: {  	v0 =	vld [tilespmem:s10+$0x1D770]  }
0x6f8: {  	[tilespmem:s10+$0x1B750] =	vst.add.f32.msk $0xffff, v1  }
0x6f9: {  	v2 =	vld.idx.msk [tilespmem:v2+s5+$0x0], $0xffff;
	_ =	sdelay $0x2  }
0x6fa: {  	s18 =	simm.s32 $0x80  }
0x6fb: {  	s14 =	simm.s32 $0x400;
	v1 =	vld [tilespmem:s18+$0x1D700]  }
.LBB2_48:
0x6fc: {  	p0 =	sne.s32 s14, $0x3E00;
	[tilespmem:s10+$0x1B760] =	vst.add.f32.msk $0xffff, v2  }
0x6fd: {  	v0 =	vld.idx.msk [tilespmem:v0+s5+$0x0], $0xffff;
	_ =	sdelay $0x4  }
0x6fe: {  	v2 =	vld [tilespmem:s18+$0x1D710]  }
0x6ff: {  	[tilespmem:s10+$0x1B770] =	vst.add.f32.msk $0xffff, v0;
	s10 =	smov.u32 s18  }
0x700: {  	v0 =	vld.idx.msk [tilespmem:v1+s5+$0x0], $0xffff;
	_ =	sdelay $0x4  }
0x701: {  	v1 =	vld [tilespmem:s10+$0x1D720]  }
0x702: {  	[tilespmem:s10+$0x1B700] =	vst.add.f32.msk $0xffff, v0  }
0x703: {  	v0 =	vld.idx.msk [tilespmem:v2+s5+$0x0], $0xffff;
	_ =	sdelay $0x4  }
0x704: {  	v2 =	vld [tilespmem:s10+$0x1D730]  }
0x705: {  	[tilespmem:s10+$0x1B710] =	vst.add.f32.msk $0xffff, v0  }
0x706: {  	v0 =	vld.idx.msk [tilespmem:v1+s5+$0x0], $0xffff;
	_ =	sdelay $0x4  }
0x707: {  	v1 =	vld [tilespmem:s10+$0x1D740]  }
0x708: {  	[tilespmem:s10+$0x1B720] =	vst.add.f32.msk $0xffff, v0  }
0x709: {  	v0 =	vld.idx.msk [tilespmem:v2+s5+$0x0], $0xffff;
	_ =	sdelay $0x4  }
0x70a: {  	v2 =	vld [tilespmem:s10+$0x1D750]  }
0x70b: {  	[tilespmem:s10+$0x1B730] =	vst.add.f32.msk $0xffff, v0  }
0x70c: {  	v0 =	vld.idx.msk [tilespmem:v1+s5+$0x0], $0xffff;
	_ =	sdelay $0x4  }
0x70d: {  	v1 =	vld [tilespmem:s10+$0x1D760]  }
0x70e: {  	[tilespmem:s10+$0x1B740] =	vst.add.f32.msk $0xffff, v0  }
0x70f: {  	v2 =	vld.idx.msk [tilespmem:v2+s5+$0x0], $0xffff;
	_ =	sdelay $0x4  }
0x710: {  	v0 =	vld [tilespmem:s10+$0x1D770]  }
0x711: {  	[tilespmem:s10+$0x1B750] =	vst.add.f32.msk $0xffff, v2  }
0x712: {  	v2 =	vld.idx.msk [tilespmem:v1+s5+$0x0], $0xffff  }
.Ltmp23:
0x713: {  	(pc) =	sbr.rel @p0 .LBB2_48-.Ltmp23, $3  }
0x714: {  	_ =	sdelay $0x1  }
0x715: {  	s18 =	sshra.s32 s14, $0x2  }
0x716: {  	s14 =	sadd.s32 $0x200, s14;
	v1 =	vld [tilespmem:s18+$0x1D700]  }
0x717: {  	_ =	sdelay $0x2  }
0x718: {  	[tilespmem:s10+$0x1B760] =	vst.add.f32.msk $0xffff, v2  }
0x719: {  	v0 =	vld.idx.msk [tilespmem:v0+s5+$0x0], $0xffff;
	_ =	sdelay $0x3  }
0x71a: {  	v2 =	vld [tilespmem:s18+$0x1D710]  }
0x71b: {  	[tilespmem:s10+$0x1B770] =	vst.add.f32.msk $0xffff, v0  }
0x71c: {  	v0 =	vld.idx.msk [tilespmem:v1+s5+$0x0], $0xffff;
	_ =	sdelay $0x3  }
0x71d: {  	v58 =	vld [tilespmem:s18+$0x1D720]  }
0x71e: {  	[tilespmem:s18+$0x1B700] =	vst.add.f32.msk $0xffff, v0  }
0x71f: {  	v0 =	vld.idx.msk [tilespmem:v2+s5+$0x0], $0xffff;
	_ =	sdelay $0x3  }
0x720: {  	v59 =	vld [tilespmem:s18+$0x1D730]  }
0x721: {  	[tilespmem:s18+$0x1B710] =	vst.add.f32.msk $0xffff, v0  }
0x722: {  	v0 =	vld.idx.msk [tilespmem:v58+s5+$0x0], $0xffff;
	_ =	sdelay $0x3  }
0x723: {  	v60 =	vld [tilespmem:s18+$0x1D740]  }
0x724: {  	[tilespmem:s18+$0x1B720] =	vst.add.f32.msk $0xffff, v0  }
0x725: {  	v0 =	vld.idx.msk [tilespmem:v59+s5+$0x0], $0xffff;
	_ =	sdelay $0x3  }
0x726: {  	v61 =	vld [tilespmem:s18+$0x1D750]  }
0x727: {  	[tilespmem:s18+$0x1B730] =	vst.add.f32.msk $0xffff, v0  }
0x728: {  	v0 =	vld.idx.msk [tilespmem:v60+s5+$0x0], $0xffff;
	_ =	sdelay $0x3  }
0x729: {  	v62 =	vld [tilespmem:s18+$0x1D760]  }
0x72a: {  	[tilespmem:s18+$0x1B740] =	vst.add.f32.msk $0xffff, v0  }
0x72b: {  	v0 =	vld.idx.msk [tilespmem:v61+s5+$0x0], $0xffff;
	_ =	sdelay $0x3  }
0x72c: {  	v63 =	vld [tilespmem:s18+$0x1D770]  }
0x72d: {  	[tilespmem:s18+$0x1B750] =	vst.add.f32.msk $0xffff, v0  }
0x72e: {  	v0 =	vld.idx.msk [tilespmem:v62+s5+$0x0], $0xffff;
	_ =	sdelay $0x4  }
0x72f: {  	[tilespmem:s18+$0x1B760] =	vst.add.f32.msk $0xffff, v0  }
0x730: {  	v0 =	vld.idx.msk [tilespmem:v63+s5+$0x0], $0xffff;
	_ =	sdelay $0x2  }
0x731: {  	s6 =	sadd.s32 $0x1, s6  }
0x732: {  	p0 =	sne.s32 s6, s23  }
.Ltmp24:
0x733: {  	[tilespmem:s18+$0x1B770] =	vst.add.f32.msk $0xffff, v0;
	s18 =	simm.s32 $0x18700;
	(pc) =	sbr.rel @p0 .LBB2_1-.Ltmp24, $4  }
0x734: {  	[hbm4b:s22+s24] =	stream.strided.scatter [tilespmem:s18], [sflag:$0x5], $0x4000, s25, s24, $0x38;
	[tilespmem:$0x1E700] =	vst v63  }
0x735: {  	_ =	swait.ge [sflag:s4], $0x4000  }
0x736: {  	[sflag:s4] =	ssyncset.done $0x0  }
0x737: {  	[sflag:s4] =	ssyncadd.s32 $0xFFFFC000  }
0x738: {  	_ =	sfence.sel $0x180000  }
0x739: {  	[bflag:$0x0] =	sbarrier.arrive $0xFFFF  }
0x73a: {  	_ =	strace $0x90000047  }
0x73b: {  	s0 =	stileid.u32;
	[bflag:$0x2] =	sbarrier.arrive $0xFFFF  }
0x73c: {  	p0 =	sne.s32 s0, $0x0;
	s0 =	rddreg [dreg:$0x7]  }
0x73d: {  	s0 =	sadd.s32 @!p0 $0x100000, s0  }
0x73e: {  	[sflag:s0] =	ssyncadd.tile.s32 @!p0 $0x1;
	_ =	shalt  }
.Lfunc_end2:
_tile_overlayer_lowered:
.L_overlay_start_2:
0x73f: {  	(tag) =	ssettag $0x2  }
0x740: {  	s0 =	rddreg [dreg:$0x0];
	s2 =	stileid.u32  }
0x741: {  	s1 =	rddreg [dreg:$0x1];
	p0 =	sne.s32 s2, $0x0  }
0x742: {  	s3 =	rddreg [dreg:$0x2];
	[bflag:$0x3] =	sbarrier.arrive $0xFFFF;
	s2 =	simm.s32 @!p0 $0x1C05  }
0x743: {  	[timem:s3], [sflag:s2] =	dma.local @!p0 [hbm:s0], s1  }
0x744: {  	s0 =	simm.s32 @!p0 $0x5  }
0x745: {  	_ =	swait.ge @!p0 [sflag:s0], s1  }
0x746: {  	s1 =	ssub.s32 @!p0 $0x0, s1;
	[sflag:s0] =	ssyncset.done @!p0 $0x0  }
0x747: {  	[sflag:s0] =	ssyncadd.s32 @!p0 s1  }
0x748: {  	[bflag:$0x3] =	sbarrier.arrive $0xFFFF  }
0x749: {  	_ =	shalt  }

</sc_bundles>
